<compile_context>
chip_gen: v7x
topology: tpu7x:2x2x1
jax: 0.10.2.dev20260603
libtpu: 0.0.44.dev20260713+nightly
codegen_flags: <defaults>
</compile_context>

<pallas_src>
import functools

import jax
import jax.numpy as jnp
from jax import lax
from jax.experimental import pallas as pl
from jax.experimental.pallas import tpu as pltpu
from jax.experimental.pallas import tpu_sc as plsc

VOCAB = 1000000
EMB_DIM = 64

NC = 2
NS = 16
NW = NC * NS

TW = 128
NBUF = 2
YS = TW + 5

NCOL = (VOCAB + TW - 1) // TW
FULL_COL = VOCAB // TW


def _fmt_body(tbl_hbm, tail_hbm, lin_hbm, x_v, y_v, g0, g1, w0, w1):
  gsem = (g0, g1)
  wsem = (w0, w1)
  wid = lax.axis_index("s") * NC + lax.axis_index("c")
  n_units = (NCOL + NW - 1) // NW

  def fire_in(u, b):
    c = u * NW + wid

    @pl.when(c < FULL_COL)
    def _():
      pltpu.async_copy(tbl_hbm.at[:, pl.ds(c * TW, TW)], x_v.at[b], gsem[b])

    @pl.when(c == FULL_COL)
    def _():
      pltpu.async_copy(tail_hbm, x_v.at[b], gsem[b])

  def wait_in(u, b):
    c = u * NW + wid

    @pl.when(c < FULL_COL)
    def _():
      pltpu.make_async_copy(
          tbl_hbm.at[:, pl.ds(0, TW)], x_v.at[b], gsem[b]).wait()

    @pl.when(c == FULL_COL)
    def _():
      pltpu.make_async_copy(tail_hbm, x_v.at[b], gsem[b]).wait()

  iota16 = lax.iota(jnp.int32, 16)
  rots = [(iota16 + k) & 15 for k in range(16)]

  def transpose(b):
    x = x_v.at[b]
    y = y_v.at[b]

    @plsc.parallel_loop(0, (EMB_DIM // 16) * (TW // 16), unroll=2)
    def blk_body(i):
      vb16 = (i & 7) * 16
      eb16 = (i >> 3) * 16
      ev = iota16 + eb16
      for k in range(16):
        vv = rots[k] + vb16
        cv = ((vv & 1) << 6) + ev
        plsc.store_scatter(
            y, [vv >> 1, cv], plsc.load_gather(x, [ev, vv]))

  def fire_out(u, b):
    c = u * NW + wid

    @pl.when(c < FULL_COL)
    def _():
      pltpu.async_copy(
          y_v.at[b], lin_hbm.at[pl.ds(c * (TW // 2), TW // 2)], wsem[b])

    @pl.when(c == FULL_COL)
    def _():
      pltpu.async_copy(
          y_v.at[b, pl.ds(0, TW // 4)],
          lin_hbm.at[pl.ds(FULL_COL * (TW // 2), TW // 4)], wsem[b])

  def wait_out(u, b):
    c = u * NW + wid

    @pl.when(c < FULL_COL)
    def _():
      pltpu.make_async_copy(
          y_v.at[b], lin_hbm.at[pl.ds(0, TW // 2)], wsem[b]).wait()

    @pl.when(c == FULL_COL)
    def _():
      pltpu.make_async_copy(
          y_v.at[b, pl.ds(0, TW // 4)],
          lin_hbm.at[pl.ds(0, TW // 4)], wsem[b]).wait()

  fire_in(0, 0)

  def pair(g, _):
    for b in range(NBUF):
      u = g * NBUF + b

      @pl.when((u + 1) * NW + wid < NCOL)
      def _():
        fire_in(u + 1, 1 - b)

      @pl.when(u * NW + wid < NCOL)
      def _():
        wait_in(u, b)

        @pl.when(u >= NBUF)
        def _():
          wait_out(u - NBUF, b)

        transpose(b)
        fire_out(u, b)

    return 0

  n_outer = (n_units + NBUF - 1) // NBUF
  lax.fori_loop(0, n_outer, pair, 0)
  lv = (NCOL - 1 - wid) // NW
  for k in range(NBUF):
    u = lv - k
    for bb in range(NBUF):
      @pl.when(lax.rem(u, NBUF) == bb)
      def _():
        wait_out(u, bb)


def _emb_body(S, TB, idx_hbm, table_hbm, out_hbm, idx_v, rows_v, tiles_v,
              g0, g1, w0, w1):
  gsem = (g0, g1)
  wsem = (w0, w1)
  wid = lax.axis_index("s") * NC + lax.axis_index("c")
  t0 = wid * (TB * TW)
  n_units = S * TB

  pltpu.sync_copy(idx_hbm.at[:, pl.ds(t0, TB * TW)], idx_v)

  def fire_gather(u, b):
    s = u // TB
    q = u % TB
    pltpu.async_copy(
        table_hbm.at[idx_v.at[s, pl.ds(q * TW, TW)]],
        rows_v.at[b],
        gsem[b],
    )

  def wait_gather(b):
    pltpu.make_async_copy(
        table_hbm.at[pl.ds(0, TW)], rows_v.at[b], gsem[b]).wait()

  def fire_write(u, b):
    s = u // TB
    t_hi = wid * TB + u % TB
    for ehi in range(8):
      pltpu.async_copy(
          tiles_v.at[b, pl.ds(ehi * 8, 8), pl.ds(0, TW)],
          out_hbm.at[s, ehi, t_hi], wsem[b])

  def wait_write(b):
    for ehi in range(8):
      pltpu.make_async_copy(
          tiles_v.at[b, pl.ds(ehi * 8, 8), pl.ds(0, TW)],
          out_hbm.at[0, ehi, 0], wsem[b]).wait()

  iota = lax.iota(jnp.int32, 16)
  evs = [iota + eb * 16 for eb in range(EMB_DIM // 16)]

  def transpose(b):
    rows = rows_v.at[b]
    tiles = tiles_v.at[b]

    @plsc.parallel_loop(0, TW, unroll=4)
    def t_body(t):
      cv = lax.broadcast(t, (16,))
      for eb in range(EMB_DIM // 16):
        plsc.store_scatter(
            tiles, [evs[eb], cv], rows[t, pl.ds(eb * 16, 16)])

  fire_gather(0, 0)

  def pair(g, _):
    for b in range(NBUF):
      u = g * NBUF + b

      @pl.when(u + 1 < n_units)
      def _():
        fire_gather(u + 1, 1 - b)

      wait_gather(b)

      @pl.when(u >= NBUF)
      def _():
        wait_write(b)

      transpose(b)
      fire_write(u, b)

    return 0

  lax.fori_loop(0, n_units // NBUF, pair, 0)
  for b in range(NBUF):
    wait_write(b)


def kernel(indices, table):
  T, S = indices.shape
  assert T % (NW * TW) == 0 and EMB_DIM == 64
  TB = T // (NW * TW)
  idx_t = indices.T.astype(jnp.int32)

  mesh = plsc.VectorSubcoreMesh(core_axis_name="c", subcore_axis_name="s")

  fmt = pl.kernel(
      _fmt_body,
      out_type=jax.ShapeDtypeStruct((VOCAB // 2, TW), jnp.float32),
      mesh=mesh,
      scratch_types=[
          pltpu.VMEM((NBUF, EMB_DIM, TW), jnp.float32),
          pltpu.VMEM((NBUF, TW // 2, TW), jnp.float32),
          pltpu.SemaphoreType.DMA,
          pltpu.SemaphoreType.DMA,
          pltpu.SemaphoreType.DMA,
          pltpu.SemaphoreType.DMA,
      ],
      compiler_params=pltpu.CompilerParams(
          use_tc_tiling_on_sc=True, needs_layout_passes=False),
  )
  tail = jnp.pad(table[FULL_COL * TW:].T, ((0, 0), (0, TW - (VOCAB - FULL_COL * TW))))
  lin = fmt(table.T, tail)

  grab = pl.kernel(
      functools.partial(_emb_body, S, TB),
      out_type=jax.ShapeDtypeStruct((S, 8, T // TW, 8, TW), jnp.float32),
      mesh=mesh,
      scratch_types=[
          pltpu.VMEM((S, TB * TW), jnp.int32),
          pltpu.VMEM((NBUF, TW, EMB_DIM), jnp.float32),
          pltpu.VMEM((NBUF, EMB_DIM, YS), jnp.float32),
          pltpu.SemaphoreType.DMA,
          pltpu.SemaphoreType.DMA,
          pltpu.SemaphoreType.DMA,
          pltpu.SemaphoreType.DMA,
      ],
      compiler_params=pltpu.CompilerParams(
          use_tc_tiling_on_sc=False, needs_layout_passes=False),
  )
  q = grab(idx_t, lin.reshape(VOCAB, EMB_DIM))
  return q.transpose(2, 4, 0, 1, 3).reshape(T, S, EMB_DIM)

# --- scband reference (transcript-rebuilt; emitter-appended) ---
"""Pipeline reference for scband-vocab-embeddings-83356725281238 (READ-ONLY COPY).

The authoritative reference and input builder live on the scoring server;
editing this copy changes nothing except your own understanding.
"""

import jax, jax.numpy as jnp
import numpy as np

VOCAB = 1000000
EMB_DIM = 64

def setup_inputs(seed: int = 0) -> dict:
    key = jax.random.key(seed)
    k_idx, k_tab = jax.random.split(key)
    indices = jax.random.randint(k_idx, (16384, 50), 0, VOCAB, dtype=jnp.int64)
    table = jax.random.normal(k_tab, (VOCAB, EMB_DIM), dtype=jnp.float32) * 0.02
    return {"indices": indices, "table": table}

def reference(indices, table):
    # Faithful embedding lookup: nn.Embedding(len(vocab), emb_dim)(indices)
    return jnp.take(table, indices, axis=0)

if __name__ == "__main__":
    import jax
    _d = setup_inputs()
    print(jax.jit(kernel)(*tuple(_d.values())))

</pallas_src>

<mosaic_0001>
#map = affine_map<(d0, d1) -> (0, 0)>
module attributes {stable_mosaic.version = 14 : i64} {
  func.func @_fmt_body(%arg0: i32, %arg1: i32, %arg2: memref<64x1000000xf32, #tpu.memory_space<hbm>>, %arg3: memref<64x128xf32, #tpu.memory_space<hbm>>, %arg4: memref<500000x128xf32, #tpu.memory_space<hbm>>, %arg5: memref<2x64x128xf32, #tpu.memory_space<vmem>>, %arg6: memref<2x64x128xf32, #tpu.memory_space<vmem>>, %arg7: memref<!tpu.dma_semaphore, #tpu.memory_space<semaphore_mem>>, %arg8: memref<!tpu.dma_semaphore, #tpu.memory_space<semaphore_mem>>, %arg9: memref<!tpu.dma_semaphore, #tpu.memory_space<semaphore_mem>>, %arg10: memref<!tpu.dma_semaphore, #tpu.memory_space<semaphore_mem>>) attributes {dimension_semantics = [#tpu.dimension_semantics<core_parallel>, #tpu.dimension_semantics<subcore_parallel>], iteration_bounds = array<i64: 2, 16>, scalar_prefetch = 0 : i64, scratch_operands = 6 : i64, tpu.core_type = #tpu.core_type<sc_vector_subcore>, window_params = [{transform_indices = #map}, {transform_indices = #map}, {transform_indices = #map}]} {
    %mul3A = arith.constant 2 : i32
    %mul3A_0 = arith.muli %arg1, %mul3A : i32
    %add3A = arith.addi %mul3A_0, %arg0 : i32
    %iota3A = tpu.iota {dimensions = array<i32: 0>} : vector<16xi32>
    %add3A_1 = arith.constant 0 : i32
    %add3A_2 = vector.broadcast %add3A_1 : i32 to vector<16xi32>
    %add3A_3 = arith.addi %iota3A, %add3A_2 : vector<16xi32>
    %and3A = arith.constant 15 : i32
    %and3A_4 = vector.broadcast %and3A : i32 to vector<16xi32>
    %and3A_5 = arith.andi %add3A_3, %and3A_4 : vector<16xi32>
    %add3A_6 = arith.constant 1 : i32
    %add3A_7 = vector.broadcast %add3A_6 : i32 to vector<16xi32>
    %add3A_8 = arith.addi %iota3A, %add3A_7 : vector<16xi32>
    %and3A_9 = arith.constant 15 : i32
    %and3A_10 = vector.broadcast %and3A_9 : i32 to vector<16xi32>
    %and3A_11 = arith.andi %add3A_8, %and3A_10 : vector<16xi32>
    %add3A_12 = arith.constant 2 : i32
    %add3A_13 = vector.broadcast %add3A_12 : i32 to vector<16xi32>
    %add3A_14 = arith.addi %iota3A, %add3A_13 : vector<16xi32>
    %and3A_15 = arith.constant 15 : i32
    %and3A_16 = vector.broadcast %and3A_15 : i32 to vector<16xi32>
    %and3A_17 = arith.andi %add3A_14, %and3A_16 : vector<16xi32>
    %add3A_18 = arith.constant 3 : i32
    %add3A_19 = vector.broadcast %add3A_18 : i32 to vector<16xi32>
    %add3A_20 = arith.addi %iota3A, %add3A_19 : vector<16xi32>
    %and3A_21 = arith.constant 15 : i32
    %and3A_22 = vector.broadcast %and3A_21 : i32 to vector<16xi32>
    %and3A_23 = arith.andi %add3A_20, %and3A_22 : vector<16xi32>
    %add3A_24 = arith.constant 4 : i32
    %add3A_25 = vector.broadcast %add3A_24 : i32 to vector<16xi32>
    %add3A_26 = arith.addi %iota3A, %add3A_25 : vector<16xi32>
    %and3A_27 = arith.constant 15 : i32
    %and3A_28 = vector.broadcast %and3A_27 : i32 to vector<16xi32>
    %and3A_29 = arith.andi %add3A_26, %and3A_28 : vector<16xi32>
    %add3A_30 = arith.constant 5 : i32
    %add3A_31 = vector.broadcast %add3A_30 : i32 to vector<16xi32>
    %add3A_32 = arith.addi %iota3A, %add3A_31 : vector<16xi32>
    %and3A_33 = arith.constant 15 : i32
    %and3A_34 = vector.broadcast %and3A_33 : i32 to vector<16xi32>
    %and3A_35 = arith.andi %add3A_32, %and3A_34 : vector<16xi32>
    %add3A_36 = arith.constant 6 : i32
    %add3A_37 = vector.broadcast %add3A_36 : i32 to vector<16xi32>
    %add3A_38 = arith.addi %iota3A, %add3A_37 : vector<16xi32>
    %and3A_39 = arith.constant 15 : i32
    %and3A_40 = vector.broadcast %and3A_39 : i32 to vector<16xi32>
    %and3A_41 = arith.andi %add3A_38, %and3A_40 : vector<16xi32>
    %add3A_42 = arith.constant 7 : i32
    %add3A_43 = vector.broadcast %add3A_42 : i32 to vector<16xi32>
    %add3A_44 = arith.addi %iota3A, %add3A_43 : vector<16xi32>
    %and3A_45 = arith.constant 15 : i32
    %and3A_46 = vector.broadcast %and3A_45 : i32 to vector<16xi32>
    %and3A_47 = arith.andi %add3A_44, %and3A_46 : vector<16xi32>
    %add3A_48 = arith.constant 8 : i32
    %add3A_49 = vector.broadcast %add3A_48 : i32 to vector<16xi32>
    %add3A_50 = arith.addi %iota3A, %add3A_49 : vector<16xi32>
    %and3A_51 = arith.constant 15 : i32
    %and3A_52 = vector.broadcast %and3A_51 : i32 to vector<16xi32>
    %and3A_53 = arith.andi %add3A_50, %and3A_52 : vector<16xi32>
    %add3A_54 = arith.constant 9 : i32
    %add3A_55 = vector.broadcast %add3A_54 : i32 to vector<16xi32>
    %add3A_56 = arith.addi %iota3A, %add3A_55 : vector<16xi32>
    %and3A_57 = arith.constant 15 : i32
    %and3A_58 = vector.broadcast %and3A_57 : i32 to vector<16xi32>
    %and3A_59 = arith.andi %add3A_56, %and3A_58 : vector<16xi32>
    %add3A_60 = arith.constant 10 : i32
    %add3A_61 = vector.broadcast %add3A_60 : i32 to vector<16xi32>
    %add3A_62 = arith.addi %iota3A, %add3A_61 : vector<16xi32>
    %and3A_63 = arith.constant 15 : i32
    %and3A_64 = vector.broadcast %and3A_63 : i32 to vector<16xi32>
    %and3A_65 = arith.andi %add3A_62, %and3A_64 : vector<16xi32>
    %add3A_66 = arith.constant 11 : i32
    %add3A_67 = vector.broadcast %add3A_66 : i32 to vector<16xi32>
    %add3A_68 = arith.addi %iota3A, %add3A_67 : vector<16xi32>
    %and3A_69 = arith.constant 15 : i32
    %and3A_70 = vector.broadcast %and3A_69 : i32 to vector<16xi32>
    %and3A_71 = arith.andi %add3A_68, %and3A_70 : vector<16xi32>
    %add3A_72 = arith.constant 12 : i32
    %add3A_73 = vector.broadcast %add3A_72 : i32 to vector<16xi32>
    %add3A_74 = arith.addi %iota3A, %add3A_73 : vector<16xi32>
    %and3A_75 = arith.constant 15 : i32
    %and3A_76 = vector.broadcast %and3A_75 : i32 to vector<16xi32>
    %and3A_77 = arith.andi %add3A_74, %and3A_76 : vector<16xi32>
    %add3A_78 = arith.constant 13 : i32
    %add3A_79 = vector.broadcast %add3A_78 : i32 to vector<16xi32>
    %add3A_80 = arith.addi %iota3A, %add3A_79 : vector<16xi32>
    %and3A_81 = arith.constant 15 : i32
    %and3A_82 = vector.broadcast %and3A_81 : i32 to vector<16xi32>
    %and3A_83 = arith.andi %add3A_80, %and3A_82 : vector<16xi32>
    %add3A_84 = arith.constant 14 : i32
    %add3A_85 = vector.broadcast %add3A_84 : i32 to vector<16xi32>
    %add3A_86 = arith.addi %iota3A, %add3A_85 : vector<16xi32>
    %and3A_87 = arith.constant 15 : i32
    %and3A_88 = vector.broadcast %and3A_87 : i32 to vector<16xi32>
    %and3A_89 = arith.andi %add3A_86, %and3A_88 : vector<16xi32>
    %add3A_90 = arith.constant 15 : i32
    %add3A_91 = vector.broadcast %add3A_90 : i32 to vector<16xi32>
    %add3A_92 = arith.addi %iota3A, %add3A_91 : vector<16xi32>
    %and3A_93 = arith.constant 15 : i32
    %and3A_94 = vector.broadcast %and3A_93 : i32 to vector<16xi32>
    %and3A_95 = arith.andi %add3A_92, %and3A_94 : vector<16xi32>
    %add3A_96 = arith.constant 0 : i32
    %add3A_97 = arith.addi %add3A_96, %add3A : i32
    %lt3A = arith.constant 7812 : i32
    %lt3A_98 = arith.cmpi slt, %add3A_97, %lt3A : i32
    %convert_element_type3A = arith.extui %lt3A_98 : i1 to i32
    %cond3A = arith.constant 0 : i32
    %cond3A_99 = arith.cmpi ne, %convert_element_type3A, %cond3A : i32
    scf.if %cond3A_99 {
      %mul3A_161 = arith.constant 128 : i32
      %mul3A_162 = arith.muli %add3A_97, %mul3A_161 : i32
      %dma_start3A = arith.constant 0 : i32
      %dma_start3A_163 = arith.constant 0 : i32
      %dma_start3A_164 = arith.constant 0 : i32
      %dma_start3A_165 = tpu.memref_slice %arg5[%dma_start3A, %dma_start3A_163, %dma_start3A_164] : memref<2x64x128xf32, #tpu.memory_space<vmem>> -> memref<1x64x128xf32, #tpu.memory_space<vmem>>
      %dma_start3A_166 = tpu.memref_squeeze %dma_start3A_165 : memref<1x64x128xf32, #tpu.memory_space<vmem>> -> memref<64x128xf32, #tpu.memory_space<vmem>>
      %dma_start3A_167 = arith.constant 0 : i32
      %dma_start3A_168 = tpu.memref_slice %arg2[%dma_start3A_167, %mul3A_162] : memref<64x1000000xf32, #tpu.memory_space<hbm>> -> memref<64x128xf32, #tpu.memory_space<hbm>>
      %dma_start3A_169 = arith.constant 0 : i32
      %dma_start3A_170 = arith.constant 0 : i32
      %dma_start3A_171 = tpu.memref_slice %arg5[%dma_start3A, %dma_start3A_169, %dma_start3A_170] : memref<2x64x128xf32, #tpu.memory_space<vmem>> -> memref<1x64x128xf32, #tpu.memory_space<vmem>>
      %dma_start3A_172 = tpu.memref_squeeze %dma_start3A_171 : memref<1x64x128xf32, #tpu.memory_space<vmem>> -> memref<64x128xf32, #tpu.memory_space<vmem>>
      %dma_start3A_173 = arith.constant 0 : i32
      %dma_start3A_174 = tpu.memref_slice %arg2[%dma_start3A_173, %mul3A_162] : memref<64x1000000xf32, #tpu.memory_space<hbm>> -> memref<64x128xf32, #tpu.memory_space<hbm>>
      tpu.enqueue_dma source(%dma_start3A_174 : memref<64x128xf32, #tpu.memory_space<hbm>>) target(%dma_start3A_172 : memref<64x128xf32, #tpu.memory_space<vmem>>) target_semaphore(%arg7 : memref<!tpu.dma_semaphore, #tpu.memory_space<semaphore_mem>>)
    } else {
    }
    %eq3A = arith.constant 7812 : i32
    %eq3A_100 = arith.cmpi eq, %add3A_97, %eq3A : i32
    %convert_element_type3A_101 = arith.extui %eq3A_100 : i1 to i32
    %cond3A_102 = arith.constant 0 : i32
    %cond3A_103 = arith.cmpi ne, %convert_element_type3A_101, %cond3A_102 : i32
    scf.if %cond3A_103 {
      %dma_start3A = arith.constant 0 : i32
      %dma_start3A_161 = arith.constant 0 : i32
      %dma_start3A_162 = arith.constant 0 : i32
      %dma_start3A_163 = tpu.memref_slice %arg5[%dma_start3A, %dma_start3A_161, %dma_start3A_162] : memref<2x64x128xf32, #tpu.memory_space<vmem>> -> memref<1x64x128xf32, #tpu.memory_space<vmem>>
      %dma_start3A_164 = tpu.memref_squeeze %dma_start3A_163 : memref<1x64x128xf32, #tpu.memory_space<vmem>> -> memref<64x128xf32, #tpu.memory_space<vmem>>
      %dma_start3A_165 = arith.constant 0 : i32
      %dma_start3A_166 = arith.constant 0 : i32
      %dma_start3A_167 = tpu.memref_slice %arg5[%dma_start3A, %dma_start3A_165, %dma_start3A_166] : memref<2x64x128xf32, #tpu.memory_space<vmem>> -> memref<1x64x128xf32, #tpu.memory_space<vmem>>
      %dma_start3A_168 = tpu.memref_squeeze %dma_start3A_167 : memref<1x64x128xf32, #tpu.memory_space<vmem>> -> memref<64x128xf32, #tpu.memory_space<vmem>>
      tpu.enqueue_dma source(%arg3 : memref<64x128xf32, #tpu.memory_space<hbm>>) target(%dma_start3A_168 : memref<64x128xf32, #tpu.memory_space<vmem>>) target_semaphore(%arg7 : memref<!tpu.dma_semaphore, #tpu.memory_space<semaphore_mem>>)
    } else {
    }
    %scan3A = arith.constant 0 : i32
    %scan3A_104 = arith.constant 0 : i32
    %scan3A_105 = arith.constant 123 : i32
    %scan3A_106 = arith.addi %scan3A_104, %scan3A_105 : i32
    %scan3A_107 = arith.constant 1 : i32
    %scan3A_108 = scf.for %scan3A_161 = %scan3A_104 to %scan3A_106 step %scan3A_107 iter_args(%scan3A_162 = %scan3A) -> (i32)  : i32 {
      %mul3A_163 = arith.constant 2 : i32
      %mul3A_164 = arith.muli %scan3A_161, %mul3A_163 : i32
      %add3A_165 = arith.constant 0 : i32
      %add3A_166 = arith.addi %mul3A_164, %add3A_165 : i32
      %add3A_167 = arith.constant 1 : i32
      %add3A_168 = arith.addi %add3A_166, %add3A_167 : i32
      %mul3A_169 = arith.constant 32 : i32
      %mul3A_170 = arith.muli %add3A_168, %mul3A_169 : i32
      %add3A_171 = arith.addi %mul3A_170, %add3A : i32
      %lt3A_172 = arith.constant 7813 : i32
      %lt3A_173 = arith.cmpi slt, %add3A_171, %lt3A_172 : i32
      %convert_element_type3A_174 = arith.extui %lt3A_173 : i1 to i32
      %cond3A_175 = arith.constant 0 : i32
      %cond3A_176 = arith.cmpi ne, %convert_element_type3A_174, %cond3A_175 : i32
      scf.if %cond3A_176 {
        %add3A_208 = arith.constant 1 : i32
        %add3A_209 = arith.addi %add3A_166, %add3A_208 : i32
        %mul3A_210 = arith.constant 32 : i32
        %mul3A_211 = arith.muli %add3A_209, %mul3A_210 : i32
        %add3A_212 = arith.addi %mul3A_211, %add3A : i32
        %lt3A_213 = arith.constant 7812 : i32
        %lt3A_214 = arith.cmpi slt, %add3A_212, %lt3A_213 : i32
        %convert_element_type3A_215 = arith.extui %lt3A_214 : i1 to i32
        %cond3A_216 = arith.constant 0 : i32
        %cond3A_217 = arith.cmpi ne, %convert_element_type3A_215, %cond3A_216 : i32
        scf.if %cond3A_217 {
          %mul3A_223 = arith.constant 128 : i32
          %mul3A_224 = arith.muli %add3A_212, %mul3A_223 : i32
          %dma_start3A = arith.constant 1 : i32
          %dma_start3A_225 = arith.constant 0 : i32
          %dma_start3A_226 = arith.constant 0 : i32
          %dma_start3A_227 = tpu.memref_slice %arg5[%dma_start3A, %dma_start3A_225, %dma_start3A_226] : memref<2x64x128xf32, #tpu.memory_space<vmem>> -> memref<1x64x128xf32, #tpu.memory_space<vmem>>
          %dma_start3A_228 = tpu.memref_squeeze %dma_start3A_227 : memref<1x64x128xf32, #tpu.memory_space<vmem>> -> memref<64x128xf32, #tpu.memory_space<vmem>>
          %dma_start3A_229 = arith.constant 0 : i32
          %dma_start3A_230 = tpu.memref_slice %arg2[%dma_start3A_229, %mul3A_224] : memref<64x1000000xf32, #tpu.memory_space<hbm>> -> memref<64x128xf32, #tpu.memory_space<hbm>>
          %dma_start3A_231 = arith.constant 0 : i32
          %dma_start3A_232 = arith.constant 0 : i32
          %dma_start3A_233 = tpu.memref_slice %arg5[%dma_start3A, %dma_start3A_231, %dma_start3A_232] : memref<2x64x128xf32, #tpu.memory_space<vmem>> -> memref<1x64x128xf32, #tpu.memory_space<vmem>>
          %dma_start3A_234 = tpu.memref_squeeze %dma_start3A_233 : memref<1x64x128xf32, #tpu.memory_space<vmem>> -> memref<64x128xf32, #tpu.memory_space<vmem>>
          %dma_start3A_235 = arith.constant 0 : i32
          %dma_start3A_236 = tpu.memref_slice %arg2[%dma_start3A_235, %mul3A_224] : memref<64x1000000xf32, #tpu.memory_space<hbm>> -> memref<64x128xf32, #tpu.memory_space<hbm>>
          tpu.enqueue_dma source(%dma_start3A_236 : memref<64x128xf32, #tpu.memory_space<hbm>>) target(%dma_start3A_234 : memref<64x128xf32, #tpu.memory_space<vmem>>) target_semaphore(%arg8 : memref<!tpu.dma_semaphore, #tpu.memory_space<semaphore_mem>>)
        } else {
        }
        %eq3A_218 = arith.constant 7812 : i32
        %eq3A_219 = arith.cmpi eq, %add3A_212, %eq3A_218 : i32
        %convert_element_type3A_220 = arith.extui %eq3A_219 : i1 to i32
        %cond3A_221 = arith.constant 0 : i32
        %cond3A_222 = arith.cmpi ne, %convert_element_type3A_220, %cond3A_221 : i32
        scf.if %cond3A_222 {
          %dma_start3A = arith.constant 1 : i32
          %dma_start3A_223 = arith.constant 0 : i32
          %dma_start3A_224 = arith.constant 0 : i32
          %dma_start3A_225 = tpu.memref_slice %arg5[%dma_start3A, %dma_start3A_223, %dma_start3A_224] : memref<2x64x128xf32, #tpu.memory_space<vmem>> -> memref<1x64x128xf32, #tpu.memory_space<vmem>>
          %dma_start3A_226 = tpu.memref_squeeze %dma_start3A_225 : memref<1x64x128xf32, #tpu.memory_space<vmem>> -> memref<64x128xf32, #tpu.memory_space<vmem>>
          %dma_start3A_227 = arith.constant 0 : i32
          %dma_start3A_228 = arith.constant 0 : i32
          %dma_start3A_229 = tpu.memref_slice %arg5[%dma_start3A, %dma_start3A_227, %dma_start3A_228] : memref<2x64x128xf32, #tpu.memory_space<vmem>> -> memref<1x64x128xf32, #tpu.memory_space<vmem>>
          %dma_start3A_230 = tpu.memref_squeeze %dma_start3A_229 : memref<1x64x128xf32, #tpu.memory_space<vmem>> -> memref<64x128xf32, #tpu.memory_space<vmem>>
          tpu.enqueue_dma source(%arg3 : memref<64x128xf32, #tpu.memory_space<hbm>>) target(%dma_start3A_230 : memref<64x128xf32, #tpu.memory_space<vmem>>) target_semaphore(%arg8 : memref<!tpu.dma_semaphore, #tpu.memory_space<semaphore_mem>>)
        } else {
        }
      } else {
      }
      %mul3A_177 = arith.constant 32 : i32
      %mul3A_178 = arith.muli %add3A_166, %mul3A_177 : i32
      %add3A_179 = arith.addi %mul3A_178, %add3A : i32
      %lt3A_180 = arith.constant 7813 : i32
      %lt3A_181 = arith.cmpi slt, %add3A_179, %lt3A_180 : i32
      %convert_element_type3A_182 = arith.extui %lt3A_181 : i1 to i32
      %cond3A_183 = arith.constant 0 : i32
      %cond3A_184 = arith.cmpi ne, %convert_element_type3A_182, %cond3A_183 : i32
      scf.if %cond3A_184 {
        %mul3A_208 = arith.constant 32 : i32
        %mul3A_209 = arith.muli %add3A_166, %mul3A_208 : i32
        %add3A_210 = arith.addi %mul3A_209, %add3A : i32
        %lt3A_211 = arith.constant 7812 : i32
        %lt3A_212 = arith.cmpi slt, %add3A_210, %lt3A_211 : i32
        %convert_element_type3A_213 = arith.extui %lt3A_212 : i1 to i32
        %cond3A_214 = arith.constant 0 : i32
        %cond3A_215 = arith.cmpi ne, %convert_element_type3A_213, %cond3A_214 : i32
        scf.if %cond3A_215 {
          %dma_wait3A = arith.constant 0 : i32
          %dma_wait3A_242 = arith.constant 0 : i32
          %dma_wait3A_243 = arith.constant 0 : i32
          %dma_wait3A_244 = tpu.memref_slice %arg5[%dma_wait3A, %dma_wait3A_242, %dma_wait3A_243] : memref<2x64x128xf32, #tpu.memory_space<vmem>> -> memref<1x64x128xf32, #tpu.memory_space<vmem>>
          %dma_wait3A_245 = tpu.memref_squeeze %dma_wait3A_244 : memref<1x64x128xf32, #tpu.memory_space<vmem>> -> memref<64x128xf32, #tpu.memory_space<vmem>>
          %dma_wait3A_246 = arith.constant 0 : i32
          %dma_wait3A_247 = arith.constant 0 : i32
          %dma_wait3A_248 = tpu.memref_slice %arg2[%dma_wait3A_246, %dma_wait3A_247] : memref<64x1000000xf32, #tpu.memory_space<hbm>> -> memref<64x128xf32, #tpu.memory_space<hbm>>
          %dma_wait3A_249 = arith.constant 0 : i32
          %dma_wait3A_250 = arith.constant 0 : i32
          %dma_wait3A_251 = tpu.memref_slice %arg5[%dma_wait3A, %dma_wait3A_249, %dma_wait3A_250] : memref<2x64x128xf32, #tpu.memory_space<vmem>> -> memref<1x64x128xf32, #tpu.memory_space<vmem>>
          %dma_wait3A_252 = tpu.memref_squeeze %dma_wait3A_251 : memref<1x64x128xf32, #tpu.memory_space<vmem>> -> memref<64x128xf32, #tpu.memory_space<vmem>>
          %dma_wait3A_253 = arith.constant 0 : i32
          %dma_wait3A_254 = arith.constant 0 : i32
          %dma_wait3A_255 = tpu.memref_slice %arg2[%dma_wait3A_253, %dma_wait3A_254] : memref<64x1000000xf32, #tpu.memory_space<hbm>> -> memref<64x128xf32, #tpu.memory_space<hbm>>
          tpu.wait_dma2 semaphore(%arg7 : memref<!tpu.dma_semaphore, #tpu.memory_space<semaphore_mem>>) src(%dma_wait3A_255 : memref<64x128xf32, #tpu.memory_space<hbm>>) dst(%dma_wait3A_252 : memref<64x128xf32, #tpu.memory_space<vmem>>)
        } else {
        }
        %eq3A_216 = arith.constant 7812 : i32
        %eq3A_217 = arith.cmpi eq, %add3A_210, %eq3A_216 : i32
        %convert_element_type3A_218 = arith.extui %eq3A_217 : i1 to i32
        %cond3A_219 = arith.constant 0 : i32
        %cond3A_220 = arith.cmpi ne, %convert_element_type3A_218, %cond3A_219 : i32
        scf.if %cond3A_220 {
          %dma_wait3A = arith.constant 0 : i32
          %dma_wait3A_242 = arith.constant 0 : i32
          %dma_wait3A_243 = arith.constant 0 : i32
          %dma_wait3A_244 = tpu.memref_slice %arg5[%dma_wait3A, %dma_wait3A_242, %dma_wait3A_243] : memref<2x64x128xf32, #tpu.memory_space<vmem>> -> memref<1x64x128xf32, #tpu.memory_space<vmem>>
          %dma_wait3A_245 = tpu.memref_squeeze %dma_wait3A_244 : memref<1x64x128xf32, #tpu.memory_space<vmem>> -> memref<64x128xf32, #tpu.memory_space<vmem>>
          %dma_wait3A_246 = arith.constant 0 : i32
          %dma_wait3A_247 = arith.constant 0 : i32
          %dma_wait3A_248 = tpu.memref_slice %arg5[%dma_wait3A, %dma_wait3A_246, %dma_wait3A_247] : memref<2x64x128xf32, #tpu.memory_space<vmem>> -> memref<1x64x128xf32, #tpu.memory_space<vmem>>
          %dma_wait3A_249 = tpu.memref_squeeze %dma_wait3A_248 : memref<1x64x128xf32, #tpu.memory_space<vmem>> -> memref<64x128xf32, #tpu.memory_space<vmem>>
          tpu.wait_dma2 semaphore(%arg7 : memref<!tpu.dma_semaphore, #tpu.memory_space<semaphore_mem>>) src(%arg3 : memref<64x128xf32, #tpu.memory_space<hbm>>) dst(%dma_wait3A_249 : memref<64x128xf32, #tpu.memory_space<vmem>>)
        } else {
        }
        %ge3A = arith.constant 2 : i32
        %ge3A_221 = arith.cmpi sge, %add3A_166, %ge3A : i32
        %convert_element_type3A_222 = arith.extui %ge3A_221 : i1 to i32
        %cond3A_223 = arith.constant 0 : i32
        %cond3A_224 = arith.cmpi ne, %convert_element_type3A_222, %cond3A_223 : i32
        scf.if %cond3A_224 {
          %sub3A_242 = arith.constant 2 : i32
          %sub3A_243 = arith.subi %add3A_166, %sub3A_242 : i32
          %mul3A_244 = arith.constant 32 : i32
          %mul3A_245 = arith.muli %sub3A_243, %mul3A_244 : i32
          %add3A_246 = arith.addi %mul3A_245, %add3A : i32
          %lt3A_247 = arith.constant 7812 : i32
          %lt3A_248 = arith.cmpi slt, %add3A_246, %lt3A_247 : i32
          %convert_element_type3A_249 = arith.extui %lt3A_248 : i1 to i32
          %cond3A_250 = arith.constant 0 : i32
          %cond3A_251 = arith.cmpi ne, %convert_element_type3A_249, %cond3A_250 : i32
          scf.if %cond3A_251 {
            %dma_wait3A = arith.constant 0 : i32
            %dma_wait3A_257 = arith.constant 0 : i32
            %dma_wait3A_258 = arith.constant 0 : i32
            %dma_wait3A_259 = tpu.memref_slice %arg6[%dma_wait3A, %dma_wait3A_257, %dma_wait3A_258] : memref<2x64x128xf32, #tpu.memory_space<vmem>> -> memref<1x64x128xf32, #tpu.memory_space<vmem>>
            %dma_wait3A_260 = tpu.memref_squeeze %dma_wait3A_259 : memref<1x64x128xf32, #tpu.memory_space<vmem>> -> memref<64x128xf32, #tpu.memory_space<vmem>>
            %dma_wait3A_261 = arith.constant 0 : i32
            %dma_wait3A_262 = arith.constant 0 : i32
            %dma_wait3A_263 = tpu.memref_slice %arg4[%dma_wait3A_261, %dma_wait3A_262] : memref<500000x128xf32, #tpu.memory_space<hbm>> -> memref<64x128xf32, #tpu.memory_space<hbm>>
            %dma_wait3A_264 = arith.constant 0 : i32
            %dma_wait3A_265 = arith.constant 0 : i32
            %dma_wait3A_266 = tpu.memref_slice %arg4[%dma_wait3A_264, %dma_wait3A_265] : memref<500000x128xf32, #tpu.memory_space<hbm>> -> memref<64x128xf32, #tpu.memory_space<hbm>>
            %dma_wait3A_267 = arith.constant 0 : i32
            %dma_wait3A_268 = arith.constant 0 : i32
            %dma_wait3A_269 = tpu.memref_slice %arg6[%dma_wait3A, %dma_wait3A_267, %dma_wait3A_268] : memref<2x64x128xf32, #tpu.memory_space<vmem>> -> memref<1x64x128xf32, #tpu.memory_space<vmem>>
            %dma_wait3A_270 = tpu.memref_squeeze %dma_wait3A_269 : memref<1x64x128xf32, #tpu.memory_space<vmem>> -> memref<64x128xf32, #tpu.memory_space<vmem>>
            tpu.wait_dma2 semaphore(%arg9 : memref<!tpu.dma_semaphore, #tpu.memory_space<semaphore_mem>>) src(%dma_wait3A_270 : memref<64x128xf32, #tpu.memory_space<vmem>>) dst(%dma_wait3A_266 : memref<64x128xf32, #tpu.memory_space<hbm>>)
          } else {
          }
          %eq3A_252 = arith.constant 7812 : i32
          %eq3A_253 = arith.cmpi eq, %add3A_246, %eq3A_252 : i32
          %convert_element_type3A_254 = arith.extui %eq3A_253 : i1 to i32
          %cond3A_255 = arith.constant 0 : i32
          %cond3A_256 = arith.cmpi ne, %convert_element_type3A_254, %cond3A_255 : i32
          scf.if %cond3A_256 {
            %dma_wait3A = arith.constant 0 : i32
            %dma_wait3A_257 = arith.constant 0 : i32
            %dma_wait3A_258 = arith.constant 0 : i32
            %dma_wait3A_259 = tpu.memref_slice %arg6[%dma_wait3A, %dma_wait3A_257, %dma_wait3A_258] : memref<2x64x128xf32, #tpu.memory_space<vmem>> -> memref<1x32x128xf32, #tpu.memory_space<vmem>>
            %dma_wait3A_260 = tpu.memref_squeeze %dma_wait3A_259 : memref<1x32x128xf32, #tpu.memory_space<vmem>> -> memref<32x128xf32, #tpu.memory_space<vmem>>
            %dma_wait3A_261 = arith.constant 0 : i32
            %dma_wait3A_262 = arith.constant 0 : i32
            %dma_wait3A_263 = tpu.memref_slice %arg4[%dma_wait3A_261, %dma_wait3A_262] : memref<500000x128xf32, #tpu.memory_space<hbm>> -> memref<32x128xf32, #tpu.memory_space<hbm>>
            %dma_wait3A_264 = arith.constant 0 : i32
            %dma_wait3A_265 = arith.constant 0 : i32
            %dma_wait3A_266 = tpu.memref_slice %arg4[%dma_wait3A_264, %dma_wait3A_265] : memref<500000x128xf32, #tpu.memory_space<hbm>> -> memref<32x128xf32, #tpu.memory_space<hbm>>
            %dma_wait3A_267 = arith.constant 0 : i32
            %dma_wait3A_268 = arith.constant 0 : i32
            %dma_wait3A_269 = tpu.memref_slice %arg6[%dma_wait3A, %dma_wait3A_267, %dma_wait3A_268] : memref<2x64x128xf32, #tpu.memory_space<vmem>> -> memref<1x32x128xf32, #tpu.memory_space<vmem>>
            %dma_wait3A_270 = tpu.memref_squeeze %dma_wait3A_269 : memref<1x32x128xf32, #tpu.memory_space<vmem>> -> memref<32x128xf32, #tpu.memory_space<vmem>>
            tpu.wait_dma2 semaphore(%arg9 : memref<!tpu.dma_semaphore, #tpu.memory_space<semaphore_mem>>) src(%dma_wait3A_270 : memref<32x128xf32, #tpu.memory_space<vmem>>) dst(%dma_wait3A_266 : memref<32x128xf32, #tpu.memory_space<hbm>>)
          } else {
          }
        } else {
        }
        %parallel_loop3A = arith.constant 0 : i32
        %parallel_loop3A_225 = arith.constant 32 : i32
        %parallel_loop3A_226 = arith.constant 1 : i32
        %parallel_loop3A_227 = arith.constant 0 : i32
        %parallel_loop3A_228 = arith.constant 0 : i32
        scf.for %parallel_loop3A_242 = %parallel_loop3A to %parallel_loop3A_225 step %parallel_loop3A_226  : i32 {
          %parallel_loop3A_243 = arith.constant 7 : i32
          %parallel_loop3A_244 = arith.andi %parallel_loop3A_242, %parallel_loop3A_243 : i32
          %parallel_loop3A_245 = arith.constant 16 : i32
          %parallel_loop3A_246 = arith.muli %parallel_loop3A_244, %parallel_loop3A_245 : i32
          %parallel_loop3A_247 = arith.constant 3 : i32
          %parallel_loop3A_248 = arith.shrsi %parallel_loop3A_242, %parallel_loop3A_247 : i32
          %parallel_loop3A_249 = arith.constant 16 : i32
          %parallel_loop3A_250 = arith.muli %parallel_loop3A_248, %parallel_loop3A_249 : i32
          %parallel_loop3A_251 = vector.broadcast %parallel_loop3A_250 : i32 to vector<16xi32>
          %parallel_loop3A_252 = arith.addi %iota3A, %parallel_loop3A_251 : vector<16xi32>
          %parallel_loop3A_253 = vector.broadcast %parallel_loop3A_246 : i32 to vector<16xi32>
          %parallel_loop3A_254 = arith.addi %and3A_5, %parallel_loop3A_253 : vector<16xi32>
          %parallel_loop3A_255 = arith.constant 1 : i32
          %parallel_loop3A_256 = vector.broadcast %parallel_loop3A_255 : i32 to vector<16xi32>
          %parallel_loop3A_257 = arith.andi %parallel_loop3A_254, %parallel_loop3A_256 : vector<16xi32>
          %parallel_loop3A_258 = arith.constant 6 : i32
          %parallel_loop3A_259 = vector.broadcast %parallel_loop3A_258 : i32 to vector<16xi32>
          %parallel_loop3A_260 = arith.shli %parallel_loop3A_257, %parallel_loop3A_259 : vector<16xi32>
          %parallel_loop3A_261 = arith.addi %parallel_loop3A_260, %parallel_loop3A_252 : vector<16xi32>
          %parallel_loop3A_262 = arith.constant 1 : i32
          %parallel_loop3A_263 = vector.broadcast %parallel_loop3A_262 : i32 to vector<16xi32>
          %parallel_loop3A_264 = arith.shrsi %parallel_loop3A_254, %parallel_loop3A_263 : vector<16xi32>
          %parallel_loop3A_265 = arith.constant 0 : i32
          %parallel_loop3A_266 = arith.constant 0 : i32
          %parallel_loop3A_267 = tpu.memref_slice %arg5[%parallel_loop3A_227, %parallel_loop3A_265, %parallel_loop3A_266] : memref<2x64x128xf32, #tpu.memory_space<vmem>> -> memref<1x64x128xf32, #tpu.memory_space<vmem>>
          %parallel_loop3A_268 = tpu.memref_squeeze %parallel_loop3A_267 : memref<1x64x128xf32, #tpu.memory_space<vmem>> -> memref<64x128xf32, #tpu.memory_space<vmem>>
          %parallel_loop3A_269 = tpu.vector_load_idx %parallel_loop3A_268[%parallel_loop3A_252, %parallel_loop3A_254] : memref<64x128xf32, #tpu.memory_space<vmem>>[vector<16xi32>, vector<16xi32>], vector<16xf32>,
          %parallel_loop3A_270 = arith.constant 0 : i32
          %parallel_loop3A_271 = arith.constant 0 : i32
          %parallel_loop3A_272 = tpu.memref_slice %arg6[%parallel_loop3A_228, %parallel_loop3A_270, %parallel_loop3A_271] : memref<2x64x128xf32, #tpu.memory_space<vmem>> -> memref<1x64x128xf32, #tpu.memory_space<vmem>>
          %parallel_loop3A_273 = tpu.memref_squeeze %parallel_loop3A_272 : memref<1x64x128xf32, #tpu.memory_space<vmem>> -> memref<64x128xf32, #tpu.memory_space<vmem>>
          tpu.vector_store_idx %parallel_loop3A_273[%parallel_loop3A_264, %parallel_loop3A_261], %parallel_loop3A_269 : memref<64x128xf32, #tpu.memory_space<vmem>>[vector<16xi32>, vector<16xi32>], vector<16xf32>,
          %parallel_loop3A_274 = vector.broadcast %parallel_loop3A_246 : i32 to vector<16xi32>
          %parallel_loop3A_275 = arith.addi %and3A_11, %parallel_loop3A_274 : vector<16xi32>
          %parallel_loop3A_276 = arith.constant 1 : i32
          %parallel_loop3A_277 = vector.broadcast %parallel_loop3A_276 : i32 to vector<16xi32>
          %parallel_loop3A_278 = arith.andi %parallel_loop3A_275, %parallel_loop3A_277 : vector<16xi32>
          %parallel_loop3A_279 = arith.constant 6 : i32
          %parallel_loop3A_280 = vector.broadcast %parallel_loop3A_279 : i32 to vector<16xi32>
          %parallel_loop3A_281 = arith.shli %parallel_loop3A_278, %parallel_loop3A_280 : vector<16xi32>
          %parallel_loop3A_282 = arith.addi %parallel_loop3A_281, %parallel_loop3A_252 : vector<16xi32>
          %parallel_loop3A_283 = arith.constant 1 : i32
          %parallel_loop3A_284 = vector.broadcast %parallel_loop3A_283 : i32 to vector<16xi32>
          %parallel_loop3A_285 = arith.shrsi %parallel_loop3A_275, %parallel_loop3A_284 : vector<16xi32>
          %parallel_loop3A_286 = arith.constant 0 : i32
          %parallel_loop3A_287 = arith.constant 0 : i32
          %parallel_loop3A_288 = tpu.memref_slice %arg5[%parallel_loop3A_227, %parallel_loop3A_286, %parallel_loop3A_287] : memref<2x64x128xf32, #tpu.memory_space<vmem>> -> memref<1x64x128xf32, #tpu.memory_space<vmem>>
          %parallel_loop3A_289 = tpu.memref_squeeze %parallel_loop3A_288 : memref<1x64x128xf32, #tpu.memory_space<vmem>> -> memref<64x128xf32, #tpu.memory_space<vmem>>
          %parallel_loop3A_290 = tpu.vector_load_idx %parallel_loop3A_289[%parallel_loop3A_252, %parallel_loop3A_275] : memref<64x128xf32, #tpu.memory_space<vmem>>[vector<16xi32>, vector<16xi32>], vector<16xf32>,
          %parallel_loop3A_291 = arith.constant 0 : i32
          %parallel_loop3A_292 = arith.constant 0 : i32
          %parallel_loop3A_293 = tpu.memref_slice %arg6[%parallel_loop3A_228, %parallel_loop3A_291, %parallel_loop3A_292] : memref<2x64x128xf32, #tpu.memory_space<vmem>> -> memref<1x64x128xf32, #tpu.memory_space<vmem>>
          %parallel_loop3A_294 = tpu.memref_squeeze %parallel_loop3A_293 : memref<1x64x128xf32, #tpu.memory_space<vmem>> -> memref<64x128xf32, #tpu.memory_space<vmem>>
          tpu.vector_store_idx %parallel_loop3A_294[%parallel_loop3A_285, %parallel_loop3A_282], %parallel_loop3A_290 : memref<64x128xf32, #tpu.memory_space<vmem>>[vector<16xi32>, vector<16xi32>], vector<16xf32>,
          %parallel_loop3A_295 = vector.broadcast %parallel_loop3A_246 : i32 to vector<16xi32>
          %parallel_loop3A_296 = arith.addi %and3A_17, %parallel_loop3A_295 : vector<16xi32>
          %parallel_loop3A_297 = arith.constant 1 : i32
          %parallel_loop3A_298 = vector.broadcast %parallel_loop3A_297 : i32 to vector<16xi32>
          %parallel_loop3A_299 = arith.andi %parallel_loop3A_296, %parallel_loop3A_298 : vector<16xi32>
          %parallel_loop3A_300 = arith.constant 6 : i32
          %parallel_loop3A_301 = vector.broadcast %parallel_loop3A_300 : i32 to vector<16xi32>
          %parallel_loop3A_302 = arith.shli %parallel_loop3A_299, %parallel_loop3A_301 : vector<16xi32>
          %parallel_loop3A_303 = arith.addi %parallel_loop3A_302, %parallel_loop3A_252 : vector<16xi32>
          %parallel_loop3A_304 = arith.constant 1 : i32
          %parallel_loop3A_305 = vector.broadcast %parallel_loop3A_304 : i32 to vector<16xi32>
          %parallel_loop3A_306 = arith.shrsi %parallel_loop3A_296, %parallel_loop3A_305 : vector<16xi32>
          %parallel_loop3A_307 = arith.constant 0 : i32
          %parallel_loop3A_308 = arith.constant 0 : i32
          %parallel_loop3A_309 = tpu.memref_slice %arg5[%parallel_loop3A_227, %parallel_loop3A_307, %parallel_loop3A_308] : memref<2x64x128xf32, #tpu.memory_space<vmem>> -> memref<1x64x128xf32, #tpu.memory_space<vmem>>
          %parallel_loop3A_310 = tpu.memref_squeeze %parallel_loop3A_309 : memref<1x64x128xf32, #tpu.memory_space<vmem>> -> memref<64x128xf32, #tpu.memory_space<vmem>>
          %parallel_loop3A_311 = tpu.vector_load_idx %parallel_loop3A_310[%parallel_loop3A_252, %parallel_loop3A_296] : memref<64x128xf32, #tpu.memory_space<vmem>>[vector<16xi32>, vector<16xi32>], vector<16xf32>,
          %parallel_loop3A_312 = arith.constant 0 : i32
          %parallel_loop3A_313 = arith.constant 0 : i32
          %parallel_loop3A_314 = tpu.memref_slice %arg6[%parallel_loop3A_228, %parallel_loop3A_312, %parallel_loop3A_313] : memref<2x64x128xf32, #tpu.memory_space<vmem>> -> memref<1x64x128xf32, #tpu.memory_space<vmem>>
          %parallel_loop3A_315 = tpu.memref_squeeze %parallel_loop3A_314 : memref<1x64x128xf32, #tpu.memory_space<vmem>> -> memref<64x128xf32, #tpu.memory_space<vmem>>
          tpu.vector_store_idx %parallel_loop3A_315[%parallel_loop3A_306, %parallel_loop3A_303], %parallel_loop3A_311 : memref<64x128xf32, #tpu.memory_space<vmem>>[vector<16xi32>, vector<16xi32>], vector<16xf32>,
          %parallel_loop3A_316 = vector.broadcast %parallel_loop3A_246 : i32 to vector<16xi32>
          %parallel_loop3A_317 = arith.addi %and3A_23, %parallel_loop3A_316 : vector<16xi32>
          %parallel_loop3A_318 = arith.constant 1 : i32
          %parallel_loop3A_319 = vector.broadcast %parallel_loop3A_318 : i32 to vector<16xi32>
          %parallel_loop3A_320 = arith.andi %parallel_loop3A_317, %parallel_loop3A_319 : vector<16xi32>
          %parallel_loop3A_321 = arith.constant 6 : i32
          %parallel_loop3A_322 = vector.broadcast %parallel_loop3A_321 : i32 to vector<16xi32>
          %parallel_loop3A_323 = arith.shli %parallel_loop3A_320, %parallel_loop3A_322 : vector<16xi32>
          %parallel_loop3A_324 = arith.addi %parallel_loop3A_323, %parallel_loop3A_252 : vector<16xi32>
          %parallel_loop3A_325 = arith.constant 1 : i32
          %parallel_loop3A_326 = vector.broadcast %parallel_loop3A_325 : i32 to vector<16xi32>
          %parallel_loop3A_327 = arith.shrsi %parallel_loop3A_317, %parallel_loop3A_326 : vector<16xi32>
          %parallel_loop3A_328 = arith.constant 0 : i32
          %parallel_loop3A_329 = arith.constant 0 : i32
          %parallel_loop3A_330 = tpu.memref_slice %arg5[%parallel_loop3A_227, %parallel_loop3A_328, %parallel_loop3A_329] : memref<2x64x128xf32, #tpu.memory_space<vmem>> -> memref<1x64x128xf32, #tpu.memory_space<vmem>>
          %parallel_loop3A_331 = tpu.memref_squeeze %parallel_loop3A_330 : memref<1x64x128xf32, #tpu.memory_space<vmem>> -> memref<64x128xf32, #tpu.memory_space<vmem>>
          %parallel_loop3A_332 = tpu.vector_load_idx %parallel_loop3A_331[%parallel_loop3A_252, %parallel_loop3A_317] : memref<64x128xf32, #tpu.memory_space<vmem>>[vector<16xi32>, vector<16xi32>], vector<16xf32>,
          %parallel_loop3A_333 = arith.constant 0 : i32
          %parallel_loop3A_334 = arith.constant 0 : i32
          %parallel_loop3A_335 = tpu.memref_slice %arg6[%parallel_loop3A_228, %parallel_loop3A_333, %parallel_loop3A_334] : memref<2x64x128xf32, #tpu.memory_space<vmem>> -> memref<1x64x128xf32, #tpu.memory_space<vmem>>
          %parallel_loop3A_336 = tpu.memref_squeeze %parallel_loop3A_335 : memref<1x64x128xf32, #tpu.memory_space<vmem>> -> memref<64x128xf32, #tpu.memory_space<vmem>>
          tpu.vector_store_idx %parallel_loop3A_336[%parallel_loop3A_327, %parallel_loop3A_324], %parallel_loop3A_332 : memref<64x128xf32, #tpu.memory_space<vmem>>[vector<16xi32>, vector<16xi32>], vector<16xf32>,
          %parallel_loop3A_337 = vector.broadcast %parallel_loop3A_246 : i32 to vector<16xi32>
          %parallel_loop3A_338 = arith.addi %and3A_29, %parallel_loop3A_337 : vector<16xi32>
          %parallel_loop3A_339 = arith.constant 1 : i32
          %parallel_loop3A_340 = vector.broadcast %parallel_loop3A_339 : i32 to vector<16xi32>
          %parallel_loop3A_341 = arith.andi %parallel_loop3A_338, %parallel_loop3A_340 : vector<16xi32>
          %parallel_loop3A_342 = arith.constant 6 : i32
          %parallel_loop3A_343 = vector.broadcast %parallel_loop3A_342 : i32 to vector<16xi32>
          %parallel_loop3A_344 = arith.shli %parallel_loop3A_341, %parallel_loop3A_343 : vector<16xi32>
          %parallel_loop3A_345 = arith.addi %parallel_loop3A_344, %parallel_loop3A_252 : vector<16xi32>
          %parallel_loop3A_346 = arith.constant 1 : i32
          %parallel_loop3A_347 = vector.broadcast %parallel_loop3A_346 : i32 to vector<16xi32>
          %parallel_loop3A_348 = arith.shrsi %parallel_loop3A_338, %parallel_loop3A_347 : vector<16xi32>
          %parallel_loop3A_349 = arith.constant 0 : i32
          %parallel_loop3A_350 = arith.constant 0 : i32
          %parallel_loop3A_351 = tpu.memref_slice %arg5[%parallel_loop3A_227, %parallel_loop3A_349, %parallel_loop3A_350] : memref<2x64x128xf32, #tpu.memory_space<vmem>> -> memref<1x64x128xf32, #tpu.memory_space<vmem>>
          %parallel_loop3A_352 = tpu.memref_squeeze %parallel_loop3A_351 : memref<1x64x128xf32, #tpu.memory_space<vmem>> -> memref<64x128xf32, #tpu.memory_space<vmem>>
          %parallel_loop3A_353 = tpu.vector_load_idx %parallel_loop3A_352[%parallel_loop3A_252, %parallel_loop3A_338] : memref<64x128xf32, #tpu.memory_space<vmem>>[vector<16xi32>, vector<16xi32>], vector<16xf32>,
          %parallel_loop3A_354 = arith.constant 0 : i32
          %parallel_loop3A_355 = arith.constant 0 : i32
          %parallel_loop3A_356 = tpu.memref_slice %arg6[%parallel_loop3A_228, %parallel_loop3A_354, %parallel_loop3A_355] : memref<2x64x128xf32, #tpu.memory_space<vmem>> -> memref<1x64x128xf32, #tpu.memory_space<vmem>>
          %parallel_loop3A_357 = tpu.memref_squeeze %parallel_loop3A_356 : memref<1x64x128xf32, #tpu.memory_space<vmem>> -> memref<64x128xf32, #tpu.memory_space<vmem>>
          tpu.vector_store_idx %parallel_loop3A_357[%parallel_loop3A_348, %parallel_loop3A_345], %parallel_loop3A_353 : memref<64x128xf32, #tpu.memory_space<vmem>>[vector<16xi32>, vector<16xi32>], vector<16xf32>,
          %parallel_loop3A_358 = vector.broadcast %parallel_loop3A_246 : i32 to vector<16xi32>
          %parallel_loop3A_359 = arith.addi %and3A_35, %parallel_loop3A_358 : vector<16xi32>
          %parallel_loop3A_360 = arith.constant 1 : i32
          %parallel_loop3A_361 = vector.broadcast %parallel_loop3A_360 : i32 to vector<16xi32>
          %parallel_loop3A_362 = arith.andi %parallel_loop3A_359, %parallel_loop3A_361 : vector<16xi32>
          %parallel_loop3A_363 = arith.constant 6 : i32
          %parallel_loop3A_364 = vector.broadcast %parallel_loop3A_363 : i32 to vector<16xi32>
          %parallel_loop3A_365 = arith.shli %parallel_loop3A_362, %parallel_loop3A_364 : vector<16xi32>
          %parallel_loop3A_366 = arith.addi %parallel_loop3A_365, %parallel_loop3A_252 : vector<16xi32>
          %parallel_loop3A_367 = arith.constant 1 : i32
          %parallel_loop3A_368 = vector.broadcast %parallel_loop3A_367 : i32 to vector<16xi32>
          %parallel_loop3A_369 = arith.shrsi %parallel_loop3A_359, %parallel_loop3A_368 : vector<16xi32>
          %parallel_loop3A_370 = arith.constant 0 : i32
          %parallel_loop3A_371 = arith.constant 0 : i32
          %parallel_loop3A_372 = tpu.memref_slice %arg5[%parallel_loop3A_227, %parallel_loop3A_370, %parallel_loop3A_371] : memref<2x64x128xf32, #tpu.memory_space<vmem>> -> memref<1x64x128xf32, #tpu.memory_space<vmem>>
          %parallel_loop3A_373 = tpu.memref_squeeze %parallel_loop3A_372 : memref<1x64x128xf32, #tpu.memory_space<vmem>> -> memref<64x128xf32, #tpu.memory_space<vmem>>
          %parallel_loop3A_374 = tpu.vector_load_idx %parallel_loop3A_373[%parallel_loop3A_252, %parallel_loop3A_359] : memref<64x128xf32, #tpu.memory_space<vmem>>[vector<16xi32>, vector<16xi32>], vector<16xf32>,
          %parallel_loop3A_375 = arith.constant 0 : i32
          %parallel_loop3A_376 = arith.constant 0 : i32
          %parallel_loop3A_377 = tpu.memref_slice %arg6[%parallel_loop3A_228, %parallel_loop3A_375, %parallel_loop3A_376] : memref<2x64x128xf32, #tpu.memory_space<vmem>> -> memref<1x64x128xf32, #tpu.memory_space<vmem>>
          %parallel_loop3A_378 = tpu.memref_squeeze %parallel_loop3A_377 : memref<1x64x128xf32, #tpu.memory_space<vmem>> -> memref<64x128xf32, #tpu.memory_space<vmem>>
          tpu.vector_store_idx %parallel_loop3A_378[%parallel_loop3A_369, %parallel_loop3A_366], %parallel_loop3A_374 : memref<64x128xf32, #tpu.memory_space<vmem>>[vector<16xi32>, vector<16xi32>], vector<16xf32>,
          %parallel_loop3A_379 = vector.broadcast %parallel_loop3A_246 : i32 to vector<16xi32>
          %parallel_loop3A_380 = arith.addi %and3A_41, %parallel_loop3A_379 : vector<16xi32>
          %parallel_loop3A_381 = arith.constant 1 : i32
          %parallel_loop3A_382 = vector.broadcast %parallel_loop3A_381 : i32 to vector<16xi32>
          %parallel_loop3A_383 = arith.andi %parallel_loop3A_380, %parallel_loop3A_382 : vector<16xi32>
          %parallel_loop3A_384 = arith.constant 6 : i32
          %parallel_loop3A_385 = vector.broadcast %parallel_loop3A_384 : i32 to vector<16xi32>
          %parallel_loop3A_386 = arith.shli %parallel_loop3A_383, %parallel_loop3A_385 : vector<16xi32>
          %parallel_loop3A_387 = arith.addi %parallel_loop3A_386, %parallel_loop3A_252 : vector<16xi32>
          %parallel_loop3A_388 = arith.constant 1 : i32
          %parallel_loop3A_389 = vector.broadcast %parallel_loop3A_388 : i32 to vector<16xi32>
          %parallel_loop3A_390 = arith.shrsi %parallel_loop3A_380, %parallel_loop3A_389 : vector<16xi32>
          %parallel_loop3A_391 = arith.constant 0 : i32
          %parallel_loop3A_392 = arith.constant 0 : i32
          %parallel_loop3A_393 = tpu.memref_slice %arg5[%parallel_loop3A_227, %parallel_loop3A_391, %parallel_loop3A_392] : memref<2x64x128xf32, #tpu.memory_space<vmem>> -> memref<1x64x128xf32, #tpu.memory_space<vmem>>
          %parallel_loop3A_394 = tpu.memref_squeeze %parallel_loop3A_393 : memref<1x64x128xf32, #tpu.memory_space<vmem>> -> memref<64x128xf32, #tpu.memory_space<vmem>>
          %parallel_loop3A_395 = tpu.vector_load_idx %parallel_loop3A_394[%parallel_loop3A_252, %parallel_loop3A_380] : memref<64x128xf32, #tpu.memory_space<vmem>>[vector<16xi32>, vector<16xi32>], vector<16xf32>,
          %parallel_loop3A_396 = arith.constant 0 : i32
          %parallel_loop3A_397 = arith.constant 0 : i32
          %parallel_loop3A_398 = tpu.memref_slice %arg6[%parallel_loop3A_228, %parallel_loop3A_396, %parallel_loop3A_397] : memref<2x64x128xf32, #tpu.memory_space<vmem>> -> memref<1x64x128xf32, #tpu.memory_space<vmem>>
          %parallel_loop3A_399 = tpu.memref_squeeze %parallel_loop3A_398 : memref<1x64x128xf32, #tpu.memory_space<vmem>> -> memref<64x128xf32, #tpu.memory_space<vmem>>
          tpu.vector_store_idx %parallel_loop3A_399[%parallel_loop3A_390, %parallel_loop3A_387], %parallel_loop3A_395 : memref<64x128xf32, #tpu.memory_space<vmem>>[vector<16xi32>, vector<16xi32>], vector<16xf32>,
          %parallel_loop3A_400 = vector.broadcast %parallel_loop3A_246 : i32 to vector<16xi32>
          %parallel_loop3A_401 = arith.addi %and3A_47, %parallel_loop3A_400 : vector<16xi32>
          %parallel_loop3A_402 = arith.constant 1 : i32
          %parallel_loop3A_403 = vector.broadcast %parallel_loop3A_402 : i32 to vector<16xi32>
          %parallel_loop3A_404 = arith.andi %parallel_loop3A_401, %parallel_loop3A_403 : vector<16xi32>
          %parallel_loop3A_405 = arith.constant 6 : i32
          %parallel_loop3A_406 = vector.broadcast %parallel_loop3A_405 : i32 to vector<16xi32>
          %parallel_loop3A_407 = arith.shli %parallel_loop3A_404, %parallel_loop3A_406 : vector<16xi32>
          %parallel_loop3A_408 = arith.addi %parallel_loop3A_407, %parallel_loop3A_252 : vector<16xi32>
          %parallel_loop3A_409 = arith.constant 1 : i32
          %parallel_loop3A_410 = vector.broadcast %parallel_loop3A_409 : i32 to vector<16xi32>
          %parallel_loop3A_411 = arith.shrsi %parallel_loop3A_401, %parallel_loop3A_410 : vector<16xi32>
          %parallel_loop3A_412 = arith.constant 0 : i32
          %parallel_loop3A_413 = arith.constant 0 : i32
          %parallel_loop3A_414 = tpu.memref_slice %arg5[%parallel_loop3A_227, %parallel_loop3A_412, %parallel_loop3A_413] : memref<2x64x128xf32, #tpu.memory_space<vmem>> -> memref<1x64x128xf32, #tpu.memory_space<vmem>>
          %parallel_loop3A_415 = tpu.memref_squeeze %parallel_loop3A_414 : memref<1x64x128xf32, #tpu.memory_space<vmem>> -> memref<64x128xf32, #tpu.memory_space<vmem>>
          %parallel_loop3A_416 = tpu.vector_load_idx %parallel_loop3A_415[%parallel_loop3A_252, %parallel_loop3A_401] : memref<64x128xf32, #tpu.memory_space<vmem>>[vector<16xi32>, vector<16xi32>], vector<16xf32>,
          %parallel_loop3A_417 = arith.constant 0 : i32
          %parallel_loop3A_418 = arith.constant 0 : i32
          %parallel_loop3A_419 = tpu.memref_slice %arg6[%parallel_loop3A_228, %parallel_loop3A_417, %parallel_loop3A_418] : memref<2x64x128xf32, #tpu.memory_space<vmem>> -> memref<1x64x128xf32, #tpu.memory_space<vmem>>
          %parallel_loop3A_420 = tpu.memref_squeeze %parallel_loop3A_419 : memref<1x64x128xf32, #tpu.memory_space<vmem>> -> memref<64x128xf32, #tpu.memory_space<vmem>>
          tpu.vector_store_idx %parallel_loop3A_420[%parallel_loop3A_411, %parallel_loop3A_408], %parallel_loop3A_416 : memref<64x128xf32, #tpu.memory_space<vmem>>[vector<16xi32>, vector<16xi32>], vector<16xf32>,
          %parallel_loop3A_421 = vector.broadcast %parallel_loop3A_246 : i32 to vector<16xi32>
          %parallel_loop3A_422 = arith.addi %and3A_53, %parallel_loop3A_421 : vector<16xi32>
          %parallel_loop3A_423 = arith.constant 1 : i32
          %parallel_loop3A_424 = vector.broadcast %parallel_loop3A_423 : i32 to vector<16xi32>
          %parallel_loop3A_425 = arith.andi %parallel_loop3A_422, %parallel_loop3A_424 : vector<16xi32>
          %parallel_loop3A_426 = arith.constant 6 : i32
          %parallel_loop3A_427 = vector.broadcast %parallel_loop3A_426 : i32 to vector<16xi32>
          %parallel_loop3A_428 = arith.shli %parallel_loop3A_425, %parallel_loop3A_427 : vector<16xi32>
          %parallel_loop3A_429 = arith.addi %parallel_loop3A_428, %parallel_loop3A_252 : vector<16xi32>
          %parallel_loop3A_430 = arith.constant 1 : i32
          %parallel_loop3A_431 = vector.broadcast %parallel_loop3A_430 : i32 to vector<16xi32>
          %parallel_loop3A_432 = arith.shrsi %parallel_loop3A_422, %parallel_loop3A_431 : vector<16xi32>
          %parallel_loop3A_433 = arith.constant 0 : i32
          %parallel_loop3A_434 = arith.constant 0 : i32
          %parallel_loop3A_435 = tpu.memref_slice %arg5[%parallel_loop3A_227, %parallel_loop3A_433, %parallel_loop3A_434] : memref<2x64x128xf32, #tpu.memory_space<vmem>> -> memref<1x64x128xf32, #tpu.memory_space<vmem>>
          %parallel_loop3A_436 = tpu.memref_squeeze %parallel_loop3A_435 : memref<1x64x128xf32, #tpu.memory_space<vmem>> -> memref<64x128xf32, #tpu.memory_space<vmem>>
          %parallel_loop3A_437 = tpu.vector_load_idx %parallel_loop3A_436[%parallel_loop3A_252, %parallel_loop3A_422] : memref<64x128xf32, #tpu.memory_space<vmem>>[vector<16xi32>, vector<16xi32>], vector<16xf32>,
          %parallel_loop3A_438 = arith.constant 0 : i32
          %parallel_loop3A_439 = arith.constant 0 : i32
          %parallel_loop3A_440 = tpu.memref_slice %arg6[%parallel_loop3A_228, %parallel_loop3A_438, %parallel_loop3A_439] : memref<2x64x128xf32, #tpu.memory_space<vmem>> -> memref<1x64x128xf32, #tpu.memory_space<vmem>>
          %parallel_loop3A_441 = tpu.memref_squeeze %parallel_loop3A_440 : memref<1x64x128xf32, #tpu.memory_space<vmem>> -> memref<64x128xf32, #tpu.memory_space<vmem>>
          tpu.vector_store_idx %parallel_loop3A_441[%parallel_loop3A_432, %parallel_loop3A_429], %parallel_loop3A_437 : memref<64x128xf32, #tpu.memory_space<vmem>>[vector<16xi32>, vector<16xi32>], vector<16xf32>,
          %parallel_loop3A_442 = vector.broadcast %parallel_loop3A_246 : i32 to vector<16xi32>
          %parallel_loop3A_443 = arith.addi %and3A_59, %parallel_loop3A_442 : vector<16xi32>
          %parallel_loop3A_444 = arith.constant 1 : i32
          %parallel_loop3A_445 = vector.broadcast %parallel_loop3A_444 : i32 to vector<16xi32>
          %parallel_loop3A_446 = arith.andi %parallel_loop3A_443, %parallel_loop3A_445 : vector<16xi32>
          %parallel_loop3A_447 = arith.constant 6 : i32
          %parallel_loop3A_448 = vector.broadcast %parallel_loop3A_447 : i32 to vector<16xi32>
          %parallel_loop3A_449 = arith.shli %parallel_loop3A_446, %parallel_loop3A_448 : vector<16xi32>
          %parallel_loop3A_450 = arith.addi %parallel_loop3A_449, %parallel_loop3A_252 : vector<16xi32>
          %parallel_loop3A_451 = arith.constant 1 : i32
          %parallel_loop3A_452 = vector.broadcast %parallel_loop3A_451 : i32 to vector<16xi32>
          %parallel_loop3A_453 = arith.shrsi %parallel_loop3A_443, %parallel_loop3A_452 : vector<16xi32>
          %parallel_loop3A_454 = arith.constant 0 : i32
          %parallel_loop3A_455 = arith.constant 0 : i32
          %parallel_loop3A_456 = tpu.memref_slice %arg5[%parallel_loop3A_227, %parallel_loop3A_454, %parallel_loop3A_455] : memref<2x64x128xf32, #tpu.memory_space<vmem>> -> memref<1x64x128xf32, #tpu.memory_space<vmem>>
          %parallel_loop3A_457 = tpu.memref_squeeze %parallel_loop3A_456 : memref<1x64x128xf32, #tpu.memory_space<vmem>> -> memref<64x128xf32, #tpu.memory_space<vmem>>
          %parallel_loop3A_458 = tpu.vector_load_idx %parallel_loop3A_457[%parallel_loop3A_252, %parallel_loop3A_443] : memref<64x128xf32, #tpu.memory_space<vmem>>[vector<16xi32>, vector<16xi32>], vector<16xf32>,
          %parallel_loop3A_459 = arith.constant 0 : i32
          %parallel_loop3A_460 = arith.constant 0 : i32
          %parallel_loop3A_461 = tpu.memref_slice %arg6[%parallel_loop3A_228, %parallel_loop3A_459, %parallel_loop3A_460] : memref<2x64x128xf32, #tpu.memory_space<vmem>> -> memref<1x64x128xf32, #tpu.memory_space<vmem>>
          %parallel_loop3A_462 = tpu.memref_squeeze %parallel_loop3A_461 : memref<1x64x128xf32, #tpu.memory_space<vmem>> -> memref<64x128xf32, #tpu.memory_space<vmem>>
          tpu.vector_store_idx %parallel_loop3A_462[%parallel_loop3A_453, %parallel_loop3A_450], %parallel_loop3A_458 : memref<64x128xf32, #tpu.memory_space<vmem>>[vector<16xi32>, vector<16xi32>], vector<16xf32>,
          %parallel_loop3A_463 = vector.broadcast %parallel_loop3A_246 : i32 to vector<16xi32>
          %parallel_loop3A_464 = arith.addi %and3A_65, %parallel_loop3A_463 : vector<16xi32>
          %parallel_loop3A_465 = arith.constant 1 : i32
          %parallel_loop3A_466 = vector.broadcast %parallel_loop3A_465 : i32 to vector<16xi32>
          %parallel_loop3A_467 = arith.andi %parallel_loop3A_464, %parallel_loop3A_466 : vector<16xi32>
          %parallel_loop3A_468 = arith.constant 6 : i32
          %parallel_loop3A_469 = vector.broadcast %parallel_loop3A_468 : i32 to vector<16xi32>
          %parallel_loop3A_470 = arith.shli %parallel_loop3A_467, %parallel_loop3A_469 : vector<16xi32>
          %parallel_loop3A_471 = arith.addi %parallel_loop3A_470, %parallel_loop3A_252 : vector<16xi32>
          %parallel_loop3A_472 = arith.constant 1 : i32
          %parallel_loop3A_473 = vector.broadcast %parallel_loop3A_472 : i32 to vector<16xi32>
          %parallel_loop3A_474 = arith.shrsi %parallel_loop3A_464, %parallel_loop3A_473 : vector<16xi32>
          %parallel_loop3A_475 = arith.constant 0 : i32
          %parallel_loop3A_476 = arith.constant 0 : i32
          %parallel_loop3A_477 = tpu.memref_slice %arg5[%parallel_loop3A_227, %parallel_loop3A_475, %parallel_loop3A_476] : memref<2x64x128xf32, #tpu.memory_space<vmem>> -> memref<1x64x128xf32, #tpu.memory_space<vmem>>
          %parallel_loop3A_478 = tpu.memref_squeeze %parallel_loop3A_477 : memref<1x64x128xf32, #tpu.memory_space<vmem>> -> memref<64x128xf32, #tpu.memory_space<vmem>>
          %parallel_loop3A_479 = tpu.vector_load_idx %parallel_loop3A_478[%parallel_loop3A_252, %parallel_loop3A_464] : memref<64x128xf32, #tpu.memory_space<vmem>>[vector<16xi32>, vector<16xi32>], vector<16xf32>,
          %parallel_loop3A_480 = arith.constant 0 : i32
          %parallel_loop3A_481 = arith.constant 0 : i32
          %parallel_loop3A_482 = tpu.memref_slice %arg6[%parallel_loop3A_228, %parallel_loop3A_480, %parallel_loop3A_481] : memref<2x64x128xf32, #tpu.memory_space<vmem>> -> memref<1x64x128xf32, #tpu.memory_space<vmem>>
          %parallel_loop3A_483 = tpu.memref_squeeze %parallel_loop3A_482 : memref<1x64x128xf32, #tpu.memory_space<vmem>> -> memref<64x128xf32, #tpu.memory_space<vmem>>
          tpu.vector_store_idx %parallel_loop3A_483[%parallel_loop3A_474, %parallel_loop3A_471], %parallel_loop3A_479 : memref<64x128xf32, #tpu.memory_space<vmem>>[vector<16xi32>, vector<16xi32>], vector<16xf32>,
          %parallel_loop3A_484 = vector.broadcast %parallel_loop3A_246 : i32 to vector<16xi32>
          %parallel_loop3A_485 = arith.addi %and3A_71, %parallel_loop3A_484 : vector<16xi32>
          %parallel_loop3A_486 = arith.constant 1 : i32
          %parallel_loop3A_487 = vector.broadcast %parallel_loop3A_486 : i32 to vector<16xi32>
          %parallel_loop3A_488 = arith.andi %parallel_loop3A_485, %parallel_loop3A_487 : vector<16xi32>
          %parallel_loop3A_489 = arith.constant 6 : i32
          %parallel_loop3A_490 = vector.broadcast %parallel_loop3A_489 : i32 to vector<16xi32>
          %parallel_loop3A_491 = arith.shli %parallel_loop3A_488, %parallel_loop3A_490 : vector<16xi32>
          %parallel_loop3A_492 = arith.addi %parallel_loop3A_491, %parallel_loop3A_252 : vector<16xi32>
          %parallel_loop3A_493 = arith.constant 1 : i32
          %parallel_loop3A_494 = vector.broadcast %parallel_loop3A_493 : i32 to vector<16xi32>
          %parallel_loop3A_495 = arith.shrsi %parallel_loop3A_485, %parallel_loop3A_494 : vector<16xi32>
          %parallel_loop3A_496 = arith.constant 0 : i32
          %parallel_loop3A_497 = arith.constant 0 : i32
          %parallel_loop3A_498 = tpu.memref_slice %arg5[%parallel_loop3A_227, %parallel_loop3A_496, %parallel_loop3A_497] : memref<2x64x128xf32, #tpu.memory_space<vmem>> -> memref<1x64x128xf32, #tpu.memory_space<vmem>>
          %parallel_loop3A_499 = tpu.memref_squeeze %parallel_loop3A_498 : memref<1x64x128xf32, #tpu.memory_space<vmem>> -> memref<64x128xf32, #tpu.memory_space<vmem>>
          %parallel_loop3A_500 = tpu.vector_load_idx %parallel_loop3A_499[%parallel_loop3A_252, %parallel_loop3A_485] : memref<64x128xf32, #tpu.memory_space<vmem>>[vector<16xi32>, vector<16xi32>], vector<16xf32>,
          %parallel_loop3A_501 = arith.constant 0 : i32
          %parallel_loop3A_502 = arith.constant 0 : i32
          %parallel_loop3A_503 = tpu.memref_slice %arg6[%parallel_loop3A_228, %parallel_loop3A_501, %parallel_loop3A_502] : memref<2x64x128xf32, #tpu.memory_space<vmem>> -> memref<1x64x128xf32, #tpu.memory_space<vmem>>
          %parallel_loop3A_504 = tpu.memref_squeeze %parallel_loop3A_503 : memref<1x64x128xf32, #tpu.memory_space<vmem>> -> memref<64x128xf32, #tpu.memory_space<vmem>>
          tpu.vector_store_idx %parallel_loop3A_504[%parallel_loop3A_495, %parallel_loop3A_492], %parallel_loop3A_500 : memref<64x128xf32, #tpu.memory_space<vmem>>[vector<16xi32>, vector<16xi32>], vector<16xf32>,
          %parallel_loop3A_505 = vector.broadcast %parallel_loop3A_246 : i32 to vector<16xi32>
          %parallel_loop3A_506 = arith.addi %and3A_77, %parallel_loop3A_505 : vector<16xi32>
          %parallel_loop3A_507 = arith.constant 1 : i32
          %parallel_loop3A_508 = vector.broadcast %parallel_loop3A_507 : i32 to vector<16xi32>
          %parallel_loop3A_509 = arith.andi %parallel_loop3A_506, %parallel_loop3A_508 : vector<16xi32>
          %parallel_loop3A_510 = arith.constant 6 : i32
          %parallel_loop3A_511 = vector.broadcast %parallel_loop3A_510 : i32 to vector<16xi32>
          %parallel_loop3A_512 = arith.shli %parallel_loop3A_509, %parallel_loop3A_511 : vector<16xi32>
          %parallel_loop3A_513 = arith.addi %parallel_loop3A_512, %parallel_loop3A_252 : vector<16xi32>
          %parallel_loop3A_514 = arith.constant 1 : i32
          %parallel_loop3A_515 = vector.broadcast %parallel_loop3A_514 : i32 to vector<16xi32>
          %parallel_loop3A_516 = arith.shrsi %parallel_loop3A_506, %parallel_loop3A_515 : vector<16xi32>
          %parallel_loop3A_517 = arith.constant 0 : i32
          %parallel_loop3A_518 = arith.constant 0 : i32
          %parallel_loop3A_519 = tpu.memref_slice %arg5[%parallel_loop3A_227, %parallel_loop3A_517, %parallel_loop3A_518] : memref<2x64x128xf32, #tpu.memory_space<vmem>> -> memref<1x64x128xf32, #tpu.memory_space<vmem>>
          %parallel_loop3A_520 = tpu.memref_squeeze %parallel_loop3A_519 : memref<1x64x128xf32, #tpu.memory_space<vmem>> -> memref<64x128xf32, #tpu.memory_space<vmem>>
          %parallel_loop3A_521 = tpu.vector_load_idx %parallel_loop3A_520[%parallel_loop3A_252, %parallel_loop3A_506] : memref<64x128xf32, #tpu.memory_space<vmem>>[vector<16xi32>, vector<16xi32>], vector<16xf32>,
          %parallel_loop3A_522 = arith.constant 0 : i32
          %parallel_loop3A_523 = arith.constant 0 : i32
          %parallel_loop3A_524 = tpu.memref_slice %arg6[%parallel_loop3A_228, %parallel_loop3A_522, %parallel_loop3A_523] : memref<2x64x128xf32, #tpu.memory_space<vmem>> -> memref<1x64x128xf32, #tpu.memory_space<vmem>>
          %parallel_loop3A_525 = tpu.memref_squeeze %parallel_loop3A_524 : memref<1x64x128xf32, #tpu.memory_space<vmem>> -> memref<64x128xf32, #tpu.memory_space<vmem>>
          tpu.vector_store_idx %parallel_loop3A_525[%parallel_loop3A_516, %parallel_loop3A_513], %parallel_loop3A_521 : memref<64x128xf32, #tpu.memory_space<vmem>>[vector<16xi32>, vector<16xi32>], vector<16xf32>,
          %parallel_loop3A_526 = vector.broadcast %parallel_loop3A_246 : i32 to vector<16xi32>
          %parallel_loop3A_527 = arith.addi %and3A_83, %parallel_loop3A_526 : vector<16xi32>
          %parallel_loop3A_528 = arith.constant 1 : i32
          %parallel_loop3A_529 = vector.broadcast %parallel_loop3A_528 : i32 to vector<16xi32>
          %parallel_loop3A_530 = arith.andi %parallel_loop3A_527, %parallel_loop3A_529 : vector<16xi32>
          %parallel_loop3A_531 = arith.constant 6 : i32
          %parallel_loop3A_532 = vector.broadcast %parallel_loop3A_531 : i32 to vector<16xi32>
          %parallel_loop3A_533 = arith.shli %parallel_loop3A_530, %parallel_loop3A_532 : vector<16xi32>
          %parallel_loop3A_534 = arith.addi %parallel_loop3A_533, %parallel_loop3A_252 : vector<16xi32>
          %parallel_loop3A_535 = arith.constant 1 : i32
          %parallel_loop3A_536 = vector.broadcast %parallel_loop3A_535 : i32 to vector<16xi32>
          %parallel_loop3A_537 = arith.shrsi %parallel_loop3A_527, %parallel_loop3A_536 : vector<16xi32>
          %parallel_loop3A_538 = arith.constant 0 : i32
          %parallel_loop3A_539 = arith.constant 0 : i32
          %parallel_loop3A_540 = tpu.memref_slice %arg5[%parallel_loop3A_227, %parallel_loop3A_538, %parallel_loop3A_539] : memref<2x64x128xf32, #tpu.memory_space<vmem>> -> memref<1x64x128xf32, #tpu.memory_space<vmem>>
          %parallel_loop3A_541 = tpu.memref_squeeze %parallel_loop3A_540 : memref<1x64x128xf32, #tpu.memory_space<vmem>> -> memref<64x128xf32, #tpu.memory_space<vmem>>
          %parallel_loop3A_542 = tpu.vector_load_idx %parallel_loop3A_541[%parallel_loop3A_252, %parallel_loop3A_527] : memref<64x128xf32, #tpu.memory_space<vmem>>[vector<16xi32>, vector<16xi32>], vector<16xf32>,
          %parallel_loop3A_543 = arith.constant 0 : i32
          %parallel_loop3A_544 = arith.constant 0 : i32
          %parallel_loop3A_545 = tpu.memref_slice %arg6[%parallel_loop3A_228, %parallel_loop3A_543, %parallel_loop3A_544] : memref<2x64x128xf32, #tpu.memory_space<vmem>> -> memref<1x64x128xf32, #tpu.memory_space<vmem>>
          %parallel_loop3A_546 = tpu.memref_squeeze %parallel_loop3A_545 : memref<1x64x128xf32, #tpu.memory_space<vmem>> -> memref<64x128xf32, #tpu.memory_space<vmem>>
          tpu.vector_store_idx %parallel_loop3A_546[%parallel_loop3A_537, %parallel_loop3A_534], %parallel_loop3A_542 : memref<64x128xf32, #tpu.memory_space<vmem>>[vector<16xi32>, vector<16xi32>], vector<16xf32>,
          %parallel_loop3A_547 = vector.broadcast %parallel_loop3A_246 : i32 to vector<16xi32>
          %parallel_loop3A_548 = arith.addi %and3A_89, %parallel_loop3A_547 : vector<16xi32>
          %parallel_loop3A_549 = arith.constant 1 : i32
          %parallel_loop3A_550 = vector.broadcast %parallel_loop3A_549 : i32 to vector<16xi32>
          %parallel_loop3A_551 = arith.andi %parallel_loop3A_548, %parallel_loop3A_550 : vector<16xi32>
          %parallel_loop3A_552 = arith.constant 6 : i32
          %parallel_loop3A_553 = vector.broadcast %parallel_loop3A_552 : i32 to vector<16xi32>
          %parallel_loop3A_554 = arith.shli %parallel_loop3A_551, %parallel_loop3A_553 : vector<16xi32>
          %parallel_loop3A_555 = arith.addi %parallel_loop3A_554, %parallel_loop3A_252 : vector<16xi32>
          %parallel_loop3A_556 = arith.constant 1 : i32
          %parallel_loop3A_557 = vector.broadcast %parallel_loop3A_556 : i32 to vector<16xi32>
          %parallel_loop3A_558 = arith.shrsi %parallel_loop3A_548, %parallel_loop3A_557 : vector<16xi32>
          %parallel_loop3A_559 = arith.constant 0 : i32
          %parallel_loop3A_560 = arith.constant 0 : i32
          %parallel_loop3A_561 = tpu.memref_slice %arg5[%parallel_loop3A_227, %parallel_loop3A_559, %parallel_loop3A_560] : memref<2x64x128xf32, #tpu.memory_space<vmem>> -> memref<1x64x128xf32, #tpu.memory_space<vmem>>
          %parallel_loop3A_562 = tpu.memref_squeeze %parallel_loop3A_561 : memref<1x64x128xf32, #tpu.memory_space<vmem>> -> memref<64x128xf32, #tpu.memory_space<vmem>>
          %parallel_loop3A_563 = tpu.vector_load_idx %parallel_loop3A_562[%parallel_loop3A_252, %parallel_loop3A_548] : memref<64x128xf32, #tpu.memory_space<vmem>>[vector<16xi32>, vector<16xi32>], vector<16xf32>,
          %parallel_loop3A_564 = arith.constant 0 : i32
          %parallel_loop3A_565 = arith.constant 0 : i32
          %parallel_loop3A_566 = tpu.memref_slice %arg6[%parallel_loop3A_228, %parallel_loop3A_564, %parallel_loop3A_565] : memref<2x64x128xf32, #tpu.memory_space<vmem>> -> memref<1x64x128xf32, #tpu.memory_space<vmem>>
          %parallel_loop3A_567 = tpu.memref_squeeze %parallel_loop3A_566 : memref<1x64x128xf32, #tpu.memory_space<vmem>> -> memref<64x128xf32, #tpu.memory_space<vmem>>
          tpu.vector_store_idx %parallel_loop3A_567[%parallel_loop3A_558, %parallel_loop3A_555], %parallel_loop3A_563 : memref<64x128xf32, #tpu.memory_space<vmem>>[vector<16xi32>, vector<16xi32>], vector<16xf32>,
          %parallel_loop3A_568 = vector.broadcast %parallel_loop3A_246 : i32 to vector<16xi32>
          %parallel_loop3A_569 = arith.addi %and3A_95, %parallel_loop3A_568 : vector<16xi32>
          %parallel_loop3A_570 = arith.constant 1 : i32
          %parallel_loop3A_571 = vector.broadcast %parallel_loop3A_570 : i32 to vector<16xi32>
          %parallel_loop3A_572 = arith.andi %parallel_loop3A_569, %parallel_loop3A_571 : vector<16xi32>
          %parallel_loop3A_573 = arith.constant 6 : i32
          %parallel_loop3A_574 = vector.broadcast %parallel_loop3A_573 : i32 to vector<16xi32>
          %parallel_loop3A_575 = arith.shli %parallel_loop3A_572, %parallel_loop3A_574 : vector<16xi32>
          %parallel_loop3A_576 = arith.addi %parallel_loop3A_575, %parallel_loop3A_252 : vector<16xi32>
          %parallel_loop3A_577 = arith.constant 1 : i32
          %parallel_loop3A_578 = vector.broadcast %parallel_loop3A_577 : i32 to vector<16xi32>
          %parallel_loop3A_579 = arith.shrsi %parallel_loop3A_569, %parallel_loop3A_578 : vector<16xi32>
          %parallel_loop3A_580 = arith.constant 0 : i32
          %parallel_loop3A_581 = arith.constant 0 : i32
          %parallel_loop3A_582 = tpu.memref_slice %arg5[%parallel_loop3A_227, %parallel_loop3A_580, %parallel_loop3A_581] : memref<2x64x128xf32, #tpu.memory_space<vmem>> -> memref<1x64x128xf32, #tpu.memory_space<vmem>>
          %parallel_loop3A_583 = tpu.memref_squeeze %parallel_loop3A_582 : memref<1x64x128xf32, #tpu.memory_space<vmem>> -> memref<64x128xf32, #tpu.memory_space<vmem>>
          %parallel_loop3A_584 = tpu.vector_load_idx %parallel_loop3A_583[%parallel_loop3A_252, %parallel_loop3A_569] : memref<64x128xf32, #tpu.memory_space<vmem>>[vector<16xi32>, vector<16xi32>], vector<16xf32>,
          %parallel_loop3A_585 = arith.constant 0 : i32
          %parallel_loop3A_586 = arith.constant 0 : i32
          %parallel_loop3A_587 = tpu.memref_slice %arg6[%parallel_loop3A_228, %parallel_loop3A_585, %parallel_loop3A_586] : memref<2x64x128xf32, #tpu.memory_space<vmem>> -> memref<1x64x128xf32, #tpu.memory_space<vmem>>
          %parallel_loop3A_588 = tpu.memref_squeeze %parallel_loop3A_587 : memref<1x64x128xf32, #tpu.memory_space<vmem>> -> memref<64x128xf32, #tpu.memory_space<vmem>>
          tpu.vector_store_idx %parallel_loop3A_588[%parallel_loop3A_579, %parallel_loop3A_576], %parallel_loop3A_584 : memref<64x128xf32, #tpu.memory_space<vmem>>[vector<16xi32>, vector<16xi32>], vector<16xf32>,
        } {sc.loop_unroll_factor = 2 : i64, sc.parallel_access}
        %mul3A_229 = arith.constant 32 : i32
        %mul3A_230 = arith.muli %add3A_166, %mul3A_229 : i32
        %add3A_231 = arith.addi %mul3A_230, %add3A : i32
        %lt3A_232 = arith.constant 7812 : i32
        %lt3A_233 = arith.cmpi slt, %add3A_231, %lt3A_232 : i32
        %convert_element_type3A_234 = arith.extui %lt3A_233 : i1 to i32
        %cond3A_235 = arith.constant 0 : i32
        %cond3A_236 = arith.cmpi ne, %convert_element_type3A_234, %cond3A_235 : i32
        scf.if %cond3A_236 {
          %mul3A_242 = arith.constant 64 : i32
          %mul3A_243 = arith.muli %add3A_231, %mul3A_242 : i32
          %dma_start3A = arith.constant 0 : i32
          %dma_start3A_244 = arith.constant 0 : i32
          %dma_start3A_245 = arith.constant 0 : i32
          %dma_start3A_246 = tpu.memref_slice %arg6[%dma_start3A, %dma_start3A_244, %dma_start3A_245] : memref<2x64x128xf32, #tpu.memory_space<vmem>> -> memref<1x64x128xf32, #tpu.memory_space<vmem>>
          %dma_start3A_247 = tpu.memref_squeeze %dma_start3A_246 : memref<1x64x128xf32, #tpu.memory_space<vmem>> -> memref<64x128xf32, #tpu.memory_space<vmem>>
          %dma_start3A_248 = arith.constant 0 : i32
          %dma_start3A_249 = tpu.memref_slice %arg4[%mul3A_243, %dma_start3A_248] : memref<500000x128xf32, #tpu.memory_space<hbm>> -> memref<64x128xf32, #tpu.memory_space<hbm>>
          %dma_start3A_250 = arith.constant 0 : i32
          %dma_start3A_251 = tpu.memref_slice %arg4[%mul3A_243, %dma_start3A_250] : memref<500000x128xf32, #tpu.memory_space<hbm>> -> memref<64x128xf32, #tpu.memory_space<hbm>>
          %dma_start3A_252 = arith.constant 0 : i32
          %dma_start3A_253 = arith.constant 0 : i32
          %dma_start3A_254 = tpu.memref_slice %arg6[%dma_start3A, %dma_start3A_252, %dma_start3A_253] : memref<2x64x128xf32, #tpu.memory_space<vmem>> -> memref<1x64x128xf32, #tpu.memory_space<vmem>>
          %dma_start3A_255 = tpu.memref_squeeze %dma_start3A_254 : memref<1x64x128xf32, #tpu.memory_space<vmem>> -> memref<64x128xf32, #tpu.memory_space<vmem>>
          tpu.enqueue_dma source(%dma_start3A_255 : memref<64x128xf32, #tpu.memory_space<vmem>>) target(%dma_start3A_251 : memref<64x128xf32, #tpu.memory_space<hbm>>) target_semaphore(%arg9 : memref<!tpu.dma_semaphore, #tpu.memory_space<semaphore_mem>>)
        } else {
        }
        %eq3A_237 = arith.constant 7812 : i32
        %eq3A_238 = arith.cmpi eq, %add3A_231, %eq3A_237 : i32
        %convert_element_type3A_239 = arith.extui %eq3A_238 : i1 to i32
        %cond3A_240 = arith.constant 0 : i32
        %cond3A_241 = arith.cmpi ne, %convert_element_type3A_239, %cond3A_240 : i32
        scf.if %cond3A_241 {
          %dma_start3A = arith.constant 0 : i32
          %dma_start3A_242 = arith.constant 0 : i32
          %dma_start3A_243 = arith.constant 0 : i32
          %dma_start3A_244 = tpu.memref_slice %arg6[%dma_start3A, %dma_start3A_242, %dma_start3A_243] : memref<2x64x128xf32, #tpu.memory_space<vmem>> -> memref<1x32x128xf32, #tpu.memory_space<vmem>>
          %dma_start3A_245 = tpu.memref_squeeze %dma_start3A_244 : memref<1x32x128xf32, #tpu.memory_space<vmem>> -> memref<32x128xf32, #tpu.memory_space<vmem>>
          %dma_start3A_246 = arith.constant 499968 : i32
          %dma_start3A_247 = arith.constant 0 : i32
          %dma_start3A_248 = tpu.memref_slice %arg4[%dma_start3A_246, %dma_start3A_247] : memref<500000x128xf32, #tpu.memory_space<hbm>> -> memref<32x128xf32, #tpu.memory_space<hbm>>
          %dma_start3A_249 = arith.constant 499968 : i32
          %dma_start3A_250 = arith.constant 0 : i32
          %dma_start3A_251 = tpu.memref_slice %arg4[%dma_start3A_249, %dma_start3A_250] : memref<500000x128xf32, #tpu.memory_space<hbm>> -> memref<32x128xf32, #tpu.memory_space<hbm>>
          %dma_start3A_252 = arith.constant 0 : i32
          %dma_start3A_253 = arith.constant 0 : i32
          %dma_start3A_254 = tpu.memref_slice %arg6[%dma_start3A, %dma_start3A_252, %dma_start3A_253] : memref<2x64x128xf32, #tpu.memory_space<vmem>> -> memref<1x32x128xf32, #tpu.memory_space<vmem>>
          %dma_start3A_255 = tpu.memref_squeeze %dma_start3A_254 : memref<1x32x128xf32, #tpu.memory_space<vmem>> -> memref<32x128xf32, #tpu.memory_space<vmem>>
          tpu.enqueue_dma source(%dma_start3A_255 : memref<32x128xf32, #tpu.memory_space<vmem>>) target(%dma_start3A_251 : memref<32x128xf32, #tpu.memory_space<hbm>>) target_semaphore(%arg9 : memref<!tpu.dma_semaphore, #tpu.memory_space<semaphore_mem>>)
        } else {
        }
      } else {
      }
      %mul3A_185 = arith.constant 2 : i32
      %mul3A_186 = arith.muli %scan3A_161, %mul3A_185 : i32
      %add3A_187 = arith.constant 1 : i32
      %add3A_188 = arith.addi %mul3A_186, %add3A_187 : i32
      %add3A_189 = arith.constant 1 : i32
      %add3A_190 = arith.addi %add3A_188, %add3A_189 : i32
      %mul3A_191 = arith.constant 32 : i32
      %mul3A_192 = arith.muli %add3A_190, %mul3A_191 : i32
      %add3A_193 = arith.addi %mul3A_192, %add3A : i32
      %lt3A_194 = arith.constant 7813 : i32
      %lt3A_195 = arith.cmpi slt, %add3A_193, %lt3A_194 : i32
      %convert_element_type3A_196 = arith.extui %lt3A_195 : i1 to i32
      %cond3A_197 = arith.constant 0 : i32
      %cond3A_198 = arith.cmpi ne, %convert_element_type3A_196, %cond3A_197 : i32
      scf.if %cond3A_198 {
        %add3A_208 = arith.constant 1 : i32
        %add3A_209 = arith.addi %add3A_188, %add3A_208 : i32
        %mul3A_210 = arith.constant 32 : i32
        %mul3A_211 = arith.muli %add3A_209, %mul3A_210 : i32
        %add3A_212 = arith.addi %mul3A_211, %add3A : i32
        %lt3A_213 = arith.constant 7812 : i32
        %lt3A_214 = arith.cmpi slt, %add3A_212, %lt3A_213 : i32
        %convert_element_type3A_215 = arith.extui %lt3A_214 : i1 to i32
        %cond3A_216 = arith.constant 0 : i32
        %cond3A_217 = arith.cmpi ne, %convert_element_type3A_215, %cond3A_216 : i32
        scf.if %cond3A_217 {
          %mul3A_223 = arith.constant 128 : i32
          %mul3A_224 = arith.muli %add3A_212, %mul3A_223 : i32
          %dma_start3A = arith.constant 0 : i32
          %dma_start3A_225 = arith.constant 0 : i32
          %dma_start3A_226 = arith.constant 0 : i32
          %dma_start3A_227 = tpu.memref_slice %arg5[%dma_start3A, %dma_start3A_225, %dma_start3A_226] : memref<2x64x128xf32, #tpu.memory_space<vmem>> -> memref<1x64x128xf32, #tpu.memory_space<vmem>>
          %dma_start3A_228 = tpu.memref_squeeze %dma_start3A_227 : memref<1x64x128xf32, #tpu.memory_space<vmem>> -> memref<64x128xf32, #tpu.memory_space<vmem>>
          %dma_start3A_229 = arith.constant 0 : i32
          %dma_start3A_230 = tpu.memref_slice %arg2[%dma_start3A_229, %mul3A_224] : memref<64x1000000xf32, #tpu.memory_space<hbm>> -> memref<64x128xf32, #tpu.memory_space<hbm>>
          %dma_start3A_231 = arith.constant 0 : i32
          %dma_start3A_232 = arith.constant 0 : i32
          %dma_start3A_233 = tpu.memref_slice %arg5[%dma_start3A, %dma_start3A_231, %dma_start3A_232] : memref<2x64x128xf32, #tpu.memory_space<vmem>> -> memref<1x64x128xf32, #tpu.memory_space<vmem>>
          %dma_start3A_234 = tpu.memref_squeeze %dma_start3A_233 : memref<1x64x128xf32, #tpu.memory_space<vmem>> -> memref<64x128xf32, #tpu.memory_space<vmem>>
          %dma_start3A_235 = arith.constant 0 : i32
          %dma_start3A_236 = tpu.memref_slice %arg2[%dma_start3A_235, %mul3A_224] : memref<64x1000000xf32, #tpu.memory_space<hbm>> -> memref<64x128xf32, #tpu.memory_space<hbm>>
          tpu.enqueue_dma source(%dma_start3A_236 : memref<64x128xf32, #tpu.memory_space<hbm>>) target(%dma_start3A_234 : memref<64x128xf32, #tpu.memory_space<vmem>>) target_semaphore(%arg7 : memref<!tpu.dma_semaphore, #tpu.memory_space<semaphore_mem>>)
        } else {
        }
        %eq3A_218 = arith.constant 7812 : i32
        %eq3A_219 = arith.cmpi eq, %add3A_212, %eq3A_218 : i32
        %convert_element_type3A_220 = arith.extui %eq3A_219 : i1 to i32
        %cond3A_221 = arith.constant 0 : i32
        %cond3A_222 = arith.cmpi ne, %convert_element_type3A_220, %cond3A_221 : i32
        scf.if %cond3A_222 {
          %dma_start3A = arith.constant 0 : i32
          %dma_start3A_223 = arith.constant 0 : i32
          %dma_start3A_224 = arith.constant 0 : i32
          %dma_start3A_225 = tpu.memref_slice %arg5[%dma_start3A, %dma_start3A_223, %dma_start3A_224] : memref<2x64x128xf32, #tpu.memory_space<vmem>> -> memref<1x64x128xf32, #tpu.memory_space<vmem>>
          %dma_start3A_226 = tpu.memref_squeeze %dma_start3A_225 : memref<1x64x128xf32, #tpu.memory_space<vmem>> -> memref<64x128xf32, #tpu.memory_space<vmem>>
          %dma_start3A_227 = arith.constant 0 : i32
          %dma_start3A_228 = arith.constant 0 : i32
          %dma_start3A_229 = tpu.memref_slice %arg5[%dma_start3A, %dma_start3A_227, %dma_start3A_228] : memref<2x64x128xf32, #tpu.memory_space<vmem>> -> memref<1x64x128xf32, #tpu.memory_space<vmem>>
          %dma_start3A_230 = tpu.memref_squeeze %dma_start3A_229 : memref<1x64x128xf32, #tpu.memory_space<vmem>> -> memref<64x128xf32, #tpu.memory_space<vmem>>
          tpu.enqueue_dma source(%arg3 : memref<64x128xf32, #tpu.memory_space<hbm>>) target(%dma_start3A_230 : memref<64x128xf32, #tpu.memory_space<vmem>>) target_semaphore(%arg7 : memref<!tpu.dma_semaphore, #tpu.memory_space<semaphore_mem>>)
        } else {
        }
      } else {
      }
      %mul3A_199 = arith.constant 32 : i32
      %mul3A_200 = arith.muli %add3A_188, %mul3A_199 : i32
      %add3A_201 = arith.addi %mul3A_200, %add3A : i32
      %lt3A_202 = arith.constant 7813 : i32
      %lt3A_203 = arith.cmpi slt, %add3A_201, %lt3A_202 : i32
      %convert_element_type3A_204 = arith.extui %lt3A_203 : i1 to i32
      %cond3A_205 = arith.constant 0 : i32
      %cond3A_206 = arith.cmpi ne, %convert_element_type3A_204, %cond3A_205 : i32
      scf.if %cond3A_206 {
        %mul3A_208 = arith.constant 32 : i32
        %mul3A_209 = arith.muli %add3A_188, %mul3A_208 : i32
        %add3A_210 = arith.addi %mul3A_209, %add3A : i32
        %lt3A_211 = arith.constant 7812 : i32
        %lt3A_212 = arith.cmpi slt, %add3A_210, %lt3A_211 : i32
        %convert_element_type3A_213 = arith.extui %lt3A_212 : i1 to i32
        %cond3A_214 = arith.constant 0 : i32
        %cond3A_215 = arith.cmpi ne, %convert_element_type3A_213, %cond3A_214 : i32
        scf.if %cond3A_215 {
          %dma_wait3A = arith.constant 1 : i32
          %dma_wait3A_242 = arith.constant 0 : i32
          %dma_wait3A_243 = arith.constant 0 : i32
          %dma_wait3A_244 = tpu.memref_slice %arg5[%dma_wait3A, %dma_wait3A_242, %dma_wait3A_243] : memref<2x64x128xf32, #tpu.memory_space<vmem>> -> memref<1x64x128xf32, #tpu.memory_space<vmem>>
          %dma_wait3A_245 = tpu.memref_squeeze %dma_wait3A_244 : memref<1x64x128xf32, #tpu.memory_space<vmem>> -> memref<64x128xf32, #tpu.memory_space<vmem>>
          %dma_wait3A_246 = arith.constant 0 : i32
          %dma_wait3A_247 = arith.constant 0 : i32
          %dma_wait3A_248 = tpu.memref_slice %arg2[%dma_wait3A_246, %dma_wait3A_247] : memref<64x1000000xf32, #tpu.memory_space<hbm>> -> memref<64x128xf32, #tpu.memory_space<hbm>>
          %dma_wait3A_249 = arith.constant 0 : i32
          %dma_wait3A_250 = arith.constant 0 : i32
          %dma_wait3A_251 = tpu.memref_slice %arg5[%dma_wait3A, %dma_wait3A_249, %dma_wait3A_250] : memref<2x64x128xf32, #tpu.memory_space<vmem>> -> memref<1x64x128xf32, #tpu.memory_space<vmem>>
          %dma_wait3A_252 = tpu.memref_squeeze %dma_wait3A_251 : memref<1x64x128xf32, #tpu.memory_space<vmem>> -> memref<64x128xf32, #tpu.memory_space<vmem>>
          %dma_wait3A_253 = arith.constant 0 : i32
          %dma_wait3A_254 = arith.constant 0 : i32
          %dma_wait3A_255 = tpu.memref_slice %arg2[%dma_wait3A_253, %dma_wait3A_254] : memref<64x1000000xf32, #tpu.memory_space<hbm>> -> memref<64x128xf32, #tpu.memory_space<hbm>>
          tpu.wait_dma2 semaphore(%arg8 : memref<!tpu.dma_semaphore, #tpu.memory_space<semaphore_mem>>) src(%dma_wait3A_255 : memref<64x128xf32, #tpu.memory_space<hbm>>) dst(%dma_wait3A_252 : memref<64x128xf32, #tpu.memory_space<vmem>>)
        } else {
        }
        %eq3A_216 = arith.constant 7812 : i32
        %eq3A_217 = arith.cmpi eq, %add3A_210, %eq3A_216 : i32
        %convert_element_type3A_218 = arith.extui %eq3A_217 : i1 to i32
        %cond3A_219 = arith.constant 0 : i32
        %cond3A_220 = arith.cmpi ne, %convert_element_type3A_218, %cond3A_219 : i32
        scf.if %cond3A_220 {
          %dma_wait3A = arith.constant 1 : i32
          %dma_wait3A_242 = arith.constant 0 : i32
          %dma_wait3A_243 = arith.constant 0 : i32
          %dma_wait3A_244 = tpu.memref_slice %arg5[%dma_wait3A, %dma_wait3A_242, %dma_wait3A_243] : memref<2x64x128xf32, #tpu.memory_space<vmem>> -> memref<1x64x128xf32, #tpu.memory_space<vmem>>
          %dma_wait3A_245 = tpu.memref_squeeze %dma_wait3A_244 : memref<1x64x128xf32, #tpu.memory_space<vmem>> -> memref<64x128xf32, #tpu.memory_space<vmem>>
          %dma_wait3A_246 = arith.constant 0 : i32
          %dma_wait3A_247 = arith.constant 0 : i32
          %dma_wait3A_248 = tpu.memref_slice %arg5[%dma_wait3A, %dma_wait3A_246, %dma_wait3A_247] : memref<2x64x128xf32, #tpu.memory_space<vmem>> -> memref<1x64x128xf32, #tpu.memory_space<vmem>>
          %dma_wait3A_249 = tpu.memref_squeeze %dma_wait3A_248 : memref<1x64x128xf32, #tpu.memory_space<vmem>> -> memref<64x128xf32, #tpu.memory_space<vmem>>
          tpu.wait_dma2 semaphore(%arg8 : memref<!tpu.dma_semaphore, #tpu.memory_space<semaphore_mem>>) src(%arg3 : memref<64x128xf32, #tpu.memory_space<hbm>>) dst(%dma_wait3A_249 : memref<64x128xf32, #tpu.memory_space<vmem>>)
        } else {
        }
        %ge3A = arith.constant 2 : i32
        %ge3A_221 = arith.cmpi sge, %add3A_188, %ge3A : i32
        %convert_element_type3A_222 = arith.extui %ge3A_221 : i1 to i32
        %cond3A_223 = arith.constant 0 : i32
        %cond3A_224 = arith.cmpi ne, %convert_element_type3A_222, %cond3A_223 : i32
        scf.if %cond3A_224 {
          %sub3A_242 = arith.constant 2 : i32
          %sub3A_243 = arith.subi %add3A_188, %sub3A_242 : i32
          %mul3A_244 = arith.constant 32 : i32
          %mul3A_245 = arith.muli %sub3A_243, %mul3A_244 : i32
          %add3A_246 = arith.addi %mul3A_245, %add3A : i32
          %lt3A_247 = arith.constant 7812 : i32
          %lt3A_248 = arith.cmpi slt, %add3A_246, %lt3A_247 : i32
          %convert_element_type3A_249 = arith.extui %lt3A_248 : i1 to i32
          %cond3A_250 = arith.constant 0 : i32
          %cond3A_251 = arith.cmpi ne, %convert_element_type3A_249, %cond3A_250 : i32
          scf.if %cond3A_251 {
            %dma_wait3A = arith.constant 1 : i32
            %dma_wait3A_257 = arith.constant 0 : i32
            %dma_wait3A_258 = arith.constant 0 : i32
            %dma_wait3A_259 = tpu.memref_slice %arg6[%dma_wait3A, %dma_wait3A_257, %dma_wait3A_258] : memref<2x64x128xf32, #tpu.memory_space<vmem>> -> memref<1x64x128xf32, #tpu.memory_space<vmem>>
            %dma_wait3A_260 = tpu.memref_squeeze %dma_wait3A_259 : memref<1x64x128xf32, #tpu.memory_space<vmem>> -> memref<64x128xf32, #tpu.memory_space<vmem>>
            %dma_wait3A_261 = arith.constant 0 : i32
            %dma_wait3A_262 = arith.constant 0 : i32
            %dma_wait3A_263 = tpu.memref_slice %arg4[%dma_wait3A_261, %dma_wait3A_262] : memref<500000x128xf32, #tpu.memory_space<hbm>> -> memref<64x128xf32, #tpu.memory_space<hbm>>
            %dma_wait3A_264 = arith.constant 0 : i32
            %dma_wait3A_265 = arith.constant 0 : i32
            %dma_wait3A_266 = tpu.memref_slice %arg4[%dma_wait3A_264, %dma_wait3A_265] : memref<500000x128xf32, #tpu.memory_space<hbm>> -> memref<64x128xf32, #tpu.memory_space<hbm>>
            %dma_wait3A_267 = arith.constant 0 : i32
            %dma_wait3A_268 = arith.constant 0 : i32
            %dma_wait3A_269 = tpu.memref_slice %arg6[%dma_wait3A, %dma_wait3A_267, %dma_wait3A_268] : memref<2x64x128xf32, #tpu.memory_space<vmem>> -> memref<1x64x128xf32, #tpu.memory_space<vmem>>
            %dma_wait3A_270 = tpu.memref_squeeze %dma_wait3A_269 : memref<1x64x128xf32, #tpu.memory_space<vmem>> -> memref<64x128xf32, #tpu.memory_space<vmem>>
            tpu.wait_dma2 semaphore(%arg10 : memref<!tpu.dma_semaphore, #tpu.memory_space<semaphore_mem>>) src(%dma_wait3A_270 : memref<64x128xf32, #tpu.memory_space<vmem>>) dst(%dma_wait3A_266 : memref<64x128xf32, #tpu.memory_space<hbm>>)
          } else {
          }
          %eq3A_252 = arith.constant 7812 : i32
          %eq3A_253 = arith.cmpi eq, %add3A_246, %eq3A_252 : i32
          %convert_element_type3A_254 = arith.extui %eq3A_253 : i1 to i32
          %cond3A_255 = arith.constant 0 : i32
          %cond3A_256 = arith.cmpi ne, %convert_element_type3A_254, %cond3A_255 : i32
          scf.if %cond3A_256 {
            %dma_wait3A = arith.constant 1 : i32
            %dma_wait3A_257 = arith.constant 0 : i32
            %dma_wait3A_258 = arith.constant 0 : i32
            %dma_wait3A_259 = tpu.memref_slice %arg6[%dma_wait3A, %dma_wait3A_257, %dma_wait3A_258] : memref<2x64x128xf32, #tpu.memory_space<vmem>> -> memref<1x32x128xf32, #tpu.memory_space<vmem>>
            %dma_wait3A_260 = tpu.memref_squeeze %dma_wait3A_259 : memref<1x32x128xf32, #tpu.memory_space<vmem>> -> memref<32x128xf32, #tpu.memory_space<vmem>>
            %dma_wait3A_261 = arith.constant 0 : i32
            %dma_wait3A_262 = arith.constant 0 : i32
            %dma_wait3A_263 = tpu.memref_slice %arg4[%dma_wait3A_261, %dma_wait3A_262] : memref<500000x128xf32, #tpu.memory_space<hbm>> -> memref<32x128xf32, #tpu.memory_space<hbm>>
            %dma_wait3A_264 = arith.constant 0 : i32
            %dma_wait3A_265 = arith.constant 0 : i32
            %dma_wait3A_266 = tpu.memref_slice %arg4[%dma_wait3A_264, %dma_wait3A_265] : memref<500000x128xf32, #tpu.memory_space<hbm>> -> memref<32x128xf32, #tpu.memory_space<hbm>>
            %dma_wait3A_267 = arith.constant 0 : i32
            %dma_wait3A_268 = arith.constant 0 : i32
            %dma_wait3A_269 = tpu.memref_slice %arg6[%dma_wait3A, %dma_wait3A_267, %dma_wait3A_268] : memref<2x64x128xf32, #tpu.memory_space<vmem>> -> memref<1x32x128xf32, #tpu.memory_space<vmem>>
            %dma_wait3A_270 = tpu.memref_squeeze %dma_wait3A_269 : memref<1x32x128xf32, #tpu.memory_space<vmem>> -> memref<32x128xf32, #tpu.memory_space<vmem>>
            tpu.wait_dma2 semaphore(%arg10 : memref<!tpu.dma_semaphore, #tpu.memory_space<semaphore_mem>>) src(%dma_wait3A_270 : memref<32x128xf32, #tpu.memory_space<vmem>>) dst(%dma_wait3A_266 : memref<32x128xf32, #tpu.memory_space<hbm>>)
          } else {
          }
        } else {
        }
        %parallel_loop3A = arith.constant 0 : i32
        %parallel_loop3A_225 = arith.constant 32 : i32
        %parallel_loop3A_226 = arith.constant 1 : i32
        %parallel_loop3A_227 = arith.constant 1 : i32
        %parallel_loop3A_228 = arith.constant 1 : i32
        scf.for %parallel_loop3A_242 = %parallel_loop3A to %parallel_loop3A_225 step %parallel_loop3A_226  : i32 {
          %parallel_loop3A_243 = arith.constant 7 : i32
          %parallel_loop3A_244 = arith.andi %parallel_loop3A_242, %parallel_loop3A_243 : i32
          %parallel_loop3A_245 = arith.constant 16 : i32
          %parallel_loop3A_246 = arith.muli %parallel_loop3A_244, %parallel_loop3A_245 : i32
          %parallel_loop3A_247 = arith.constant 3 : i32
          %parallel_loop3A_248 = arith.shrsi %parallel_loop3A_242, %parallel_loop3A_247 : i32
          %parallel_loop3A_249 = arith.constant 16 : i32
          %parallel_loop3A_250 = arith.muli %parallel_loop3A_248, %parallel_loop3A_249 : i32
          %parallel_loop3A_251 = vector.broadcast %parallel_loop3A_250 : i32 to vector<16xi32>
          %parallel_loop3A_252 = arith.addi %iota3A, %parallel_loop3A_251 : vector<16xi32>
          %parallel_loop3A_253 = vector.broadcast %parallel_loop3A_246 : i32 to vector<16xi32>
          %parallel_loop3A_254 = arith.addi %and3A_5, %parallel_loop3A_253 : vector<16xi32>
          %parallel_loop3A_255 = arith.constant 1 : i32
          %parallel_loop3A_256 = vector.broadcast %parallel_loop3A_255 : i32 to vector<16xi32>
          %parallel_loop3A_257 = arith.andi %parallel_loop3A_254, %parallel_loop3A_256 : vector<16xi32>
          %parallel_loop3A_258 = arith.constant 6 : i32
          %parallel_loop3A_259 = vector.broadcast %parallel_loop3A_258 : i32 to vector<16xi32>
          %parallel_loop3A_260 = arith.shli %parallel_loop3A_257, %parallel_loop3A_259 : vector<16xi32>
          %parallel_loop3A_261 = arith.addi %parallel_loop3A_260, %parallel_loop3A_252 : vector<16xi32>
          %parallel_loop3A_262 = arith.constant 1 : i32
          %parallel_loop3A_263 = vector.broadcast %parallel_loop3A_262 : i32 to vector<16xi32>
          %parallel_loop3A_264 = arith.shrsi %parallel_loop3A_254, %parallel_loop3A_263 : vector<16xi32>
          %parallel_loop3A_265 = arith.constant 0 : i32
          %parallel_loop3A_266 = arith.constant 0 : i32
          %parallel_loop3A_267 = tpu.memref_slice %arg5[%parallel_loop3A_227, %parallel_loop3A_265, %parallel_loop3A_266] : memref<2x64x128xf32, #tpu.memory_space<vmem>> -> memref<1x64x128xf32, #tpu.memory_space<vmem>>
          %parallel_loop3A_268 = tpu.memref_squeeze %parallel_loop3A_267 : memref<1x64x128xf32, #tpu.memory_space<vmem>> -> memref<64x128xf32, #tpu.memory_space<vmem>>
          %parallel_loop3A_269 = tpu.vector_load_idx %parallel_loop3A_268[%parallel_loop3A_252, %parallel_loop3A_254] : memref<64x128xf32, #tpu.memory_space<vmem>>[vector<16xi32>, vector<16xi32>], vector<16xf32>,
          %parallel_loop3A_270 = arith.constant 0 : i32
          %parallel_loop3A_271 = arith.constant 0 : i32
          %parallel_loop3A_272 = tpu.memref_slice %arg6[%parallel_loop3A_228, %parallel_loop3A_270, %parallel_loop3A_271] : memref<2x64x128xf32, #tpu.memory_space<vmem>> -> memref<1x64x128xf32, #tpu.memory_space<vmem>>
          %parallel_loop3A_273 = tpu.memref_squeeze %parallel_loop3A_272 : memref<1x64x128xf32, #tpu.memory_space<vmem>> -> memref<64x128xf32, #tpu.memory_space<vmem>>
          tpu.vector_store_idx %parallel_loop3A_273[%parallel_loop3A_264, %parallel_loop3A_261], %parallel_loop3A_269 : memref<64x128xf32, #tpu.memory_space<vmem>>[vector<16xi32>, vector<16xi32>], vector<16xf32>,
          %parallel_loop3A_274 = vector.broadcast %parallel_loop3A_246 : i32 to vector<16xi32>
          %parallel_loop3A_275 = arith.addi %and3A_11, %parallel_loop3A_274 : vector<16xi32>
          %parallel_loop3A_276 = arith.constant 1 : i32
          %parallel_loop3A_277 = vector.broadcast %parallel_loop3A_276 : i32 to vector<16xi32>
          %parallel_loop3A_278 = arith.andi %parallel_loop3A_275, %parallel_loop3A_277 : vector<16xi32>
          %parallel_loop3A_279 = arith.constant 6 : i32
          %parallel_loop3A_280 = vector.broadcast %parallel_loop3A_279 : i32 to vector<16xi32>
          %parallel_loop3A_281 = arith.shli %parallel_loop3A_278, %parallel_loop3A_280 : vector<16xi32>
          %parallel_loop3A_282 = arith.addi %parallel_loop3A_281, %parallel_loop3A_252 : vector<16xi32>
          %parallel_loop3A_283 = arith.constant 1 : i32
          %parallel_loop3A_284 = vector.broadcast %parallel_loop3A_283 : i32 to vector<16xi32>
          %parallel_loop3A_285 = arith.shrsi %parallel_loop3A_275, %parallel_loop3A_284 : vector<16xi32>
          %parallel_loop3A_286 = arith.constant 0 : i32
          %parallel_loop3A_287 = arith.constant 0 : i32
          %parallel_loop3A_288 = tpu.memref_slice %arg5[%parallel_loop3A_227, %parallel_loop3A_286, %parallel_loop3A_287] : memref<2x64x128xf32, #tpu.memory_space<vmem>> -> memref<1x64x128xf32, #tpu.memory_space<vmem>>
          %parallel_loop3A_289 = tpu.memref_squeeze %parallel_loop3A_288 : memref<1x64x128xf32, #tpu.memory_space<vmem>> -> memref<64x128xf32, #tpu.memory_space<vmem>>
          %parallel_loop3A_290 = tpu.vector_load_idx %parallel_loop3A_289[%parallel_loop3A_252, %parallel_loop3A_275] : memref<64x128xf32, #tpu.memory_space<vmem>>[vector<16xi32>, vector<16xi32>], vector<16xf32>,
          %parallel_loop3A_291 = arith.constant 0 : i32
          %parallel_loop3A_292 = arith.constant 0 : i32
          %parallel_loop3A_293 = tpu.memref_slice %arg6[%parallel_loop3A_228, %parallel_loop3A_291, %parallel_loop3A_292] : memref<2x64x128xf32, #tpu.memory_space<vmem>> -> memref<1x64x128xf32, #tpu.memory_space<vmem>>
          %parallel_loop3A_294 = tpu.memref_squeeze %parallel_loop3A_293 : memref<1x64x128xf32, #tpu.memory_space<vmem>> -> memref<64x128xf32, #tpu.memory_space<vmem>>
          tpu.vector_store_idx %parallel_loop3A_294[%parallel_loop3A_285, %parallel_loop3A_282], %parallel_loop3A_290 : memref<64x128xf32, #tpu.memory_space<vmem>>[vector<16xi32>, vector<16xi32>], vector<16xf32>,
          %parallel_loop3A_295 = vector.broadcast %parallel_loop3A_246 : i32 to vector<16xi32>
          %parallel_loop3A_296 = arith.addi %and3A_17, %parallel_loop3A_295 : vector<16xi32>
          %parallel_loop3A_297 = arith.constant 1 : i32
          %parallel_loop3A_298 = vector.broadcast %parallel_loop3A_297 : i32 to vector<16xi32>
          %parallel_loop3A_299 = arith.andi %parallel_loop3A_296, %parallel_loop3A_298 : vector<16xi32>
          %parallel_loop3A_300 = arith.constant 6 : i32
          %parallel_loop3A_301 = vector.broadcast %parallel_loop3A_300 : i32 to vector<16xi32>
          %parallel_loop3A_302 = arith.shli %parallel_loop3A_299, %parallel_loop3A_301 : vector<16xi32>
          %parallel_loop3A_303 = arith.addi %parallel_loop3A_302, %parallel_loop3A_252 : vector<16xi32>
          %parallel_loop3A_304 = arith.constant 1 : i32
          %parallel_loop3A_305 = vector.broadcast %parallel_loop3A_304 : i32 to vector<16xi32>
          %parallel_loop3A_306 = arith.shrsi %parallel_loop3A_296, %parallel_loop3A_305 : vector<16xi32>
          %parallel_loop3A_307 = arith.constant 0 : i32
          %parallel_loop3A_308 = arith.constant 0 : i32
          %parallel_loop3A_309 = tpu.memref_slice %arg5[%parallel_loop3A_227, %parallel_loop3A_307, %parallel_loop3A_308] : memref<2x64x128xf32, #tpu.memory_space<vmem>> -> memref<1x64x128xf32, #tpu.memory_space<vmem>>
          %parallel_loop3A_310 = tpu.memref_squeeze %parallel_loop3A_309 : memref<1x64x128xf32, #tpu.memory_space<vmem>> -> memref<64x128xf32, #tpu.memory_space<vmem>>
          %parallel_loop3A_311 = tpu.vector_load_idx %parallel_loop3A_310[%parallel_loop3A_252, %parallel_loop3A_296] : memref<64x128xf32, #tpu.memory_space<vmem>>[vector<16xi32>, vector<16xi32>], vector<16xf32>,
          %parallel_loop3A_312 = arith.constant 0 : i32
          %parallel_loop3A_313 = arith.constant 0 : i32
          %parallel_loop3A_314 = tpu.memref_slice %arg6[%parallel_loop3A_228, %parallel_loop3A_312, %parallel_loop3A_313] : memref<2x64x128xf32, #tpu.memory_space<vmem>> -> memref<1x64x128xf32, #tpu.memory_space<vmem>>
          %parallel_loop3A_315 = tpu.memref_squeeze %parallel_loop3A_314 : memref<1x64x128xf32, #tpu.memory_space<vmem>> -> memref<64x128xf32, #tpu.memory_space<vmem>>
          tpu.vector_store_idx %parallel_loop3A_315[%parallel_loop3A_306, %parallel_loop3A_303], %parallel_loop3A_311 : memref<64x128xf32, #tpu.memory_space<vmem>>[vector<16xi32>, vector<16xi32>], vector<16xf32>,
          %parallel_loop3A_316 = vector.broadcast %parallel_loop3A_246 : i32 to vector<16xi32>
          %parallel_loop3A_317 = arith.addi %and3A_23, %parallel_loop3A_316 : vector<16xi32>
          %parallel_loop3A_318 = arith.constant 1 : i32
          %parallel_loop3A_319 = vector.broadcast %parallel_loop3A_318 : i32 to vector<16xi32>
          %parallel_loop3A_320 = arith.andi %parallel_loop3A_317, %parallel_loop3A_319 : vector<16xi32>
          %parallel_loop3A_321 = arith.constant 6 : i32
          %parallel_loop3A_322 = vector.broadcast %parallel_loop3A_321 : i32 to vector<16xi32>
          %parallel_loop3A_323 = arith.shli %parallel_loop3A_320, %parallel_loop3A_322 : vector<16xi32>
          %parallel_loop3A_324 = arith.addi %parallel_loop3A_323, %parallel_loop3A_252 : vector<16xi32>
          %parallel_loop3A_325 = arith.constant 1 : i32
          %parallel_loop3A_326 = vector.broadcast %parallel_loop3A_325 : i32 to vector<16xi32>
          %parallel_loop3A_327 = arith.shrsi %parallel_loop3A_317, %parallel_loop3A_326 : vector<16xi32>
          %parallel_loop3A_328 = arith.constant 0 : i32
          %parallel_loop3A_329 = arith.constant 0 : i32
          %parallel_loop3A_330 = tpu.memref_slice %arg5[%parallel_loop3A_227, %parallel_loop3A_328, %parallel_loop3A_329] : memref<2x64x128xf32, #tpu.memory_space<vmem>> -> memref<1x64x128xf32, #tpu.memory_space<vmem>>
          %parallel_loop3A_331 = tpu.memref_squeeze %parallel_loop3A_330 : memref<1x64x128xf32, #tpu.memory_space<vmem>> -> memref<64x128xf32, #tpu.memory_space<vmem>>
          %parallel_loop3A_332 = tpu.vector_load_idx %parallel_loop3A_331[%parallel_loop3A_252, %parallel_loop3A_317] : memref<64x128xf32, #tpu.memory_space<vmem>>[vector<16xi32>, vector<16xi32>], vector<16xf32>,
          %parallel_loop3A_333 = arith.constant 0 : i32
          %parallel_loop3A_334 = arith.constant 0 : i32
          %parallel_loop3A_335 = tpu.memref_slice %arg6[%parallel_loop3A_228, %parallel_loop3A_333, %parallel_loop3A_334] : memref<2x64x128xf32, #tpu.memory_space<vmem>> -> memref<1x64x128xf32, #tpu.memory_space<vmem>>
          %parallel_loop3A_336 = tpu.memref_squeeze %parallel_loop3A_335 : memref<1x64x128xf32, #tpu.memory_space<vmem>> -> memref<64x128xf32, #tpu.memory_space<vmem>>
          tpu.vector_store_idx %parallel_loop3A_336[%parallel_loop3A_327, %parallel_loop3A_324], %parallel_loop3A_332 : memref<64x128xf32, #tpu.memory_space<vmem>>[vector<16xi32>, vector<16xi32>], vector<16xf32>,
          %parallel_loop3A_337 = vector.broadcast %parallel_loop3A_246 : i32 to vector<16xi32>
          %parallel_loop3A_338 = arith.addi %and3A_29, %parallel_loop3A_337 : vector<16xi32>
          %parallel_loop3A_339 = arith.constant 1 : i32
          %parallel_loop3A_340 = vector.broadcast %parallel_loop3A_339 : i32 to vector<16xi32>
          %parallel_loop3A_341 = arith.andi %parallel_loop3A_338, %parallel_loop3A_340 : vector<16xi32>
          %parallel_loop3A_342 = arith.constant 6 : i32
          %parallel_loop3A_343 = vector.broadcast %parallel_loop3A_342 : i32 to vector<16xi32>
          %parallel_loop3A_344 = arith.shli %parallel_loop3A_341, %parallel_loop3A_343 : vector<16xi32>
          %parallel_loop3A_345 = arith.addi %parallel_loop3A_344, %parallel_loop3A_252 : vector<16xi32>
          %parallel_loop3A_346 = arith.constant 1 : i32
          %parallel_loop3A_347 = vector.broadcast %parallel_loop3A_346 : i32 to vector<16xi32>
          %parallel_loop3A_348 = arith.shrsi %parallel_loop3A_338, %parallel_loop3A_347 : vector<16xi32>
          %parallel_loop3A_349 = arith.constant 0 : i32
          %parallel_loop3A_350 = arith.constant 0 : i32
          %parallel_loop3A_351 = tpu.memref_slice %arg5[%parallel_loop3A_227, %parallel_loop3A_349, %parallel_loop3A_350] : memref<2x64x128xf32, #tpu.memory_space<vmem>> -> memref<1x64x128xf32, #tpu.memory_space<vmem>>
          %parallel_loop3A_352 = tpu.memref_squeeze %parallel_loop3A_351 : memref<1x64x128xf32, #tpu.memory_space<vmem>> -> memref<64x128xf32, #tpu.memory_space<vmem>>
          %parallel_loop3A_353 = tpu.vector_load_idx %parallel_loop3A_352[%parallel_loop3A_252, %parallel_loop3A_338] : memref<64x128xf32, #tpu.memory_space<vmem>>[vector<16xi32>, vector<16xi32>], vector<16xf32>,
          %parallel_loop3A_354 = arith.constant 0 : i32
          %parallel_loop3A_355 = arith.constant 0 : i32
          %parallel_loop3A_356 = tpu.memref_slice %arg6[%parallel_loop3A_228, %parallel_loop3A_354, %parallel_loop3A_355] : memref<2x64x128xf32, #tpu.memory_space<vmem>> -> memref<1x64x128xf32, #tpu.memory_space<vmem>>
          %parallel_loop3A_357 = tpu.memref_squeeze %parallel_loop3A_356 : memref<1x64x128xf32, #tpu.memory_space<vmem>> -> memref<64x128xf32, #tpu.memory_space<vmem>>
          tpu.vector_store_idx %parallel_loop3A_357[%parallel_loop3A_348, %parallel_loop3A_345], %parallel_loop3A_353 : memref<64x128xf32, #tpu.memory_space<vmem>>[vector<16xi32>, vector<16xi32>], vector<16xf32>,
          %parallel_loop3A_358 = vector.broadcast %parallel_loop3A_246 : i32 to vector<16xi32>
          %parallel_loop3A_359 = arith.addi %and3A_35, %parallel_loop3A_358 : vector<16xi32>
          %parallel_loop3A_360 = arith.constant 1 : i32
          %parallel_loop3A_361 = vector.broadcast %parallel_loop3A_360 : i32 to vector<16xi32>
          %parallel_loop3A_362 = arith.andi %parallel_loop3A_359, %parallel_loop3A_361 : vector<16xi32>
          %parallel_loop3A_363 = arith.constant 6 : i32
          %parallel_loop3A_364 = vector.broadcast %parallel_loop3A_363 : i32 to vector<16xi32>
          %parallel_loop3A_365 = arith.shli %parallel_loop3A_362, %parallel_loop3A_364 : vector<16xi32>
          %parallel_loop3A_366 = arith.addi %parallel_loop3A_365, %parallel_loop3A_252 : vector<16xi32>
          %parallel_loop3A_367 = arith.constant 1 : i32
          %parallel_loop3A_368 = vector.broadcast %parallel_loop3A_367 : i32 to vector<16xi32>
          %parallel_loop3A_369 = arith.shrsi %parallel_loop3A_359, %parallel_loop3A_368 : vector<16xi32>
          %parallel_loop3A_370 = arith.constant 0 : i32
          %parallel_loop3A_371 = arith.constant 0 : i32
          %parallel_loop3A_372 = tpu.memref_slice %arg5[%parallel_loop3A_227, %parallel_loop3A_370, %parallel_loop3A_371] : memref<2x64x128xf32, #tpu.memory_space<vmem>> -> memref<1x64x128xf32, #tpu.memory_space<vmem>>
          %parallel_loop3A_373 = tpu.memref_squeeze %parallel_loop3A_372 : memref<1x64x128xf32, #tpu.memory_space<vmem>> -> memref<64x128xf32, #tpu.memory_space<vmem>>
          %parallel_loop3A_374 = tpu.vector_load_idx %parallel_loop3A_373[%parallel_loop3A_252, %parallel_loop3A_359] : memref<64x128xf32, #tpu.memory_space<vmem>>[vector<16xi32>, vector<16xi32>], vector<16xf32>,
          %parallel_loop3A_375 = arith.constant 0 : i32
          %parallel_loop3A_376 = arith.constant 0 : i32
          %parallel_loop3A_377 = tpu.memref_slice %arg6[%parallel_loop3A_228, %parallel_loop3A_375, %parallel_loop3A_376] : memref<2x64x128xf32, #tpu.memory_space<vmem>> -> memref<1x64x128xf32, #tpu.memory_space<vmem>>
          %parallel_loop3A_378 = tpu.memref_squeeze %parallel_loop3A_377 : memref<1x64x128xf32, #tpu.memory_space<vmem>> -> memref<64x128xf32, #tpu.memory_space<vmem>>
          tpu.vector_store_idx %parallel_loop3A_378[%parallel_loop3A_369, %parallel_loop3A_366], %parallel_loop3A_374 : memref<64x128xf32, #tpu.memory_space<vmem>>[vector<16xi32>, vector<16xi32>], vector<16xf32>,
          %parallel_loop3A_379 = vector.broadcast %parallel_loop3A_246 : i32 to vector<16xi32>
          %parallel_loop3A_380 = arith.addi %and3A_41, %parallel_loop3A_379 : vector<16xi32>
          %parallel_loop3A_381 = arith.constant 1 : i32
          %parallel_loop3A_382 = vector.broadcast %parallel_loop3A_381 : i32 to vector<16xi32>
          %parallel_loop3A_383 = arith.andi %parallel_loop3A_380, %parallel_loop3A_382 : vector<16xi32>
          %parallel_loop3A_384 = arith.constant 6 : i32
          %parallel_loop3A_385 = vector.broadcast %parallel_loop3A_384 : i32 to vector<16xi32>
          %parallel_loop3A_386 = arith.shli %parallel_loop3A_383, %parallel_loop3A_385 : vector<16xi32>
          %parallel_loop3A_387 = arith.addi %parallel_loop3A_386, %parallel_loop3A_252 : vector<16xi32>
          %parallel_loop3A_388 = arith.constant 1 : i32
          %parallel_loop3A_389 = vector.broadcast %parallel_loop3A_388 : i32 to vector<16xi32>
          %parallel_loop3A_390 = arith.shrsi %parallel_loop3A_380, %parallel_loop3A_389 : vector<16xi32>
          %parallel_loop3A_391 = arith.constant 0 : i32
          %parallel_loop3A_392 = arith.constant 0 : i32
          %parallel_loop3A_393 = tpu.memref_slice %arg5[%parallel_loop3A_227, %parallel_loop3A_391, %parallel_loop3A_392] : memref<2x64x128xf32, #tpu.memory_space<vmem>> -> memref<1x64x128xf32, #tpu.memory_space<vmem>>
          %parallel_loop3A_394 = tpu.memref_squeeze %parallel_loop3A_393 : memref<1x64x128xf32, #tpu.memory_space<vmem>> -> memref<64x128xf32, #tpu.memory_space<vmem>>
          %parallel_loop3A_395 = tpu.vector_load_idx %parallel_loop3A_394[%parallel_loop3A_252, %parallel_loop3A_380] : memref<64x128xf32, #tpu.memory_space<vmem>>[vector<16xi32>, vector<16xi32>], vector<16xf32>,
          %parallel_loop3A_396 = arith.constant 0 : i32
          %parallel_loop3A_397 = arith.constant 0 : i32
          %parallel_loop3A_398 = tpu.memref_slice %arg6[%parallel_loop3A_228, %parallel_loop3A_396, %parallel_loop3A_397] : memref<2x64x128xf32, #tpu.memory_space<vmem>> -> memref<1x64x128xf32, #tpu.memory_space<vmem>>
          %parallel_loop3A_399 = tpu.memref_squeeze %parallel_loop3A_398 : memref<1x64x128xf32, #tpu.memory_space<vmem>> -> memref<64x128xf32, #tpu.memory_space<vmem>>
          tpu.vector_store_idx %parallel_loop3A_399[%parallel_loop3A_390, %parallel_loop3A_387], %parallel_loop3A_395 : memref<64x128xf32, #tpu.memory_space<vmem>>[vector<16xi32>, vector<16xi32>], vector<16xf32>,
          %parallel_loop3A_400 = vector.broadcast %parallel_loop3A_246 : i32 to vector<16xi32>
          %parallel_loop3A_401 = arith.addi %and3A_47, %parallel_loop3A_400 : vector<16xi32>
          %parallel_loop3A_402 = arith.constant 1 : i32
          %parallel_loop3A_403 = vector.broadcast %parallel_loop3A_402 : i32 to vector<16xi32>
          %parallel_loop3A_404 = arith.andi %parallel_loop3A_401, %parallel_loop3A_403 : vector<16xi32>
          %parallel_loop3A_405 = arith.constant 6 : i32
          %parallel_loop3A_406 = vector.broadcast %parallel_loop3A_405 : i32 to vector<16xi32>
          %parallel_loop3A_407 = arith.shli %parallel_loop3A_404, %parallel_loop3A_406 : vector<16xi32>
          %parallel_loop3A_408 = arith.addi %parallel_loop3A_407, %parallel_loop3A_252 : vector<16xi32>
          %parallel_loop3A_409 = arith.constant 1 : i32
          %parallel_loop3A_410 = vector.broadcast %parallel_loop3A_409 : i32 to vector<16xi32>
          %parallel_loop3A_411 = arith.shrsi %parallel_loop3A_401, %parallel_loop3A_410 : vector<16xi32>
          %parallel_loop3A_412 = arith.constant 0 : i32
          %parallel_loop3A_413 = arith.constant 0 : i32
          %parallel_loop3A_414 = tpu.memref_slice %arg5[%parallel_loop3A_227, %parallel_loop3A_412, %parallel_loop3A_413] : memref<2x64x128xf32, #tpu.memory_space<vmem>> -> memref<1x64x128xf32, #tpu.memory_space<vmem>>
          %parallel_loop3A_415 = tpu.memref_squeeze %parallel_loop3A_414 : memref<1x64x128xf32, #tpu.memory_space<vmem>> -> memref<64x128xf32, #tpu.memory_space<vmem>>
          %parallel_loop3A_416 = tpu.vector_load_idx %parallel_loop3A_415[%parallel_loop3A_252, %parallel_loop3A_401] : memref<64x128xf32, #tpu.memory_space<vmem>>[vector<16xi32>, vector<16xi32>], vector<16xf32>,
          %parallel_loop3A_417 = arith.constant 0 : i32
          %parallel_loop3A_418 = arith.constant 0 : i32
          %parallel_loop3A_419 = tpu.memref_slice %arg6[%parallel_loop3A_228, %parallel_loop3A_417, %parallel_loop3A_418] : memref<2x64x128xf32, #tpu.memory_space<vmem>> -> memref<1x64x128xf32, #tpu.memory_space<vmem>>
          %parallel_loop3A_420 = tpu.memref_squeeze %parallel_loop3A_419 : memref<1x64x128xf32, #tpu.memory_space<vmem>> -> memref<64x128xf32, #tpu.memory_space<vmem>>
          tpu.vector_store_idx %parallel_loop3A_420[%parallel_loop3A_411, %parallel_loop3A_408], %parallel_loop3A_416 : memref<64x128xf32, #tpu.memory_space<vmem>>[vector<16xi32>, vector<16xi32>], vector<16xf32>,
          %parallel_loop3A_421 = vector.broadcast %parallel_loop3A_246 : i32 to vector<16xi32>
          %parallel_loop3A_422 = arith.addi %and3A_53, %parallel_loop3A_421 : vector<16xi32>
          %parallel_loop3A_423 = arith.constant 1 : i32
          %parallel_loop3A_424 = vector.broadcast %parallel_loop3A_423 : i32 to vector<16xi32>
          %parallel_loop3A_425 = arith.andi %parallel_loop3A_422, %parallel_loop3A_424 : vector<16xi32>
          %parallel_loop3A_426 = arith.constant 6 : i32
          %parallel_loop3A_427 = vector.broadcast %parallel_loop3A_426 : i32 to vector<16xi32>
          %parallel_loop3A_428 = arith.shli %parallel_loop3A_425, %parallel_loop3A_427 : vector<16xi32>
          %parallel_loop3A_429 = arith.addi %parallel_loop3A_428, %parallel_loop3A_252 : vector<16xi32>
          %parallel_loop3A_430 = arith.constant 1 : i32
          %parallel_loop3A_431 = vector.broadcast %parallel_loop3A_430 : i32 to vector<16xi32>
          %parallel_loop3A_432 = arith.shrsi %parallel_loop3A_422, %parallel_loop3A_431 : vector<16xi32>
          %parallel_loop3A_433 = arith.constant 0 : i32
          %parallel_loop3A_434 = arith.constant 0 : i32
          %parallel_loop3A_435 = tpu.memref_slice %arg5[%parallel_loop3A_227, %parallel_loop3A_433, %parallel_loop3A_434] : memref<2x64x128xf32, #tpu.memory_space<vmem>> -> memref<1x64x128xf32, #tpu.memory_space<vmem>>
          %parallel_loop3A_436 = tpu.memref_squeeze %parallel_loop3A_435 : memref<1x64x128xf32, #tpu.memory_space<vmem>> -> memref<64x128xf32, #tpu.memory_space<vmem>>
          %parallel_loop3A_437 = tpu.vector_load_idx %parallel_loop3A_436[%parallel_loop3A_252, %parallel_loop3A_422] : memref<64x128xf32, #tpu.memory_space<vmem>>[vector<16xi32>, vector<16xi32>], vector<16xf32>,
          %parallel_loop3A_438 = arith.constant 0 : i32
          %parallel_loop3A_439 = arith.constant 0 : i32
          %parallel_loop3A_440 = tpu.memref_slice %arg6[%parallel_loop3A_228, %parallel_loop3A_438, %parallel_loop3A_439] : memref<2x64x128xf32, #tpu.memory_space<vmem>> -> memref<1x64x128xf32, #tpu.memory_space<vmem>>
          %parallel_loop3A_441 = tpu.memref_squeeze %parallel_loop3A_440 : memref<1x64x128xf32, #tpu.memory_space<vmem>> -> memref<64x128xf32, #tpu.memory_space<vmem>>
          tpu.vector_store_idx %parallel_loop3A_441[%parallel_loop3A_432, %parallel_loop3A_429], %parallel_loop3A_437 : memref<64x128xf32, #tpu.memory_space<vmem>>[vector<16xi32>, vector<16xi32>], vector<16xf32>,
          %parallel_loop3A_442 = vector.broadcast %parallel_loop3A_246 : i32 to vector<16xi32>
          %parallel_loop3A_443 = arith.addi %and3A_59, %parallel_loop3A_442 : vector<16xi32>
          %parallel_loop3A_444 = arith.constant 1 : i32
          %parallel_loop3A_445 = vector.broadcast %parallel_loop3A_444 : i32 to vector<16xi32>
          %parallel_loop3A_446 = arith.andi %parallel_loop3A_443, %parallel_loop3A_445 : vector<16xi32>
          %parallel_loop3A_447 = arith.constant 6 : i32
          %parallel_loop3A_448 = vector.broadcast %parallel_loop3A_447 : i32 to vector<16xi32>
          %parallel_loop3A_449 = arith.shli %parallel_loop3A_446, %parallel_loop3A_448 : vector<16xi32>
          %parallel_loop3A_450 = arith.addi %parallel_loop3A_449, %parallel_loop3A_252 : vector<16xi32>
          %parallel_loop3A_451 = arith.constant 1 : i32
          %parallel_loop3A_452 = vector.broadcast %parallel_loop3A_451 : i32 to vector<16xi32>
          %parallel_loop3A_453 = arith.shrsi %parallel_loop3A_443, %parallel_loop3A_452 : vector<16xi32>
          %parallel_loop3A_454 = arith.constant 0 : i32
          %parallel_loop3A_455 = arith.constant 0 : i32
          %parallel_loop3A_456 = tpu.memref_slice %arg5[%parallel_loop3A_227, %parallel_loop3A_454, %parallel_loop3A_455] : memref<2x64x128xf32, #tpu.memory_space<vmem>> -> memref<1x64x128xf32, #tpu.memory_space<vmem>>
          %parallel_loop3A_457 = tpu.memref_squeeze %parallel_loop3A_456 : memref<1x64x128xf32, #tpu.memory_space<vmem>> -> memref<64x128xf32, #tpu.memory_space<vmem>>
          %parallel_loop3A_458 = tpu.vector_load_idx %parallel_loop3A_457[%parallel_loop3A_252, %parallel_loop3A_443] : memref<64x128xf32, #tpu.memory_space<vmem>>[vector<16xi32>, vector<16xi32>], vector<16xf32>,
          %parallel_loop3A_459 = arith.constant 0 : i32
          %parallel_loop3A_460 = arith.constant 0 : i32
          %parallel_loop3A_461 = tpu.memref_slice %arg6[%parallel_loop3A_228, %parallel_loop3A_459, %parallel_loop3A_460] : memref<2x64x128xf32, #tpu.memory_space<vmem>> -> memref<1x64x128xf32, #tpu.memory_space<vmem>>
          %parallel_loop3A_462 = tpu.memref_squeeze %parallel_loop3A_461 : memref<1x64x128xf32, #tpu.memory_space<vmem>> -> memref<64x128xf32, #tpu.memory_space<vmem>>
          tpu.vector_store_idx %parallel_loop3A_462[%parallel_loop3A_453, %parallel_loop3A_450], %parallel_loop3A_458 : memref<64x128xf32, #tpu.memory_space<vmem>>[vector<16xi32>, vector<16xi32>], vector<16xf32>,
          %parallel_loop3A_463 = vector.broadcast %parallel_loop3A_246 : i32 to vector<16xi32>
          %parallel_loop3A_464 = arith.addi %and3A_65, %parallel_loop3A_463 : vector<16xi32>
          %parallel_loop3A_465 = arith.constant 1 : i32
          %parallel_loop3A_466 = vector.broadcast %parallel_loop3A_465 : i32 to vector<16xi32>
          %parallel_loop3A_467 = arith.andi %parallel_loop3A_464, %parallel_loop3A_466 : vector<16xi32>
          %parallel_loop3A_468 = arith.constant 6 : i32
          %parallel_loop3A_469 = vector.broadcast %parallel_loop3A_468 : i32 to vector<16xi32>
          %parallel_loop3A_470 = arith.shli %parallel_loop3A_467, %parallel_loop3A_469 : vector<16xi32>
          %parallel_loop3A_471 = arith.addi %parallel_loop3A_470, %parallel_loop3A_252 : vector<16xi32>
          %parallel_loop3A_472 = arith.constant 1 : i32
          %parallel_loop3A_473 = vector.broadcast %parallel_loop3A_472 : i32 to vector<16xi32>
          %parallel_loop3A_474 = arith.shrsi %parallel_loop3A_464, %parallel_loop3A_473 : vector<16xi32>
          %parallel_loop3A_475 = arith.constant 0 : i32
          %parallel_loop3A_476 = arith.constant 0 : i32
          %parallel_loop3A_477 = tpu.memref_slice %arg5[%parallel_loop3A_227, %parallel_loop3A_475, %parallel_loop3A_476] : memref<2x64x128xf32, #tpu.memory_space<vmem>> -> memref<1x64x128xf32, #tpu.memory_space<vmem>>
          %parallel_loop3A_478 = tpu.memref_squeeze %parallel_loop3A_477 : memref<1x64x128xf32, #tpu.memory_space<vmem>> -> memref<64x128xf32, #tpu.memory_space<vmem>>
          %parallel_loop3A_479 = tpu.vector_load_idx %parallel_loop3A_478[%parallel_loop3A_252, %parallel_loop3A_464] : memref<64x128xf32, #tpu.memory_space<vmem>>[vector<16xi32>, vector<16xi32>], vector<16xf32>,
          %parallel_loop3A_480 = arith.constant 0 : i32
          %parallel_loop3A_481 = arith.constant 0 : i32
          %parallel_loop3A_482 = tpu.memref_slice %arg6[%parallel_loop3A_228, %parallel_loop3A_480, %parallel_loop3A_481] : memref<2x64x128xf32, #tpu.memory_space<vmem>> -> memref<1x64x128xf32, #tpu.memory_space<vmem>>
          %parallel_loop3A_483 = tpu.memref_squeeze %parallel_loop3A_482 : memref<1x64x128xf32, #tpu.memory_space<vmem>> -> memref<64x128xf32, #tpu.memory_space<vmem>>
          tpu.vector_store_idx %parallel_loop3A_483[%parallel_loop3A_474, %parallel_loop3A_471], %parallel_loop3A_479 : memref<64x128xf32, #tpu.memory_space<vmem>>[vector<16xi32>, vector<16xi32>], vector<16xf32>,
          %parallel_loop3A_484 = vector.broadcast %parallel_loop3A_246 : i32 to vector<16xi32>
          %parallel_loop3A_485 = arith.addi %and3A_71, %parallel_loop3A_484 : vector<16xi32>
          %parallel_loop3A_486 = arith.constant 1 : i32
          %parallel_loop3A_487 = vector.broadcast %parallel_loop3A_486 : i32 to vector<16xi32>
          %parallel_loop3A_488 = arith.andi %parallel_loop3A_485, %parallel_loop3A_487 : vector<16xi32>
          %parallel_loop3A_489 = arith.constant 6 : i32
          %parallel_loop3A_490 = vector.broadcast %parallel_loop3A_489 : i32 to vector<16xi32>
          %parallel_loop3A_491 = arith.shli %parallel_loop3A_488, %parallel_loop3A_490 : vector<16xi32>
          %parallel_loop3A_492 = arith.addi %parallel_loop3A_491, %parallel_loop3A_252 : vector<16xi32>
          %parallel_loop3A_493 = arith.constant 1 : i32
          %parallel_loop3A_494 = vector.broadcast %parallel_loop3A_493 : i32 to vector<16xi32>
          %parallel_loop3A_495 = arith.shrsi %parallel_loop3A_485, %parallel_loop3A_494 : vector<16xi32>
          %parallel_loop3A_496 = arith.constant 0 : i32
          %parallel_loop3A_497 = arith.constant 0 : i32
          %parallel_loop3A_498 = tpu.memref_slice %arg5[%parallel_loop3A_227, %parallel_loop3A_496, %parallel_loop3A_497] : memref<2x64x128xf32, #tpu.memory_space<vmem>> -> memref<1x64x128xf32, #tpu.memory_space<vmem>>
          %parallel_loop3A_499 = tpu.memref_squeeze %parallel_loop3A_498 : memref<1x64x128xf32, #tpu.memory_space<vmem>> -> memref<64x128xf32, #tpu.memory_space<vmem>>
          %parallel_loop3A_500 = tpu.vector_load_idx %parallel_loop3A_499[%parallel_loop3A_252, %parallel_loop3A_485] : memref<64x128xf32, #tpu.memory_space<vmem>>[vector<16xi32>, vector<16xi32>], vector<16xf32>,
          %parallel_loop3A_501 = arith.constant 0 : i32
          %parallel_loop3A_502 = arith.constant 0 : i32
          %parallel_loop3A_503 = tpu.memref_slice %arg6[%parallel_loop3A_228, %parallel_loop3A_501, %parallel_loop3A_502] : memref<2x64x128xf32, #tpu.memory_space<vmem>> -> memref<1x64x128xf32, #tpu.memory_space<vmem>>
          %parallel_loop3A_504 = tpu.memref_squeeze %parallel_loop3A_503 : memref<1x64x128xf32, #tpu.memory_space<vmem>> -> memref<64x128xf32, #tpu.memory_space<vmem>>
          tpu.vector_store_idx %parallel_loop3A_504[%parallel_loop3A_495, %parallel_loop3A_492], %parallel_loop3A_500 : memref<64x128xf32, #tpu.memory_space<vmem>>[vector<16xi32>, vector<16xi32>], vector<16xf32>,
          %parallel_loop3A_505 = vector.broadcast %parallel_loop3A_246 : i32 to vector<16xi32>
          %parallel_loop3A_506 = arith.addi %and3A_77, %parallel_loop3A_505 : vector<16xi32>
          %parallel_loop3A_507 = arith.constant 1 : i32
          %parallel_loop3A_508 = vector.broadcast %parallel_loop3A_507 : i32 to vector<16xi32>
          %parallel_loop3A_509 = arith.andi %parallel_loop3A_506, %parallel_loop3A_508 : vector<16xi32>
          %parallel_loop3A_510 = arith.constant 6 : i32
          %parallel_loop3A_511 = vector.broadcast %parallel_loop3A_510 : i32 to vector<16xi32>
          %parallel_loop3A_512 = arith.shli %parallel_loop3A_509, %parallel_loop3A_511 : vector<16xi32>
          %parallel_loop3A_513 = arith.addi %parallel_loop3A_512, %parallel_loop3A_252 : vector<16xi32>
          %parallel_loop3A_514 = arith.constant 1 : i32
          %parallel_loop3A_515 = vector.broadcast %parallel_loop3A_514 : i32 to vector<16xi32>
          %parallel_loop3A_516 = arith.shrsi %parallel_loop3A_506, %parallel_loop3A_515 : vector<16xi32>
          %parallel_loop3A_517 = arith.constant 0 : i32
          %parallel_loop3A_518 = arith.constant 0 : i32
          %parallel_loop3A_519 = tpu.memref_slice %arg5[%parallel_loop3A_227, %parallel_loop3A_517, %parallel_loop3A_518] : memref<2x64x128xf32, #tpu.memory_space<vmem>> -> memref<1x64x128xf32, #tpu.memory_space<vmem>>
          %parallel_loop3A_520 = tpu.memref_squeeze %parallel_loop3A_519 : memref<1x64x128xf32, #tpu.memory_space<vmem>> -> memref<64x128xf32, #tpu.memory_space<vmem>>
          %parallel_loop3A_521 = tpu.vector_load_idx %parallel_loop3A_520[%parallel_loop3A_252, %parallel_loop3A_506] : memref<64x128xf32, #tpu.memory_space<vmem>>[vector<16xi32>, vector<16xi32>], vector<16xf32>,
          %parallel_loop3A_522 = arith.constant 0 : i32
          %parallel_loop3A_523 = arith.constant 0 : i32
          %parallel_loop3A_524 = tpu.memref_slice %arg6[%parallel_loop3A_228, %parallel_loop3A_522, %parallel_loop3A_523] : memref<2x64x128xf32, #tpu.memory_space<vmem>> -> memref<1x64x128xf32, #tpu.memory_space<vmem>>
          %parallel_loop3A_525 = tpu.memref_squeeze %parallel_loop3A_524 : memref<1x64x128xf32, #tpu.memory_space<vmem>> -> memref<64x128xf32, #tpu.memory_space<vmem>>
          tpu.vector_store_idx %parallel_loop3A_525[%parallel_loop3A_516, %parallel_loop3A_513], %parallel_loop3A_521 : memref<64x128xf32, #tpu.memory_space<vmem>>[vector<16xi32>, vector<16xi32>], vector<16xf32>,
          %parallel_loop3A_526 = vector.broadcast %parallel_loop3A_246 : i32 to vector<16xi32>
          %parallel_loop3A_527 = arith.addi %and3A_83, %parallel_loop3A_526 : vector<16xi32>
          %parallel_loop3A_528 = arith.constant 1 : i32
          %parallel_loop3A_529 = vector.broadcast %parallel_loop3A_528 : i32 to vector<16xi32>
          %parallel_loop3A_530 = arith.andi %parallel_loop3A_527, %parallel_loop3A_529 : vector<16xi32>
          %parallel_loop3A_531 = arith.constant 6 : i32
          %parallel_loop3A_532 = vector.broadcast %parallel_loop3A_531 : i32 to vector<16xi32>
          %parallel_loop3A_533 = arith.shli %parallel_loop3A_530, %parallel_loop3A_532 : vector<16xi32>
          %parallel_loop3A_534 = arith.addi %parallel_loop3A_533, %parallel_loop3A_252 : vector<16xi32>
          %parallel_loop3A_535 = arith.constant 1 : i32
          %parallel_loop3A_536 = vector.broadcast %parallel_loop3A_535 : i32 to vector<16xi32>
          %parallel_loop3A_537 = arith.shrsi %parallel_loop3A_527, %parallel_loop3A_536 : vector<16xi32>
          %parallel_loop3A_538 = arith.constant 0 : i32
          %parallel_loop3A_539 = arith.constant 0 : i32
          %parallel_loop3A_540 = tpu.memref_slice %arg5[%parallel_loop3A_227, %parallel_loop3A_538, %parallel_loop3A_539] : memref<2x64x128xf32, #tpu.memory_space<vmem>> -> memref<1x64x128xf32, #tpu.memory_space<vmem>>
          %parallel_loop3A_541 = tpu.memref_squeeze %parallel_loop3A_540 : memref<1x64x128xf32, #tpu.memory_space<vmem>> -> memref<64x128xf32, #tpu.memory_space<vmem>>
          %parallel_loop3A_542 = tpu.vector_load_idx %parallel_loop3A_541[%parallel_loop3A_252, %parallel_loop3A_527] : memref<64x128xf32, #tpu.memory_space<vmem>>[vector<16xi32>, vector<16xi32>], vector<16xf32>,
          %parallel_loop3A_543 = arith.constant 0 : i32
          %parallel_loop3A_544 = arith.constant 0 : i32
          %parallel_loop3A_545 = tpu.memref_slice %arg6[%parallel_loop3A_228, %parallel_loop3A_543, %parallel_loop3A_544] : memref<2x64x128xf32, #tpu.memory_space<vmem>> -> memref<1x64x128xf32, #tpu.memory_space<vmem>>
          %parallel_loop3A_546 = tpu.memref_squeeze %parallel_loop3A_545 : memref<1x64x128xf32, #tpu.memory_space<vmem>> -> memref<64x128xf32, #tpu.memory_space<vmem>>
          tpu.vector_store_idx %parallel_loop3A_546[%parallel_loop3A_537, %parallel_loop3A_534], %parallel_loop3A_542 : memref<64x128xf32, #tpu.memory_space<vmem>>[vector<16xi32>, vector<16xi32>], vector<16xf32>,
          %parallel_loop3A_547 = vector.broadcast %parallel_loop3A_246 : i32 to vector<16xi32>
          %parallel_loop3A_548 = arith.addi %and3A_89, %parallel_loop3A_547 : vector<16xi32>
          %parallel_loop3A_549 = arith.constant 1 : i32
          %parallel_loop3A_550 = vector.broadcast %parallel_loop3A_549 : i32 to vector<16xi32>
          %parallel_loop3A_551 = arith.andi %parallel_loop3A_548, %parallel_loop3A_550 : vector<16xi32>
          %parallel_loop3A_552 = arith.constant 6 : i32
          %parallel_loop3A_553 = vector.broadcast %parallel_loop3A_552 : i32 to vector<16xi32>
          %parallel_loop3A_554 = arith.shli %parallel_loop3A_551, %parallel_loop3A_553 : vector<16xi32>
          %parallel_loop3A_555 = arith.addi %parallel_loop3A_554, %parallel_loop3A_252 : vector<16xi32>
          %parallel_loop3A_556 = arith.constant 1 : i32
          %parallel_loop3A_557 = vector.broadcast %parallel_loop3A_556 : i32 to vector<16xi32>
          %parallel_loop3A_558 = arith.shrsi %parallel_loop3A_548, %parallel_loop3A_557 : vector<16xi32>
          %parallel_loop3A_559 = arith.constant 0 : i32
          %parallel_loop3A_560 = arith.constant 0 : i32
          %parallel_loop3A_561 = tpu.memref_slice %arg5[%parallel_loop3A_227, %parallel_loop3A_559, %parallel_loop3A_560] : memref<2x64x128xf32, #tpu.memory_space<vmem>> -> memref<1x64x128xf32, #tpu.memory_space<vmem>>
          %parallel_loop3A_562 = tpu.memref_squeeze %parallel_loop3A_561 : memref<1x64x128xf32, #tpu.memory_space<vmem>> -> memref<64x128xf32, #tpu.memory_space<vmem>>
          %parallel_loop3A_563 = tpu.vector_load_idx %parallel_loop3A_562[%parallel_loop3A_252, %parallel_loop3A_548] : memref<64x128xf32, #tpu.memory_space<vmem>>[vector<16xi32>, vector<16xi32>], vector<16xf32>,
          %parallel_loop3A_564 = arith.constant 0 : i32
          %parallel_loop3A_565 = arith.constant 0 : i32
          %parallel_loop3A_566 = tpu.memref_slice %arg6[%parallel_loop3A_228, %parallel_loop3A_564, %parallel_loop3A_565] : memref<2x64x128xf32, #tpu.memory_space<vmem>> -> memref<1x64x128xf32, #tpu.memory_space<vmem>>
          %parallel_loop3A_567 = tpu.memref_squeeze %parallel_loop3A_566 : memref<1x64x128xf32, #tpu.memory_space<vmem>> -> memref<64x128xf32, #tpu.memory_space<vmem>>
          tpu.vector_store_idx %parallel_loop3A_567[%parallel_loop3A_558, %parallel_loop3A_555], %parallel_loop3A_563 : memref<64x128xf32, #tpu.memory_space<vmem>>[vector<16xi32>, vector<16xi32>], vector<16xf32>,
          %parallel_loop3A_568 = vector.broadcast %parallel_loop3A_246 : i32 to vector<16xi32>
          %parallel_loop3A_569 = arith.addi %and3A_95, %parallel_loop3A_568 : vector<16xi32>
          %parallel_loop3A_570 = arith.constant 1 : i32
          %parallel_loop3A_571 = vector.broadcast %parallel_loop3A_570 : i32 to vector<16xi32>
          %parallel_loop3A_572 = arith.andi %parallel_loop3A_569, %parallel_loop3A_571 : vector<16xi32>
          %parallel_loop3A_573 = arith.constant 6 : i32
          %parallel_loop3A_574 = vector.broadcast %parallel_loop3A_573 : i32 to vector<16xi32>
          %parallel_loop3A_575 = arith.shli %parallel_loop3A_572, %parallel_loop3A_574 : vector<16xi32>
          %parallel_loop3A_576 = arith.addi %parallel_loop3A_575, %parallel_loop3A_252 : vector<16xi32>
          %parallel_loop3A_577 = arith.constant 1 : i32
          %parallel_loop3A_578 = vector.broadcast %parallel_loop3A_577 : i32 to vector<16xi32>
          %parallel_loop3A_579 = arith.shrsi %parallel_loop3A_569, %parallel_loop3A_578 : vector<16xi32>
          %parallel_loop3A_580 = arith.constant 0 : i32
          %parallel_loop3A_581 = arith.constant 0 : i32
          %parallel_loop3A_582 = tpu.memref_slice %arg5[%parallel_loop3A_227, %parallel_loop3A_580, %parallel_loop3A_581] : memref<2x64x128xf32, #tpu.memory_space<vmem>> -> memref<1x64x128xf32, #tpu.memory_space<vmem>>
          %parallel_loop3A_583 = tpu.memref_squeeze %parallel_loop3A_582 : memref<1x64x128xf32, #tpu.memory_space<vmem>> -> memref<64x128xf32, #tpu.memory_space<vmem>>
          %parallel_loop3A_584 = tpu.vector_load_idx %parallel_loop3A_583[%parallel_loop3A_252, %parallel_loop3A_569] : memref<64x128xf32, #tpu.memory_space<vmem>>[vector<16xi32>, vector<16xi32>], vector<16xf32>,
          %parallel_loop3A_585 = arith.constant 0 : i32
          %parallel_loop3A_586 = arith.constant 0 : i32
          %parallel_loop3A_587 = tpu.memref_slice %arg6[%parallel_loop3A_228, %parallel_loop3A_585, %parallel_loop3A_586] : memref<2x64x128xf32, #tpu.memory_space<vmem>> -> memref<1x64x128xf32, #tpu.memory_space<vmem>>
          %parallel_loop3A_588 = tpu.memref_squeeze %parallel_loop3A_587 : memref<1x64x128xf32, #tpu.memory_space<vmem>> -> memref<64x128xf32, #tpu.memory_space<vmem>>
          tpu.vector_store_idx %parallel_loop3A_588[%parallel_loop3A_579, %parallel_loop3A_576], %parallel_loop3A_584 : memref<64x128xf32, #tpu.memory_space<vmem>>[vector<16xi32>, vector<16xi32>], vector<16xf32>,
        } {sc.loop_unroll_factor = 2 : i64, sc.parallel_access}
        %mul3A_229 = arith.constant 32 : i32
        %mul3A_230 = arith.muli %add3A_188, %mul3A_229 : i32
        %add3A_231 = arith.addi %mul3A_230, %add3A : i32
        %lt3A_232 = arith.constant 7812 : i32
        %lt3A_233 = arith.cmpi slt, %add3A_231, %lt3A_232 : i32
        %convert_element_type3A_234 = arith.extui %lt3A_233 : i1 to i32
        %cond3A_235 = arith.constant 0 : i32
        %cond3A_236 = arith.cmpi ne, %convert_element_type3A_234, %cond3A_235 : i32
        scf.if %cond3A_236 {
          %mul3A_242 = arith.constant 64 : i32
          %mul3A_243 = arith.muli %add3A_231, %mul3A_242 : i32
          %dma_start3A = arith.constant 1 : i32
          %dma_start3A_244 = arith.constant 0 : i32
          %dma_start3A_245 = arith.constant 0 : i32
          %dma_start3A_246 = tpu.memref_slice %arg6[%dma_start3A, %dma_start3A_244, %dma_start3A_245] : memref<2x64x128xf32, #tpu.memory_space<vmem>> -> memref<1x64x128xf32, #tpu.memory_space<vmem>>
          %dma_start3A_247 = tpu.memref_squeeze %dma_start3A_246 : memref<1x64x128xf32, #tpu.memory_space<vmem>> -> memref<64x128xf32, #tpu.memory_space<vmem>>
          %dma_start3A_248 = arith.constant 0 : i32
          %dma_start3A_249 = tpu.memref_slice %arg4[%mul3A_243, %dma_start3A_248] : memref<500000x128xf32, #tpu.memory_space<hbm>> -> memref<64x128xf32, #tpu.memory_space<hbm>>
          %dma_start3A_250 = arith.constant 0 : i32
          %dma_start3A_251 = tpu.memref_slice %arg4[%mul3A_243, %dma_start3A_250] : memref<500000x128xf32, #tpu.memory_space<hbm>> -> memref<64x128xf32, #tpu.memory_space<hbm>>
          %dma_start3A_252 = arith.constant 0 : i32
          %dma_start3A_253 = arith.constant 0 : i32
          %dma_start3A_254 = tpu.memref_slice %arg6[%dma_start3A, %dma_start3A_252, %dma_start3A_253] : memref<2x64x128xf32, #tpu.memory_space<vmem>> -> memref<1x64x128xf32, #tpu.memory_space<vmem>>
          %dma_start3A_255 = tpu.memref_squeeze %dma_start3A_254 : memref<1x64x128xf32, #tpu.memory_space<vmem>> -> memref<64x128xf32, #tpu.memory_space<vmem>>
          tpu.enqueue_dma source(%dma_start3A_255 : memref<64x128xf32, #tpu.memory_space<vmem>>) target(%dma_start3A_251 : memref<64x128xf32, #tpu.memory_space<hbm>>) target_semaphore(%arg10 : memref<!tpu.dma_semaphore, #tpu.memory_space<semaphore_mem>>)
        } else {
        }
        %eq3A_237 = arith.constant 7812 : i32
        %eq3A_238 = arith.cmpi eq, %add3A_231, %eq3A_237 : i32
        %convert_element_type3A_239 = arith.extui %eq3A_238 : i1 to i32
        %cond3A_240 = arith.constant 0 : i32
        %cond3A_241 = arith.cmpi ne, %convert_element_type3A_239, %cond3A_240 : i32
        scf.if %cond3A_241 {
          %dma_start3A = arith.constant 1 : i32
          %dma_start3A_242 = arith.constant 0 : i32
          %dma_start3A_243 = arith.constant 0 : i32
          %dma_start3A_244 = tpu.memref_slice %arg6[%dma_start3A, %dma_start3A_242, %dma_start3A_243] : memref<2x64x128xf32, #tpu.memory_space<vmem>> -> memref<1x32x128xf32, #tpu.memory_space<vmem>>
          %dma_start3A_245 = tpu.memref_squeeze %dma_start3A_244 : memref<1x32x128xf32, #tpu.memory_space<vmem>> -> memref<32x128xf32, #tpu.memory_space<vmem>>
          %dma_start3A_246 = arith.constant 499968 : i32
          %dma_start3A_247 = arith.constant 0 : i32
          %dma_start3A_248 = tpu.memref_slice %arg4[%dma_start3A_246, %dma_start3A_247] : memref<500000x128xf32, #tpu.memory_space<hbm>> -> memref<32x128xf32, #tpu.memory_space<hbm>>
          %dma_start3A_249 = arith.constant 499968 : i32
          %dma_start3A_250 = arith.constant 0 : i32
          %dma_start3A_251 = tpu.memref_slice %arg4[%dma_start3A_249, %dma_start3A_250] : memref<500000x128xf32, #tpu.memory_space<hbm>> -> memref<32x128xf32, #tpu.memory_space<hbm>>
          %dma_start3A_252 = arith.constant 0 : i32
          %dma_start3A_253 = arith.constant 0 : i32
          %dma_start3A_254 = tpu.memref_slice %arg6[%dma_start3A, %dma_start3A_252, %dma_start3A_253] : memref<2x64x128xf32, #tpu.memory_space<vmem>> -> memref<1x32x128xf32, #tpu.memory_space<vmem>>
          %dma_start3A_255 = tpu.memref_squeeze %dma_start3A_254 : memref<1x32x128xf32, #tpu.memory_space<vmem>> -> memref<32x128xf32, #tpu.memory_space<vmem>>
          tpu.enqueue_dma source(%dma_start3A_255 : memref<32x128xf32, #tpu.memory_space<vmem>>) target(%dma_start3A_251 : memref<32x128xf32, #tpu.memory_space<hbm>>) target_semaphore(%arg10 : memref<!tpu.dma_semaphore, #tpu.memory_space<semaphore_mem>>)
        } else {
        }
      } else {
      }
      %scan3A_207 = arith.constant 0 : i32
      scf.yield %scan3A_207 : i32
    }
    %scan3A_109 = arith.constant 123 : i32
    %sub3A = arith.constant 7812 : i32
    %sub3A_110 = arith.subi %sub3A, %add3A : i32
    %jit3A = arith.constant 32 : i32
    %div3A = arith.divsi %sub3A_110, %jit3A : i32
    %sign3A = arith.constant 0 : i32
    %sign3A_111 = arith.cmpi sgt, %sub3A_110, %sign3A : i32
    %sign3A_112 = arith.extui %sign3A_111 : i1 to i32
    %sign3A_113 = arith.constant 0 : i32
    %sign3A_114 = arith.cmpi slt, %sub3A_110, %sign3A_113 : i32
    %sign3A_115 = arith.extui %sign3A_114 : i1 to i32
    %sign3A_116 = arith.subi %sign3A_112, %sign3A_115 : i32
    %sign3A_117 = arith.constant 0 : i32
    %sign3A_118 = arith.cmpi sgt, %jit3A, %sign3A_117 : i32
    %sign3A_119 = arith.extui %sign3A_118 : i1 to i32
    %sign3A_120 = arith.constant 0 : i32
    %sign3A_121 = arith.cmpi slt, %jit3A, %sign3A_120 : i32
    %sign3A_122 = arith.extui %sign3A_121 : i1 to i32
    %sign3A_123 = arith.subi %sign3A_119, %sign3A_122 : i32
    %ne3A = arith.cmpi ne, %sign3A_116, %sign3A_123 : i32
    %rem3A = arith.remsi %sub3A_110, %jit3A : i32
    %ne3A_124 = arith.constant 0 : i32
    %ne3A_125 = arith.cmpi ne, %rem3A, %ne3A_124 : i32
    %and3A_126 = arith.andi %ne3A, %ne3A_125 : i1
    %sub3A_127 = arith.constant 1 : i32
    %sub3A_128 = arith.subi %div3A, %sub3A_127 : i32
    %select_n3A = arith.select %and3A_126, %sub3A_128, %div3A : i32
    %sub3A_129 = arith.constant 0 : i32
    %sub3A_130 = arith.subi %select_n3A, %sub3A_129 : i32
    %rem3A_131 = arith.constant 2 : i32
    %rem3A_132 = arith.remsi %sub3A_130, %rem3A_131 : i32
    %eq3A_133 = arith.constant 0 : i32
    %eq3A_134 = arith.cmpi eq, %rem3A_132, %eq3A_133 : i32
    %convert_element_type3A_135 = arith.extui %eq3A_134 : i1 to i32
    %cond3A_136 = arith.constant 0 : i32
    %cond3A_137 = arith.cmpi ne, %convert_element_type3A_135, %cond3A_136 : i32
    scf.if %cond3A_137 {
      %mul3A_161 = arith.constant 32 : i32
      %mul3A_162 = arith.muli %sub3A_130, %mul3A_161 : i32
      %add3A_163 = arith.addi %mul3A_162, %add3A : i32
      %lt3A_164 = arith.constant 7812 : i32
      %lt3A_165 = arith.cmpi slt, %add3A_163, %lt3A_164 : i32
      %convert_element_type3A_166 = arith.extui %lt3A_165 : i1 to i32
      %cond3A_167 = arith.constant 0 : i32
      %cond3A_168 = arith.cmpi ne, %convert_element_type3A_166, %cond3A_167 : i32
      scf.if %cond3A_168 {
        %dma_wait3A = arith.constant 0 : i32
        %dma_wait3A_174 = arith.constant 0 : i32
        %dma_wait3A_175 = arith.constant 0 : i32
        %dma_wait3A_176 = tpu.memref_slice %arg6[%dma_wait3A, %dma_wait3A_174, %dma_wait3A_175] : memref<2x64x128xf32, #tpu.memory_space<vmem>> -> memref<1x64x128xf32, #tpu.memory_space<vmem>>
        %dma_wait3A_177 = tpu.memref_squeeze %dma_wait3A_176 : memref<1x64x128xf32, #tpu.memory_space<vmem>> -> memref<64x128xf32, #tpu.memory_space<vmem>>
        %dma_wait3A_178 = arith.constant 0 : i32
        %dma_wait3A_179 = arith.constant 0 : i32
        %dma_wait3A_180 = tpu.memref_slice %arg4[%dma_wait3A_178, %dma_wait3A_179] : memref<500000x128xf32, #tpu.memory_space<hbm>> -> memref<64x128xf32, #tpu.memory_space<hbm>>
        %dma_wait3A_181 = arith.constant 0 : i32
        %dma_wait3A_182 = arith.constant 0 : i32
        %dma_wait3A_183 = tpu.memref_slice %arg4[%dma_wait3A_181, %dma_wait3A_182] : memref<500000x128xf32, #tpu.memory_space<hbm>> -> memref<64x128xf32, #tpu.memory_space<hbm>>
        %dma_wait3A_184 = arith.constant 0 : i32
        %dma_wait3A_185 = arith.constant 0 : i32
        %dma_wait3A_186 = tpu.memref_slice %arg6[%dma_wait3A, %dma_wait3A_184, %dma_wait3A_185] : memref<2x64x128xf32, #tpu.memory_space<vmem>> -> memref<1x64x128xf32, #tpu.memory_space<vmem>>
        %dma_wait3A_187 = tpu.memref_squeeze %dma_wait3A_186 : memref<1x64x128xf32, #tpu.memory_space<vmem>> -> memref<64x128xf32, #tpu.memory_space<vmem>>
        tpu.wait_dma2 semaphore(%arg9 : memref<!tpu.dma_semaphore, #tpu.memory_space<semaphore_mem>>) src(%dma_wait3A_187 : memref<64x128xf32, #tpu.memory_space<vmem>>) dst(%dma_wait3A_183 : memref<64x128xf32, #tpu.memory_space<hbm>>)
      } else {
      }
      %eq3A_169 = arith.constant 7812 : i32
      %eq3A_170 = arith.cmpi eq, %add3A_163, %eq3A_169 : i32
      %convert_element_type3A_171 = arith.extui %eq3A_170 : i1 to i32
      %cond3A_172 = arith.constant 0 : i32
      %cond3A_173 = arith.cmpi ne, %convert_element_type3A_171, %cond3A_172 : i32
      scf.if %cond3A_173 {
        %dma_wait3A = arith.constant 0 : i32
        %dma_wait3A_174 = arith.constant 0 : i32
        %dma_wait3A_175 = arith.constant 0 : i32
        %dma_wait3A_176 = tpu.memref_slice %arg6[%dma_wait3A, %dma_wait3A_174, %dma_wait3A_175] : memref<2x64x128xf32, #tpu.memory_space<vmem>> -> memref<1x32x128xf32, #tpu.memory_space<vmem>>
        %dma_wait3A_177 = tpu.memref_squeeze %dma_wait3A_176 : memref<1x32x128xf32, #tpu.memory_space<vmem>> -> memref<32x128xf32, #tpu.memory_space<vmem>>
        %dma_wait3A_178 = arith.constant 0 : i32
        %dma_wait3A_179 = arith.constant 0 : i32
        %dma_wait3A_180 = tpu.memref_slice %arg4[%dma_wait3A_178, %dma_wait3A_179] : memref<500000x128xf32, #tpu.memory_space<hbm>> -> memref<32x128xf32, #tpu.memory_space<hbm>>
        %dma_wait3A_181 = arith.constant 0 : i32
        %dma_wait3A_182 = arith.constant 0 : i32
        %dma_wait3A_183 = tpu.memref_slice %arg4[%dma_wait3A_181, %dma_wait3A_182] : memref<500000x128xf32, #tpu.memory_space<hbm>> -> memref<32x128xf32, #tpu.memory_space<hbm>>
        %dma_wait3A_184 = arith.constant 0 : i32
        %dma_wait3A_185 = arith.constant 0 : i32
        %dma_wait3A_186 = tpu.memref_slice %arg6[%dma_wait3A, %dma_wait3A_184, %dma_wait3A_185] : memref<2x64x128xf32, #tpu.memory_space<vmem>> -> memref<1x32x128xf32, #tpu.memory_space<vmem>>
        %dma_wait3A_187 = tpu.memref_squeeze %dma_wait3A_186 : memref<1x32x128xf32, #tpu.memory_space<vmem>> -> memref<32x128xf32, #tpu.memory_space<vmem>>
        tpu.wait_dma2 semaphore(%arg9 : memref<!tpu.dma_semaphore, #tpu.memory_space<semaphore_mem>>) src(%dma_wait3A_187 : memref<32x128xf32, #tpu.memory_space<vmem>>) dst(%dma_wait3A_183 : memref<32x128xf32, #tpu.memory_space<hbm>>)
      } else {
      }
    } else {
    }
    %rem3A_138 = arith.constant 2 : i32
    %rem3A_139 = arith.remsi %sub3A_130, %rem3A_138 : i32
    %eq3A_140 = arith.constant 1 : i32
    %eq3A_141 = arith.cmpi eq, %rem3A_139, %eq3A_140 : i32
    %convert_element_type3A_142 = arith.extui %eq3A_141 : i1 to i32
    %cond3A_143 = arith.constant 0 : i32
    %cond3A_144 = arith.cmpi ne, %convert_element_type3A_142, %cond3A_143 : i32
    scf.if %cond3A_144 {
      %mul3A_161 = arith.constant 32 : i32
      %mul3A_162 = arith.muli %sub3A_130, %mul3A_161 : i32
      %add3A_163 = arith.addi %mul3A_162, %add3A : i32
      %lt3A_164 = arith.constant 7812 : i32
      %lt3A_165 = arith.cmpi slt, %add3A_163, %lt3A_164 : i32
      %convert_element_type3A_166 = arith.extui %lt3A_165 : i1 to i32
      %cond3A_167 = arith.constant 0 : i32
      %cond3A_168 = arith.cmpi ne, %convert_element_type3A_166, %cond3A_167 : i32
      scf.if %cond3A_168 {
        %dma_wait3A = arith.constant 1 : i32
        %dma_wait3A_174 = arith.constant 0 : i32
        %dma_wait3A_175 = arith.constant 0 : i32
        %dma_wait3A_176 = tpu.memref_slice %arg6[%dma_wait3A, %dma_wait3A_174, %dma_wait3A_175] : memref<2x64x128xf32, #tpu.memory_space<vmem>> -> memref<1x64x128xf32, #tpu.memory_space<vmem>>
        %dma_wait3A_177 = tpu.memref_squeeze %dma_wait3A_176 : memref<1x64x128xf32, #tpu.memory_space<vmem>> -> memref<64x128xf32, #tpu.memory_space<vmem>>
        %dma_wait3A_178 = arith.constant 0 : i32
        %dma_wait3A_179 = arith.constant 0 : i32
        %dma_wait3A_180 = tpu.memref_slice %arg4[%dma_wait3A_178, %dma_wait3A_179] : memref<500000x128xf32, #tpu.memory_space<hbm>> -> memref<64x128xf32, #tpu.memory_space<hbm>>
        %dma_wait3A_181 = arith.constant 0 : i32
        %dma_wait3A_182 = arith.constant 0 : i32
        %dma_wait3A_183 = tpu.memref_slice %arg4[%dma_wait3A_181, %dma_wait3A_182] : memref<500000x128xf32, #tpu.memory_space<hbm>> -> memref<64x128xf32, #tpu.memory_space<hbm>>
        %dma_wait3A_184 = arith.constant 0 : i32
        %dma_wait3A_185 = arith.constant 0 : i32
        %dma_wait3A_186 = tpu.memref_slice %arg6[%dma_wait3A, %dma_wait3A_184, %dma_wait3A_185] : memref<2x64x128xf32, #tpu.memory_space<vmem>> -> memref<1x64x128xf32, #tpu.memory_space<vmem>>
        %dma_wait3A_187 = tpu.memref_squeeze %dma_wait3A_186 : memref<1x64x128xf32, #tpu.memory_space<vmem>> -> memref<64x128xf32, #tpu.memory_space<vmem>>
        tpu.wait_dma2 semaphore(%arg10 : memref<!tpu.dma_semaphore, #tpu.memory_space<semaphore_mem>>) src(%dma_wait3A_187 : memref<64x128xf32, #tpu.memory_space<vmem>>) dst(%dma_wait3A_183 : memref<64x128xf32, #tpu.memory_space<hbm>>)
      } else {
      }
      %eq3A_169 = arith.constant 7812 : i32
      %eq3A_170 = arith.cmpi eq, %add3A_163, %eq3A_169 : i32
      %convert_element_type3A_171 = arith.extui %eq3A_170 : i1 to i32
      %cond3A_172 = arith.constant 0 : i32
      %cond3A_173 = arith.cmpi ne, %convert_element_type3A_171, %cond3A_172 : i32
      scf.if %cond3A_173 {
        %dma_wait3A = arith.constant 1 : i32
        %dma_wait3A_174 = arith.constant 0 : i32
        %dma_wait3A_175 = arith.constant 0 : i32
        %dma_wait3A_176 = tpu.memref_slice %arg6[%dma_wait3A, %dma_wait3A_174, %dma_wait3A_175] : memref<2x64x128xf32, #tpu.memory_space<vmem>> -> memref<1x32x128xf32, #tpu.memory_space<vmem>>
        %dma_wait3A_177 = tpu.memref_squeeze %dma_wait3A_176 : memref<1x32x128xf32, #tpu.memory_space<vmem>> -> memref<32x128xf32, #tpu.memory_space<vmem>>
        %dma_wait3A_178 = arith.constant 0 : i32
        %dma_wait3A_179 = arith.constant 0 : i32
        %dma_wait3A_180 = tpu.memref_slice %arg4[%dma_wait3A_178, %dma_wait3A_179] : memref<500000x128xf32, #tpu.memory_space<hbm>> -> memref<32x128xf32, #tpu.memory_space<hbm>>
        %dma_wait3A_181 = arith.constant 0 : i32
        %dma_wait3A_182 = arith.constant 0 : i32
        %dma_wait3A_183 = tpu.memref_slice %arg4[%dma_wait3A_181, %dma_wait3A_182] : memref<500000x128xf32, #tpu.memory_space<hbm>> -> memref<32x128xf32, #tpu.memory_space<hbm>>
        %dma_wait3A_184 = arith.constant 0 : i32
        %dma_wait3A_185 = arith.constant 0 : i32
        %dma_wait3A_186 = tpu.memref_slice %arg6[%dma_wait3A, %dma_wait3A_184, %dma_wait3A_185] : memref<2x64x128xf32, #tpu.memory_space<vmem>> -> memref<1x32x128xf32, #tpu.memory_space<vmem>>
        %dma_wait3A_187 = tpu.memref_squeeze %dma_wait3A_186 : memref<1x32x128xf32, #tpu.memory_space<vmem>> -> memref<32x128xf32, #tpu.memory_space<vmem>>
        tpu.wait_dma2 semaphore(%arg10 : memref<!tpu.dma_semaphore, #tpu.memory_space<semaphore_mem>>) src(%dma_wait3A_187 : memref<32x128xf32, #tpu.memory_space<vmem>>) dst(%dma_wait3A_183 : memref<32x128xf32, #tpu.memory_space<hbm>>)
      } else {
      }
    } else {
    }
    %sub3A_145 = arith.constant 1 : i32
    %sub3A_146 = arith.subi %select_n3A, %sub3A_145 : i32
    %rem3A_147 = arith.constant 2 : i32
    %rem3A_148 = arith.remsi %sub3A_146, %rem3A_147 : i32
    %eq3A_149 = arith.constant 0 : i32
    %eq3A_150 = arith.cmpi eq, %rem3A_148, %eq3A_149 : i32
    %convert_element_type3A_151 = arith.extui %eq3A_150 : i1 to i32
    %cond3A_152 = arith.constant 0 : i32
    %cond3A_153 = arith.cmpi ne, %convert_element_type3A_151, %cond3A_152 : i32
    scf.if %cond3A_153 {
      %mul3A_161 = arith.constant 32 : i32
      %mul3A_162 = arith.muli %sub3A_146, %mul3A_161 : i32
      %add3A_163 = arith.addi %mul3A_162, %add3A : i32
      %lt3A_164 = arith.constant 7812 : i32
      %lt3A_165 = arith.cmpi slt, %add3A_163, %lt3A_164 : i32
      %convert_element_type3A_166 = arith.extui %lt3A_165 : i1 to i32
      %cond3A_167 = arith.constant 0 : i32
      %cond3A_168 = arith.cmpi ne, %convert_element_type3A_166, %cond3A_167 : i32
      scf.if %cond3A_168 {
        %dma_wait3A = arith.constant 0 : i32
        %dma_wait3A_174 = arith.constant 0 : i32
        %dma_wait3A_175 = arith.constant 0 : i32
        %dma_wait3A_176 = tpu.memref_slice %arg6[%dma_wait3A, %dma_wait3A_174, %dma_wait3A_175] : memref<2x64x128xf32, #tpu.memory_space<vmem>> -> memref<1x64x128xf32, #tpu.memory_space<vmem>>
        %dma_wait3A_177 = tpu.memref_squeeze %dma_wait3A_176 : memref<1x64x128xf32, #tpu.memory_space<vmem>> -> memref<64x128xf32, #tpu.memory_space<vmem>>
        %dma_wait3A_178 = arith.constant 0 : i32
        %dma_wait3A_179 = arith.constant 0 : i32
        %dma_wait3A_180 = tpu.memref_slice %arg4[%dma_wait3A_178, %dma_wait3A_179] : memref<500000x128xf32, #tpu.memory_space<hbm>> -> memref<64x128xf32, #tpu.memory_space<hbm>>
        %dma_wait3A_181 = arith.constant 0 : i32
        %dma_wait3A_182 = arith.constant 0 : i32
        %dma_wait3A_183 = tpu.memref_slice %arg4[%dma_wait3A_181, %dma_wait3A_182] : memref<500000x128xf32, #tpu.memory_space<hbm>> -> memref<64x128xf32, #tpu.memory_space<hbm>>
        %dma_wait3A_184 = arith.constant 0 : i32
        %dma_wait3A_185 = arith.constant 0 : i32
        %dma_wait3A_186 = tpu.memref_slice %arg6[%dma_wait3A, %dma_wait3A_184, %dma_wait3A_185] : memref<2x64x128xf32, #tpu.memory_space<vmem>> -> memref<1x64x128xf32, #tpu.memory_space<vmem>>
        %dma_wait3A_187 = tpu.memref_squeeze %dma_wait3A_186 : memref<1x64x128xf32, #tpu.memory_space<vmem>> -> memref<64x128xf32, #tpu.memory_space<vmem>>
        tpu.wait_dma2 semaphore(%arg9 : memref<!tpu.dma_semaphore, #tpu.memory_space<semaphore_mem>>) src(%dma_wait3A_187 : memref<64x128xf32, #tpu.memory_space<vmem>>) dst(%dma_wait3A_183 : memref<64x128xf32, #tpu.memory_space<hbm>>)
      } else {
      }
      %eq3A_169 = arith.constant 7812 : i32
      %eq3A_170 = arith.cmpi eq, %add3A_163, %eq3A_169 : i32
      %convert_element_type3A_171 = arith.extui %eq3A_170 : i1 to i32
      %cond3A_172 = arith.constant 0 : i32
      %cond3A_173 = arith.cmpi ne, %convert_element_type3A_171, %cond3A_172 : i32
      scf.if %cond3A_173 {
        %dma_wait3A = arith.constant 0 : i32
        %dma_wait3A_174 = arith.constant 0 : i32
        %dma_wait3A_175 = arith.constant 0 : i32
        %dma_wait3A_176 = tpu.memref_slice %arg6[%dma_wait3A, %dma_wait3A_174, %dma_wait3A_175] : memref<2x64x128xf32, #tpu.memory_space<vmem>> -> memref<1x32x128xf32, #tpu.memory_space<vmem>>
        %dma_wait3A_177 = tpu.memref_squeeze %dma_wait3A_176 : memref<1x32x128xf32, #tpu.memory_space<vmem>> -> memref<32x128xf32, #tpu.memory_space<vmem>>
        %dma_wait3A_178 = arith.constant 0 : i32
        %dma_wait3A_179 = arith.constant 0 : i32
        %dma_wait3A_180 = tpu.memref_slice %arg4[%dma_wait3A_178, %dma_wait3A_179] : memref<500000x128xf32, #tpu.memory_space<hbm>> -> memref<32x128xf32, #tpu.memory_space<hbm>>
        %dma_wait3A_181 = arith.constant 0 : i32
        %dma_wait3A_182 = arith.constant 0 : i32
        %dma_wait3A_183 = tpu.memref_slice %arg4[%dma_wait3A_181, %dma_wait3A_182] : memref<500000x128xf32, #tpu.memory_space<hbm>> -> memref<32x128xf32, #tpu.memory_space<hbm>>
        %dma_wait3A_184 = arith.constant 0 : i32
        %dma_wait3A_185 = arith.constant 0 : i32
        %dma_wait3A_186 = tpu.memref_slice %arg6[%dma_wait3A, %dma_wait3A_184, %dma_wait3A_185] : memref<2x64x128xf32, #tpu.memory_space<vmem>> -> memref<1x32x128xf32, #tpu.memory_space<vmem>>
        %dma_wait3A_187 = tpu.memref_squeeze %dma_wait3A_186 : memref<1x32x128xf32, #tpu.memory_space<vmem>> -> memref<32x128xf32, #tpu.memory_space<vmem>>
        tpu.wait_dma2 semaphore(%arg9 : memref<!tpu.dma_semaphore, #tpu.memory_space<semaphore_mem>>) src(%dma_wait3A_187 : memref<32x128xf32, #tpu.memory_space<vmem>>) dst(%dma_wait3A_183 : memref<32x128xf32, #tpu.memory_space<hbm>>)
      } else {
      }
    } else {
    }
    %rem3A_154 = arith.constant 2 : i32
    %rem3A_155 = arith.remsi %sub3A_146, %rem3A_154 : i32
    %eq3A_156 = arith.constant 1 : i32
    %eq3A_157 = arith.cmpi eq, %rem3A_155, %eq3A_156 : i32
    %convert_element_type3A_158 = arith.extui %eq3A_157 : i1 to i32
    %cond3A_159 = arith.constant 0 : i32
    %cond3A_160 = arith.cmpi ne, %convert_element_type3A_158, %cond3A_159 : i32
    scf.if %cond3A_160 {
      %mul3A_161 = arith.constant 32 : i32
      %mul3A_162 = arith.muli %sub3A_146, %mul3A_161 : i32
      %add3A_163 = arith.addi %mul3A_162, %add3A : i32
      %lt3A_164 = arith.constant 7812 : i32
      %lt3A_165 = arith.cmpi slt, %add3A_163, %lt3A_164 : i32
      %convert_element_type3A_166 = arith.extui %lt3A_165 : i1 to i32
      %cond3A_167 = arith.constant 0 : i32
      %cond3A_168 = arith.cmpi ne, %convert_element_type3A_166, %cond3A_167 : i32
      scf.if %cond3A_168 {
        %dma_wait3A = arith.constant 1 : i32
        %dma_wait3A_174 = arith.constant 0 : i32
        %dma_wait3A_175 = arith.constant 0 : i32
        %dma_wait3A_176 = tpu.memref_slice %arg6[%dma_wait3A, %dma_wait3A_174, %dma_wait3A_175] : memref<2x64x128xf32, #tpu.memory_space<vmem>> -> memref<1x64x128xf32, #tpu.memory_space<vmem>>
        %dma_wait3A_177 = tpu.memref_squeeze %dma_wait3A_176 : memref<1x64x128xf32, #tpu.memory_space<vmem>> -> memref<64x128xf32, #tpu.memory_space<vmem>>
        %dma_wait3A_178 = arith.constant 0 : i32
        %dma_wait3A_179 = arith.constant 0 : i32
        %dma_wait3A_180 = tpu.memref_slice %arg4[%dma_wait3A_178, %dma_wait3A_179] : memref<500000x128xf32, #tpu.memory_space<hbm>> -> memref<64x128xf32, #tpu.memory_space<hbm>>
        %dma_wait3A_181 = arith.constant 0 : i32
        %dma_wait3A_182 = arith.constant 0 : i32
        %dma_wait3A_183 = tpu.memref_slice %arg4[%dma_wait3A_181, %dma_wait3A_182] : memref<500000x128xf32, #tpu.memory_space<hbm>> -> memref<64x128xf32, #tpu.memory_space<hbm>>
        %dma_wait3A_184 = arith.constant 0 : i32
        %dma_wait3A_185 = arith.constant 0 : i32
        %dma_wait3A_186 = tpu.memref_slice %arg6[%dma_wait3A, %dma_wait3A_184, %dma_wait3A_185] : memref<2x64x128xf32, #tpu.memory_space<vmem>> -> memref<1x64x128xf32, #tpu.memory_space<vmem>>
        %dma_wait3A_187 = tpu.memref_squeeze %dma_wait3A_186 : memref<1x64x128xf32, #tpu.memory_space<vmem>> -> memref<64x128xf32, #tpu.memory_space<vmem>>
        tpu.wait_dma2 semaphore(%arg10 : memref<!tpu.dma_semaphore, #tpu.memory_space<semaphore_mem>>) src(%dma_wait3A_187 : memref<64x128xf32, #tpu.memory_space<vmem>>) dst(%dma_wait3A_183 : memref<64x128xf32, #tpu.memory_space<hbm>>)
      } else {
      }
      %eq3A_169 = arith.constant 7812 : i32
      %eq3A_170 = arith.cmpi eq, %add3A_163, %eq3A_169 : i32
      %convert_element_type3A_171 = arith.extui %eq3A_170 : i1 to i32
      %cond3A_172 = arith.constant 0 : i32
      %cond3A_173 = arith.cmpi ne, %convert_element_type3A_171, %cond3A_172 : i32
      scf.if %cond3A_173 {
        %dma_wait3A = arith.constant 1 : i32
        %dma_wait3A_174 = arith.constant 0 : i32
        %dma_wait3A_175 = arith.constant 0 : i32
        %dma_wait3A_176 = tpu.memref_slice %arg6[%dma_wait3A, %dma_wait3A_174, %dma_wait3A_175] : memref<2x64x128xf32, #tpu.memory_space<vmem>> -> memref<1x32x128xf32, #tpu.memory_space<vmem>>
        %dma_wait3A_177 = tpu.memref_squeeze %dma_wait3A_176 : memref<1x32x128xf32, #tpu.memory_space<vmem>> -> memref<32x128xf32, #tpu.memory_space<vmem>>
        %dma_wait3A_178 = arith.constant 0 : i32
        %dma_wait3A_179 = arith.constant 0 : i32
        %dma_wait3A_180 = tpu.memref_slice %arg4[%dma_wait3A_178, %dma_wait3A_179] : memref<500000x128xf32, #tpu.memory_space<hbm>> -> memref<32x128xf32, #tpu.memory_space<hbm>>
        %dma_wait3A_181 = arith.constant 0 : i32
        %dma_wait3A_182 = arith.constant 0 : i32
        %dma_wait3A_183 = tpu.memref_slice %arg4[%dma_wait3A_181, %dma_wait3A_182] : memref<500000x128xf32, #tpu.memory_space<hbm>> -> memref<32x128xf32, #tpu.memory_space<hbm>>
        %dma_wait3A_184 = arith.constant 0 : i32
        %dma_wait3A_185 = arith.constant 0 : i32
        %dma_wait3A_186 = tpu.memref_slice %arg6[%dma_wait3A, %dma_wait3A_184, %dma_wait3A_185] : memref<2x64x128xf32, #tpu.memory_space<vmem>> -> memref<1x32x128xf32, #tpu.memory_space<vmem>>
        %dma_wait3A_187 = tpu.memref_squeeze %dma_wait3A_186 : memref<1x32x128xf32, #tpu.memory_space<vmem>> -> memref<32x128xf32, #tpu.memory_space<vmem>>
        tpu.wait_dma2 semaphore(%arg10 : memref<!tpu.dma_semaphore, #tpu.memory_space<semaphore_mem>>) src(%dma_wait3A_187 : memref<32x128xf32, #tpu.memory_space<vmem>>) dst(%dma_wait3A_183 : memref<32x128xf32, #tpu.memory_space<hbm>>)
      } else {
      }
    } else {
    }
    return
  }
}

#map = affine_map<(d0, d1) -> (0, 0)>
#map1 = affine_map<(d0, d1) -> (0, 0, 0, 0, 0)>
module attributes {stable_mosaic.version = 14 : i64} {
  func.func @_emb_body(%arg0: i32, %arg1: i32, %arg2: memref<50x16384xi32, #tpu.memory_space<hbm>>, %arg3: memref<1000000x64xf32, #tpu.memory_space<hbm>>, %arg4: memref<50x8x128x8x128xf32, #tpu.memory_space<hbm>>, %arg5: memref<50x512xi32, #tpu.memory_space<vmem>>, %arg6: memref<2x128x64xf32, #tpu.memory_space<vmem>>, %arg7: memref<2x64x133xf32, #tpu.memory_space<vmem>>, %arg8: memref<!tpu.dma_semaphore, #tpu.memory_space<semaphore_mem>>, %arg9: memref<!tpu.dma_semaphore, #tpu.memory_space<semaphore_mem>>, %arg10: memref<!tpu.dma_semaphore, #tpu.memory_space<semaphore_mem>>, %arg11: memref<!tpu.dma_semaphore, #tpu.memory_space<semaphore_mem>>) attributes {dimension_semantics = [#tpu.dimension_semantics<core_parallel>, #tpu.dimension_semantics<subcore_parallel>], iteration_bounds = array<i64: 2, 16>, scalar_prefetch = 0 : i64, scratch_operands = 7 : i64, tpu.core_type = #tpu.core_type<sc_vector_subcore>, window_params = [{transform_indices = #map}, {transform_indices = #map}, {transform_indices = #map1}]} {
    %mul3A = arith.constant 2 : i32
    %mul3A_0 = arith.muli %arg1, %mul3A : i32
    %add3A = arith.addi %mul3A_0, %arg0 : i32
    %mul3A_1 = arith.constant 512 : i32
    %mul3A_2 = arith.muli %add3A, %mul3A_1 : i32
    "tpu.region"() ({
      %run_scoped3A = tpu.sem_alloc : memref<!tpu.dma_semaphore, #tpu.memory_space<semaphore_mem>>
      %dma_start3A_351 = arith.constant 0 : i32
      %dma_start3A_352 = tpu.memref_slice %arg2[%dma_start3A_351, %mul3A_2] : memref<50x16384xi32, #tpu.memory_space<hbm>> -> memref<50x512xi32, #tpu.memory_space<hbm>>
      %dma_start3A_353 = arith.constant 0 : i32
      %dma_start3A_354 = tpu.memref_slice %arg2[%dma_start3A_353, %mul3A_2] : memref<50x16384xi32, #tpu.memory_space<hbm>> -> memref<50x512xi32, #tpu.memory_space<hbm>>
      tpu.enqueue_dma source(%dma_start3A_354 : memref<50x512xi32, #tpu.memory_space<hbm>>) target(%arg5 : memref<50x512xi32, #tpu.memory_space<vmem>>) target_semaphore(%run_scoped3A : memref<!tpu.dma_semaphore, #tpu.memory_space<semaphore_mem>>)
      %dma_wait3A_355 = arith.constant 0 : i32
      %dma_wait3A_356 = tpu.memref_slice %arg2[%dma_wait3A_355, %mul3A_2] : memref<50x16384xi32, #tpu.memory_space<hbm>> -> memref<50x512xi32, #tpu.memory_space<hbm>>
      %dma_wait3A_357 = arith.constant 0 : i32
      %dma_wait3A_358 = tpu.memref_slice %arg2[%dma_wait3A_357, %mul3A_2] : memref<50x16384xi32, #tpu.memory_space<hbm>> -> memref<50x512xi32, #tpu.memory_space<hbm>>
      tpu.wait_dma2 semaphore(%run_scoped3A : memref<!tpu.dma_semaphore, #tpu.memory_space<semaphore_mem>>) src(%dma_wait3A_358 : memref<50x512xi32, #tpu.memory_space<hbm>>) dst(%arg5 : memref<50x512xi32, #tpu.memory_space<vmem>>)
      tpu.yield
    }) : () -> ()
    %iota3A = tpu.iota {dimensions = array<i32: 0>} : vector<16xi32>
    %add3A_3 = arith.constant 0 : i32
    %add3A_4 = vector.broadcast %add3A_3 : i32 to vector<16xi32>
    %add3A_5 = arith.addi %iota3A, %add3A_4 : vector<16xi32>
    %add3A_6 = arith.constant 16 : i32
    %add3A_7 = vector.broadcast %add3A_6 : i32 to vector<16xi32>
    %add3A_8 = arith.addi %iota3A, %add3A_7 : vector<16xi32>
    %add3A_9 = arith.constant 32 : i32
    %add3A_10 = vector.broadcast %add3A_9 : i32 to vector<16xi32>
    %add3A_11 = arith.addi %iota3A, %add3A_10 : vector<16xi32>
    %add3A_12 = arith.constant 48 : i32
    %add3A_13 = vector.broadcast %add3A_12 : i32 to vector<16xi32>
    %add3A_14 = arith.addi %iota3A, %add3A_13 : vector<16xi32>
    %dma_start3A = arith.constant 0 : i32
    %dma_start3A_15 = arith.constant 0 : i32
    %dma_start3A_16 = arith.constant 0 : i32
    %dma_start3A_17 = arith.constant 0 : i32
    %dma_start3A_18 = tpu.memref_slice %arg6[%dma_start3A_15, %dma_start3A_16, %dma_start3A_17] : memref<2x128x64xf32, #tpu.memory_space<vmem>> -> memref<1x128x64xf32, #tpu.memory_space<vmem>>
    %dma_start3A_19 = tpu.memref_squeeze %dma_start3A_18 : memref<1x128x64xf32, #tpu.memory_space<vmem>> -> memref<128x64xf32, #tpu.memory_space<vmem>>
    %dma_start3A_20 = arith.constant 0 : i32
    %dma_start3A_21 = tpu.memref_slice %arg5[%dma_start3A, %dma_start3A_20] : memref<50x512xi32, #tpu.memory_space<vmem>> -> memref<1x128xi32, #tpu.memory_space<vmem>>
    %dma_start3A_22 = tpu.memref_squeeze %dma_start3A_21 : memref<1x128xi32, #tpu.memory_space<vmem>> -> memref<128xi32, #tpu.memory_space<vmem>>
    %dma_start3A_23 = arith.constant 0 : i32
    %dma_start3A_24 = arith.constant 0 : i32
    %dma_start3A_25 = tpu.memref_slice %arg3[%dma_start3A_23, %dma_start3A_24] : memref<1000000x64xf32, #tpu.memory_space<hbm>> -> memref<1000000x64xf32, #tpu.memory_space<hbm>>
    tpu.enqueue_indirect_dma source(%dma_start3A_25 : memref<1000000x64xf32, #tpu.memory_space<hbm>>) target(%dma_start3A_19 : memref<128x64xf32, #tpu.memory_space<vmem>>) offsets(%dma_start3A_22 : memref<128xi32, #tpu.memory_space<vmem>>) semaphore(%arg8 : memref<!tpu.dma_semaphore, #tpu.memory_space<semaphore_mem>>)
    %scan3A = arith.constant 0 : i32
    %scan3A_26 = arith.constant 0 : i32
    %scan3A_27 = arith.constant 100 : i32
    %scan3A_28 = arith.addi %scan3A_26, %scan3A_27 : i32
    %scan3A_29 = arith.constant 1 : i32
    %scan3A_30 = scf.for %scan3A_351 = %scan3A_26 to %scan3A_28 step %scan3A_29 iter_args(%scan3A_352 = %scan3A) -> (i32)  : i32 {
      %mul3A_353 = arith.constant 2 : i32
      %mul3A_354 = arith.muli %scan3A_351, %mul3A_353 : i32
      %add3A_355 = arith.constant 0 : i32
      %add3A_356 = arith.addi %mul3A_354, %add3A_355 : i32
      %add3A_357 = arith.constant 1 : i32
      %add3A_358 = arith.addi %add3A_356, %add3A_357 : i32
      %lt3A = arith.constant 200 : i32
      %lt3A_359 = arith.cmpi slt, %add3A_358, %lt3A : i32
      %convert_element_type3A = arith.extui %lt3A_359 : i1 to i32
      %cond3A = arith.constant 0 : i32
      %cond3A_360 = arith.cmpi ne, %convert_element_type3A, %cond3A : i32
      scf.if %cond3A_360 {
        %add3A_786 = arith.constant 1 : i32
        %add3A_787 = arith.addi %add3A_356, %add3A_786 : i32
        %jit3A_788 = arith.constant 4 : i32
        %div3A_789 = arith.divsi %add3A_787, %jit3A_788 : i32
        %sign3A_790 = arith.constant 0 : i32
        %sign3A_791 = arith.cmpi sgt, %add3A_787, %sign3A_790 : i32
        %sign3A_792 = arith.extui %sign3A_791 : i1 to i32
        %sign3A_793 = arith.constant 0 : i32
        %sign3A_794 = arith.cmpi slt, %add3A_787, %sign3A_793 : i32
        %sign3A_795 = arith.extui %sign3A_794 : i1 to i32
        %sign3A_796 = arith.subi %sign3A_792, %sign3A_795 : i32
        %sign3A_797 = arith.constant 0 : i32
        %sign3A_798 = arith.cmpi sgt, %jit3A_788, %sign3A_797 : i32
        %sign3A_799 = arith.extui %sign3A_798 : i1 to i32
        %sign3A_800 = arith.constant 0 : i32
        %sign3A_801 = arith.cmpi slt, %jit3A_788, %sign3A_800 : i32
        %sign3A_802 = arith.extui %sign3A_801 : i1 to i32
        %sign3A_803 = arith.subi %sign3A_799, %sign3A_802 : i32
        %ne3A_804 = arith.cmpi ne, %sign3A_796, %sign3A_803 : i32
        %rem3A_805 = arith.remsi %add3A_787, %jit3A_788 : i32
        %ne3A_806 = arith.constant 0 : i32
        %ne3A_807 = arith.cmpi ne, %rem3A_805, %ne3A_806 : i32
        %and3A_808 = arith.andi %ne3A_804, %ne3A_807 : i1
        %sub3A_809 = arith.constant 1 : i32
        %sub3A_810 = arith.subi %div3A_789, %sub3A_809 : i32
        %select_n3A_811 = arith.select %and3A_808, %sub3A_810, %div3A_789 : i32
        %jit3A_812 = arith.constant 4 : i32
        %eq3A_813 = arith.constant 0 : i32
        %eq3A_814 = arith.cmpi eq, %jit3A_812, %eq3A_813 : i32
        %jit3A_815 = arith.constant 1 : i32
        %select_n3A_816 = arith.select %eq3A_814, %jit3A_815, %jit3A_812 : i32
        %rem3A_817 = arith.remsi %add3A_787, %select_n3A_816 : i32
        %ne3A_818 = arith.constant 0 : i32
        %ne3A_819 = arith.cmpi ne, %rem3A_817, %ne3A_818 : i32
        %lt3A_820 = arith.constant 0 : i32
        %lt3A_821 = arith.cmpi slt, %rem3A_817, %lt3A_820 : i32
        %lt3A_822 = arith.constant 0 : i32
        %lt3A_823 = arith.cmpi slt, %select_n3A_816, %lt3A_822 : i32
        %ne3A_824 = arith.xori %lt3A_821, %lt3A_823 : i1
        %and3A_825 = arith.andi %ne3A_824, %ne3A_819 : i1
        %add3A_826 = arith.addi %rem3A_817, %select_n3A_816 : i32
        %select_n3A_827 = arith.select %and3A_825, %add3A_826, %rem3A_817 : i32
        %mul3A_828 = arith.constant 128 : i32
        %mul3A_829 = arith.muli %select_n3A_827, %mul3A_828 : i32
        %dma_start3A_830 = arith.constant 1 : i32
        %dma_start3A_831 = arith.constant 0 : i32
        %dma_start3A_832 = arith.constant 0 : i32
        %dma_start3A_833 = tpu.memref_slice %arg6[%dma_start3A_830, %dma_start3A_831, %dma_start3A_832] : memref<2x128x64xf32, #tpu.memory_space<vmem>> -> memref<1x128x64xf32, #tpu.memory_space<vmem>>
        %dma_start3A_834 = tpu.memref_squeeze %dma_start3A_833 : memref<1x128x64xf32, #tpu.memory_space<vmem>> -> memref<128x64xf32, #tpu.memory_space<vmem>>
        %dma_start3A_835 = tpu.memref_slice %arg5[%select_n3A_811, %mul3A_829] : memref<50x512xi32, #tpu.memory_space<vmem>> -> memref<1x128xi32, #tpu.memory_space<vmem>>
        %dma_start3A_836 = tpu.memref_squeeze %dma_start3A_835 : memref<1x128xi32, #tpu.memory_space<vmem>> -> memref<128xi32, #tpu.memory_space<vmem>>
        %dma_start3A_837 = arith.constant 0 : i32
        %dma_start3A_838 = arith.constant 0 : i32
        %dma_start3A_839 = tpu.memref_slice %arg3[%dma_start3A_837, %dma_start3A_838] : memref<1000000x64xf32, #tpu.memory_space<hbm>> -> memref<1000000x64xf32, #tpu.memory_space<hbm>>
        tpu.enqueue_indirect_dma source(%dma_start3A_839 : memref<1000000x64xf32, #tpu.memory_space<hbm>>) target(%dma_start3A_834 : memref<128x64xf32, #tpu.memory_space<vmem>>) offsets(%dma_start3A_836 : memref<128xi32, #tpu.memory_space<vmem>>) semaphore(%arg9 : memref<!tpu.dma_semaphore, #tpu.memory_space<semaphore_mem>>)
      } else {
      }
      %dma_wait3A_361 = arith.constant 0 : i32
      %dma_wait3A_362 = arith.constant 0 : i32
      %dma_wait3A_363 = arith.constant 0 : i32
      %dma_wait3A_364 = tpu.memref_slice %arg6[%dma_wait3A_361, %dma_wait3A_362, %dma_wait3A_363] : memref<2x128x64xf32, #tpu.memory_space<vmem>> -> memref<1x128x64xf32, #tpu.memory_space<vmem>>
      %dma_wait3A_365 = tpu.memref_squeeze %dma_wait3A_364 : memref<1x128x64xf32, #tpu.memory_space<vmem>> -> memref<128x64xf32, #tpu.memory_space<vmem>>
      %dma_wait3A_366 = arith.constant 0 : i32
      %dma_wait3A_367 = arith.constant 0 : i32
      %dma_wait3A_368 = tpu.memref_slice %arg3[%dma_wait3A_366, %dma_wait3A_367] : memref<1000000x64xf32, #tpu.memory_space<hbm>> -> memref<128x64xf32, #tpu.memory_space<hbm>>
      %dma_wait3A_369 = arith.constant 0 : i32
      %dma_wait3A_370 = arith.constant 0 : i32
      %dma_wait3A_371 = tpu.memref_slice %arg6[%dma_wait3A_361, %dma_wait3A_369, %dma_wait3A_370] : memref<2x128x64xf32, #tpu.memory_space<vmem>> -> memref<1x128x64xf32, #tpu.memory_space<vmem>>
      %dma_wait3A_372 = tpu.memref_squeeze %dma_wait3A_371 : memref<1x128x64xf32, #tpu.memory_space<vmem>> -> memref<128x64xf32, #tpu.memory_space<vmem>>
      %dma_wait3A_373 = arith.constant 0 : i32
      %dma_wait3A_374 = arith.constant 0 : i32
      %dma_wait3A_375 = tpu.memref_slice %arg3[%dma_wait3A_373, %dma_wait3A_374] : memref<1000000x64xf32, #tpu.memory_space<hbm>> -> memref<128x64xf32, #tpu.memory_space<hbm>>
      tpu.wait_dma2 semaphore(%arg8 : memref<!tpu.dma_semaphore, #tpu.memory_space<semaphore_mem>>) src(%dma_wait3A_375 : memref<128x64xf32, #tpu.memory_space<hbm>>) dst(%dma_wait3A_372 : memref<128x64xf32, #tpu.memory_space<vmem>>)
      %ge3A = arith.constant 2 : i32
      %ge3A_376 = arith.cmpi sge, %add3A_356, %ge3A : i32
      %convert_element_type3A_377 = arith.extui %ge3A_376 : i1 to i32
      %cond3A_378 = arith.constant 0 : i32
      %cond3A_379 = arith.cmpi ne, %convert_element_type3A_377, %cond3A_378 : i32
      scf.if %cond3A_379 {
        %dma_wait3A_786 = arith.constant 0 : i32
        %dma_wait3A_787 = arith.constant 0 : i32
        %dma_wait3A_788 = arith.constant 0 : i32
        %dma_wait3A_789 = arith.constant 0 : i32
        %dma_wait3A_790 = arith.constant 0 : i32
        %dma_wait3A_791 = arith.constant 0 : i32
        %dma_wait3A_792 = tpu.memref_slice %arg7[%dma_wait3A_786, %dma_wait3A_790, %dma_wait3A_791] : memref<2x64x133xf32, #tpu.memory_space<vmem>> -> memref<1x8x128xf32, #tpu.memory_space<vmem>>
        %dma_wait3A_793 = tpu.memref_squeeze %dma_wait3A_792 : memref<1x8x128xf32, #tpu.memory_space<vmem>> -> memref<8x128xf32, #tpu.memory_space<vmem>>
        %dma_wait3A_794 = arith.constant 0 : i32
        %dma_wait3A_795 = arith.constant 0 : i32
        %dma_wait3A_796 = tpu.memref_slice %arg4[%dma_wait3A_787, %dma_wait3A_788, %dma_wait3A_789, %dma_wait3A_794, %dma_wait3A_795] : memref<50x8x128x8x128xf32, #tpu.memory_space<hbm>> -> memref<1x1x1x8x128xf32, #tpu.memory_space<hbm>>
        %dma_wait3A_797 = tpu.memref_squeeze %dma_wait3A_796 : memref<1x1x1x8x128xf32, #tpu.memory_space<hbm>> -> memref<8x128xf32, #tpu.memory_space<hbm>>
        %dma_wait3A_798 = arith.constant 0 : i32
        %dma_wait3A_799 = arith.constant 0 : i32
        %dma_wait3A_800 = tpu.memref_slice %arg4[%dma_wait3A_787, %dma_wait3A_788, %dma_wait3A_789, %dma_wait3A_798, %dma_wait3A_799] : memref<50x8x128x8x128xf32, #tpu.memory_space<hbm>> -> memref<1x1x1x8x128xf32, #tpu.memory_space<hbm>>
        %dma_wait3A_801 = tpu.memref_squeeze %dma_wait3A_800 : memref<1x1x1x8x128xf32, #tpu.memory_space<hbm>> -> memref<8x128xf32, #tpu.memory_space<hbm>>
        %dma_wait3A_802 = arith.constant 0 : i32
        %dma_wait3A_803 = arith.constant 0 : i32
        %dma_wait3A_804 = tpu.memref_slice %arg7[%dma_wait3A_786, %dma_wait3A_802, %dma_wait3A_803] : memref<2x64x133xf32, #tpu.memory_space<vmem>> -> memref<1x8x128xf32, #tpu.memory_space<vmem>>
        %dma_wait3A_805 = tpu.memref_squeeze %dma_wait3A_804 : memref<1x8x128xf32, #tpu.memory_space<vmem>> -> memref<8x128xf32, #tpu.memory_space<vmem>>
        tpu.wait_dma2 semaphore(%arg10 : memref<!tpu.dma_semaphore, #tpu.memory_space<semaphore_mem>>) src(%dma_wait3A_805 : memref<8x128xf32, #tpu.memory_space<vmem>>) dst(%dma_wait3A_801 : memref<8x128xf32, #tpu.memory_space<hbm>>)
        %dma_wait3A_806 = arith.constant 0 : i32
        %dma_wait3A_807 = arith.constant 0 : i32
        %dma_wait3A_808 = arith.constant 1 : i32
        %dma_wait3A_809 = arith.constant 0 : i32
        %dma_wait3A_810 = arith.constant 8 : i32
        %dma_wait3A_811 = arith.constant 0 : i32
        %dma_wait3A_812 = tpu.memref_slice %arg7[%dma_wait3A_806, %dma_wait3A_810, %dma_wait3A_811] : memref<2x64x133xf32, #tpu.memory_space<vmem>> -> memref<1x8x128xf32, #tpu.memory_space<vmem>>
        %dma_wait3A_813 = tpu.memref_squeeze %dma_wait3A_812 : memref<1x8x128xf32, #tpu.memory_space<vmem>> -> memref<8x128xf32, #tpu.memory_space<vmem>>
        %dma_wait3A_814 = arith.constant 0 : i32
        %dma_wait3A_815 = arith.constant 0 : i32
        %dma_wait3A_816 = tpu.memref_slice %arg4[%dma_wait3A_807, %dma_wait3A_808, %dma_wait3A_809, %dma_wait3A_814, %dma_wait3A_815] : memref<50x8x128x8x128xf32, #tpu.memory_space<hbm>> -> memref<1x1x1x8x128xf32, #tpu.memory_space<hbm>>
        %dma_wait3A_817 = tpu.memref_squeeze %dma_wait3A_816 : memref<1x1x1x8x128xf32, #tpu.memory_space<hbm>> -> memref<8x128xf32, #tpu.memory_space<hbm>>
        %dma_wait3A_818 = arith.constant 0 : i32
        %dma_wait3A_819 = arith.constant 0 : i32
        %dma_wait3A_820 = tpu.memref_slice %arg4[%dma_wait3A_807, %dma_wait3A_808, %dma_wait3A_809, %dma_wait3A_818, %dma_wait3A_819] : memref<50x8x128x8x128xf32, #tpu.memory_space<hbm>> -> memref<1x1x1x8x128xf32, #tpu.memory_space<hbm>>
        %dma_wait3A_821 = tpu.memref_squeeze %dma_wait3A_820 : memref<1x1x1x8x128xf32, #tpu.memory_space<hbm>> -> memref<8x128xf32, #tpu.memory_space<hbm>>
        %dma_wait3A_822 = arith.constant 8 : i32
        %dma_wait3A_823 = arith.constant 0 : i32
        %dma_wait3A_824 = tpu.memref_slice %arg7[%dma_wait3A_806, %dma_wait3A_822, %dma_wait3A_823] : memref<2x64x133xf32, #tpu.memory_space<vmem>> -> memref<1x8x128xf32, #tpu.memory_space<vmem>>
        %dma_wait3A_825 = tpu.memref_squeeze %dma_wait3A_824 : memref<1x8x128xf32, #tpu.memory_space<vmem>> -> memref<8x128xf32, #tpu.memory_space<vmem>>
        tpu.wait_dma2 semaphore(%arg10 : memref<!tpu.dma_semaphore, #tpu.memory_space<semaphore_mem>>) src(%dma_wait3A_825 : memref<8x128xf32, #tpu.memory_space<vmem>>) dst(%dma_wait3A_821 : memref<8x128xf32, #tpu.memory_space<hbm>>)
        %dma_wait3A_826 = arith.constant 0 : i32
        %dma_wait3A_827 = arith.constant 0 : i32
        %dma_wait3A_828 = arith.constant 2 : i32
        %dma_wait3A_829 = arith.constant 0 : i32
        %dma_wait3A_830 = arith.constant 16 : i32
        %dma_wait3A_831 = arith.constant 0 : i32
        %dma_wait3A_832 = tpu.memref_slice %arg7[%dma_wait3A_826, %dma_wait3A_830, %dma_wait3A_831] : memref<2x64x133xf32, #tpu.memory_space<vmem>> -> memref<1x8x128xf32, #tpu.memory_space<vmem>>
        %dma_wait3A_833 = tpu.memref_squeeze %dma_wait3A_832 : memref<1x8x128xf32, #tpu.memory_space<vmem>> -> memref<8x128xf32, #tpu.memory_space<vmem>>
        %dma_wait3A_834 = arith.constant 0 : i32
        %dma_wait3A_835 = arith.constant 0 : i32
        %dma_wait3A_836 = tpu.memref_slice %arg4[%dma_wait3A_827, %dma_wait3A_828, %dma_wait3A_829, %dma_wait3A_834, %dma_wait3A_835] : memref<50x8x128x8x128xf32, #tpu.memory_space<hbm>> -> memref<1x1x1x8x128xf32, #tpu.memory_space<hbm>>
        %dma_wait3A_837 = tpu.memref_squeeze %dma_wait3A_836 : memref<1x1x1x8x128xf32, #tpu.memory_space<hbm>> -> memref<8x128xf32, #tpu.memory_space<hbm>>
        %dma_wait3A_838 = arith.constant 0 : i32
        %dma_wait3A_839 = arith.constant 0 : i32
        %dma_wait3A_840 = tpu.memref_slice %arg4[%dma_wait3A_827, %dma_wait3A_828, %dma_wait3A_829, %dma_wait3A_838, %dma_wait3A_839] : memref<50x8x128x8x128xf32, #tpu.memory_space<hbm>> -> memref<1x1x1x8x128xf32, #tpu.memory_space<hbm>>
        %dma_wait3A_841 = tpu.memref_squeeze %dma_wait3A_840 : memref<1x1x1x8x128xf32, #tpu.memory_space<hbm>> -> memref<8x128xf32, #tpu.memory_space<hbm>>
        %dma_wait3A_842 = arith.constant 16 : i32
        %dma_wait3A_843 = arith.constant 0 : i32
        %dma_wait3A_844 = tpu.memref_slice %arg7[%dma_wait3A_826, %dma_wait3A_842, %dma_wait3A_843] : memref<2x64x133xf32, #tpu.memory_space<vmem>> -> memref<1x8x128xf32, #tpu.memory_space<vmem>>
        %dma_wait3A_845 = tpu.memref_squeeze %dma_wait3A_844 : memref<1x8x128xf32, #tpu.memory_space<vmem>> -> memref<8x128xf32, #tpu.memory_space<vmem>>
        tpu.wait_dma2 semaphore(%arg10 : memref<!tpu.dma_semaphore, #tpu.memory_space<semaphore_mem>>) src(%dma_wait3A_845 : memref<8x128xf32, #tpu.memory_space<vmem>>) dst(%dma_wait3A_841 : memref<8x128xf32, #tpu.memory_space<hbm>>)
        %dma_wait3A_846 = arith.constant 0 : i32
        %dma_wait3A_847 = arith.constant 0 : i32
        %dma_wait3A_848 = arith.constant 3 : i32
        %dma_wait3A_849 = arith.constant 0 : i32
        %dma_wait3A_850 = arith.constant 24 : i32
        %dma_wait3A_851 = arith.constant 0 : i32
        %dma_wait3A_852 = tpu.memref_slice %arg7[%dma_wait3A_846, %dma_wait3A_850, %dma_wait3A_851] : memref<2x64x133xf32, #tpu.memory_space<vmem>> -> memref<1x8x128xf32, #tpu.memory_space<vmem>>
        %dma_wait3A_853 = tpu.memref_squeeze %dma_wait3A_852 : memref<1x8x128xf32, #tpu.memory_space<vmem>> -> memref<8x128xf32, #tpu.memory_space<vmem>>
        %dma_wait3A_854 = arith.constant 0 : i32
        %dma_wait3A_855 = arith.constant 0 : i32
        %dma_wait3A_856 = tpu.memref_slice %arg4[%dma_wait3A_847, %dma_wait3A_848, %dma_wait3A_849, %dma_wait3A_854, %dma_wait3A_855] : memref<50x8x128x8x128xf32, #tpu.memory_space<hbm>> -> memref<1x1x1x8x128xf32, #tpu.memory_space<hbm>>
        %dma_wait3A_857 = tpu.memref_squeeze %dma_wait3A_856 : memref<1x1x1x8x128xf32, #tpu.memory_space<hbm>> -> memref<8x128xf32, #tpu.memory_space<hbm>>
        %dma_wait3A_858 = arith.constant 0 : i32
        %dma_wait3A_859 = arith.constant 0 : i32
        %dma_wait3A_860 = tpu.memref_slice %arg4[%dma_wait3A_847, %dma_wait3A_848, %dma_wait3A_849, %dma_wait3A_858, %dma_wait3A_859] : memref<50x8x128x8x128xf32, #tpu.memory_space<hbm>> -> memref<1x1x1x8x128xf32, #tpu.memory_space<hbm>>
        %dma_wait3A_861 = tpu.memref_squeeze %dma_wait3A_860 : memref<1x1x1x8x128xf32, #tpu.memory_space<hbm>> -> memref<8x128xf32, #tpu.memory_space<hbm>>
        %dma_wait3A_862 = arith.constant 24 : i32
        %dma_wait3A_863 = arith.constant 0 : i32
        %dma_wait3A_864 = tpu.memref_slice %arg7[%dma_wait3A_846, %dma_wait3A_862, %dma_wait3A_863] : memref<2x64x133xf32, #tpu.memory_space<vmem>> -> memref<1x8x128xf32, #tpu.memory_space<vmem>>
        %dma_wait3A_865 = tpu.memref_squeeze %dma_wait3A_864 : memref<1x8x128xf32, #tpu.memory_space<vmem>> -> memref<8x128xf32, #tpu.memory_space<vmem>>
        tpu.wait_dma2 semaphore(%arg10 : memref<!tpu.dma_semaphore, #tpu.memory_space<semaphore_mem>>) src(%dma_wait3A_865 : memref<8x128xf32, #tpu.memory_space<vmem>>) dst(%dma_wait3A_861 : memref<8x128xf32, #tpu.memory_space<hbm>>)
        %dma_wait3A_866 = arith.constant 0 : i32
        %dma_wait3A_867 = arith.constant 0 : i32
        %dma_wait3A_868 = arith.constant 4 : i32
        %dma_wait3A_869 = arith.constant 0 : i32
        %dma_wait3A_870 = arith.constant 32 : i32
        %dma_wait3A_871 = arith.constant 0 : i32
        %dma_wait3A_872 = tpu.memref_slice %arg7[%dma_wait3A_866, %dma_wait3A_870, %dma_wait3A_871] : memref<2x64x133xf32, #tpu.memory_space<vmem>> -> memref<1x8x128xf32, #tpu.memory_space<vmem>>
        %dma_wait3A_873 = tpu.memref_squeeze %dma_wait3A_872 : memref<1x8x128xf32, #tpu.memory_space<vmem>> -> memref<8x128xf32, #tpu.memory_space<vmem>>
        %dma_wait3A_874 = arith.constant 0 : i32
        %dma_wait3A_875 = arith.constant 0 : i32
        %dma_wait3A_876 = tpu.memref_slice %arg4[%dma_wait3A_867, %dma_wait3A_868, %dma_wait3A_869, %dma_wait3A_874, %dma_wait3A_875] : memref<50x8x128x8x128xf32, #tpu.memory_space<hbm>> -> memref<1x1x1x8x128xf32, #tpu.memory_space<hbm>>
        %dma_wait3A_877 = tpu.memref_squeeze %dma_wait3A_876 : memref<1x1x1x8x128xf32, #tpu.memory_space<hbm>> -> memref<8x128xf32, #tpu.memory_space<hbm>>
        %dma_wait3A_878 = arith.constant 0 : i32
        %dma_wait3A_879 = arith.constant 0 : i32
        %dma_wait3A_880 = tpu.memref_slice %arg4[%dma_wait3A_867, %dma_wait3A_868, %dma_wait3A_869, %dma_wait3A_878, %dma_wait3A_879] : memref<50x8x128x8x128xf32, #tpu.memory_space<hbm>> -> memref<1x1x1x8x128xf32, #tpu.memory_space<hbm>>
        %dma_wait3A_881 = tpu.memref_squeeze %dma_wait3A_880 : memref<1x1x1x8x128xf32, #tpu.memory_space<hbm>> -> memref<8x128xf32, #tpu.memory_space<hbm>>
        %dma_wait3A_882 = arith.constant 32 : i32
        %dma_wait3A_883 = arith.constant 0 : i32
        %dma_wait3A_884 = tpu.memref_slice %arg7[%dma_wait3A_866, %dma_wait3A_882, %dma_wait3A_883] : memref<2x64x133xf32, #tpu.memory_space<vmem>> -> memref<1x8x128xf32, #tpu.memory_space<vmem>>
        %dma_wait3A_885 = tpu.memref_squeeze %dma_wait3A_884 : memref<1x8x128xf32, #tpu.memory_space<vmem>> -> memref<8x128xf32, #tpu.memory_space<vmem>>
        tpu.wait_dma2 semaphore(%arg10 : memref<!tpu.dma_semaphore, #tpu.memory_space<semaphore_mem>>) src(%dma_wait3A_885 : memref<8x128xf32, #tpu.memory_space<vmem>>) dst(%dma_wait3A_881 : memref<8x128xf32, #tpu.memory_space<hbm>>)
        %dma_wait3A_886 = arith.constant 0 : i32
        %dma_wait3A_887 = arith.constant 0 : i32
        %dma_wait3A_888 = arith.constant 5 : i32
        %dma_wait3A_889 = arith.constant 0 : i32
        %dma_wait3A_890 = arith.constant 40 : i32
        %dma_wait3A_891 = arith.constant 0 : i32
        %dma_wait3A_892 = tpu.memref_slice %arg7[%dma_wait3A_886, %dma_wait3A_890, %dma_wait3A_891] : memref<2x64x133xf32, #tpu.memory_space<vmem>> -> memref<1x8x128xf32, #tpu.memory_space<vmem>>
        %dma_wait3A_893 = tpu.memref_squeeze %dma_wait3A_892 : memref<1x8x128xf32, #tpu.memory_space<vmem>> -> memref<8x128xf32, #tpu.memory_space<vmem>>
        %dma_wait3A_894 = arith.constant 0 : i32
        %dma_wait3A_895 = arith.constant 0 : i32
        %dma_wait3A_896 = tpu.memref_slice %arg4[%dma_wait3A_887, %dma_wait3A_888, %dma_wait3A_889, %dma_wait3A_894, %dma_wait3A_895] : memref<50x8x128x8x128xf32, #tpu.memory_space<hbm>> -> memref<1x1x1x8x128xf32, #tpu.memory_space<hbm>>
        %dma_wait3A_897 = tpu.memref_squeeze %dma_wait3A_896 : memref<1x1x1x8x128xf32, #tpu.memory_space<hbm>> -> memref<8x128xf32, #tpu.memory_space<hbm>>
        %dma_wait3A_898 = arith.constant 0 : i32
        %dma_wait3A_899 = arith.constant 0 : i32
        %dma_wait3A_900 = tpu.memref_slice %arg4[%dma_wait3A_887, %dma_wait3A_888, %dma_wait3A_889, %dma_wait3A_898, %dma_wait3A_899] : memref<50x8x128x8x128xf32, #tpu.memory_space<hbm>> -> memref<1x1x1x8x128xf32, #tpu.memory_space<hbm>>
        %dma_wait3A_901 = tpu.memref_squeeze %dma_wait3A_900 : memref<1x1x1x8x128xf32, #tpu.memory_space<hbm>> -> memref<8x128xf32, #tpu.memory_space<hbm>>
        %dma_wait3A_902 = arith.constant 40 : i32
        %dma_wait3A_903 = arith.constant 0 : i32
        %dma_wait3A_904 = tpu.memref_slice %arg7[%dma_wait3A_886, %dma_wait3A_902, %dma_wait3A_903] : memref<2x64x133xf32, #tpu.memory_space<vmem>> -> memref<1x8x128xf32, #tpu.memory_space<vmem>>
        %dma_wait3A_905 = tpu.memref_squeeze %dma_wait3A_904 : memref<1x8x128xf32, #tpu.memory_space<vmem>> -> memref<8x128xf32, #tpu.memory_space<vmem>>
        tpu.wait_dma2 semaphore(%arg10 : memref<!tpu.dma_semaphore, #tpu.memory_space<semaphore_mem>>) src(%dma_wait3A_905 : memref<8x128xf32, #tpu.memory_space<vmem>>) dst(%dma_wait3A_901 : memref<8x128xf32, #tpu.memory_space<hbm>>)
        %dma_wait3A_906 = arith.constant 0 : i32
        %dma_wait3A_907 = arith.constant 0 : i32
        %dma_wait3A_908 = arith.constant 6 : i32
        %dma_wait3A_909 = arith.constant 0 : i32
        %dma_wait3A_910 = arith.constant 48 : i32
        %dma_wait3A_911 = arith.constant 0 : i32
        %dma_wait3A_912 = tpu.memref_slice %arg7[%dma_wait3A_906, %dma_wait3A_910, %dma_wait3A_911] : memref<2x64x133xf32, #tpu.memory_space<vmem>> -> memref<1x8x128xf32, #tpu.memory_space<vmem>>
        %dma_wait3A_913 = tpu.memref_squeeze %dma_wait3A_912 : memref<1x8x128xf32, #tpu.memory_space<vmem>> -> memref<8x128xf32, #tpu.memory_space<vmem>>
        %dma_wait3A_914 = arith.constant 0 : i32
        %dma_wait3A_915 = arith.constant 0 : i32
        %dma_wait3A_916 = tpu.memref_slice %arg4[%dma_wait3A_907, %dma_wait3A_908, %dma_wait3A_909, %dma_wait3A_914, %dma_wait3A_915] : memref<50x8x128x8x128xf32, #tpu.memory_space<hbm>> -> memref<1x1x1x8x128xf32, #tpu.memory_space<hbm>>
        %dma_wait3A_917 = tpu.memref_squeeze %dma_wait3A_916 : memref<1x1x1x8x128xf32, #tpu.memory_space<hbm>> -> memref<8x128xf32, #tpu.memory_space<hbm>>
        %dma_wait3A_918 = arith.constant 0 : i32
        %dma_wait3A_919 = arith.constant 0 : i32
        %dma_wait3A_920 = tpu.memref_slice %arg4[%dma_wait3A_907, %dma_wait3A_908, %dma_wait3A_909, %dma_wait3A_918, %dma_wait3A_919] : memref<50x8x128x8x128xf32, #tpu.memory_space<hbm>> -> memref<1x1x1x8x128xf32, #tpu.memory_space<hbm>>
        %dma_wait3A_921 = tpu.memref_squeeze %dma_wait3A_920 : memref<1x1x1x8x128xf32, #tpu.memory_space<hbm>> -> memref<8x128xf32, #tpu.memory_space<hbm>>
        %dma_wait3A_922 = arith.constant 48 : i32
        %dma_wait3A_923 = arith.constant 0 : i32
        %dma_wait3A_924 = tpu.memref_slice %arg7[%dma_wait3A_906, %dma_wait3A_922, %dma_wait3A_923] : memref<2x64x133xf32, #tpu.memory_space<vmem>> -> memref<1x8x128xf32, #tpu.memory_space<vmem>>
        %dma_wait3A_925 = tpu.memref_squeeze %dma_wait3A_924 : memref<1x8x128xf32, #tpu.memory_space<vmem>> -> memref<8x128xf32, #tpu.memory_space<vmem>>
        tpu.wait_dma2 semaphore(%arg10 : memref<!tpu.dma_semaphore, #tpu.memory_space<semaphore_mem>>) src(%dma_wait3A_925 : memref<8x128xf32, #tpu.memory_space<vmem>>) dst(%dma_wait3A_921 : memref<8x128xf32, #tpu.memory_space<hbm>>)
        %dma_wait3A_926 = arith.constant 0 : i32
        %dma_wait3A_927 = arith.constant 0 : i32
        %dma_wait3A_928 = arith.constant 7 : i32
        %dma_wait3A_929 = arith.constant 0 : i32
        %dma_wait3A_930 = arith.constant 56 : i32
        %dma_wait3A_931 = arith.constant 0 : i32
        %dma_wait3A_932 = tpu.memref_slice %arg7[%dma_wait3A_926, %dma_wait3A_930, %dma_wait3A_931] : memref<2x64x133xf32, #tpu.memory_space<vmem>> -> memref<1x8x128xf32, #tpu.memory_space<vmem>>
        %dma_wait3A_933 = tpu.memref_squeeze %dma_wait3A_932 : memref<1x8x128xf32, #tpu.memory_space<vmem>> -> memref<8x128xf32, #tpu.memory_space<vmem>>
        %dma_wait3A_934 = arith.constant 0 : i32
        %dma_wait3A_935 = arith.constant 0 : i32
        %dma_wait3A_936 = tpu.memref_slice %arg4[%dma_wait3A_927, %dma_wait3A_928, %dma_wait3A_929, %dma_wait3A_934, %dma_wait3A_935] : memref<50x8x128x8x128xf32, #tpu.memory_space<hbm>> -> memref<1x1x1x8x128xf32, #tpu.memory_space<hbm>>
        %dma_wait3A_937 = tpu.memref_squeeze %dma_wait3A_936 : memref<1x1x1x8x128xf32, #tpu.memory_space<hbm>> -> memref<8x128xf32, #tpu.memory_space<hbm>>
        %dma_wait3A_938 = arith.constant 0 : i32
        %dma_wait3A_939 = arith.constant 0 : i32
        %dma_wait3A_940 = tpu.memref_slice %arg4[%dma_wait3A_927, %dma_wait3A_928, %dma_wait3A_929, %dma_wait3A_938, %dma_wait3A_939] : memref<50x8x128x8x128xf32, #tpu.memory_space<hbm>> -> memref<1x1x1x8x128xf32, #tpu.memory_space<hbm>>
        %dma_wait3A_941 = tpu.memref_squeeze %dma_wait3A_940 : memref<1x1x1x8x128xf32, #tpu.memory_space<hbm>> -> memref<8x128xf32, #tpu.memory_space<hbm>>
        %dma_wait3A_942 = arith.constant 56 : i32
        %dma_wait3A_943 = arith.constant 0 : i32
        %dma_wait3A_944 = tpu.memref_slice %arg7[%dma_wait3A_926, %dma_wait3A_942, %dma_wait3A_943] : memref<2x64x133xf32, #tpu.memory_space<vmem>> -> memref<1x8x128xf32, #tpu.memory_space<vmem>>
        %dma_wait3A_945 = tpu.memref_squeeze %dma_wait3A_944 : memref<1x8x128xf32, #tpu.memory_space<vmem>> -> memref<8x128xf32, #tpu.memory_space<vmem>>
        tpu.wait_dma2 semaphore(%arg10 : memref<!tpu.dma_semaphore, #tpu.memory_space<semaphore_mem>>) src(%dma_wait3A_945 : memref<8x128xf32, #tpu.memory_space<vmem>>) dst(%dma_wait3A_941 : memref<8x128xf32, #tpu.memory_space<hbm>>)
      } else {
      }
      %parallel_loop3A = arith.constant 0 : i32
      %parallel_loop3A_380 = arith.constant 128 : i32
      %parallel_loop3A_381 = arith.constant 1 : i32
      %parallel_loop3A_382 = arith.constant 0 : i32
      %parallel_loop3A_383 = arith.constant 0 : i32
      scf.for %parallel_loop3A_786 = %parallel_loop3A to %parallel_loop3A_380 step %parallel_loop3A_381  : i32 {
        %parallel_loop3A_787 = vector.broadcast %parallel_loop3A_786 : i32 to vector<16xi32>
        %parallel_loop3A_788 = arith.constant 0 : i32
        %parallel_loop3A_789 = arith.constant 0 : i32
        %parallel_loop3A_790 = tpu.memref_slice %arg6[%parallel_loop3A_382, %parallel_loop3A_788, %parallel_loop3A_789] : memref<2x128x64xf32, #tpu.memory_space<vmem>> -> memref<1x128x64xf32, #tpu.memory_space<vmem>>
        %parallel_loop3A_791 = tpu.memref_squeeze %parallel_loop3A_790 : memref<1x128x64xf32, #tpu.memory_space<vmem>> -> memref<128x64xf32, #tpu.memory_space<vmem>>
        %parallel_loop3A_792 = arith.index_cast %parallel_loop3A_786 : i32 to index
        %parallel_loop3A_793 = arith.constant 0 : index
        %parallel_loop3A_794 = tpu.vector_load %parallel_loop3A_791[%parallel_loop3A_792, %parallel_loop3A_793] {strides = array<i32>} : memref<128x64xf32, #tpu.memory_space<vmem>>, vector<16xf32>,
        %parallel_loop3A_795 = arith.constant 0 : i32
        %parallel_loop3A_796 = arith.constant 0 : i32
        %parallel_loop3A_797 = tpu.memref_slice %arg7[%parallel_loop3A_383, %parallel_loop3A_795, %parallel_loop3A_796] : memref<2x64x133xf32, #tpu.memory_space<vmem>> -> memref<1x64x133xf32, #tpu.memory_space<vmem>>
        %parallel_loop3A_798 = tpu.memref_squeeze %parallel_loop3A_797 : memref<1x64x133xf32, #tpu.memory_space<vmem>> -> memref<64x133xf32, #tpu.memory_space<vmem>>
        tpu.vector_store_idx %parallel_loop3A_798[%add3A_5, %parallel_loop3A_787], %parallel_loop3A_794 : memref<64x133xf32, #tpu.memory_space<vmem>>[vector<16xi32>, vector<16xi32>], vector<16xf32>,
        %parallel_loop3A_799 = arith.constant 0 : i32
        %parallel_loop3A_800 = arith.constant 0 : i32
        %parallel_loop3A_801 = tpu.memref_slice %arg6[%parallel_loop3A_382, %parallel_loop3A_799, %parallel_loop3A_800] : memref<2x128x64xf32, #tpu.memory_space<vmem>> -> memref<1x128x64xf32, #tpu.memory_space<vmem>>
        %parallel_loop3A_802 = tpu.memref_squeeze %parallel_loop3A_801 : memref<1x128x64xf32, #tpu.memory_space<vmem>> -> memref<128x64xf32, #tpu.memory_space<vmem>>
        %parallel_loop3A_803 = arith.index_cast %parallel_loop3A_786 : i32 to index
        %parallel_loop3A_804 = arith.constant 16 : index
        %parallel_loop3A_805 = tpu.vector_load %parallel_loop3A_802[%parallel_loop3A_803, %parallel_loop3A_804] {strides = array<i32>} : memref<128x64xf32, #tpu.memory_space<vmem>>, vector<16xf32>,
        %parallel_loop3A_806 = arith.constant 0 : i32
        %parallel_loop3A_807 = arith.constant 0 : i32
        %parallel_loop3A_808 = tpu.memref_slice %arg7[%parallel_loop3A_383, %parallel_loop3A_806, %parallel_loop3A_807] : memref<2x64x133xf32, #tpu.memory_space<vmem>> -> memref<1x64x133xf32, #tpu.memory_space<vmem>>
        %parallel_loop3A_809 = tpu.memref_squeeze %parallel_loop3A_808 : memref<1x64x133xf32, #tpu.memory_space<vmem>> -> memref<64x133xf32, #tpu.memory_space<vmem>>
        tpu.vector_store_idx %parallel_loop3A_809[%add3A_8, %parallel_loop3A_787], %parallel_loop3A_805 : memref<64x133xf32, #tpu.memory_space<vmem>>[vector<16xi32>, vector<16xi32>], vector<16xf32>,
        %parallel_loop3A_810 = arith.constant 0 : i32
        %parallel_loop3A_811 = arith.constant 0 : i32
        %parallel_loop3A_812 = tpu.memref_slice %arg6[%parallel_loop3A_382, %parallel_loop3A_810, %parallel_loop3A_811] : memref<2x128x64xf32, #tpu.memory_space<vmem>> -> memref<1x128x64xf32, #tpu.memory_space<vmem>>
        %parallel_loop3A_813 = tpu.memref_squeeze %parallel_loop3A_812 : memref<1x128x64xf32, #tpu.memory_space<vmem>> -> memref<128x64xf32, #tpu.memory_space<vmem>>
        %parallel_loop3A_814 = arith.index_cast %parallel_loop3A_786 : i32 to index
        %parallel_loop3A_815 = arith.constant 32 : index
        %parallel_loop3A_816 = tpu.vector_load %parallel_loop3A_813[%parallel_loop3A_814, %parallel_loop3A_815] {strides = array<i32>} : memref<128x64xf32, #tpu.memory_space<vmem>>, vector<16xf32>,
        %parallel_loop3A_817 = arith.constant 0 : i32
        %parallel_loop3A_818 = arith.constant 0 : i32
        %parallel_loop3A_819 = tpu.memref_slice %arg7[%parallel_loop3A_383, %parallel_loop3A_817, %parallel_loop3A_818] : memref<2x64x133xf32, #tpu.memory_space<vmem>> -> memref<1x64x133xf32, #tpu.memory_space<vmem>>
        %parallel_loop3A_820 = tpu.memref_squeeze %parallel_loop3A_819 : memref<1x64x133xf32, #tpu.memory_space<vmem>> -> memref<64x133xf32, #tpu.memory_space<vmem>>
        tpu.vector_store_idx %parallel_loop3A_820[%add3A_11, %parallel_loop3A_787], %parallel_loop3A_816 : memref<64x133xf32, #tpu.memory_space<vmem>>[vector<16xi32>, vector<16xi32>], vector<16xf32>,
        %parallel_loop3A_821 = arith.constant 0 : i32
        %parallel_loop3A_822 = arith.constant 0 : i32
        %parallel_loop3A_823 = tpu.memref_slice %arg6[%parallel_loop3A_382, %parallel_loop3A_821, %parallel_loop3A_822] : memref<2x128x64xf32, #tpu.memory_space<vmem>> -> memref<1x128x64xf32, #tpu.memory_space<vmem>>
        %parallel_loop3A_824 = tpu.memref_squeeze %parallel_loop3A_823 : memref<1x128x64xf32, #tpu.memory_space<vmem>> -> memref<128x64xf32, #tpu.memory_space<vmem>>
        %parallel_loop3A_825 = arith.index_cast %parallel_loop3A_786 : i32 to index
        %parallel_loop3A_826 = arith.constant 48 : index
        %parallel_loop3A_827 = tpu.vector_load %parallel_loop3A_824[%parallel_loop3A_825, %parallel_loop3A_826] {strides = array<i32>} : memref<128x64xf32, #tpu.memory_space<vmem>>, vector<16xf32>,
        %parallel_loop3A_828 = arith.constant 0 : i32
        %parallel_loop3A_829 = arith.constant 0 : i32
        %parallel_loop3A_830 = tpu.memref_slice %arg7[%parallel_loop3A_383, %parallel_loop3A_828, %parallel_loop3A_829] : memref<2x64x133xf32, #tpu.memory_space<vmem>> -> memref<1x64x133xf32, #tpu.memory_space<vmem>>
        %parallel_loop3A_831 = tpu.memref_squeeze %parallel_loop3A_830 : memref<1x64x133xf32, #tpu.memory_space<vmem>> -> memref<64x133xf32, #tpu.memory_space<vmem>>
        tpu.vector_store_idx %parallel_loop3A_831[%add3A_14, %parallel_loop3A_787], %parallel_loop3A_827 : memref<64x133xf32, #tpu.memory_space<vmem>>[vector<16xi32>, vector<16xi32>], vector<16xf32>,
      } {sc.loop_unroll_factor = 4 : i64, sc.parallel_access}
      %jit3A = arith.constant 4 : i32
      %div3A = arith.divsi %add3A_356, %jit3A : i32
      %sign3A = arith.constant 0 : i32
      %sign3A_384 = arith.cmpi sgt, %add3A_356, %sign3A : i32
      %sign3A_385 = arith.extui %sign3A_384 : i1 to i32
      %sign3A_386 = arith.constant 0 : i32
      %sign3A_387 = arith.cmpi slt, %add3A_356, %sign3A_386 : i32
      %sign3A_388 = arith.extui %sign3A_387 : i1 to i32
      %sign3A_389 = arith.subi %sign3A_385, %sign3A_388 : i32
      %sign3A_390 = arith.constant 0 : i32
      %sign3A_391 = arith.cmpi sgt, %jit3A, %sign3A_390 : i32
      %sign3A_392 = arith.extui %sign3A_391 : i1 to i32
      %sign3A_393 = arith.constant 0 : i32
      %sign3A_394 = arith.cmpi slt, %jit3A, %sign3A_393 : i32
      %sign3A_395 = arith.extui %sign3A_394 : i1 to i32
      %sign3A_396 = arith.subi %sign3A_392, %sign3A_395 : i32
      %ne3A = arith.cmpi ne, %sign3A_389, %sign3A_396 : i32
      %rem3A = arith.remsi %add3A_356, %jit3A : i32
      %ne3A_397 = arith.constant 0 : i32
      %ne3A_398 = arith.cmpi ne, %rem3A, %ne3A_397 : i32
      %and3A = arith.andi %ne3A, %ne3A_398 : i1
      %sub3A = arith.constant 1 : i32
      %sub3A_399 = arith.subi %div3A, %sub3A : i32
      %select_n3A = arith.select %and3A, %sub3A_399, %div3A : i32
      %mul3A_400 = arith.constant 4 : i32
      %mul3A_401 = arith.muli %add3A, %mul3A_400 : i32
      %jit3A_402 = arith.constant 4 : i32
      %eq3A = arith.constant 0 : i32
      %eq3A_403 = arith.cmpi eq, %jit3A_402, %eq3A : i32
      %jit3A_404 = arith.constant 1 : i32
      %select_n3A_405 = arith.select %eq3A_403, %jit3A_404, %jit3A_402 : i32
      %rem3A_406 = arith.remsi %add3A_356, %select_n3A_405 : i32
      %ne3A_407 = arith.constant 0 : i32
      %ne3A_408 = arith.cmpi ne, %rem3A_406, %ne3A_407 : i32
      %lt3A_409 = arith.constant 0 : i32
      %lt3A_410 = arith.cmpi slt, %rem3A_406, %lt3A_409 : i32
      %lt3A_411 = arith.constant 0 : i32
      %lt3A_412 = arith.cmpi slt, %select_n3A_405, %lt3A_411 : i32
      %ne3A_413 = arith.xori %lt3A_410, %lt3A_412 : i1
      %and3A_414 = arith.andi %ne3A_413, %ne3A_408 : i1
      %add3A_415 = arith.addi %rem3A_406, %select_n3A_405 : i32
      %select_n3A_416 = arith.select %and3A_414, %add3A_415, %rem3A_406 : i32
      %add3A_417 = arith.addi %mul3A_401, %select_n3A_416 : i32
      %dma_start3A_418 = arith.constant 0 : i32
      %dma_start3A_419 = arith.constant 0 : i32
      %dma_start3A_420 = arith.constant 0 : i32
      %dma_start3A_421 = arith.constant 0 : i32
      %dma_start3A_422 = tpu.memref_slice %arg7[%dma_start3A_418, %dma_start3A_420, %dma_start3A_421] : memref<2x64x133xf32, #tpu.memory_space<vmem>> -> memref<1x8x128xf32, #tpu.memory_space<vmem>>
      %dma_start3A_423 = tpu.memref_squeeze %dma_start3A_422 : memref<1x8x128xf32, #tpu.memory_space<vmem>> -> memref<8x128xf32, #tpu.memory_space<vmem>>
      %dma_start3A_424 = arith.constant 0 : i32
      %dma_start3A_425 = arith.constant 0 : i32
      %dma_start3A_426 = tpu.memref_slice %arg4[%select_n3A, %dma_start3A_419, %add3A_417, %dma_start3A_424, %dma_start3A_425] : memref<50x8x128x8x128xf32, #tpu.memory_space<hbm>> -> memref<1x1x1x8x128xf32, #tpu.memory_space<hbm>>
      %dma_start3A_427 = tpu.memref_squeeze %dma_start3A_426 : memref<1x1x1x8x128xf32, #tpu.memory_space<hbm>> -> memref<8x128xf32, #tpu.memory_space<hbm>>
      %dma_start3A_428 = arith.constant 0 : i32
      %dma_start3A_429 = arith.constant 0 : i32
      %dma_start3A_430 = tpu.memref_slice %arg4[%select_n3A, %dma_start3A_419, %add3A_417, %dma_start3A_428, %dma_start3A_429] : memref<50x8x128x8x128xf32, #tpu.memory_space<hbm>> -> memref<1x1x1x8x128xf32, #tpu.memory_space<hbm>>
      %dma_start3A_431 = tpu.memref_squeeze %dma_start3A_430 : memref<1x1x1x8x128xf32, #tpu.memory_space<hbm>> -> memref<8x128xf32, #tpu.memory_space<hbm>>
      %dma_start3A_432 = arith.constant 0 : i32
      %dma_start3A_433 = arith.constant 0 : i32
      %dma_start3A_434 = tpu.memref_slice %arg7[%dma_start3A_418, %dma_start3A_432, %dma_start3A_433] : memref<2x64x133xf32, #tpu.memory_space<vmem>> -> memref<1x8x128xf32, #tpu.memory_space<vmem>>
      %dma_start3A_435 = tpu.memref_squeeze %dma_start3A_434 : memref<1x8x128xf32, #tpu.memory_space<vmem>> -> memref<8x128xf32, #tpu.memory_space<vmem>>
      tpu.enqueue_dma source(%dma_start3A_435 : memref<8x128xf32, #tpu.memory_space<vmem>>) target(%dma_start3A_431 : memref<8x128xf32, #tpu.memory_space<hbm>>) target_semaphore(%arg10 : memref<!tpu.dma_semaphore, #tpu.memory_space<semaphore_mem>>)
      %dma_start3A_436 = arith.constant 0 : i32
      %dma_start3A_437 = arith.constant 1 : i32
      %dma_start3A_438 = arith.constant 8 : i32
      %dma_start3A_439 = arith.constant 0 : i32
      %dma_start3A_440 = tpu.memref_slice %arg7[%dma_start3A_436, %dma_start3A_438, %dma_start3A_439] : memref<2x64x133xf32, #tpu.memory_space<vmem>> -> memref<1x8x128xf32, #tpu.memory_space<vmem>>
      %dma_start3A_441 = tpu.memref_squeeze %dma_start3A_440 : memref<1x8x128xf32, #tpu.memory_space<vmem>> -> memref<8x128xf32, #tpu.memory_space<vmem>>
      %dma_start3A_442 = arith.constant 0 : i32
      %dma_start3A_443 = arith.constant 0 : i32
      %dma_start3A_444 = tpu.memref_slice %arg4[%select_n3A, %dma_start3A_437, %add3A_417, %dma_start3A_442, %dma_start3A_443] : memref<50x8x128x8x128xf32, #tpu.memory_space<hbm>> -> memref<1x1x1x8x128xf32, #tpu.memory_space<hbm>>
      %dma_start3A_445 = tpu.memref_squeeze %dma_start3A_444 : memref<1x1x1x8x128xf32, #tpu.memory_space<hbm>> -> memref<8x128xf32, #tpu.memory_space<hbm>>
      %dma_start3A_446 = arith.constant 0 : i32
      %dma_start3A_447 = arith.constant 0 : i32
      %dma_start3A_448 = tpu.memref_slice %arg4[%select_n3A, %dma_start3A_437, %add3A_417, %dma_start3A_446, %dma_start3A_447] : memref<50x8x128x8x128xf32, #tpu.memory_space<hbm>> -> memref<1x1x1x8x128xf32, #tpu.memory_space<hbm>>
      %dma_start3A_449 = tpu.memref_squeeze %dma_start3A_448 : memref<1x1x1x8x128xf32, #tpu.memory_space<hbm>> -> memref<8x128xf32, #tpu.memory_space<hbm>>
      %dma_start3A_450 = arith.constant 8 : i32
      %dma_start3A_451 = arith.constant 0 : i32
      %dma_start3A_452 = tpu.memref_slice %arg7[%dma_start3A_436, %dma_start3A_450, %dma_start3A_451] : memref<2x64x133xf32, #tpu.memory_space<vmem>> -> memref<1x8x128xf32, #tpu.memory_space<vmem>>
      %dma_start3A_453 = tpu.memref_squeeze %dma_start3A_452 : memref<1x8x128xf32, #tpu.memory_space<vmem>> -> memref<8x128xf32, #tpu.memory_space<vmem>>
      tpu.enqueue_dma source(%dma_start3A_453 : memref<8x128xf32, #tpu.memory_space<vmem>>) target(%dma_start3A_449 : memref<8x128xf32, #tpu.memory_space<hbm>>) target_semaphore(%arg10 : memref<!tpu.dma_semaphore, #tpu.memory_space<semaphore_mem>>)
      %dma_start3A_454 = arith.constant 0 : i32
      %dma_start3A_455 = arith.constant 2 : i32
      %dma_start3A_456 = arith.constant 16 : i32
      %dma_start3A_457 = arith.constant 0 : i32
      %dma_start3A_458 = tpu.memref_slice %arg7[%dma_start3A_454, %dma_start3A_456, %dma_start3A_457] : memref<2x64x133xf32, #tpu.memory_space<vmem>> -> memref<1x8x128xf32, #tpu.memory_space<vmem>>
      %dma_start3A_459 = tpu.memref_squeeze %dma_start3A_458 : memref<1x8x128xf32, #tpu.memory_space<vmem>> -> memref<8x128xf32, #tpu.memory_space<vmem>>
      %dma_start3A_460 = arith.constant 0 : i32
      %dma_start3A_461 = arith.constant 0 : i32
      %dma_start3A_462 = tpu.memref_slice %arg4[%select_n3A, %dma_start3A_455, %add3A_417, %dma_start3A_460, %dma_start3A_461] : memref<50x8x128x8x128xf32, #tpu.memory_space<hbm>> -> memref<1x1x1x8x128xf32, #tpu.memory_space<hbm>>
      %dma_start3A_463 = tpu.memref_squeeze %dma_start3A_462 : memref<1x1x1x8x128xf32, #tpu.memory_space<hbm>> -> memref<8x128xf32, #tpu.memory_space<hbm>>
      %dma_start3A_464 = arith.constant 0 : i32
      %dma_start3A_465 = arith.constant 0 : i32
      %dma_start3A_466 = tpu.memref_slice %arg4[%select_n3A, %dma_start3A_455, %add3A_417, %dma_start3A_464, %dma_start3A_465] : memref<50x8x128x8x128xf32, #tpu.memory_space<hbm>> -> memref<1x1x1x8x128xf32, #tpu.memory_space<hbm>>
      %dma_start3A_467 = tpu.memref_squeeze %dma_start3A_466 : memref<1x1x1x8x128xf32, #tpu.memory_space<hbm>> -> memref<8x128xf32, #tpu.memory_space<hbm>>
      %dma_start3A_468 = arith.constant 16 : i32
      %dma_start3A_469 = arith.constant 0 : i32
      %dma_start3A_470 = tpu.memref_slice %arg7[%dma_start3A_454, %dma_start3A_468, %dma_start3A_469] : memref<2x64x133xf32, #tpu.memory_space<vmem>> -> memref<1x8x128xf32, #tpu.memory_space<vmem>>
      %dma_start3A_471 = tpu.memref_squeeze %dma_start3A_470 : memref<1x8x128xf32, #tpu.memory_space<vmem>> -> memref<8x128xf32, #tpu.memory_space<vmem>>
      tpu.enqueue_dma source(%dma_start3A_471 : memref<8x128xf32, #tpu.memory_space<vmem>>) target(%dma_start3A_467 : memref<8x128xf32, #tpu.memory_space<hbm>>) target_semaphore(%arg10 : memref<!tpu.dma_semaphore, #tpu.memory_space<semaphore_mem>>)
      %dma_start3A_472 = arith.constant 0 : i32
      %dma_start3A_473 = arith.constant 3 : i32
      %dma_start3A_474 = arith.constant 24 : i32
      %dma_start3A_475 = arith.constant 0 : i32
      %dma_start3A_476 = tpu.memref_slice %arg7[%dma_start3A_472, %dma_start3A_474, %dma_start3A_475] : memref<2x64x133xf32, #tpu.memory_space<vmem>> -> memref<1x8x128xf32, #tpu.memory_space<vmem>>
      %dma_start3A_477 = tpu.memref_squeeze %dma_start3A_476 : memref<1x8x128xf32, #tpu.memory_space<vmem>> -> memref<8x128xf32, #tpu.memory_space<vmem>>
      %dma_start3A_478 = arith.constant 0 : i32
      %dma_start3A_479 = arith.constant 0 : i32
      %dma_start3A_480 = tpu.memref_slice %arg4[%select_n3A, %dma_start3A_473, %add3A_417, %dma_start3A_478, %dma_start3A_479] : memref<50x8x128x8x128xf32, #tpu.memory_space<hbm>> -> memref<1x1x1x8x128xf32, #tpu.memory_space<hbm>>
      %dma_start3A_481 = tpu.memref_squeeze %dma_start3A_480 : memref<1x1x1x8x128xf32, #tpu.memory_space<hbm>> -> memref<8x128xf32, #tpu.memory_space<hbm>>
      %dma_start3A_482 = arith.constant 0 : i32
      %dma_start3A_483 = arith.constant 0 : i32
      %dma_start3A_484 = tpu.memref_slice %arg4[%select_n3A, %dma_start3A_473, %add3A_417, %dma_start3A_482, %dma_start3A_483] : memref<50x8x128x8x128xf32, #tpu.memory_space<hbm>> -> memref<1x1x1x8x128xf32, #tpu.memory_space<hbm>>
      %dma_start3A_485 = tpu.memref_squeeze %dma_start3A_484 : memref<1x1x1x8x128xf32, #tpu.memory_space<hbm>> -> memref<8x128xf32, #tpu.memory_space<hbm>>
      %dma_start3A_486 = arith.constant 24 : i32
      %dma_start3A_487 = arith.constant 0 : i32
      %dma_start3A_488 = tpu.memref_slice %arg7[%dma_start3A_472, %dma_start3A_486, %dma_start3A_487] : memref<2x64x133xf32, #tpu.memory_space<vmem>> -> memref<1x8x128xf32, #tpu.memory_space<vmem>>
      %dma_start3A_489 = tpu.memref_squeeze %dma_start3A_488 : memref<1x8x128xf32, #tpu.memory_space<vmem>> -> memref<8x128xf32, #tpu.memory_space<vmem>>
      tpu.enqueue_dma source(%dma_start3A_489 : memref<8x128xf32, #tpu.memory_space<vmem>>) target(%dma_start3A_485 : memref<8x128xf32, #tpu.memory_space<hbm>>) target_semaphore(%arg10 : memref<!tpu.dma_semaphore, #tpu.memory_space<semaphore_mem>>)
      %dma_start3A_490 = arith.constant 0 : i32
      %dma_start3A_491 = arith.constant 4 : i32
      %dma_start3A_492 = arith.constant 32 : i32
      %dma_start3A_493 = arith.constant 0 : i32
      %dma_start3A_494 = tpu.memref_slice %arg7[%dma_start3A_490, %dma_start3A_492, %dma_start3A_493] : memref<2x64x133xf32, #tpu.memory_space<vmem>> -> memref<1x8x128xf32, #tpu.memory_space<vmem>>
      %dma_start3A_495 = tpu.memref_squeeze %dma_start3A_494 : memref<1x8x128xf32, #tpu.memory_space<vmem>> -> memref<8x128xf32, #tpu.memory_space<vmem>>
      %dma_start3A_496 = arith.constant 0 : i32
      %dma_start3A_497 = arith.constant 0 : i32
      %dma_start3A_498 = tpu.memref_slice %arg4[%select_n3A, %dma_start3A_491, %add3A_417, %dma_start3A_496, %dma_start3A_497] : memref<50x8x128x8x128xf32, #tpu.memory_space<hbm>> -> memref<1x1x1x8x128xf32, #tpu.memory_space<hbm>>
      %dma_start3A_499 = tpu.memref_squeeze %dma_start3A_498 : memref<1x1x1x8x128xf32, #tpu.memory_space<hbm>> -> memref<8x128xf32, #tpu.memory_space<hbm>>
      %dma_start3A_500 = arith.constant 0 : i32
      %dma_start3A_501 = arith.constant 0 : i32
      %dma_start3A_502 = tpu.memref_slice %arg4[%select_n3A, %dma_start3A_491, %add3A_417, %dma_start3A_500, %dma_start3A_501] : memref<50x8x128x8x128xf32, #tpu.memory_space<hbm>> -> memref<1x1x1x8x128xf32, #tpu.memory_space<hbm>>
      %dma_start3A_503 = tpu.memref_squeeze %dma_start3A_502 : memref<1x1x1x8x128xf32, #tpu.memory_space<hbm>> -> memref<8x128xf32, #tpu.memory_space<hbm>>
      %dma_start3A_504 = arith.constant 32 : i32
      %dma_start3A_505 = arith.constant 0 : i32
      %dma_start3A_506 = tpu.memref_slice %arg7[%dma_start3A_490, %dma_start3A_504, %dma_start3A_505] : memref<2x64x133xf32, #tpu.memory_space<vmem>> -> memref<1x8x128xf32, #tpu.memory_space<vmem>>
      %dma_start3A_507 = tpu.memref_squeeze %dma_start3A_506 : memref<1x8x128xf32, #tpu.memory_space<vmem>> -> memref<8x128xf32, #tpu.memory_space<vmem>>
      tpu.enqueue_dma source(%dma_start3A_507 : memref<8x128xf32, #tpu.memory_space<vmem>>) target(%dma_start3A_503 : memref<8x128xf32, #tpu.memory_space<hbm>>) target_semaphore(%arg10 : memref<!tpu.dma_semaphore, #tpu.memory_space<semaphore_mem>>)
      %dma_start3A_508 = arith.constant 0 : i32
      %dma_start3A_509 = arith.constant 5 : i32
      %dma_start3A_510 = arith.constant 40 : i32
      %dma_start3A_511 = arith.constant 0 : i32
      %dma_start3A_512 = tpu.memref_slice %arg7[%dma_start3A_508, %dma_start3A_510, %dma_start3A_511] : memref<2x64x133xf32, #tpu.memory_space<vmem>> -> memref<1x8x128xf32, #tpu.memory_space<vmem>>
      %dma_start3A_513 = tpu.memref_squeeze %dma_start3A_512 : memref<1x8x128xf32, #tpu.memory_space<vmem>> -> memref<8x128xf32, #tpu.memory_space<vmem>>
      %dma_start3A_514 = arith.constant 0 : i32
      %dma_start3A_515 = arith.constant 0 : i32
      %dma_start3A_516 = tpu.memref_slice %arg4[%select_n3A, %dma_start3A_509, %add3A_417, %dma_start3A_514, %dma_start3A_515] : memref<50x8x128x8x128xf32, #tpu.memory_space<hbm>> -> memref<1x1x1x8x128xf32, #tpu.memory_space<hbm>>
      %dma_start3A_517 = tpu.memref_squeeze %dma_start3A_516 : memref<1x1x1x8x128xf32, #tpu.memory_space<hbm>> -> memref<8x128xf32, #tpu.memory_space<hbm>>
      %dma_start3A_518 = arith.constant 0 : i32
      %dma_start3A_519 = arith.constant 0 : i32
      %dma_start3A_520 = tpu.memref_slice %arg4[%select_n3A, %dma_start3A_509, %add3A_417, %dma_start3A_518, %dma_start3A_519] : memref<50x8x128x8x128xf32, #tpu.memory_space<hbm>> -> memref<1x1x1x8x128xf32, #tpu.memory_space<hbm>>
      %dma_start3A_521 = tpu.memref_squeeze %dma_start3A_520 : memref<1x1x1x8x128xf32, #tpu.memory_space<hbm>> -> memref<8x128xf32, #tpu.memory_space<hbm>>
      %dma_start3A_522 = arith.constant 40 : i32
      %dma_start3A_523 = arith.constant 0 : i32
      %dma_start3A_524 = tpu.memref_slice %arg7[%dma_start3A_508, %dma_start3A_522, %dma_start3A_523] : memref<2x64x133xf32, #tpu.memory_space<vmem>> -> memref<1x8x128xf32, #tpu.memory_space<vmem>>
      %dma_start3A_525 = tpu.memref_squeeze %dma_start3A_524 : memref<1x8x128xf32, #tpu.memory_space<vmem>> -> memref<8x128xf32, #tpu.memory_space<vmem>>
      tpu.enqueue_dma source(%dma_start3A_525 : memref<8x128xf32, #tpu.memory_space<vmem>>) target(%dma_start3A_521 : memref<8x128xf32, #tpu.memory_space<hbm>>) target_semaphore(%arg10 : memref<!tpu.dma_semaphore, #tpu.memory_space<semaphore_mem>>)
      %dma_start3A_526 = arith.constant 0 : i32
      %dma_start3A_527 = arith.constant 6 : i32
      %dma_start3A_528 = arith.constant 48 : i32
      %dma_start3A_529 = arith.constant 0 : i32
      %dma_start3A_530 = tpu.memref_slice %arg7[%dma_start3A_526, %dma_start3A_528, %dma_start3A_529] : memref<2x64x133xf32, #tpu.memory_space<vmem>> -> memref<1x8x128xf32, #tpu.memory_space<vmem>>
      %dma_start3A_531 = tpu.memref_squeeze %dma_start3A_530 : memref<1x8x128xf32, #tpu.memory_space<vmem>> -> memref<8x128xf32, #tpu.memory_space<vmem>>
      %dma_start3A_532 = arith.constant 0 : i32
      %dma_start3A_533 = arith.constant 0 : i32
      %dma_start3A_534 = tpu.memref_slice %arg4[%select_n3A, %dma_start3A_527, %add3A_417, %dma_start3A_532, %dma_start3A_533] : memref<50x8x128x8x128xf32, #tpu.memory_space<hbm>> -> memref<1x1x1x8x128xf32, #tpu.memory_space<hbm>>
      %dma_start3A_535 = tpu.memref_squeeze %dma_start3A_534 : memref<1x1x1x8x128xf32, #tpu.memory_space<hbm>> -> memref<8x128xf32, #tpu.memory_space<hbm>>
      %dma_start3A_536 = arith.constant 0 : i32
      %dma_start3A_537 = arith.constant 0 : i32
      %dma_start3A_538 = tpu.memref_slice %arg4[%select_n3A, %dma_start3A_527, %add3A_417, %dma_start3A_536, %dma_start3A_537] : memref<50x8x128x8x128xf32, #tpu.memory_space<hbm>> -> memref<1x1x1x8x128xf32, #tpu.memory_space<hbm>>
      %dma_start3A_539 = tpu.memref_squeeze %dma_start3A_538 : memref<1x1x1x8x128xf32, #tpu.memory_space<hbm>> -> memref<8x128xf32, #tpu.memory_space<hbm>>
      %dma_start3A_540 = arith.constant 48 : i32
      %dma_start3A_541 = arith.constant 0 : i32
      %dma_start3A_542 = tpu.memref_slice %arg7[%dma_start3A_526, %dma_start3A_540, %dma_start3A_541] : memref<2x64x133xf32, #tpu.memory_space<vmem>> -> memref<1x8x128xf32, #tpu.memory_space<vmem>>
      %dma_start3A_543 = tpu.memref_squeeze %dma_start3A_542 : memref<1x8x128xf32, #tpu.memory_space<vmem>> -> memref<8x128xf32, #tpu.memory_space<vmem>>
      tpu.enqueue_dma source(%dma_start3A_543 : memref<8x128xf32, #tpu.memory_space<vmem>>) target(%dma_start3A_539 : memref<8x128xf32, #tpu.memory_space<hbm>>) target_semaphore(%arg10 : memref<!tpu.dma_semaphore, #tpu.memory_space<semaphore_mem>>)
      %dma_start3A_544 = arith.constant 0 : i32
      %dma_start3A_545 = arith.constant 7 : i32
      %dma_start3A_546 = arith.constant 56 : i32
      %dma_start3A_547 = arith.constant 0 : i32
      %dma_start3A_548 = tpu.memref_slice %arg7[%dma_start3A_544, %dma_start3A_546, %dma_start3A_547] : memref<2x64x133xf32, #tpu.memory_space<vmem>> -> memref<1x8x128xf32, #tpu.memory_space<vmem>>
      %dma_start3A_549 = tpu.memref_squeeze %dma_start3A_548 : memref<1x8x128xf32, #tpu.memory_space<vmem>> -> memref<8x128xf32, #tpu.memory_space<vmem>>
      %dma_start3A_550 = arith.constant 0 : i32
      %dma_start3A_551 = arith.constant 0 : i32
      %dma_start3A_552 = tpu.memref_slice %arg4[%select_n3A, %dma_start3A_545, %add3A_417, %dma_start3A_550, %dma_start3A_551] : memref<50x8x128x8x128xf32, #tpu.memory_space<hbm>> -> memref<1x1x1x8x128xf32, #tpu.memory_space<hbm>>
      %dma_start3A_553 = tpu.memref_squeeze %dma_start3A_552 : memref<1x1x1x8x128xf32, #tpu.memory_space<hbm>> -> memref<8x128xf32, #tpu.memory_space<hbm>>
      %dma_start3A_554 = arith.constant 0 : i32
      %dma_start3A_555 = arith.constant 0 : i32
      %dma_start3A_556 = tpu.memref_slice %arg4[%select_n3A, %dma_start3A_545, %add3A_417, %dma_start3A_554, %dma_start3A_555] : memref<50x8x128x8x128xf32, #tpu.memory_space<hbm>> -> memref<1x1x1x8x128xf32, #tpu.memory_space<hbm>>
      %dma_start3A_557 = tpu.memref_squeeze %dma_start3A_556 : memref<1x1x1x8x128xf32, #tpu.memory_space<hbm>> -> memref<8x128xf32, #tpu.memory_space<hbm>>
      %dma_start3A_558 = arith.constant 56 : i32
      %dma_start3A_559 = arith.constant 0 : i32
      %dma_start3A_560 = tpu.memref_slice %arg7[%dma_start3A_544, %dma_start3A_558, %dma_start3A_559] : memref<2x64x133xf32, #tpu.memory_space<vmem>> -> memref<1x8x128xf32, #tpu.memory_space<vmem>>
      %dma_start3A_561 = tpu.memref_squeeze %dma_start3A_560 : memref<1x8x128xf32, #tpu.memory_space<vmem>> -> memref<8x128xf32, #tpu.memory_space<vmem>>
      tpu.enqueue_dma source(%dma_start3A_561 : memref<8x128xf32, #tpu.memory_space<vmem>>) target(%dma_start3A_557 : memref<8x128xf32, #tpu.memory_space<hbm>>) target_semaphore(%arg10 : memref<!tpu.dma_semaphore, #tpu.memory_space<semaphore_mem>>)
      %mul3A_562 = arith.constant 2 : i32
      %mul3A_563 = arith.muli %scan3A_351, %mul3A_562 : i32
      %add3A_564 = arith.constant 1 : i32
      %add3A_565 = arith.addi %mul3A_563, %add3A_564 : i32
      %add3A_566 = arith.constant 1 : i32
      %add3A_567 = arith.addi %add3A_565, %add3A_566 : i32
      %lt3A_568 = arith.constant 200 : i32
      %lt3A_569 = arith.cmpi slt, %add3A_567, %lt3A_568 : i32
      %convert_element_type3A_570 = arith.extui %lt3A_569 : i1 to i32
      %cond3A_571 = arith.constant 0 : i32
      %cond3A_572 = arith.cmpi ne, %convert_element_type3A_570, %cond3A_571 : i32
      scf.if %cond3A_572 {
        %add3A_786 = arith.constant 1 : i32
        %add3A_787 = arith.addi %add3A_565, %add3A_786 : i32
        %jit3A_788 = arith.constant 4 : i32
        %div3A_789 = arith.divsi %add3A_787, %jit3A_788 : i32
        %sign3A_790 = arith.constant 0 : i32
        %sign3A_791 = arith.cmpi sgt, %add3A_787, %sign3A_790 : i32
        %sign3A_792 = arith.extui %sign3A_791 : i1 to i32
        %sign3A_793 = arith.constant 0 : i32
        %sign3A_794 = arith.cmpi slt, %add3A_787, %sign3A_793 : i32
        %sign3A_795 = arith.extui %sign3A_794 : i1 to i32
        %sign3A_796 = arith.subi %sign3A_792, %sign3A_795 : i32
        %sign3A_797 = arith.constant 0 : i32
        %sign3A_798 = arith.cmpi sgt, %jit3A_788, %sign3A_797 : i32
        %sign3A_799 = arith.extui %sign3A_798 : i1 to i32
        %sign3A_800 = arith.constant 0 : i32
        %sign3A_801 = arith.cmpi slt, %jit3A_788, %sign3A_800 : i32
        %sign3A_802 = arith.extui %sign3A_801 : i1 to i32
        %sign3A_803 = arith.subi %sign3A_799, %sign3A_802 : i32
        %ne3A_804 = arith.cmpi ne, %sign3A_796, %sign3A_803 : i32
        %rem3A_805 = arith.remsi %add3A_787, %jit3A_788 : i32
        %ne3A_806 = arith.constant 0 : i32
        %ne3A_807 = arith.cmpi ne, %rem3A_805, %ne3A_806 : i32
        %and3A_808 = arith.andi %ne3A_804, %ne3A_807 : i1
        %sub3A_809 = arith.constant 1 : i32
        %sub3A_810 = arith.subi %div3A_789, %sub3A_809 : i32
        %select_n3A_811 = arith.select %and3A_808, %sub3A_810, %div3A_789 : i32
        %jit3A_812 = arith.constant 4 : i32
        %eq3A_813 = arith.constant 0 : i32
        %eq3A_814 = arith.cmpi eq, %jit3A_812, %eq3A_813 : i32
        %jit3A_815 = arith.constant 1 : i32
        %select_n3A_816 = arith.select %eq3A_814, %jit3A_815, %jit3A_812 : i32
        %rem3A_817 = arith.remsi %add3A_787, %select_n3A_816 : i32
        %ne3A_818 = arith.constant 0 : i32
        %ne3A_819 = arith.cmpi ne, %rem3A_817, %ne3A_818 : i32
        %lt3A_820 = arith.constant 0 : i32
        %lt3A_821 = arith.cmpi slt, %rem3A_817, %lt3A_820 : i32
        %lt3A_822 = arith.constant 0 : i32
        %lt3A_823 = arith.cmpi slt, %select_n3A_816, %lt3A_822 : i32
        %ne3A_824 = arith.xori %lt3A_821, %lt3A_823 : i1
        %and3A_825 = arith.andi %ne3A_824, %ne3A_819 : i1
        %add3A_826 = arith.addi %rem3A_817, %select_n3A_816 : i32
        %select_n3A_827 = arith.select %and3A_825, %add3A_826, %rem3A_817 : i32
        %mul3A_828 = arith.constant 128 : i32
        %mul3A_829 = arith.muli %select_n3A_827, %mul3A_828 : i32
        %dma_start3A_830 = arith.constant 0 : i32
        %dma_start3A_831 = arith.constant 0 : i32
        %dma_start3A_832 = arith.constant 0 : i32
        %dma_start3A_833 = tpu.memref_slice %arg6[%dma_start3A_830, %dma_start3A_831, %dma_start3A_832] : memref<2x128x64xf32, #tpu.memory_space<vmem>> -> memref<1x128x64xf32, #tpu.memory_space<vmem>>
        %dma_start3A_834 = tpu.memref_squeeze %dma_start3A_833 : memref<1x128x64xf32, #tpu.memory_space<vmem>> -> memref<128x64xf32, #tpu.memory_space<vmem>>
        %dma_start3A_835 = tpu.memref_slice %arg5[%select_n3A_811, %mul3A_829] : memref<50x512xi32, #tpu.memory_space<vmem>> -> memref<1x128xi32, #tpu.memory_space<vmem>>
        %dma_start3A_836 = tpu.memref_squeeze %dma_start3A_835 : memref<1x128xi32, #tpu.memory_space<vmem>> -> memref<128xi32, #tpu.memory_space<vmem>>
        %dma_start3A_837 = arith.constant 0 : i32
        %dma_start3A_838 = arith.constant 0 : i32
        %dma_start3A_839 = tpu.memref_slice %arg3[%dma_start3A_837, %dma_start3A_838] : memref<1000000x64xf32, #tpu.memory_space<hbm>> -> memref<1000000x64xf32, #tpu.memory_space<hbm>>
        tpu.enqueue_indirect_dma source(%dma_start3A_839 : memref<1000000x64xf32, #tpu.memory_space<hbm>>) target(%dma_start3A_834 : memref<128x64xf32, #tpu.memory_space<vmem>>) offsets(%dma_start3A_836 : memref<128xi32, #tpu.memory_space<vmem>>) semaphore(%arg8 : memref<!tpu.dma_semaphore, #tpu.memory_space<semaphore_mem>>)
      } else {
      }
      %dma_wait3A_573 = arith.constant 1 : i32
      %dma_wait3A_574 = arith.constant 0 : i32
      %dma_wait3A_575 = arith.constant 0 : i32
      %dma_wait3A_576 = tpu.memref_slice %arg6[%dma_wait3A_573, %dma_wait3A_574, %dma_wait3A_575] : memref<2x128x64xf32, #tpu.memory_space<vmem>> -> memref<1x128x64xf32, #tpu.memory_space<vmem>>
      %dma_wait3A_577 = tpu.memref_squeeze %dma_wait3A_576 : memref<1x128x64xf32, #tpu.memory_space<vmem>> -> memref<128x64xf32, #tpu.memory_space<vmem>>
      %dma_wait3A_578 = arith.constant 0 : i32
      %dma_wait3A_579 = arith.constant 0 : i32
      %dma_wait3A_580 = tpu.memref_slice %arg3[%dma_wait3A_578, %dma_wait3A_579] : memref<1000000x64xf32, #tpu.memory_space<hbm>> -> memref<128x64xf32, #tpu.memory_space<hbm>>
      %dma_wait3A_581 = arith.constant 0 : i32
      %dma_wait3A_582 = arith.constant 0 : i32
      %dma_wait3A_583 = tpu.memref_slice %arg6[%dma_wait3A_573, %dma_wait3A_581, %dma_wait3A_582] : memref<2x128x64xf32, #tpu.memory_space<vmem>> -> memref<1x128x64xf32, #tpu.memory_space<vmem>>
      %dma_wait3A_584 = tpu.memref_squeeze %dma_wait3A_583 : memref<1x128x64xf32, #tpu.memory_space<vmem>> -> memref<128x64xf32, #tpu.memory_space<vmem>>
      %dma_wait3A_585 = arith.constant 0 : i32
      %dma_wait3A_586 = arith.constant 0 : i32
      %dma_wait3A_587 = tpu.memref_slice %arg3[%dma_wait3A_585, %dma_wait3A_586] : memref<1000000x64xf32, #tpu.memory_space<hbm>> -> memref<128x64xf32, #tpu.memory_space<hbm>>
      tpu.wait_dma2 semaphore(%arg9 : memref<!tpu.dma_semaphore, #tpu.memory_space<semaphore_mem>>) src(%dma_wait3A_587 : memref<128x64xf32, #tpu.memory_space<hbm>>) dst(%dma_wait3A_584 : memref<128x64xf32, #tpu.memory_space<vmem>>)
      %ge3A_588 = arith.constant 2 : i32
      %ge3A_589 = arith.cmpi sge, %add3A_565, %ge3A_588 : i32
      %convert_element_type3A_590 = arith.extui %ge3A_589 : i1 to i32
      %cond3A_591 = arith.constant 0 : i32
      %cond3A_592 = arith.cmpi ne, %convert_element_type3A_590, %cond3A_591 : i32
      scf.if %cond3A_592 {
        %dma_wait3A_786 = arith.constant 1 : i32
        %dma_wait3A_787 = arith.constant 0 : i32
        %dma_wait3A_788 = arith.constant 0 : i32
        %dma_wait3A_789 = arith.constant 0 : i32
        %dma_wait3A_790 = arith.constant 0 : i32
        %dma_wait3A_791 = arith.constant 0 : i32
        %dma_wait3A_792 = tpu.memref_slice %arg7[%dma_wait3A_786, %dma_wait3A_790, %dma_wait3A_791] : memref<2x64x133xf32, #tpu.memory_space<vmem>> -> memref<1x8x128xf32, #tpu.memory_space<vmem>>
        %dma_wait3A_793 = tpu.memref_squeeze %dma_wait3A_792 : memref<1x8x128xf32, #tpu.memory_space<vmem>> -> memref<8x128xf32, #tpu.memory_space<vmem>>
        %dma_wait3A_794 = arith.constant 0 : i32
        %dma_wait3A_795 = arith.constant 0 : i32
        %dma_wait3A_796 = tpu.memref_slice %arg4[%dma_wait3A_787, %dma_wait3A_788, %dma_wait3A_789, %dma_wait3A_794, %dma_wait3A_795] : memref<50x8x128x8x128xf32, #tpu.memory_space<hbm>> -> memref<1x1x1x8x128xf32, #tpu.memory_space<hbm>>
        %dma_wait3A_797 = tpu.memref_squeeze %dma_wait3A_796 : memref<1x1x1x8x128xf32, #tpu.memory_space<hbm>> -> memref<8x128xf32, #tpu.memory_space<hbm>>
        %dma_wait3A_798 = arith.constant 0 : i32
        %dma_wait3A_799 = arith.constant 0 : i32
        %dma_wait3A_800 = tpu.memref_slice %arg4[%dma_wait3A_787, %dma_wait3A_788, %dma_wait3A_789, %dma_wait3A_798, %dma_wait3A_799] : memref<50x8x128x8x128xf32, #tpu.memory_space<hbm>> -> memref<1x1x1x8x128xf32, #tpu.memory_space<hbm>>
        %dma_wait3A_801 = tpu.memref_squeeze %dma_wait3A_800 : memref<1x1x1x8x128xf32, #tpu.memory_space<hbm>> -> memref<8x128xf32, #tpu.memory_space<hbm>>
        %dma_wait3A_802 = arith.constant 0 : i32
        %dma_wait3A_803 = arith.constant 0 : i32
        %dma_wait3A_804 = tpu.memref_slice %arg7[%dma_wait3A_786, %dma_wait3A_802, %dma_wait3A_803] : memref<2x64x133xf32, #tpu.memory_space<vmem>> -> memref<1x8x128xf32, #tpu.memory_space<vmem>>
        %dma_wait3A_805 = tpu.memref_squeeze %dma_wait3A_804 : memref<1x8x128xf32, #tpu.memory_space<vmem>> -> memref<8x128xf32, #tpu.memory_space<vmem>>
        tpu.wait_dma2 semaphore(%arg11 : memref<!tpu.dma_semaphore, #tpu.memory_space<semaphore_mem>>) src(%dma_wait3A_805 : memref<8x128xf32, #tpu.memory_space<vmem>>) dst(%dma_wait3A_801 : memref<8x128xf32, #tpu.memory_space<hbm>>)
        %dma_wait3A_806 = arith.constant 1 : i32
        %dma_wait3A_807 = arith.constant 0 : i32
        %dma_wait3A_808 = arith.constant 1 : i32
        %dma_wait3A_809 = arith.constant 0 : i32
        %dma_wait3A_810 = arith.constant 8 : i32
        %dma_wait3A_811 = arith.constant 0 : i32
        %dma_wait3A_812 = tpu.memref_slice %arg7[%dma_wait3A_806, %dma_wait3A_810, %dma_wait3A_811] : memref<2x64x133xf32, #tpu.memory_space<vmem>> -> memref<1x8x128xf32, #tpu.memory_space<vmem>>
        %dma_wait3A_813 = tpu.memref_squeeze %dma_wait3A_812 : memref<1x8x128xf32, #tpu.memory_space<vmem>> -> memref<8x128xf32, #tpu.memory_space<vmem>>
        %dma_wait3A_814 = arith.constant 0 : i32
        %dma_wait3A_815 = arith.constant 0 : i32
        %dma_wait3A_816 = tpu.memref_slice %arg4[%dma_wait3A_807, %dma_wait3A_808, %dma_wait3A_809, %dma_wait3A_814, %dma_wait3A_815] : memref<50x8x128x8x128xf32, #tpu.memory_space<hbm>> -> memref<1x1x1x8x128xf32, #tpu.memory_space<hbm>>
        %dma_wait3A_817 = tpu.memref_squeeze %dma_wait3A_816 : memref<1x1x1x8x128xf32, #tpu.memory_space<hbm>> -> memref<8x128xf32, #tpu.memory_space<hbm>>
        %dma_wait3A_818 = arith.constant 0 : i32
        %dma_wait3A_819 = arith.constant 0 : i32
        %dma_wait3A_820 = tpu.memref_slice %arg4[%dma_wait3A_807, %dma_wait3A_808, %dma_wait3A_809, %dma_wait3A_818, %dma_wait3A_819] : memref<50x8x128x8x128xf32, #tpu.memory_space<hbm>> -> memref<1x1x1x8x128xf32, #tpu.memory_space<hbm>>
        %dma_wait3A_821 = tpu.memref_squeeze %dma_wait3A_820 : memref<1x1x1x8x128xf32, #tpu.memory_space<hbm>> -> memref<8x128xf32, #tpu.memory_space<hbm>>
        %dma_wait3A_822 = arith.constant 8 : i32
        %dma_wait3A_823 = arith.constant 0 : i32
        %dma_wait3A_824 = tpu.memref_slice %arg7[%dma_wait3A_806, %dma_wait3A_822, %dma_wait3A_823] : memref<2x64x133xf32, #tpu.memory_space<vmem>> -> memref<1x8x128xf32, #tpu.memory_space<vmem>>
        %dma_wait3A_825 = tpu.memref_squeeze %dma_wait3A_824 : memref<1x8x128xf32, #tpu.memory_space<vmem>> -> memref<8x128xf32, #tpu.memory_space<vmem>>
        tpu.wait_dma2 semaphore(%arg11 : memref<!tpu.dma_semaphore, #tpu.memory_space<semaphore_mem>>) src(%dma_wait3A_825 : memref<8x128xf32, #tpu.memory_space<vmem>>) dst(%dma_wait3A_821 : memref<8x128xf32, #tpu.memory_space<hbm>>)
        %dma_wait3A_826 = arith.constant 1 : i32
        %dma_wait3A_827 = arith.constant 0 : i32
        %dma_wait3A_828 = arith.constant 2 : i32
        %dma_wait3A_829 = arith.constant 0 : i32
        %dma_wait3A_830 = arith.constant 16 : i32
        %dma_wait3A_831 = arith.constant 0 : i32
        %dma_wait3A_832 = tpu.memref_slice %arg7[%dma_wait3A_826, %dma_wait3A_830, %dma_wait3A_831] : memref<2x64x133xf32, #tpu.memory_space<vmem>> -> memref<1x8x128xf32, #tpu.memory_space<vmem>>
        %dma_wait3A_833 = tpu.memref_squeeze %dma_wait3A_832 : memref<1x8x128xf32, #tpu.memory_space<vmem>> -> memref<8x128xf32, #tpu.memory_space<vmem>>
        %dma_wait3A_834 = arith.constant 0 : i32
        %dma_wait3A_835 = arith.constant 0 : i32
        %dma_wait3A_836 = tpu.memref_slice %arg4[%dma_wait3A_827, %dma_wait3A_828, %dma_wait3A_829, %dma_wait3A_834, %dma_wait3A_835] : memref<50x8x128x8x128xf32, #tpu.memory_space<hbm>> -> memref<1x1x1x8x128xf32, #tpu.memory_space<hbm>>
        %dma_wait3A_837 = tpu.memref_squeeze %dma_wait3A_836 : memref<1x1x1x8x128xf32, #tpu.memory_space<hbm>> -> memref<8x128xf32, #tpu.memory_space<hbm>>
        %dma_wait3A_838 = arith.constant 0 : i32
        %dma_wait3A_839 = arith.constant 0 : i32
        %dma_wait3A_840 = tpu.memref_slice %arg4[%dma_wait3A_827, %dma_wait3A_828, %dma_wait3A_829, %dma_wait3A_838, %dma_wait3A_839] : memref<50x8x128x8x128xf32, #tpu.memory_space<hbm>> -> memref<1x1x1x8x128xf32, #tpu.memory_space<hbm>>
        %dma_wait3A_841 = tpu.memref_squeeze %dma_wait3A_840 : memref<1x1x1x8x128xf32, #tpu.memory_space<hbm>> -> memref<8x128xf32, #tpu.memory_space<hbm>>
        %dma_wait3A_842 = arith.constant 16 : i32
        %dma_wait3A_843 = arith.constant 0 : i32
        %dma_wait3A_844 = tpu.memref_slice %arg7[%dma_wait3A_826, %dma_wait3A_842, %dma_wait3A_843] : memref<2x64x133xf32, #tpu.memory_space<vmem>> -> memref<1x8x128xf32, #tpu.memory_space<vmem>>
        %dma_wait3A_845 = tpu.memref_squeeze %dma_wait3A_844 : memref<1x8x128xf32, #tpu.memory_space<vmem>> -> memref<8x128xf32, #tpu.memory_space<vmem>>
        tpu.wait_dma2 semaphore(%arg11 : memref<!tpu.dma_semaphore, #tpu.memory_space<semaphore_mem>>) src(%dma_wait3A_845 : memref<8x128xf32, #tpu.memory_space<vmem>>) dst(%dma_wait3A_841 : memref<8x128xf32, #tpu.memory_space<hbm>>)
        %dma_wait3A_846 = arith.constant 1 : i32
        %dma_wait3A_847 = arith.constant 0 : i32
        %dma_wait3A_848 = arith.constant 3 : i32
        %dma_wait3A_849 = arith.constant 0 : i32
        %dma_wait3A_850 = arith.constant 24 : i32
        %dma_wait3A_851 = arith.constant 0 : i32
        %dma_wait3A_852 = tpu.memref_slice %arg7[%dma_wait3A_846, %dma_wait3A_850, %dma_wait3A_851] : memref<2x64x133xf32, #tpu.memory_space<vmem>> -> memref<1x8x128xf32, #tpu.memory_space<vmem>>
        %dma_wait3A_853 = tpu.memref_squeeze %dma_wait3A_852 : memref<1x8x128xf32, #tpu.memory_space<vmem>> -> memref<8x128xf32, #tpu.memory_space<vmem>>
        %dma_wait3A_854 = arith.constant 0 : i32
        %dma_wait3A_855 = arith.constant 0 : i32
        %dma_wait3A_856 = tpu.memref_slice %arg4[%dma_wait3A_847, %dma_wait3A_848, %dma_wait3A_849, %dma_wait3A_854, %dma_wait3A_855] : memref<50x8x128x8x128xf32, #tpu.memory_space<hbm>> -> memref<1x1x1x8x128xf32, #tpu.memory_space<hbm>>
        %dma_wait3A_857 = tpu.memref_squeeze %dma_wait3A_856 : memref<1x1x1x8x128xf32, #tpu.memory_space<hbm>> -> memref<8x128xf32, #tpu.memory_space<hbm>>
        %dma_wait3A_858 = arith.constant 0 : i32
        %dma_wait3A_859 = arith.constant 0 : i32
        %dma_wait3A_860 = tpu.memref_slice %arg4[%dma_wait3A_847, %dma_wait3A_848, %dma_wait3A_849, %dma_wait3A_858, %dma_wait3A_859] : memref<50x8x128x8x128xf32, #tpu.memory_space<hbm>> -> memref<1x1x1x8x128xf32, #tpu.memory_space<hbm>>
        %dma_wait3A_861 = tpu.memref_squeeze %dma_wait3A_860 : memref<1x1x1x8x128xf32, #tpu.memory_space<hbm>> -> memref<8x128xf32, #tpu.memory_space<hbm>>
        %dma_wait3A_862 = arith.constant 24 : i32
        %dma_wait3A_863 = arith.constant 0 : i32
        %dma_wait3A_864 = tpu.memref_slice %arg7[%dma_wait3A_846, %dma_wait3A_862, %dma_wait3A_863] : memref<2x64x133xf32, #tpu.memory_space<vmem>> -> memref<1x8x128xf32, #tpu.memory_space<vmem>>
        %dma_wait3A_865 = tpu.memref_squeeze %dma_wait3A_864 : memref<1x8x128xf32, #tpu.memory_space<vmem>> -> memref<8x128xf32, #tpu.memory_space<vmem>>
        tpu.wait_dma2 semaphore(%arg11 : memref<!tpu.dma_semaphore, #tpu.memory_space<semaphore_mem>>) src(%dma_wait3A_865 : memref<8x128xf32, #tpu.memory_space<vmem>>) dst(%dma_wait3A_861 : memref<8x128xf32, #tpu.memory_space<hbm>>)
        %dma_wait3A_866 = arith.constant 1 : i32
        %dma_wait3A_867 = arith.constant 0 : i32
        %dma_wait3A_868 = arith.constant 4 : i32
        %dma_wait3A_869 = arith.constant 0 : i32
        %dma_wait3A_870 = arith.constant 32 : i32
        %dma_wait3A_871 = arith.constant 0 : i32
        %dma_wait3A_872 = tpu.memref_slice %arg7[%dma_wait3A_866, %dma_wait3A_870, %dma_wait3A_871] : memref<2x64x133xf32, #tpu.memory_space<vmem>> -> memref<1x8x128xf32, #tpu.memory_space<vmem>>
        %dma_wait3A_873 = tpu.memref_squeeze %dma_wait3A_872 : memref<1x8x128xf32, #tpu.memory_space<vmem>> -> memref<8x128xf32, #tpu.memory_space<vmem>>
        %dma_wait3A_874 = arith.constant 0 : i32
        %dma_wait3A_875 = arith.constant 0 : i32
        %dma_wait3A_876 = tpu.memref_slice %arg4[%dma_wait3A_867, %dma_wait3A_868, %dma_wait3A_869, %dma_wait3A_874, %dma_wait3A_875] : memref<50x8x128x8x128xf32, #tpu.memory_space<hbm>> -> memref<1x1x1x8x128xf32, #tpu.memory_space<hbm>>
        %dma_wait3A_877 = tpu.memref_squeeze %dma_wait3A_876 : memref<1x1x1x8x128xf32, #tpu.memory_space<hbm>> -> memref<8x128xf32, #tpu.memory_space<hbm>>
        %dma_wait3A_878 = arith.constant 0 : i32
        %dma_wait3A_879 = arith.constant 0 : i32
        %dma_wait3A_880 = tpu.memref_slice %arg4[%dma_wait3A_867, %dma_wait3A_868, %dma_wait3A_869, %dma_wait3A_878, %dma_wait3A_879] : memref<50x8x128x8x128xf32, #tpu.memory_space<hbm>> -> memref<1x1x1x8x128xf32, #tpu.memory_space<hbm>>
        %dma_wait3A_881 = tpu.memref_squeeze %dma_wait3A_880 : memref<1x1x1x8x128xf32, #tpu.memory_space<hbm>> -> memref<8x128xf32, #tpu.memory_space<hbm>>
        %dma_wait3A_882 = arith.constant 32 : i32
        %dma_wait3A_883 = arith.constant 0 : i32
        %dma_wait3A_884 = tpu.memref_slice %arg7[%dma_wait3A_866, %dma_wait3A_882, %dma_wait3A_883] : memref<2x64x133xf32, #tpu.memory_space<vmem>> -> memref<1x8x128xf32, #tpu.memory_space<vmem>>
        %dma_wait3A_885 = tpu.memref_squeeze %dma_wait3A_884 : memref<1x8x128xf32, #tpu.memory_space<vmem>> -> memref<8x128xf32, #tpu.memory_space<vmem>>
        tpu.wait_dma2 semaphore(%arg11 : memref<!tpu.dma_semaphore, #tpu.memory_space<semaphore_mem>>) src(%dma_wait3A_885 : memref<8x128xf32, #tpu.memory_space<vmem>>) dst(%dma_wait3A_881 : memref<8x128xf32, #tpu.memory_space<hbm>>)
        %dma_wait3A_886 = arith.constant 1 : i32
        %dma_wait3A_887 = arith.constant 0 : i32
        %dma_wait3A_888 = arith.constant 5 : i32
        %dma_wait3A_889 = arith.constant 0 : i32
        %dma_wait3A_890 = arith.constant 40 : i32
        %dma_wait3A_891 = arith.constant 0 : i32
        %dma_wait3A_892 = tpu.memref_slice %arg7[%dma_wait3A_886, %dma_wait3A_890, %dma_wait3A_891] : memref<2x64x133xf32, #tpu.memory_space<vmem>> -> memref<1x8x128xf32, #tpu.memory_space<vmem>>
        %dma_wait3A_893 = tpu.memref_squeeze %dma_wait3A_892 : memref<1x8x128xf32, #tpu.memory_space<vmem>> -> memref<8x128xf32, #tpu.memory_space<vmem>>
        %dma_wait3A_894 = arith.constant 0 : i32
        %dma_wait3A_895 = arith.constant 0 : i32
        %dma_wait3A_896 = tpu.memref_slice %arg4[%dma_wait3A_887, %dma_wait3A_888, %dma_wait3A_889, %dma_wait3A_894, %dma_wait3A_895] : memref<50x8x128x8x128xf32, #tpu.memory_space<hbm>> -> memref<1x1x1x8x128xf32, #tpu.memory_space<hbm>>
        %dma_wait3A_897 = tpu.memref_squeeze %dma_wait3A_896 : memref<1x1x1x8x128xf32, #tpu.memory_space<hbm>> -> memref<8x128xf32, #tpu.memory_space<hbm>>
        %dma_wait3A_898 = arith.constant 0 : i32
        %dma_wait3A_899 = arith.constant 0 : i32
        %dma_wait3A_900 = tpu.memref_slice %arg4[%dma_wait3A_887, %dma_wait3A_888, %dma_wait3A_889, %dma_wait3A_898, %dma_wait3A_899] : memref<50x8x128x8x128xf32, #tpu.memory_space<hbm>> -> memref<1x1x1x8x128xf32, #tpu.memory_space<hbm>>
        %dma_wait3A_901 = tpu.memref_squeeze %dma_wait3A_900 : memref<1x1x1x8x128xf32, #tpu.memory_space<hbm>> -> memref<8x128xf32, #tpu.memory_space<hbm>>
        %dma_wait3A_902 = arith.constant 40 : i32
        %dma_wait3A_903 = arith.constant 0 : i32
        %dma_wait3A_904 = tpu.memref_slice %arg7[%dma_wait3A_886, %dma_wait3A_902, %dma_wait3A_903] : memref<2x64x133xf32, #tpu.memory_space<vmem>> -> memref<1x8x128xf32, #tpu.memory_space<vmem>>
        %dma_wait3A_905 = tpu.memref_squeeze %dma_wait3A_904 : memref<1x8x128xf32, #tpu.memory_space<vmem>> -> memref<8x128xf32, #tpu.memory_space<vmem>>
        tpu.wait_dma2 semaphore(%arg11 : memref<!tpu.dma_semaphore, #tpu.memory_space<semaphore_mem>>) src(%dma_wait3A_905 : memref<8x128xf32, #tpu.memory_space<vmem>>) dst(%dma_wait3A_901 : memref<8x128xf32, #tpu.memory_space<hbm>>)
        %dma_wait3A_906 = arith.constant 1 : i32
        %dma_wait3A_907 = arith.constant 0 : i32
        %dma_wait3A_908 = arith.constant 6 : i32
        %dma_wait3A_909 = arith.constant 0 : i32
        %dma_wait3A_910 = arith.constant 48 : i32
        %dma_wait3A_911 = arith.constant 0 : i32
        %dma_wait3A_912 = tpu.memref_slice %arg7[%dma_wait3A_906, %dma_wait3A_910, %dma_wait3A_911] : memref<2x64x133xf32, #tpu.memory_space<vmem>> -> memref<1x8x128xf32, #tpu.memory_space<vmem>>
        %dma_wait3A_913 = tpu.memref_squeeze %dma_wait3A_912 : memref<1x8x128xf32, #tpu.memory_space<vmem>> -> memref<8x128xf32, #tpu.memory_space<vmem>>
        %dma_wait3A_914 = arith.constant 0 : i32
        %dma_wait3A_915 = arith.constant 0 : i32
        %dma_wait3A_916 = tpu.memref_slice %arg4[%dma_wait3A_907, %dma_wait3A_908, %dma_wait3A_909, %dma_wait3A_914, %dma_wait3A_915] : memref<50x8x128x8x128xf32, #tpu.memory_space<hbm>> -> memref<1x1x1x8x128xf32, #tpu.memory_space<hbm>>
        %dma_wait3A_917 = tpu.memref_squeeze %dma_wait3A_916 : memref<1x1x1x8x128xf32, #tpu.memory_space<hbm>> -> memref<8x128xf32, #tpu.memory_space<hbm>>
        %dma_wait3A_918 = arith.constant 0 : i32
        %dma_wait3A_919 = arith.constant 0 : i32
        %dma_wait3A_920 = tpu.memref_slice %arg4[%dma_wait3A_907, %dma_wait3A_908, %dma_wait3A_909, %dma_wait3A_918, %dma_wait3A_919] : memref<50x8x128x8x128xf32, #tpu.memory_space<hbm>> -> memref<1x1x1x8x128xf32, #tpu.memory_space<hbm>>
        %dma_wait3A_921 = tpu.memref_squeeze %dma_wait3A_920 : memref<1x1x1x8x128xf32, #tpu.memory_space<hbm>> -> memref<8x128xf32, #tpu.memory_space<hbm>>
        %dma_wait3A_922 = arith.constant 48 : i32
        %dma_wait3A_923 = arith.constant 0 : i32
        %dma_wait3A_924 = tpu.memref_slice %arg7[%dma_wait3A_906, %dma_wait3A_922, %dma_wait3A_923] : memref<2x64x133xf32, #tpu.memory_space<vmem>> -> memref<1x8x128xf32, #tpu.memory_space<vmem>>
        %dma_wait3A_925 = tpu.memref_squeeze %dma_wait3A_924 : memref<1x8x128xf32, #tpu.memory_space<vmem>> -> memref<8x128xf32, #tpu.memory_space<vmem>>
        tpu.wait_dma2 semaphore(%arg11 : memref<!tpu.dma_semaphore, #tpu.memory_space<semaphore_mem>>) src(%dma_wait3A_925 : memref<8x128xf32, #tpu.memory_space<vmem>>) dst(%dma_wait3A_921 : memref<8x128xf32, #tpu.memory_space<hbm>>)
        %dma_wait3A_926 = arith.constant 1 : i32
        %dma_wait3A_927 = arith.constant 0 : i32
        %dma_wait3A_928 = arith.constant 7 : i32
        %dma_wait3A_929 = arith.constant 0 : i32
        %dma_wait3A_930 = arith.constant 56 : i32
        %dma_wait3A_931 = arith.constant 0 : i32
        %dma_wait3A_932 = tpu.memref_slice %arg7[%dma_wait3A_926, %dma_wait3A_930, %dma_wait3A_931] : memref<2x64x133xf32, #tpu.memory_space<vmem>> -> memref<1x8x128xf32, #tpu.memory_space<vmem>>
        %dma_wait3A_933 = tpu.memref_squeeze %dma_wait3A_932 : memref<1x8x128xf32, #tpu.memory_space<vmem>> -> memref<8x128xf32, #tpu.memory_space<vmem>>
        %dma_wait3A_934 = arith.constant 0 : i32
        %dma_wait3A_935 = arith.constant 0 : i32
        %dma_wait3A_936 = tpu.memref_slice %arg4[%dma_wait3A_927, %dma_wait3A_928, %dma_wait3A_929, %dma_wait3A_934, %dma_wait3A_935] : memref<50x8x128x8x128xf32, #tpu.memory_space<hbm>> -> memref<1x1x1x8x128xf32, #tpu.memory_space<hbm>>
        %dma_wait3A_937 = tpu.memref_squeeze %dma_wait3A_936 : memref<1x1x1x8x128xf32, #tpu.memory_space<hbm>> -> memref<8x128xf32, #tpu.memory_space<hbm>>
        %dma_wait3A_938 = arith.constant 0 : i32
        %dma_wait3A_939 = arith.constant 0 : i32
        %dma_wait3A_940 = tpu.memref_slice %arg4[%dma_wait3A_927, %dma_wait3A_928, %dma_wait3A_929, %dma_wait3A_938, %dma_wait3A_939] : memref<50x8x128x8x128xf32, #tpu.memory_space<hbm>> -> memref<1x1x1x8x128xf32, #tpu.memory_space<hbm>>
        %dma_wait3A_941 = tpu.memref_squeeze %dma_wait3A_940 : memref<1x1x1x8x128xf32, #tpu.memory_space<hbm>> -> memref<8x128xf32, #tpu.memory_space<hbm>>
        %dma_wait3A_942 = arith.constant 56 : i32
        %dma_wait3A_943 = arith.constant 0 : i32
        %dma_wait3A_944 = tpu.memref_slice %arg7[%dma_wait3A_926, %dma_wait3A_942, %dma_wait3A_943] : memref<2x64x133xf32, #tpu.memory_space<vmem>> -> memref<1x8x128xf32, #tpu.memory_space<vmem>>
        %dma_wait3A_945 = tpu.memref_squeeze %dma_wait3A_944 : memref<1x8x128xf32, #tpu.memory_space<vmem>> -> memref<8x128xf32, #tpu.memory_space<vmem>>
        tpu.wait_dma2 semaphore(%arg11 : memref<!tpu.dma_semaphore, #tpu.memory_space<semaphore_mem>>) src(%dma_wait3A_945 : memref<8x128xf32, #tpu.memory_space<vmem>>) dst(%dma_wait3A_941 : memref<8x128xf32, #tpu.memory_space<hbm>>)
      } else {
      }
      %parallel_loop3A_593 = arith.constant 0 : i32
      %parallel_loop3A_594 = arith.constant 128 : i32
      %parallel_loop3A_595 = arith.constant 1 : i32
      %parallel_loop3A_596 = arith.constant 1 : i32
      %parallel_loop3A_597 = arith.constant 1 : i32
      scf.for %parallel_loop3A_786 = %parallel_loop3A_593 to %parallel_loop3A_594 step %parallel_loop3A_595  : i32 {
        %parallel_loop3A_787 = vector.broadcast %parallel_loop3A_786 : i32 to vector<16xi32>
        %parallel_loop3A_788 = arith.constant 0 : i32
        %parallel_loop3A_789 = arith.constant 0 : i32
        %parallel_loop3A_790 = tpu.memref_slice %arg6[%parallel_loop3A_596, %parallel_loop3A_788, %parallel_loop3A_789] : memref<2x128x64xf32, #tpu.memory_space<vmem>> -> memref<1x128x64xf32, #tpu.memory_space<vmem>>
        %parallel_loop3A_791 = tpu.memref_squeeze %parallel_loop3A_790 : memref<1x128x64xf32, #tpu.memory_space<vmem>> -> memref<128x64xf32, #tpu.memory_space<vmem>>
        %parallel_loop3A_792 = arith.index_cast %parallel_loop3A_786 : i32 to index
        %parallel_loop3A_793 = arith.constant 0 : index
        %parallel_loop3A_794 = tpu.vector_load %parallel_loop3A_791[%parallel_loop3A_792, %parallel_loop3A_793] {strides = array<i32>} : memref<128x64xf32, #tpu.memory_space<vmem>>, vector<16xf32>,
        %parallel_loop3A_795 = arith.constant 0 : i32
        %parallel_loop3A_796 = arith.constant 0 : i32
        %parallel_loop3A_797 = tpu.memref_slice %arg7[%parallel_loop3A_597, %parallel_loop3A_795, %parallel_loop3A_796] : memref<2x64x133xf32, #tpu.memory_space<vmem>> -> memref<1x64x133xf32, #tpu.memory_space<vmem>>
        %parallel_loop3A_798 = tpu.memref_squeeze %parallel_loop3A_797 : memref<1x64x133xf32, #tpu.memory_space<vmem>> -> memref<64x133xf32, #tpu.memory_space<vmem>>
        tpu.vector_store_idx %parallel_loop3A_798[%add3A_5, %parallel_loop3A_787], %parallel_loop3A_794 : memref<64x133xf32, #tpu.memory_space<vmem>>[vector<16xi32>, vector<16xi32>], vector<16xf32>,
        %parallel_loop3A_799 = arith.constant 0 : i32
        %parallel_loop3A_800 = arith.constant 0 : i32
        %parallel_loop3A_801 = tpu.memref_slice %arg6[%parallel_loop3A_596, %parallel_loop3A_799, %parallel_loop3A_800] : memref<2x128x64xf32, #tpu.memory_space<vmem>> -> memref<1x128x64xf32, #tpu.memory_space<vmem>>
        %parallel_loop3A_802 = tpu.memref_squeeze %parallel_loop3A_801 : memref<1x128x64xf32, #tpu.memory_space<vmem>> -> memref<128x64xf32, #tpu.memory_space<vmem>>
        %parallel_loop3A_803 = arith.index_cast %parallel_loop3A_786 : i32 to index
        %parallel_loop3A_804 = arith.constant 16 : index
        %parallel_loop3A_805 = tpu.vector_load %parallel_loop3A_802[%parallel_loop3A_803, %parallel_loop3A_804] {strides = array<i32>} : memref<128x64xf32, #tpu.memory_space<vmem>>, vector<16xf32>,
        %parallel_loop3A_806 = arith.constant 0 : i32
        %parallel_loop3A_807 = arith.constant 0 : i32
        %parallel_loop3A_808 = tpu.memref_slice %arg7[%parallel_loop3A_597, %parallel_loop3A_806, %parallel_loop3A_807] : memref<2x64x133xf32, #tpu.memory_space<vmem>> -> memref<1x64x133xf32, #tpu.memory_space<vmem>>
        %parallel_loop3A_809 = tpu.memref_squeeze %parallel_loop3A_808 : memref<1x64x133xf32, #tpu.memory_space<vmem>> -> memref<64x133xf32, #tpu.memory_space<vmem>>
        tpu.vector_store_idx %parallel_loop3A_809[%add3A_8, %parallel_loop3A_787], %parallel_loop3A_805 : memref<64x133xf32, #tpu.memory_space<vmem>>[vector<16xi32>, vector<16xi32>], vector<16xf32>,
        %parallel_loop3A_810 = arith.constant 0 : i32
        %parallel_loop3A_811 = arith.constant 0 : i32
        %parallel_loop3A_812 = tpu.memref_slice %arg6[%parallel_loop3A_596, %parallel_loop3A_810, %parallel_loop3A_811] : memref<2x128x64xf32, #tpu.memory_space<vmem>> -> memref<1x128x64xf32, #tpu.memory_space<vmem>>
        %parallel_loop3A_813 = tpu.memref_squeeze %parallel_loop3A_812 : memref<1x128x64xf32, #tpu.memory_space<vmem>> -> memref<128x64xf32, #tpu.memory_space<vmem>>
        %parallel_loop3A_814 = arith.index_cast %parallel_loop3A_786 : i32 to index
        %parallel_loop3A_815 = arith.constant 32 : index
        %parallel_loop3A_816 = tpu.vector_load %parallel_loop3A_813[%parallel_loop3A_814, %parallel_loop3A_815] {strides = array<i32>} : memref<128x64xf32, #tpu.memory_space<vmem>>, vector<16xf32>,
        %parallel_loop3A_817 = arith.constant 0 : i32
        %parallel_loop3A_818 = arith.constant 0 : i32
        %parallel_loop3A_819 = tpu.memref_slice %arg7[%parallel_loop3A_597, %parallel_loop3A_817, %parallel_loop3A_818] : memref<2x64x133xf32, #tpu.memory_space<vmem>> -> memref<1x64x133xf32, #tpu.memory_space<vmem>>
        %parallel_loop3A_820 = tpu.memref_squeeze %parallel_loop3A_819 : memref<1x64x133xf32, #tpu.memory_space<vmem>> -> memref<64x133xf32, #tpu.memory_space<vmem>>
        tpu.vector_store_idx %parallel_loop3A_820[%add3A_11, %parallel_loop3A_787], %parallel_loop3A_816 : memref<64x133xf32, #tpu.memory_space<vmem>>[vector<16xi32>, vector<16xi32>], vector<16xf32>,
        %parallel_loop3A_821 = arith.constant 0 : i32
        %parallel_loop3A_822 = arith.constant 0 : i32
        %parallel_loop3A_823 = tpu.memref_slice %arg6[%parallel_loop3A_596, %parallel_loop3A_821, %parallel_loop3A_822] : memref<2x128x64xf32, #tpu.memory_space<vmem>> -> memref<1x128x64xf32, #tpu.memory_space<vmem>>
        %parallel_loop3A_824 = tpu.memref_squeeze %parallel_loop3A_823 : memref<1x128x64xf32, #tpu.memory_space<vmem>> -> memref<128x64xf32, #tpu.memory_space<vmem>>
        %parallel_loop3A_825 = arith.index_cast %parallel_loop3A_786 : i32 to index
        %parallel_loop3A_826 = arith.constant 48 : index
        %parallel_loop3A_827 = tpu.vector_load %parallel_loop3A_824[%parallel_loop3A_825, %parallel_loop3A_826] {strides = array<i32>} : memref<128x64xf32, #tpu.memory_space<vmem>>, vector<16xf32>,
        %parallel_loop3A_828 = arith.constant 0 : i32
        %parallel_loop3A_829 = arith.constant 0 : i32
        %parallel_loop3A_830 = tpu.memref_slice %arg7[%parallel_loop3A_597, %parallel_loop3A_828, %parallel_loop3A_829] : memref<2x64x133xf32, #tpu.memory_space<vmem>> -> memref<1x64x133xf32, #tpu.memory_space<vmem>>
        %parallel_loop3A_831 = tpu.memref_squeeze %parallel_loop3A_830 : memref<1x64x133xf32, #tpu.memory_space<vmem>> -> memref<64x133xf32, #tpu.memory_space<vmem>>
        tpu.vector_store_idx %parallel_loop3A_831[%add3A_14, %parallel_loop3A_787], %parallel_loop3A_827 : memref<64x133xf32, #tpu.memory_space<vmem>>[vector<16xi32>, vector<16xi32>], vector<16xf32>,
      } {sc.loop_unroll_factor = 4 : i64, sc.parallel_access}
      %jit3A_598 = arith.constant 4 : i32
      %div3A_599 = arith.divsi %add3A_565, %jit3A_598 : i32
      %sign3A_600 = arith.constant 0 : i32
      %sign3A_601 = arith.cmpi sgt, %add3A_565, %sign3A_600 : i32
      %sign3A_602 = arith.extui %sign3A_601 : i1 to i32
      %sign3A_603 = arith.constant 0 : i32
      %sign3A_604 = arith.cmpi slt, %add3A_565, %sign3A_603 : i32
      %sign3A_605 = arith.extui %sign3A_604 : i1 to i32
      %sign3A_606 = arith.subi %sign3A_602, %sign3A_605 : i32
      %sign3A_607 = arith.constant 0 : i32
      %sign3A_608 = arith.cmpi sgt, %jit3A_598, %sign3A_607 : i32
      %sign3A_609 = arith.extui %sign3A_608 : i1 to i32
      %sign3A_610 = arith.constant 0 : i32
      %sign3A_611 = arith.cmpi slt, %jit3A_598, %sign3A_610 : i32
      %sign3A_612 = arith.extui %sign3A_611 : i1 to i32
      %sign3A_613 = arith.subi %sign3A_609, %sign3A_612 : i32
      %ne3A_614 = arith.cmpi ne, %sign3A_606, %sign3A_613 : i32
      %rem3A_615 = arith.remsi %add3A_565, %jit3A_598 : i32
      %ne3A_616 = arith.constant 0 : i32
      %ne3A_617 = arith.cmpi ne, %rem3A_615, %ne3A_616 : i32
      %and3A_618 = arith.andi %ne3A_614, %ne3A_617 : i1
      %sub3A_619 = arith.constant 1 : i32
      %sub3A_620 = arith.subi %div3A_599, %sub3A_619 : i32
      %select_n3A_621 = arith.select %and3A_618, %sub3A_620, %div3A_599 : i32
      %mul3A_622 = arith.constant 4 : i32
      %mul3A_623 = arith.muli %add3A, %mul3A_622 : i32
      %jit3A_624 = arith.constant 4 : i32
      %eq3A_625 = arith.constant 0 : i32
      %eq3A_626 = arith.cmpi eq, %jit3A_624, %eq3A_625 : i32
      %jit3A_627 = arith.constant 1 : i32
      %select_n3A_628 = arith.select %eq3A_626, %jit3A_627, %jit3A_624 : i32
      %rem3A_629 = arith.remsi %add3A_565, %select_n3A_628 : i32
      %ne3A_630 = arith.constant 0 : i32
      %ne3A_631 = arith.cmpi ne, %rem3A_629, %ne3A_630 : i32
      %lt3A_632 = arith.constant 0 : i32
      %lt3A_633 = arith.cmpi slt, %rem3A_629, %lt3A_632 : i32
      %lt3A_634 = arith.constant 0 : i32
      %lt3A_635 = arith.cmpi slt, %select_n3A_628, %lt3A_634 : i32
      %ne3A_636 = arith.xori %lt3A_633, %lt3A_635 : i1
      %and3A_637 = arith.andi %ne3A_636, %ne3A_631 : i1
      %add3A_638 = arith.addi %rem3A_629, %select_n3A_628 : i32
      %select_n3A_639 = arith.select %and3A_637, %add3A_638, %rem3A_629 : i32
      %add3A_640 = arith.addi %mul3A_623, %select_n3A_639 : i32
      %dma_start3A_641 = arith.constant 1 : i32
      %dma_start3A_642 = arith.constant 0 : i32
      %dma_start3A_643 = arith.constant 0 : i32
      %dma_start3A_644 = arith.constant 0 : i32
      %dma_start3A_645 = tpu.memref_slice %arg7[%dma_start3A_641, %dma_start3A_643, %dma_start3A_644] : memref<2x64x133xf32, #tpu.memory_space<vmem>> -> memref<1x8x128xf32, #tpu.memory_space<vmem>>
      %dma_start3A_646 = tpu.memref_squeeze %dma_start3A_645 : memref<1x8x128xf32, #tpu.memory_space<vmem>> -> memref<8x128xf32, #tpu.memory_space<vmem>>
      %dma_start3A_647 = arith.constant 0 : i32
      %dma_start3A_648 = arith.constant 0 : i32
      %dma_start3A_649 = tpu.memref_slice %arg4[%select_n3A_621, %dma_start3A_642, %add3A_640, %dma_start3A_647, %dma_start3A_648] : memref<50x8x128x8x128xf32, #tpu.memory_space<hbm>> -> memref<1x1x1x8x128xf32, #tpu.memory_space<hbm>>
      %dma_start3A_650 = tpu.memref_squeeze %dma_start3A_649 : memref<1x1x1x8x128xf32, #tpu.memory_space<hbm>> -> memref<8x128xf32, #tpu.memory_space<hbm>>
      %dma_start3A_651 = arith.constant 0 : i32
      %dma_start3A_652 = arith.constant 0 : i32
      %dma_start3A_653 = tpu.memref_slice %arg4[%select_n3A_621, %dma_start3A_642, %add3A_640, %dma_start3A_651, %dma_start3A_652] : memref<50x8x128x8x128xf32, #tpu.memory_space<hbm>> -> memref<1x1x1x8x128xf32, #tpu.memory_space<hbm>>
      %dma_start3A_654 = tpu.memref_squeeze %dma_start3A_653 : memref<1x1x1x8x128xf32, #tpu.memory_space<hbm>> -> memref<8x128xf32, #tpu.memory_space<hbm>>
      %dma_start3A_655 = arith.constant 0 : i32
      %dma_start3A_656 = arith.constant 0 : i32
      %dma_start3A_657 = tpu.memref_slice %arg7[%dma_start3A_641, %dma_start3A_655, %dma_start3A_656] : memref<2x64x133xf32, #tpu.memory_space<vmem>> -> memref<1x8x128xf32, #tpu.memory_space<vmem>>
      %dma_start3A_658 = tpu.memref_squeeze %dma_start3A_657 : memref<1x8x128xf32, #tpu.memory_space<vmem>> -> memref<8x128xf32, #tpu.memory_space<vmem>>
      tpu.enqueue_dma source(%dma_start3A_658 : memref<8x128xf32, #tpu.memory_space<vmem>>) target(%dma_start3A_654 : memref<8x128xf32, #tpu.memory_space<hbm>>) target_semaphore(%arg11 : memref<!tpu.dma_semaphore, #tpu.memory_space<semaphore_mem>>)
      %dma_start3A_659 = arith.constant 1 : i32
      %dma_start3A_660 = arith.constant 1 : i32
      %dma_start3A_661 = arith.constant 8 : i32
      %dma_start3A_662 = arith.constant 0 : i32
      %dma_start3A_663 = tpu.memref_slice %arg7[%dma_start3A_659, %dma_start3A_661, %dma_start3A_662] : memref<2x64x133xf32, #tpu.memory_space<vmem>> -> memref<1x8x128xf32, #tpu.memory_space<vmem>>
      %dma_start3A_664 = tpu.memref_squeeze %dma_start3A_663 : memref<1x8x128xf32, #tpu.memory_space<vmem>> -> memref<8x128xf32, #tpu.memory_space<vmem>>
      %dma_start3A_665 = arith.constant 0 : i32
      %dma_start3A_666 = arith.constant 0 : i32
      %dma_start3A_667 = tpu.memref_slice %arg4[%select_n3A_621, %dma_start3A_660, %add3A_640, %dma_start3A_665, %dma_start3A_666] : memref<50x8x128x8x128xf32, #tpu.memory_space<hbm>> -> memref<1x1x1x8x128xf32, #tpu.memory_space<hbm>>
      %dma_start3A_668 = tpu.memref_squeeze %dma_start3A_667 : memref<1x1x1x8x128xf32, #tpu.memory_space<hbm>> -> memref<8x128xf32, #tpu.memory_space<hbm>>
      %dma_start3A_669 = arith.constant 0 : i32
      %dma_start3A_670 = arith.constant 0 : i32
      %dma_start3A_671 = tpu.memref_slice %arg4[%select_n3A_621, %dma_start3A_660, %add3A_640, %dma_start3A_669, %dma_start3A_670] : memref<50x8x128x8x128xf32, #tpu.memory_space<hbm>> -> memref<1x1x1x8x128xf32, #tpu.memory_space<hbm>>
      %dma_start3A_672 = tpu.memref_squeeze %dma_start3A_671 : memref<1x1x1x8x128xf32, #tpu.memory_space<hbm>> -> memref<8x128xf32, #tpu.memory_space<hbm>>
      %dma_start3A_673 = arith.constant 8 : i32
      %dma_start3A_674 = arith.constant 0 : i32
      %dma_start3A_675 = tpu.memref_slice %arg7[%dma_start3A_659, %dma_start3A_673, %dma_start3A_674] : memref<2x64x133xf32, #tpu.memory_space<vmem>> -> memref<1x8x128xf32, #tpu.memory_space<vmem>>
      %dma_start3A_676 = tpu.memref_squeeze %dma_start3A_675 : memref<1x8x128xf32, #tpu.memory_space<vmem>> -> memref<8x128xf32, #tpu.memory_space<vmem>>
      tpu.enqueue_dma source(%dma_start3A_676 : memref<8x128xf32, #tpu.memory_space<vmem>>) target(%dma_start3A_672 : memref<8x128xf32, #tpu.memory_space<hbm>>) target_semaphore(%arg11 : memref<!tpu.dma_semaphore, #tpu.memory_space<semaphore_mem>>)
      %dma_start3A_677 = arith.constant 1 : i32
      %dma_start3A_678 = arith.constant 2 : i32
      %dma_start3A_679 = arith.constant 16 : i32
      %dma_start3A_680 = arith.constant 0 : i32
      %dma_start3A_681 = tpu.memref_slice %arg7[%dma_start3A_677, %dma_start3A_679, %dma_start3A_680] : memref<2x64x133xf32, #tpu.memory_space<vmem>> -> memref<1x8x128xf32, #tpu.memory_space<vmem>>
      %dma_start3A_682 = tpu.memref_squeeze %dma_start3A_681 : memref<1x8x128xf32, #tpu.memory_space<vmem>> -> memref<8x128xf32, #tpu.memory_space<vmem>>
      %dma_start3A_683 = arith.constant 0 : i32
      %dma_start3A_684 = arith.constant 0 : i32
      %dma_start3A_685 = tpu.memref_slice %arg4[%select_n3A_621, %dma_start3A_678, %add3A_640, %dma_start3A_683, %dma_start3A_684] : memref<50x8x128x8x128xf32, #tpu.memory_space<hbm>> -> memref<1x1x1x8x128xf32, #tpu.memory_space<hbm>>
      %dma_start3A_686 = tpu.memref_squeeze %dma_start3A_685 : memref<1x1x1x8x128xf32, #tpu.memory_space<hbm>> -> memref<8x128xf32, #tpu.memory_space<hbm>>
      %dma_start3A_687 = arith.constant 0 : i32
      %dma_start3A_688 = arith.constant 0 : i32
      %dma_start3A_689 = tpu.memref_slice %arg4[%select_n3A_621, %dma_start3A_678, %add3A_640, %dma_start3A_687, %dma_start3A_688] : memref<50x8x128x8x128xf32, #tpu.memory_space<hbm>> -> memref<1x1x1x8x128xf32, #tpu.memory_space<hbm>>
      %dma_start3A_690 = tpu.memref_squeeze %dma_start3A_689 : memref<1x1x1x8x128xf32, #tpu.memory_space<hbm>> -> memref<8x128xf32, #tpu.memory_space<hbm>>
      %dma_start3A_691 = arith.constant 16 : i32
      %dma_start3A_692 = arith.constant 0 : i32
      %dma_start3A_693 = tpu.memref_slice %arg7[%dma_start3A_677, %dma_start3A_691, %dma_start3A_692] : memref<2x64x133xf32, #tpu.memory_space<vmem>> -> memref<1x8x128xf32, #tpu.memory_space<vmem>>
      %dma_start3A_694 = tpu.memref_squeeze %dma_start3A_693 : memref<1x8x128xf32, #tpu.memory_space<vmem>> -> memref<8x128xf32, #tpu.memory_space<vmem>>
      tpu.enqueue_dma source(%dma_start3A_694 : memref<8x128xf32, #tpu.memory_space<vmem>>) target(%dma_start3A_690 : memref<8x128xf32, #tpu.memory_space<hbm>>) target_semaphore(%arg11 : memref<!tpu.dma_semaphore, #tpu.memory_space<semaphore_mem>>)
      %dma_start3A_695 = arith.constant 1 : i32
      %dma_start3A_696 = arith.constant 3 : i32
      %dma_start3A_697 = arith.constant 24 : i32
      %dma_start3A_698 = arith.constant 0 : i32
      %dma_start3A_699 = tpu.memref_slice %arg7[%dma_start3A_695, %dma_start3A_697, %dma_start3A_698] : memref<2x64x133xf32, #tpu.memory_space<vmem>> -> memref<1x8x128xf32, #tpu.memory_space<vmem>>
      %dma_start3A_700 = tpu.memref_squeeze %dma_start3A_699 : memref<1x8x128xf32, #tpu.memory_space<vmem>> -> memref<8x128xf32, #tpu.memory_space<vmem>>
      %dma_start3A_701 = arith.constant 0 : i32
      %dma_start3A_702 = arith.constant 0 : i32
      %dma_start3A_703 = tpu.memref_slice %arg4[%select_n3A_621, %dma_start3A_696, %add3A_640, %dma_start3A_701, %dma_start3A_702] : memref<50x8x128x8x128xf32, #tpu.memory_space<hbm>> -> memref<1x1x1x8x128xf32, #tpu.memory_space<hbm>>
      %dma_start3A_704 = tpu.memref_squeeze %dma_start3A_703 : memref<1x1x1x8x128xf32, #tpu.memory_space<hbm>> -> memref<8x128xf32, #tpu.memory_space<hbm>>
      %dma_start3A_705 = arith.constant 0 : i32
      %dma_start3A_706 = arith.constant 0 : i32
      %dma_start3A_707 = tpu.memref_slice %arg4[%select_n3A_621, %dma_start3A_696, %add3A_640, %dma_start3A_705, %dma_start3A_706] : memref<50x8x128x8x128xf32, #tpu.memory_space<hbm>> -> memref<1x1x1x8x128xf32, #tpu.memory_space<hbm>>
      %dma_start3A_708 = tpu.memref_squeeze %dma_start3A_707 : memref<1x1x1x8x128xf32, #tpu.memory_space<hbm>> -> memref<8x128xf32, #tpu.memory_space<hbm>>
      %dma_start3A_709 = arith.constant 24 : i32
      %dma_start3A_710 = arith.constant 0 : i32
      %dma_start3A_711 = tpu.memref_slice %arg7[%dma_start3A_695, %dma_start3A_709, %dma_start3A_710] : memref<2x64x133xf32, #tpu.memory_space<vmem>> -> memref<1x8x128xf32, #tpu.memory_space<vmem>>
      %dma_start3A_712 = tpu.memref_squeeze %dma_start3A_711 : memref<1x8x128xf32, #tpu.memory_space<vmem>> -> memref<8x128xf32, #tpu.memory_space<vmem>>
      tpu.enqueue_dma source(%dma_start3A_712 : memref<8x128xf32, #tpu.memory_space<vmem>>) target(%dma_start3A_708 : memref<8x128xf32, #tpu.memory_space<hbm>>) target_semaphore(%arg11 : memref<!tpu.dma_semaphore, #tpu.memory_space<semaphore_mem>>)
      %dma_start3A_713 = arith.constant 1 : i32
      %dma_start3A_714 = arith.constant 4 : i32
      %dma_start3A_715 = arith.constant 32 : i32
      %dma_start3A_716 = arith.constant 0 : i32
      %dma_start3A_717 = tpu.memref_slice %arg7[%dma_start3A_713, %dma_start3A_715, %dma_start3A_716] : memref<2x64x133xf32, #tpu.memory_space<vmem>> -> memref<1x8x128xf32, #tpu.memory_space<vmem>>
      %dma_start3A_718 = tpu.memref_squeeze %dma_start3A_717 : memref<1x8x128xf32, #tpu.memory_space<vmem>> -> memref<8x128xf32, #tpu.memory_space<vmem>>
      %dma_start3A_719 = arith.constant 0 : i32
      %dma_start3A_720 = arith.constant 0 : i32
      %dma_start3A_721 = tpu.memref_slice %arg4[%select_n3A_621, %dma_start3A_714, %add3A_640, %dma_start3A_719, %dma_start3A_720] : memref<50x8x128x8x128xf32, #tpu.memory_space<hbm>> -> memref<1x1x1x8x128xf32, #tpu.memory_space<hbm>>
      %dma_start3A_722 = tpu.memref_squeeze %dma_start3A_721 : memref<1x1x1x8x128xf32, #tpu.memory_space<hbm>> -> memref<8x128xf32, #tpu.memory_space<hbm>>
      %dma_start3A_723 = arith.constant 0 : i32
      %dma_start3A_724 = arith.constant 0 : i32
      %dma_start3A_725 = tpu.memref_slice %arg4[%select_n3A_621, %dma_start3A_714, %add3A_640, %dma_start3A_723, %dma_start3A_724] : memref<50x8x128x8x128xf32, #tpu.memory_space<hbm>> -> memref<1x1x1x8x128xf32, #tpu.memory_space<hbm>>
      %dma_start3A_726 = tpu.memref_squeeze %dma_start3A_725 : memref<1x1x1x8x128xf32, #tpu.memory_space<hbm>> -> memref<8x128xf32, #tpu.memory_space<hbm>>
      %dma_start3A_727 = arith.constant 32 : i32
      %dma_start3A_728 = arith.constant 0 : i32
      %dma_start3A_729 = tpu.memref_slice %arg7[%dma_start3A_713, %dma_start3A_727, %dma_start3A_728] : memref<2x64x133xf32, #tpu.memory_space<vmem>> -> memref<1x8x128xf32, #tpu.memory_space<vmem>>
      %dma_start3A_730 = tpu.memref_squeeze %dma_start3A_729 : memref<1x8x128xf32, #tpu.memory_space<vmem>> -> memref<8x128xf32, #tpu.memory_space<vmem>>
      tpu.enqueue_dma source(%dma_start3A_730 : memref<8x128xf32, #tpu.memory_space<vmem>>) target(%dma_start3A_726 : memref<8x128xf32, #tpu.memory_space<hbm>>) target_semaphore(%arg11 : memref<!tpu.dma_semaphore, #tpu.memory_space<semaphore_mem>>)
      %dma_start3A_731 = arith.constant 1 : i32
      %dma_start3A_732 = arith.constant 5 : i32
      %dma_start3A_733 = arith.constant 40 : i32
      %dma_start3A_734 = arith.constant 0 : i32
      %dma_start3A_735 = tpu.memref_slice %arg7[%dma_start3A_731, %dma_start3A_733, %dma_start3A_734] : memref<2x64x133xf32, #tpu.memory_space<vmem>> -> memref<1x8x128xf32, #tpu.memory_space<vmem>>
      %dma_start3A_736 = tpu.memref_squeeze %dma_start3A_735 : memref<1x8x128xf32, #tpu.memory_space<vmem>> -> memref<8x128xf32, #tpu.memory_space<vmem>>
      %dma_start3A_737 = arith.constant 0 : i32
      %dma_start3A_738 = arith.constant 0 : i32
      %dma_start3A_739 = tpu.memref_slice %arg4[%select_n3A_621, %dma_start3A_732, %add3A_640, %dma_start3A_737, %dma_start3A_738] : memref<50x8x128x8x128xf32, #tpu.memory_space<hbm>> -> memref<1x1x1x8x128xf32, #tpu.memory_space<hbm>>
      %dma_start3A_740 = tpu.memref_squeeze %dma_start3A_739 : memref<1x1x1x8x128xf32, #tpu.memory_space<hbm>> -> memref<8x128xf32, #tpu.memory_space<hbm>>
      %dma_start3A_741 = arith.constant 0 : i32
      %dma_start3A_742 = arith.constant 0 : i32
      %dma_start3A_743 = tpu.memref_slice %arg4[%select_n3A_621, %dma_start3A_732, %add3A_640, %dma_start3A_741, %dma_start3A_742] : memref<50x8x128x8x128xf32, #tpu.memory_space<hbm>> -> memref<1x1x1x8x128xf32, #tpu.memory_space<hbm>>
      %dma_start3A_744 = tpu.memref_squeeze %dma_start3A_743 : memref<1x1x1x8x128xf32, #tpu.memory_space<hbm>> -> memref<8x128xf32, #tpu.memory_space<hbm>>
      %dma_start3A_745 = arith.constant 40 : i32
      %dma_start3A_746 = arith.constant 0 : i32
      %dma_start3A_747 = tpu.memref_slice %arg7[%dma_start3A_731, %dma_start3A_745, %dma_start3A_746] : memref<2x64x133xf32, #tpu.memory_space<vmem>> -> memref<1x8x128xf32, #tpu.memory_space<vmem>>
      %dma_start3A_748 = tpu.memref_squeeze %dma_start3A_747 : memref<1x8x128xf32, #tpu.memory_space<vmem>> -> memref<8x128xf32, #tpu.memory_space<vmem>>
      tpu.enqueue_dma source(%dma_start3A_748 : memref<8x128xf32, #tpu.memory_space<vmem>>) target(%dma_start3A_744 : memref<8x128xf32, #tpu.memory_space<hbm>>) target_semaphore(%arg11 : memref<!tpu.dma_semaphore, #tpu.memory_space<semaphore_mem>>)
      %dma_start3A_749 = arith.constant 1 : i32
      %dma_start3A_750 = arith.constant 6 : i32
      %dma_start3A_751 = arith.constant 48 : i32
      %dma_start3A_752 = arith.constant 0 : i32
      %dma_start3A_753 = tpu.memref_slice %arg7[%dma_start3A_749, %dma_start3A_751, %dma_start3A_752] : memref<2x64x133xf32, #tpu.memory_space<vmem>> -> memref<1x8x128xf32, #tpu.memory_space<vmem>>
      %dma_start3A_754 = tpu.memref_squeeze %dma_start3A_753 : memref<1x8x128xf32, #tpu.memory_space<vmem>> -> memref<8x128xf32, #tpu.memory_space<vmem>>
      %dma_start3A_755 = arith.constant 0 : i32
      %dma_start3A_756 = arith.constant 0 : i32
      %dma_start3A_757 = tpu.memref_slice %arg4[%select_n3A_621, %dma_start3A_750, %add3A_640, %dma_start3A_755, %dma_start3A_756] : memref<50x8x128x8x128xf32, #tpu.memory_space<hbm>> -> memref<1x1x1x8x128xf32, #tpu.memory_space<hbm>>
      %dma_start3A_758 = tpu.memref_squeeze %dma_start3A_757 : memref<1x1x1x8x128xf32, #tpu.memory_space<hbm>> -> memref<8x128xf32, #tpu.memory_space<hbm>>
      %dma_start3A_759 = arith.constant 0 : i32
      %dma_start3A_760 = arith.constant 0 : i32
      %dma_start3A_761 = tpu.memref_slice %arg4[%select_n3A_621, %dma_start3A_750, %add3A_640, %dma_start3A_759, %dma_start3A_760] : memref<50x8x128x8x128xf32, #tpu.memory_space<hbm>> -> memref<1x1x1x8x128xf32, #tpu.memory_space<hbm>>
      %dma_start3A_762 = tpu.memref_squeeze %dma_start3A_761 : memref<1x1x1x8x128xf32, #tpu.memory_space<hbm>> -> memref<8x128xf32, #tpu.memory_space<hbm>>
      %dma_start3A_763 = arith.constant 48 : i32
      %dma_start3A_764 = arith.constant 0 : i32
      %dma_start3A_765 = tpu.memref_slice %arg7[%dma_start3A_749, %dma_start3A_763, %dma_start3A_764] : memref<2x64x133xf32, #tpu.memory_space<vmem>> -> memref<1x8x128xf32, #tpu.memory_space<vmem>>
      %dma_start3A_766 = tpu.memref_squeeze %dma_start3A_765 : memref<1x8x128xf32, #tpu.memory_space<vmem>> -> memref<8x128xf32, #tpu.memory_space<vmem>>
      tpu.enqueue_dma source(%dma_start3A_766 : memref<8x128xf32, #tpu.memory_space<vmem>>) target(%dma_start3A_762 : memref<8x128xf32, #tpu.memory_space<hbm>>) target_semaphore(%arg11 : memref<!tpu.dma_semaphore, #tpu.memory_space<semaphore_mem>>)
      %dma_start3A_767 = arith.constant 1 : i32
      %dma_start3A_768 = arith.constant 7 : i32
      %dma_start3A_769 = arith.constant 56 : i32
      %dma_start3A_770 = arith.constant 0 : i32
      %dma_start3A_771 = tpu.memref_slice %arg7[%dma_start3A_767, %dma_start3A_769, %dma_start3A_770] : memref<2x64x133xf32, #tpu.memory_space<vmem>> -> memref<1x8x128xf32, #tpu.memory_space<vmem>>
      %dma_start3A_772 = tpu.memref_squeeze %dma_start3A_771 : memref<1x8x128xf32, #tpu.memory_space<vmem>> -> memref<8x128xf32, #tpu.memory_space<vmem>>
      %dma_start3A_773 = arith.constant 0 : i32
      %dma_start3A_774 = arith.constant 0 : i32
      %dma_start3A_775 = tpu.memref_slice %arg4[%select_n3A_621, %dma_start3A_768, %add3A_640, %dma_start3A_773, %dma_start3A_774] : memref<50x8x128x8x128xf32, #tpu.memory_space<hbm>> -> memref<1x1x1x8x128xf32, #tpu.memory_space<hbm>>
      %dma_start3A_776 = tpu.memref_squeeze %dma_start3A_775 : memref<1x1x1x8x128xf32, #tpu.memory_space<hbm>> -> memref<8x128xf32, #tpu.memory_space<hbm>>
      %dma_start3A_777 = arith.constant 0 : i32
      %dma_start3A_778 = arith.constant 0 : i32
      %dma_start3A_779 = tpu.memref_slice %arg4[%select_n3A_621, %dma_start3A_768, %add3A_640, %dma_start3A_777, %dma_start3A_778] : memref<50x8x128x8x128xf32, #tpu.memory_space<hbm>> -> memref<1x1x1x8x128xf32, #tpu.memory_space<hbm>>
      %dma_start3A_780 = tpu.memref_squeeze %dma_start3A_779 : memref<1x1x1x8x128xf32, #tpu.memory_space<hbm>> -> memref<8x128xf32, #tpu.memory_space<hbm>>
      %dma_start3A_781 = arith.constant 56 : i32
      %dma_start3A_782 = arith.constant 0 : i32
      %dma_start3A_783 = tpu.memref_slice %arg7[%dma_start3A_767, %dma_start3A_781, %dma_start3A_782] : memref<2x64x133xf32, #tpu.memory_space<vmem>> -> memref<1x8x128xf32, #tpu.memory_space<vmem>>
      %dma_start3A_784 = tpu.memref_squeeze %dma_start3A_783 : memref<1x8x128xf32, #tpu.memory_space<vmem>> -> memref<8x128xf32, #tpu.memory_space<vmem>>
      tpu.enqueue_dma source(%dma_start3A_784 : memref<8x128xf32, #tpu.memory_space<vmem>>) target(%dma_start3A_780 : memref<8x128xf32, #tpu.memory_space<hbm>>) target_semaphore(%arg11 : memref<!tpu.dma_semaphore, #tpu.memory_space<semaphore_mem>>)
      %scan3A_785 = arith.constant 0 : i32
      scf.yield %scan3A_785 : i32
    }
    %scan3A_31 = arith.constant 100 : i32
    %dma_wait3A = arith.constant 0 : i32
    %dma_wait3A_32 = arith.constant 0 : i32
    %dma_wait3A_33 = arith.constant 0 : i32
    %dma_wait3A_34 = arith.constant 0 : i32
    %dma_wait3A_35 = arith.constant 0 : i32
    %dma_wait3A_36 = arith.constant 0 : i32
    %dma_wait3A_37 = tpu.memref_slice %arg7[%dma_wait3A, %dma_wait3A_35, %dma_wait3A_36] : memref<2x64x133xf32, #tpu.memory_space<vmem>> -> memref<1x8x128xf32, #tpu.memory_space<vmem>>
    %dma_wait3A_38 = tpu.memref_squeeze %dma_wait3A_37 : memref<1x8x128xf32, #tpu.memory_space<vmem>> -> memref<8x128xf32, #tpu.memory_space<vmem>>
    %dma_wait3A_39 = arith.constant 0 : i32
    %dma_wait3A_40 = arith.constant 0 : i32
    %dma_wait3A_41 = tpu.memref_slice %arg4[%dma_wait3A_32, %dma_wait3A_33, %dma_wait3A_34, %dma_wait3A_39, %dma_wait3A_40] : memref<50x8x128x8x128xf32, #tpu.memory_space<hbm>> -> memref<1x1x1x8x128xf32, #tpu.memory_space<hbm>>
    %dma_wait3A_42 = tpu.memref_squeeze %dma_wait3A_41 : memref<1x1x1x8x128xf32, #tpu.memory_space<hbm>> -> memref<8x128xf32, #tpu.memory_space<hbm>>
    %dma_wait3A_43 = arith.constant 0 : i32
    %dma_wait3A_44 = arith.constant 0 : i32
    %dma_wait3A_45 = tpu.memref_slice %arg4[%dma_wait3A_32, %dma_wait3A_33, %dma_wait3A_34, %dma_wait3A_43, %dma_wait3A_44] : memref<50x8x128x8x128xf32, #tpu.memory_space<hbm>> -> memref<1x1x1x8x128xf32, #tpu.memory_space<hbm>>
    %dma_wait3A_46 = tpu.memref_squeeze %dma_wait3A_45 : memref<1x1x1x8x128xf32, #tpu.memory_space<hbm>> -> memref<8x128xf32, #tpu.memory_space<hbm>>
    %dma_wait3A_47 = arith.constant 0 : i32
    %dma_wait3A_48 = arith.constant 0 : i32
    %dma_wait3A_49 = tpu.memref_slice %arg7[%dma_wait3A, %dma_wait3A_47, %dma_wait3A_48] : memref<2x64x133xf32, #tpu.memory_space<vmem>> -> memref<1x8x128xf32, #tpu.memory_space<vmem>>
    %dma_wait3A_50 = tpu.memref_squeeze %dma_wait3A_49 : memref<1x8x128xf32, #tpu.memory_space<vmem>> -> memref<8x128xf32, #tpu.memory_space<vmem>>
    tpu.wait_dma2 semaphore(%arg10 : memref<!tpu.dma_semaphore, #tpu.memory_space<semaphore_mem>>) src(%dma_wait3A_50 : memref<8x128xf32, #tpu.memory_space<vmem>>) dst(%dma_wait3A_46 : memref<8x128xf32, #tpu.memory_space<hbm>>)
    %dma_wait3A_51 = arith.constant 0 : i32
    %dma_wait3A_52 = arith.constant 0 : i32
    %dma_wait3A_53 = arith.constant 1 : i32
    %dma_wait3A_54 = arith.constant 0 : i32
    %dma_wait3A_55 = arith.constant 8 : i32
    %dma_wait3A_56 = arith.constant 0 : i32
    %dma_wait3A_57 = tpu.memref_slice %arg7[%dma_wait3A_51, %dma_wait3A_55, %dma_wait3A_56] : memref<2x64x133xf32, #tpu.memory_space<vmem>> -> memref<1x8x128xf32, #tpu.memory_space<vmem>>
    %dma_wait3A_58 = tpu.memref_squeeze %dma_wait3A_57 : memref<1x8x128xf32, #tpu.memory_space<vmem>> -> memref<8x128xf32, #tpu.memory_space<vmem>>
    %dma_wait3A_59 = arith.constant 0 : i32
    %dma_wait3A_60 = arith.constant 0 : i32
    %dma_wait3A_61 = tpu.memref_slice %arg4[%dma_wait3A_52, %dma_wait3A_53, %dma_wait3A_54, %dma_wait3A_59, %dma_wait3A_60] : memref<50x8x128x8x128xf32, #tpu.memory_space<hbm>> -> memref<1x1x1x8x128xf32, #tpu.memory_space<hbm>>
    %dma_wait3A_62 = tpu.memref_squeeze %dma_wait3A_61 : memref<1x1x1x8x128xf32, #tpu.memory_space<hbm>> -> memref<8x128xf32, #tpu.memory_space<hbm>>
    %dma_wait3A_63 = arith.constant 0 : i32
    %dma_wait3A_64 = arith.constant 0 : i32
    %dma_wait3A_65 = tpu.memref_slice %arg4[%dma_wait3A_52, %dma_wait3A_53, %dma_wait3A_54, %dma_wait3A_63, %dma_wait3A_64] : memref<50x8x128x8x128xf32, #tpu.memory_space<hbm>> -> memref<1x1x1x8x128xf32, #tpu.memory_space<hbm>>
    %dma_wait3A_66 = tpu.memref_squeeze %dma_wait3A_65 : memref<1x1x1x8x128xf32, #tpu.memory_space<hbm>> -> memref<8x128xf32, #tpu.memory_space<hbm>>
    %dma_wait3A_67 = arith.constant 8 : i32
    %dma_wait3A_68 = arith.constant 0 : i32
    %dma_wait3A_69 = tpu.memref_slice %arg7[%dma_wait3A_51, %dma_wait3A_67, %dma_wait3A_68] : memref<2x64x133xf32, #tpu.memory_space<vmem>> -> memref<1x8x128xf32, #tpu.memory_space<vmem>>
    %dma_wait3A_70 = tpu.memref_squeeze %dma_wait3A_69 : memref<1x8x128xf32, #tpu.memory_space<vmem>> -> memref<8x128xf32, #tpu.memory_space<vmem>>
    tpu.wait_dma2 semaphore(%arg10 : memref<!tpu.dma_semaphore, #tpu.memory_space<semaphore_mem>>) src(%dma_wait3A_70 : memref<8x128xf32, #tpu.memory_space<vmem>>) dst(%dma_wait3A_66 : memref<8x128xf32, #tpu.memory_space<hbm>>)
    %dma_wait3A_71 = arith.constant 0 : i32
    %dma_wait3A_72 = arith.constant 0 : i32
    %dma_wait3A_73 = arith.constant 2 : i32
    %dma_wait3A_74 = arith.constant 0 : i32
    %dma_wait3A_75 = arith.constant 16 : i32
    %dma_wait3A_76 = arith.constant 0 : i32
    %dma_wait3A_77 = tpu.memref_slice %arg7[%dma_wait3A_71, %dma_wait3A_75, %dma_wait3A_76] : memref<2x64x133xf32, #tpu.memory_space<vmem>> -> memref<1x8x128xf32, #tpu.memory_space<vmem>>
    %dma_wait3A_78 = tpu.memref_squeeze %dma_wait3A_77 : memref<1x8x128xf32, #tpu.memory_space<vmem>> -> memref<8x128xf32, #tpu.memory_space<vmem>>
    %dma_wait3A_79 = arith.constant 0 : i32
    %dma_wait3A_80 = arith.constant 0 : i32
    %dma_wait3A_81 = tpu.memref_slice %arg4[%dma_wait3A_72, %dma_wait3A_73, %dma_wait3A_74, %dma_wait3A_79, %dma_wait3A_80] : memref<50x8x128x8x128xf32, #tpu.memory_space<hbm>> -> memref<1x1x1x8x128xf32, #tpu.memory_space<hbm>>
    %dma_wait3A_82 = tpu.memref_squeeze %dma_wait3A_81 : memref<1x1x1x8x128xf32, #tpu.memory_space<hbm>> -> memref<8x128xf32, #tpu.memory_space<hbm>>
    %dma_wait3A_83 = arith.constant 0 : i32
    %dma_wait3A_84 = arith.constant 0 : i32
    %dma_wait3A_85 = tpu.memref_slice %arg4[%dma_wait3A_72, %dma_wait3A_73, %dma_wait3A_74, %dma_wait3A_83, %dma_wait3A_84] : memref<50x8x128x8x128xf32, #tpu.memory_space<hbm>> -> memref<1x1x1x8x128xf32, #tpu.memory_space<hbm>>
    %dma_wait3A_86 = tpu.memref_squeeze %dma_wait3A_85 : memref<1x1x1x8x128xf32, #tpu.memory_space<hbm>> -> memref<8x128xf32, #tpu.memory_space<hbm>>
    %dma_wait3A_87 = arith.constant 16 : i32
    %dma_wait3A_88 = arith.constant 0 : i32
    %dma_wait3A_89 = tpu.memref_slice %arg7[%dma_wait3A_71, %dma_wait3A_87, %dma_wait3A_88] : memref<2x64x133xf32, #tpu.memory_space<vmem>> -> memref<1x8x128xf32, #tpu.memory_space<vmem>>
    %dma_wait3A_90 = tpu.memref_squeeze %dma_wait3A_89 : memref<1x8x128xf32, #tpu.memory_space<vmem>> -> memref<8x128xf32, #tpu.memory_space<vmem>>
    tpu.wait_dma2 semaphore(%arg10 : memref<!tpu.dma_semaphore, #tpu.memory_space<semaphore_mem>>) src(%dma_wait3A_90 : memref<8x128xf32, #tpu.memory_space<vmem>>) dst(%dma_wait3A_86 : memref<8x128xf32, #tpu.memory_space<hbm>>)
    %dma_wait3A_91 = arith.constant 0 : i32
    %dma_wait3A_92 = arith.constant 0 : i32
    %dma_wait3A_93 = arith.constant 3 : i32
    %dma_wait3A_94 = arith.constant 0 : i32
    %dma_wait3A_95 = arith.constant 24 : i32
    %dma_wait3A_96 = arith.constant 0 : i32
    %dma_wait3A_97 = tpu.memref_slice %arg7[%dma_wait3A_91, %dma_wait3A_95, %dma_wait3A_96] : memref<2x64x133xf32, #tpu.memory_space<vmem>> -> memref<1x8x128xf32, #tpu.memory_space<vmem>>
    %dma_wait3A_98 = tpu.memref_squeeze %dma_wait3A_97 : memref<1x8x128xf32, #tpu.memory_space<vmem>> -> memref<8x128xf32, #tpu.memory_space<vmem>>
    %dma_wait3A_99 = arith.constant 0 : i32
    %dma_wait3A_100 = arith.constant 0 : i32
    %dma_wait3A_101 = tpu.memref_slice %arg4[%dma_wait3A_92, %dma_wait3A_93, %dma_wait3A_94, %dma_wait3A_99, %dma_wait3A_100] : memref<50x8x128x8x128xf32, #tpu.memory_space<hbm>> -> memref<1x1x1x8x128xf32, #tpu.memory_space<hbm>>
    %dma_wait3A_102 = tpu.memref_squeeze %dma_wait3A_101 : memref<1x1x1x8x128xf32, #tpu.memory_space<hbm>> -> memref<8x128xf32, #tpu.memory_space<hbm>>
    %dma_wait3A_103 = arith.constant 0 : i32
    %dma_wait3A_104 = arith.constant 0 : i32
    %dma_wait3A_105 = tpu.memref_slice %arg4[%dma_wait3A_92, %dma_wait3A_93, %dma_wait3A_94, %dma_wait3A_103, %dma_wait3A_104] : memref<50x8x128x8x128xf32, #tpu.memory_space<hbm>> -> memref<1x1x1x8x128xf32, #tpu.memory_space<hbm>>
    %dma_wait3A_106 = tpu.memref_squeeze %dma_wait3A_105 : memref<1x1x1x8x128xf32, #tpu.memory_space<hbm>> -> memref<8x128xf32, #tpu.memory_space<hbm>>
    %dma_wait3A_107 = arith.constant 24 : i32
    %dma_wait3A_108 = arith.constant 0 : i32
    %dma_wait3A_109 = tpu.memref_slice %arg7[%dma_wait3A_91, %dma_wait3A_107, %dma_wait3A_108] : memref<2x64x133xf32, #tpu.memory_space<vmem>> -> memref<1x8x128xf32, #tpu.memory_space<vmem>>
    %dma_wait3A_110 = tpu.memref_squeeze %dma_wait3A_109 : memref<1x8x128xf32, #tpu.memory_space<vmem>> -> memref<8x128xf32, #tpu.memory_space<vmem>>
    tpu.wait_dma2 semaphore(%arg10 : memref<!tpu.dma_semaphore, #tpu.memory_space<semaphore_mem>>) src(%dma_wait3A_110 : memref<8x128xf32, #tpu.memory_space<vmem>>) dst(%dma_wait3A_106 : memref<8x128xf32, #tpu.memory_space<hbm>>)
    %dma_wait3A_111 = arith.constant 0 : i32
    %dma_wait3A_112 = arith.constant 0 : i32
    %dma_wait3A_113 = arith.constant 4 : i32
    %dma_wait3A_114 = arith.constant 0 : i32
    %dma_wait3A_115 = arith.constant 32 : i32
    %dma_wait3A_116 = arith.constant 0 : i32
    %dma_wait3A_117 = tpu.memref_slice %arg7[%dma_wait3A_111, %dma_wait3A_115, %dma_wait3A_116] : memref<2x64x133xf32, #tpu.memory_space<vmem>> -> memref<1x8x128xf32, #tpu.memory_space<vmem>>
    %dma_wait3A_118 = tpu.memref_squeeze %dma_wait3A_117 : memref<1x8x128xf32, #tpu.memory_space<vmem>> -> memref<8x128xf32, #tpu.memory_space<vmem>>
    %dma_wait3A_119 = arith.constant 0 : i32
    %dma_wait3A_120 = arith.constant 0 : i32
    %dma_wait3A_121 = tpu.memref_slice %arg4[%dma_wait3A_112, %dma_wait3A_113, %dma_wait3A_114, %dma_wait3A_119, %dma_wait3A_120] : memref<50x8x128x8x128xf32, #tpu.memory_space<hbm>> -> memref<1x1x1x8x128xf32, #tpu.memory_space<hbm>>
    %dma_wait3A_122 = tpu.memref_squeeze %dma_wait3A_121 : memref<1x1x1x8x128xf32, #tpu.memory_space<hbm>> -> memref<8x128xf32, #tpu.memory_space<hbm>>
    %dma_wait3A_123 = arith.constant 0 : i32
    %dma_wait3A_124 = arith.constant 0 : i32
    %dma_wait3A_125 = tpu.memref_slice %arg4[%dma_wait3A_112, %dma_wait3A_113, %dma_wait3A_114, %dma_wait3A_123, %dma_wait3A_124] : memref<50x8x128x8x128xf32, #tpu.memory_space<hbm>> -> memref<1x1x1x8x128xf32, #tpu.memory_space<hbm>>
    %dma_wait3A_126 = tpu.memref_squeeze %dma_wait3A_125 : memref<1x1x1x8x128xf32, #tpu.memory_space<hbm>> -> memref<8x128xf32, #tpu.memory_space<hbm>>
    %dma_wait3A_127 = arith.constant 32 : i32
    %dma_wait3A_128 = arith.constant 0 : i32
    %dma_wait3A_129 = tpu.memref_slice %arg7[%dma_wait3A_111, %dma_wait3A_127, %dma_wait3A_128] : memref<2x64x133xf32, #tpu.memory_space<vmem>> -> memref<1x8x128xf32, #tpu.memory_space<vmem>>
    %dma_wait3A_130 = tpu.memref_squeeze %dma_wait3A_129 : memref<1x8x128xf32, #tpu.memory_space<vmem>> -> memref<8x128xf32, #tpu.memory_space<vmem>>
    tpu.wait_dma2 semaphore(%arg10 : memref<!tpu.dma_semaphore, #tpu.memory_space<semaphore_mem>>) src(%dma_wait3A_130 : memref<8x128xf32, #tpu.memory_space<vmem>>) dst(%dma_wait3A_126 : memref<8x128xf32, #tpu.memory_space<hbm>>)
    %dma_wait3A_131 = arith.constant 0 : i32
    %dma_wait3A_132 = arith.constant 0 : i32
    %dma_wait3A_133 = arith.constant 5 : i32
    %dma_wait3A_134 = arith.constant 0 : i32
    %dma_wait3A_135 = arith.constant 40 : i32
    %dma_wait3A_136 = arith.constant 0 : i32
    %dma_wait3A_137 = tpu.memref_slice %arg7[%dma_wait3A_131, %dma_wait3A_135, %dma_wait3A_136] : memref<2x64x133xf32, #tpu.memory_space<vmem>> -> memref<1x8x128xf32, #tpu.memory_space<vmem>>
    %dma_wait3A_138 = tpu.memref_squeeze %dma_wait3A_137 : memref<1x8x128xf32, #tpu.memory_space<vmem>> -> memref<8x128xf32, #tpu.memory_space<vmem>>
    %dma_wait3A_139 = arith.constant 0 : i32
    %dma_wait3A_140 = arith.constant 0 : i32
    %dma_wait3A_141 = tpu.memref_slice %arg4[%dma_wait3A_132, %dma_wait3A_133, %dma_wait3A_134, %dma_wait3A_139, %dma_wait3A_140] : memref<50x8x128x8x128xf32, #tpu.memory_space<hbm>> -> memref<1x1x1x8x128xf32, #tpu.memory_space<hbm>>
    %dma_wait3A_142 = tpu.memref_squeeze %dma_wait3A_141 : memref<1x1x1x8x128xf32, #tpu.memory_space<hbm>> -> memref<8x128xf32, #tpu.memory_space<hbm>>
    %dma_wait3A_143 = arith.constant 0 : i32
    %dma_wait3A_144 = arith.constant 0 : i32
    %dma_wait3A_145 = tpu.memref_slice %arg4[%dma_wait3A_132, %dma_wait3A_133, %dma_wait3A_134, %dma_wait3A_143, %dma_wait3A_144] : memref<50x8x128x8x128xf32, #tpu.memory_space<hbm>> -> memref<1x1x1x8x128xf32, #tpu.memory_space<hbm>>
    %dma_wait3A_146 = tpu.memref_squeeze %dma_wait3A_145 : memref<1x1x1x8x128xf32, #tpu.memory_space<hbm>> -> memref<8x128xf32, #tpu.memory_space<hbm>>
    %dma_wait3A_147 = arith.constant 40 : i32
    %dma_wait3A_148 = arith.constant 0 : i32
    %dma_wait3A_149 = tpu.memref_slice %arg7[%dma_wait3A_131, %dma_wait3A_147, %dma_wait3A_148] : memref<2x64x133xf32, #tpu.memory_space<vmem>> -> memref<1x8x128xf32, #tpu.memory_space<vmem>>
    %dma_wait3A_150 = tpu.memref_squeeze %dma_wait3A_149 : memref<1x8x128xf32, #tpu.memory_space<vmem>> -> memref<8x128xf32, #tpu.memory_space<vmem>>
    tpu.wait_dma2 semaphore(%arg10 : memref<!tpu.dma_semaphore, #tpu.memory_space<semaphore_mem>>) src(%dma_wait3A_150 : memref<8x128xf32, #tpu.memory_space<vmem>>) dst(%dma_wait3A_146 : memref<8x128xf32, #tpu.memory_space<hbm>>)
    %dma_wait3A_151 = arith.constant 0 : i32
    %dma_wait3A_152 = arith.constant 0 : i32
    %dma_wait3A_153 = arith.constant 6 : i32
    %dma_wait3A_154 = arith.constant 0 : i32
    %dma_wait3A_155 = arith.constant 48 : i32
    %dma_wait3A_156 = arith.constant 0 : i32
    %dma_wait3A_157 = tpu.memref_slice %arg7[%dma_wait3A_151, %dma_wait3A_155, %dma_wait3A_156] : memref<2x64x133xf32, #tpu.memory_space<vmem>> -> memref<1x8x128xf32, #tpu.memory_space<vmem>>
    %dma_wait3A_158 = tpu.memref_squeeze %dma_wait3A_157 : memref<1x8x128xf32, #tpu.memory_space<vmem>> -> memref<8x128xf32, #tpu.memory_space<vmem>>
    %dma_wait3A_159 = arith.constant 0 : i32
    %dma_wait3A_160 = arith.constant 0 : i32
    %dma_wait3A_161 = tpu.memref_slice %arg4[%dma_wait3A_152, %dma_wait3A_153, %dma_wait3A_154, %dma_wait3A_159, %dma_wait3A_160] : memref<50x8x128x8x128xf32, #tpu.memory_space<hbm>> -> memref<1x1x1x8x128xf32, #tpu.memory_space<hbm>>
    %dma_wait3A_162 = tpu.memref_squeeze %dma_wait3A_161 : memref<1x1x1x8x128xf32, #tpu.memory_space<hbm>> -> memref<8x128xf32, #tpu.memory_space<hbm>>
    %dma_wait3A_163 = arith.constant 0 : i32
    %dma_wait3A_164 = arith.constant 0 : i32
    %dma_wait3A_165 = tpu.memref_slice %arg4[%dma_wait3A_152, %dma_wait3A_153, %dma_wait3A_154, %dma_wait3A_163, %dma_wait3A_164] : memref<50x8x128x8x128xf32, #tpu.memory_space<hbm>> -> memref<1x1x1x8x128xf32, #tpu.memory_space<hbm>>
    %dma_wait3A_166 = tpu.memref_squeeze %dma_wait3A_165 : memref<1x1x1x8x128xf32, #tpu.memory_space<hbm>> -> memref<8x128xf32, #tpu.memory_space<hbm>>
    %dma_wait3A_167 = arith.constant 48 : i32
    %dma_wait3A_168 = arith.constant 0 : i32
    %dma_wait3A_169 = tpu.memref_slice %arg7[%dma_wait3A_151, %dma_wait3A_167, %dma_wait3A_168] : memref<2x64x133xf32, #tpu.memory_space<vmem>> -> memref<1x8x128xf32, #tpu.memory_space<vmem>>
    %dma_wait3A_170 = tpu.memref_squeeze %dma_wait3A_169 : memref<1x8x128xf32, #tpu.memory_space<vmem>> -> memref<8x128xf32, #tpu.memory_space<vmem>>
    tpu.wait_dma2 semaphore(%arg10 : memref<!tpu.dma_semaphore, #tpu.memory_space<semaphore_mem>>) src(%dma_wait3A_170 : memref<8x128xf32, #tpu.memory_space<vmem>>) dst(%dma_wait3A_166 : memref<8x128xf32, #tpu.memory_space<hbm>>)
    %dma_wait3A_171 = arith.constant 0 : i32
    %dma_wait3A_172 = arith.constant 0 : i32
    %dma_wait3A_173 = arith.constant 7 : i32
    %dma_wait3A_174 = arith.constant 0 : i32
    %dma_wait3A_175 = arith.constant 56 : i32
    %dma_wait3A_176 = arith.constant 0 : i32
    %dma_wait3A_177 = tpu.memref_slice %arg7[%dma_wait3A_171, %dma_wait3A_175, %dma_wait3A_176] : memref<2x64x133xf32, #tpu.memory_space<vmem>> -> memref<1x8x128xf32, #tpu.memory_space<vmem>>
    %dma_wait3A_178 = tpu.memref_squeeze %dma_wait3A_177 : memref<1x8x128xf32, #tpu.memory_space<vmem>> -> memref<8x128xf32, #tpu.memory_space<vmem>>
    %dma_wait3A_179 = arith.constant 0 : i32
    %dma_wait3A_180 = arith.constant 0 : i32
    %dma_wait3A_181 = tpu.memref_slice %arg4[%dma_wait3A_172, %dma_wait3A_173, %dma_wait3A_174, %dma_wait3A_179, %dma_wait3A_180] : memref<50x8x128x8x128xf32, #tpu.memory_space<hbm>> -> memref<1x1x1x8x128xf32, #tpu.memory_space<hbm>>
    %dma_wait3A_182 = tpu.memref_squeeze %dma_wait3A_181 : memref<1x1x1x8x128xf32, #tpu.memory_space<hbm>> -> memref<8x128xf32, #tpu.memory_space<hbm>>
    %dma_wait3A_183 = arith.constant 0 : i32
    %dma_wait3A_184 = arith.constant 0 : i32
    %dma_wait3A_185 = tpu.memref_slice %arg4[%dma_wait3A_172, %dma_wait3A_173, %dma_wait3A_174, %dma_wait3A_183, %dma_wait3A_184] : memref<50x8x128x8x128xf32, #tpu.memory_space<hbm>> -> memref<1x1x1x8x128xf32, #tpu.memory_space<hbm>>
    %dma_wait3A_186 = tpu.memref_squeeze %dma_wait3A_185 : memref<1x1x1x8x128xf32, #tpu.memory_space<hbm>> -> memref<8x128xf32, #tpu.memory_space<hbm>>
    %dma_wait3A_187 = arith.constant 56 : i32
    %dma_wait3A_188 = arith.constant 0 : i32
    %dma_wait3A_189 = tpu.memref_slice %arg7[%dma_wait3A_171, %dma_wait3A_187, %dma_wait3A_188] : memref<2x64x133xf32, #tpu.memory_space<vmem>> -> memref<1x8x128xf32, #tpu.memory_space<vmem>>
    %dma_wait3A_190 = tpu.memref_squeeze %dma_wait3A_189 : memref<1x8x128xf32, #tpu.memory_space<vmem>> -> memref<8x128xf32, #tpu.memory_space<vmem>>
    tpu.wait_dma2 semaphore(%arg10 : memref<!tpu.dma_semaphore, #tpu.memory_space<semaphore_mem>>) src(%dma_wait3A_190 : memref<8x128xf32, #tpu.memory_space<vmem>>) dst(%dma_wait3A_186 : memref<8x128xf32, #tpu.memory_space<hbm>>)
    %dma_wait3A_191 = arith.constant 1 : i32
    %dma_wait3A_192 = arith.constant 0 : i32
    %dma_wait3A_193 = arith.constant 0 : i32
    %dma_wait3A_194 = arith.constant 0 : i32
    %dma_wait3A_195 = arith.constant 0 : i32
    %dma_wait3A_196 = arith.constant 0 : i32
    %dma_wait3A_197 = tpu.memref_slice %arg7[%dma_wait3A_191, %dma_wait3A_195, %dma_wait3A_196] : memref<2x64x133xf32, #tpu.memory_space<vmem>> -> memref<1x8x128xf32, #tpu.memory_space<vmem>>
    %dma_wait3A_198 = tpu.memref_squeeze %dma_wait3A_197 : memref<1x8x128xf32, #tpu.memory_space<vmem>> -> memref<8x128xf32, #tpu.memory_space<vmem>>
    %dma_wait3A_199 = arith.constant 0 : i32
    %dma_wait3A_200 = arith.constant 0 : i32
    %dma_wait3A_201 = tpu.memref_slice %arg4[%dma_wait3A_192, %dma_wait3A_193, %dma_wait3A_194, %dma_wait3A_199, %dma_wait3A_200] : memref<50x8x128x8x128xf32, #tpu.memory_space<hbm>> -> memref<1x1x1x8x128xf32, #tpu.memory_space<hbm>>
    %dma_wait3A_202 = tpu.memref_squeeze %dma_wait3A_201 : memref<1x1x1x8x128xf32, #tpu.memory_space<hbm>> -> memref<8x128xf32, #tpu.memory_space<hbm>>
    %dma_wait3A_203 = arith.constant 0 : i32
    %dma_wait3A_204 = arith.constant 0 : i32
    %dma_wait3A_205 = tpu.memref_slice %arg4[%dma_wait3A_192, %dma_wait3A_193, %dma_wait3A_194, %dma_wait3A_203, %dma_wait3A_204] : memref<50x8x128x8x128xf32, #tpu.memory_space<hbm>> -> memref<1x1x1x8x128xf32, #tpu.memory_space<hbm>>
    %dma_wait3A_206 = tpu.memref_squeeze %dma_wait3A_205 : memref<1x1x1x8x128xf32, #tpu.memory_space<hbm>> -> memref<8x128xf32, #tpu.memory_space<hbm>>
    %dma_wait3A_207 = arith.constant 0 : i32
    %dma_wait3A_208 = arith.constant 0 : i32
    %dma_wait3A_209 = tpu.memref_slice %arg7[%dma_wait3A_191, %dma_wait3A_207, %dma_wait3A_208] : memref<2x64x133xf32, #tpu.memory_space<vmem>> -> memref<1x8x128xf32, #tpu.memory_space<vmem>>
    %dma_wait3A_210 = tpu.memref_squeeze %dma_wait3A_209 : memref<1x8x128xf32, #tpu.memory_space<vmem>> -> memref<8x128xf32, #tpu.memory_space<vmem>>
    tpu.wait_dma2 semaphore(%arg11 : memref<!tpu.dma_semaphore, #tpu.memory_space<semaphore_mem>>) src(%dma_wait3A_210 : memref<8x128xf32, #tpu.memory_space<vmem>>) dst(%dma_wait3A_206 : memref<8x128xf32, #tpu.memory_space<hbm>>)
    %dma_wait3A_211 = arith.constant 1 : i32
    %dma_wait3A_212 = arith.constant 0 : i32
    %dma_wait3A_213 = arith.constant 1 : i32
    %dma_wait3A_214 = arith.constant 0 : i32
    %dma_wait3A_215 = arith.constant 8 : i32
    %dma_wait3A_216 = arith.constant 0 : i32
    %dma_wait3A_217 = tpu.memref_slice %arg7[%dma_wait3A_211, %dma_wait3A_215, %dma_wait3A_216] : memref<2x64x133xf32, #tpu.memory_space<vmem>> -> memref<1x8x128xf32, #tpu.memory_space<vmem>>
    %dma_wait3A_218 = tpu.memref_squeeze %dma_wait3A_217 : memref<1x8x128xf32, #tpu.memory_space<vmem>> -> memref<8x128xf32, #tpu.memory_space<vmem>>
    %dma_wait3A_219 = arith.constant 0 : i32
    %dma_wait3A_220 = arith.constant 0 : i32
    %dma_wait3A_221 = tpu.memref_slice %arg4[%dma_wait3A_212, %dma_wait3A_213, %dma_wait3A_214, %dma_wait3A_219, %dma_wait3A_220] : memref<50x8x128x8x128xf32, #tpu.memory_space<hbm>> -> memref<1x1x1x8x128xf32, #tpu.memory_space<hbm>>
    %dma_wait3A_222 = tpu.memref_squeeze %dma_wait3A_221 : memref<1x1x1x8x128xf32, #tpu.memory_space<hbm>> -> memref<8x128xf32, #tpu.memory_space<hbm>>
    %dma_wait3A_223 = arith.constant 0 : i32
    %dma_wait3A_224 = arith.constant 0 : i32
    %dma_wait3A_225 = tpu.memref_slice %arg4[%dma_wait3A_212, %dma_wait3A_213, %dma_wait3A_214, %dma_wait3A_223, %dma_wait3A_224] : memref<50x8x128x8x128xf32, #tpu.memory_space<hbm>> -> memref<1x1x1x8x128xf32, #tpu.memory_space<hbm>>
    %dma_wait3A_226 = tpu.memref_squeeze %dma_wait3A_225 : memref<1x1x1x8x128xf32, #tpu.memory_space<hbm>> -> memref<8x128xf32, #tpu.memory_space<hbm>>
    %dma_wait3A_227 = arith.constant 8 : i32
    %dma_wait3A_228 = arith.constant 0 : i32
    %dma_wait3A_229 = tpu.memref_slice %arg7[%dma_wait3A_211, %dma_wait3A_227, %dma_wait3A_228] : memref<2x64x133xf32, #tpu.memory_space<vmem>> -> memref<1x8x128xf32, #tpu.memory_space<vmem>>
    %dma_wait3A_230 = tpu.memref_squeeze %dma_wait3A_229 : memref<1x8x128xf32, #tpu.memory_space<vmem>> -> memref<8x128xf32, #tpu.memory_space<vmem>>
    tpu.wait_dma2 semaphore(%arg11 : memref<!tpu.dma_semaphore, #tpu.memory_space<semaphore_mem>>) src(%dma_wait3A_230 : memref<8x128xf32, #tpu.memory_space<vmem>>) dst(%dma_wait3A_226 : memref<8x128xf32, #tpu.memory_space<hbm>>)
    %dma_wait3A_231 = arith.constant 1 : i32
    %dma_wait3A_232 = arith.constant 0 : i32
    %dma_wait3A_233 = arith.constant 2 : i32
    %dma_wait3A_234 = arith.constant 0 : i32
    %dma_wait3A_235 = arith.constant 16 : i32
    %dma_wait3A_236 = arith.constant 0 : i32
    %dma_wait3A_237 = tpu.memref_slice %arg7[%dma_wait3A_231, %dma_wait3A_235, %dma_wait3A_236] : memref<2x64x133xf32, #tpu.memory_space<vmem>> -> memref<1x8x128xf32, #tpu.memory_space<vmem>>
    %dma_wait3A_238 = tpu.memref_squeeze %dma_wait3A_237 : memref<1x8x128xf32, #tpu.memory_space<vmem>> -> memref<8x128xf32, #tpu.memory_space<vmem>>
    %dma_wait3A_239 = arith.constant 0 : i32
    %dma_wait3A_240 = arith.constant 0 : i32
    %dma_wait3A_241 = tpu.memref_slice %arg4[%dma_wait3A_232, %dma_wait3A_233, %dma_wait3A_234, %dma_wait3A_239, %dma_wait3A_240] : memref<50x8x128x8x128xf32, #tpu.memory_space<hbm>> -> memref<1x1x1x8x128xf32, #tpu.memory_space<hbm>>
    %dma_wait3A_242 = tpu.memref_squeeze %dma_wait3A_241 : memref<1x1x1x8x128xf32, #tpu.memory_space<hbm>> -> memref<8x128xf32, #tpu.memory_space<hbm>>
    %dma_wait3A_243 = arith.constant 0 : i32
    %dma_wait3A_244 = arith.constant 0 : i32
    %dma_wait3A_245 = tpu.memref_slice %arg4[%dma_wait3A_232, %dma_wait3A_233, %dma_wait3A_234, %dma_wait3A_243, %dma_wait3A_244] : memref<50x8x128x8x128xf32, #tpu.memory_space<hbm>> -> memref<1x1x1x8x128xf32, #tpu.memory_space<hbm>>
    %dma_wait3A_246 = tpu.memref_squeeze %dma_wait3A_245 : memref<1x1x1x8x128xf32, #tpu.memory_space<hbm>> -> memref<8x128xf32, #tpu.memory_space<hbm>>
    %dma_wait3A_247 = arith.constant 16 : i32
    %dma_wait3A_248 = arith.constant 0 : i32
    %dma_wait3A_249 = tpu.memref_slice %arg7[%dma_wait3A_231, %dma_wait3A_247, %dma_wait3A_248] : memref<2x64x133xf32, #tpu.memory_space<vmem>> -> memref<1x8x128xf32, #tpu.memory_space<vmem>>
    %dma_wait3A_250 = tpu.memref_squeeze %dma_wait3A_249 : memref<1x8x128xf32, #tpu.memory_space<vmem>> -> memref<8x128xf32, #tpu.memory_space<vmem>>
    tpu.wait_dma2 semaphore(%arg11 : memref<!tpu.dma_semaphore, #tpu.memory_space<semaphore_mem>>) src(%dma_wait3A_250 : memref<8x128xf32, #tpu.memory_space<vmem>>) dst(%dma_wait3A_246 : memref<8x128xf32, #tpu.memory_space<hbm>>)
    %dma_wait3A_251 = arith.constant 1 : i32
    %dma_wait3A_252 = arith.constant 0 : i32
    %dma_wait3A_253 = arith.constant 3 : i32
    %dma_wait3A_254 = arith.constant 0 : i32
    %dma_wait3A_255 = arith.constant 24 : i32
    %dma_wait3A_256 = arith.constant 0 : i32
    %dma_wait3A_257 = tpu.memref_slice %arg7[%dma_wait3A_251, %dma_wait3A_255, %dma_wait3A_256] : memref<2x64x133xf32, #tpu.memory_space<vmem>> -> memref<1x8x128xf32, #tpu.memory_space<vmem>>
    %dma_wait3A_258 = tpu.memref_squeeze %dma_wait3A_257 : memref<1x8x128xf32, #tpu.memory_space<vmem>> -> memref<8x128xf32, #tpu.memory_space<vmem>>
    %dma_wait3A_259 = arith.constant 0 : i32
    %dma_wait3A_260 = arith.constant 0 : i32
    %dma_wait3A_261 = tpu.memref_slice %arg4[%dma_wait3A_252, %dma_wait3A_253, %dma_wait3A_254, %dma_wait3A_259, %dma_wait3A_260] : memref<50x8x128x8x128xf32, #tpu.memory_space<hbm>> -> memref<1x1x1x8x128xf32, #tpu.memory_space<hbm>>
    %dma_wait3A_262 = tpu.memref_squeeze %dma_wait3A_261 : memref<1x1x1x8x128xf32, #tpu.memory_space<hbm>> -> memref<8x128xf32, #tpu.memory_space<hbm>>
    %dma_wait3A_263 = arith.constant 0 : i32
    %dma_wait3A_264 = arith.constant 0 : i32
    %dma_wait3A_265 = tpu.memref_slice %arg4[%dma_wait3A_252, %dma_wait3A_253, %dma_wait3A_254, %dma_wait3A_263, %dma_wait3A_264] : memref<50x8x128x8x128xf32, #tpu.memory_space<hbm>> -> memref<1x1x1x8x128xf32, #tpu.memory_space<hbm>>
    %dma_wait3A_266 = tpu.memref_squeeze %dma_wait3A_265 : memref<1x1x1x8x128xf32, #tpu.memory_space<hbm>> -> memref<8x128xf32, #tpu.memory_space<hbm>>
    %dma_wait3A_267 = arith.constant 24 : i32
    %dma_wait3A_268 = arith.constant 0 : i32
    %dma_wait3A_269 = tpu.memref_slice %arg7[%dma_wait3A_251, %dma_wait3A_267, %dma_wait3A_268] : memref<2x64x133xf32, #tpu.memory_space<vmem>> -> memref<1x8x128xf32, #tpu.memory_space<vmem>>
    %dma_wait3A_270 = tpu.memref_squeeze %dma_wait3A_269 : memref<1x8x128xf32, #tpu.memory_space<vmem>> -> memref<8x128xf32, #tpu.memory_space<vmem>>
    tpu.wait_dma2 semaphore(%arg11 : memref<!tpu.dma_semaphore, #tpu.memory_space<semaphore_mem>>) src(%dma_wait3A_270 : memref<8x128xf32, #tpu.memory_space<vmem>>) dst(%dma_wait3A_266 : memref<8x128xf32, #tpu.memory_space<hbm>>)
    %dma_wait3A_271 = arith.constant 1 : i32
    %dma_wait3A_272 = arith.constant 0 : i32
    %dma_wait3A_273 = arith.constant 4 : i32
    %dma_wait3A_274 = arith.constant 0 : i32
    %dma_wait3A_275 = arith.constant 32 : i32
    %dma_wait3A_276 = arith.constant 0 : i32
    %dma_wait3A_277 = tpu.memref_slice %arg7[%dma_wait3A_271, %dma_wait3A_275, %dma_wait3A_276] : memref<2x64x133xf32, #tpu.memory_space<vmem>> -> memref<1x8x128xf32, #tpu.memory_space<vmem>>
    %dma_wait3A_278 = tpu.memref_squeeze %dma_wait3A_277 : memref<1x8x128xf32, #tpu.memory_space<vmem>> -> memref<8x128xf32, #tpu.memory_space<vmem>>
    %dma_wait3A_279 = arith.constant 0 : i32
    %dma_wait3A_280 = arith.constant 0 : i32
    %dma_wait3A_281 = tpu.memref_slice %arg4[%dma_wait3A_272, %dma_wait3A_273, %dma_wait3A_274, %dma_wait3A_279, %dma_wait3A_280] : memref<50x8x128x8x128xf32, #tpu.memory_space<hbm>> -> memref<1x1x1x8x128xf32, #tpu.memory_space<hbm>>
    %dma_wait3A_282 = tpu.memref_squeeze %dma_wait3A_281 : memref<1x1x1x8x128xf32, #tpu.memory_space<hbm>> -> memref<8x128xf32, #tpu.memory_space<hbm>>
    %dma_wait3A_283 = arith.constant 0 : i32
    %dma_wait3A_284 = arith.constant 0 : i32
    %dma_wait3A_285 = tpu.memref_slice %arg4[%dma_wait3A_272, %dma_wait3A_273, %dma_wait3A_274, %dma_wait3A_283, %dma_wait3A_284] : memref<50x8x128x8x128xf32, #tpu.memory_space<hbm>> -> memref<1x1x1x8x128xf32, #tpu.memory_space<hbm>>
    %dma_wait3A_286 = tpu.memref_squeeze %dma_wait3A_285 : memref<1x1x1x8x128xf32, #tpu.memory_space<hbm>> -> memref<8x128xf32, #tpu.memory_space<hbm>>
    %dma_wait3A_287 = arith.constant 32 : i32
    %dma_wait3A_288 = arith.constant 0 : i32
    %dma_wait3A_289 = tpu.memref_slice %arg7[%dma_wait3A_271, %dma_wait3A_287, %dma_wait3A_288] : memref<2x64x133xf32, #tpu.memory_space<vmem>> -> memref<1x8x128xf32, #tpu.memory_space<vmem>>
    %dma_wait3A_290 = tpu.memref_squeeze %dma_wait3A_289 : memref<1x8x128xf32, #tpu.memory_space<vmem>> -> memref<8x128xf32, #tpu.memory_space<vmem>>
    tpu.wait_dma2 semaphore(%arg11 : memref<!tpu.dma_semaphore, #tpu.memory_space<semaphore_mem>>) src(%dma_wait3A_290 : memref<8x128xf32, #tpu.memory_space<vmem>>) dst(%dma_wait3A_286 : memref<8x128xf32, #tpu.memory_space<hbm>>)
    %dma_wait3A_291 = arith.constant 1 : i32
    %dma_wait3A_292 = arith.constant 0 : i32
    %dma_wait3A_293 = arith.constant 5 : i32
    %dma_wait3A_294 = arith.constant 0 : i32
    %dma_wait3A_295 = arith.constant 40 : i32
    %dma_wait3A_296 = arith.constant 0 : i32
    %dma_wait3A_297 = tpu.memref_slice %arg7[%dma_wait3A_291, %dma_wait3A_295, %dma_wait3A_296] : memref<2x64x133xf32, #tpu.memory_space<vmem>> -> memref<1x8x128xf32, #tpu.memory_space<vmem>>
    %dma_wait3A_298 = tpu.memref_squeeze %dma_wait3A_297 : memref<1x8x128xf32, #tpu.memory_space<vmem>> -> memref<8x128xf32, #tpu.memory_space<vmem>>
    %dma_wait3A_299 = arith.constant 0 : i32
    %dma_wait3A_300 = arith.constant 0 : i32
    %dma_wait3A_301 = tpu.memref_slice %arg4[%dma_wait3A_292, %dma_wait3A_293, %dma_wait3A_294, %dma_wait3A_299, %dma_wait3A_300] : memref<50x8x128x8x128xf32, #tpu.memory_space<hbm>> -> memref<1x1x1x8x128xf32, #tpu.memory_space<hbm>>
    %dma_wait3A_302 = tpu.memref_squeeze %dma_wait3A_301 : memref<1x1x1x8x128xf32, #tpu.memory_space<hbm>> -> memref<8x128xf32, #tpu.memory_space<hbm>>
    %dma_wait3A_303 = arith.constant 0 : i32
    %dma_wait3A_304 = arith.constant 0 : i32
    %dma_wait3A_305 = tpu.memref_slice %arg4[%dma_wait3A_292, %dma_wait3A_293, %dma_wait3A_294, %dma_wait3A_303, %dma_wait3A_304] : memref<50x8x128x8x128xf32, #tpu.memory_space<hbm>> -> memref<1x1x1x8x128xf32, #tpu.memory_space<hbm>>
    %dma_wait3A_306 = tpu.memref_squeeze %dma_wait3A_305 : memref<1x1x1x8x128xf32, #tpu.memory_space<hbm>> -> memref<8x128xf32, #tpu.memory_space<hbm>>
    %dma_wait3A_307 = arith.constant 40 : i32
    %dma_wait3A_308 = arith.constant 0 : i32
    %dma_wait3A_309 = tpu.memref_slice %arg7[%dma_wait3A_291, %dma_wait3A_307, %dma_wait3A_308] : memref<2x64x133xf32, #tpu.memory_space<vmem>> -> memref<1x8x128xf32, #tpu.memory_space<vmem>>
    %dma_wait3A_310 = tpu.memref_squeeze %dma_wait3A_309 : memref<1x8x128xf32, #tpu.memory_space<vmem>> -> memref<8x128xf32, #tpu.memory_space<vmem>>
    tpu.wait_dma2 semaphore(%arg11 : memref<!tpu.dma_semaphore, #tpu.memory_space<semaphore_mem>>) src(%dma_wait3A_310 : memref<8x128xf32, #tpu.memory_space<vmem>>) dst(%dma_wait3A_306 : memref<8x128xf32, #tpu.memory_space<hbm>>)
    %dma_wait3A_311 = arith.constant 1 : i32
    %dma_wait3A_312 = arith.constant 0 : i32
    %dma_wait3A_313 = arith.constant 6 : i32
    %dma_wait3A_314 = arith.constant 0 : i32
    %dma_wait3A_315 = arith.constant 48 : i32
    %dma_wait3A_316 = arith.constant 0 : i32
    %dma_wait3A_317 = tpu.memref_slice %arg7[%dma_wait3A_311, %dma_wait3A_315, %dma_wait3A_316] : memref<2x64x133xf32, #tpu.memory_space<vmem>> -> memref<1x8x128xf32, #tpu.memory_space<vmem>>
    %dma_wait3A_318 = tpu.memref_squeeze %dma_wait3A_317 : memref<1x8x128xf32, #tpu.memory_space<vmem>> -> memref<8x128xf32, #tpu.memory_space<vmem>>
    %dma_wait3A_319 = arith.constant 0 : i32
    %dma_wait3A_320 = arith.constant 0 : i32
    %dma_wait3A_321 = tpu.memref_slice %arg4[%dma_wait3A_312, %dma_wait3A_313, %dma_wait3A_314, %dma_wait3A_319, %dma_wait3A_320] : memref<50x8x128x8x128xf32, #tpu.memory_space<hbm>> -> memref<1x1x1x8x128xf32, #tpu.memory_space<hbm>>
    %dma_wait3A_322 = tpu.memref_squeeze %dma_wait3A_321 : memref<1x1x1x8x128xf32, #tpu.memory_space<hbm>> -> memref<8x128xf32, #tpu.memory_space<hbm>>
    %dma_wait3A_323 = arith.constant 0 : i32
    %dma_wait3A_324 = arith.constant 0 : i32
    %dma_wait3A_325 = tpu.memref_slice %arg4[%dma_wait3A_312, %dma_wait3A_313, %dma_wait3A_314, %dma_wait3A_323, %dma_wait3A_324] : memref<50x8x128x8x128xf32, #tpu.memory_space<hbm>> -> memref<1x1x1x8x128xf32, #tpu.memory_space<hbm>>
    %dma_wait3A_326 = tpu.memref_squeeze %dma_wait3A_325 : memref<1x1x1x8x128xf32, #tpu.memory_space<hbm>> -> memref<8x128xf32, #tpu.memory_space<hbm>>
    %dma_wait3A_327 = arith.constant 48 : i32
    %dma_wait3A_328 = arith.constant 0 : i32
    %dma_wait3A_329 = tpu.memref_slice %arg7[%dma_wait3A_311, %dma_wait3A_327, %dma_wait3A_328] : memref<2x64x133xf32, #tpu.memory_space<vmem>> -> memref<1x8x128xf32, #tpu.memory_space<vmem>>
    %dma_wait3A_330 = tpu.memref_squeeze %dma_wait3A_329 : memref<1x8x128xf32, #tpu.memory_space<vmem>> -> memref<8x128xf32, #tpu.memory_space<vmem>>
    tpu.wait_dma2 semaphore(%arg11 : memref<!tpu.dma_semaphore, #tpu.memory_space<semaphore_mem>>) src(%dma_wait3A_330 : memref<8x128xf32, #tpu.memory_space<vmem>>) dst(%dma_wait3A_326 : memref<8x128xf32, #tpu.memory_space<hbm>>)
    %dma_wait3A_331 = arith.constant 1 : i32
    %dma_wait3A_332 = arith.constant 0 : i32
    %dma_wait3A_333 = arith.constant 7 : i32
    %dma_wait3A_334 = arith.constant 0 : i32
    %dma_wait3A_335 = arith.constant 56 : i32
    %dma_wait3A_336 = arith.constant 0 : i32
    %dma_wait3A_337 = tpu.memref_slice %arg7[%dma_wait3A_331, %dma_wait3A_335, %dma_wait3A_336] : memref<2x64x133xf32, #tpu.memory_space<vmem>> -> memref<1x8x128xf32, #tpu.memory_space<vmem>>
    %dma_wait3A_338 = tpu.memref_squeeze %dma_wait3A_337 : memref<1x8x128xf32, #tpu.memory_space<vmem>> -> memref<8x128xf32, #tpu.memory_space<vmem>>
    %dma_wait3A_339 = arith.constant 0 : i32
    %dma_wait3A_340 = arith.constant 0 : i32
    %dma_wait3A_341 = tpu.memref_slice %arg4[%dma_wait3A_332, %dma_wait3A_333, %dma_wait3A_334, %dma_wait3A_339, %dma_wait3A_340] : memref<50x8x128x8x128xf32, #tpu.memory_space<hbm>> -> memref<1x1x1x8x128xf32, #tpu.memory_space<hbm>>
    %dma_wait3A_342 = tpu.memref_squeeze %dma_wait3A_341 : memref<1x1x1x8x128xf32, #tpu.memory_space<hbm>> -> memref<8x128xf32, #tpu.memory_space<hbm>>
    %dma_wait3A_343 = arith.constant 0 : i32
    %dma_wait3A_344 = arith.constant 0 : i32
    %dma_wait3A_345 = tpu.memref_slice %arg4[%dma_wait3A_332, %dma_wait3A_333, %dma_wait3A_334, %dma_wait3A_343, %dma_wait3A_344] : memref<50x8x128x8x128xf32, #tpu.memory_space<hbm>> -> memref<1x1x1x8x128xf32, #tpu.memory_space<hbm>>
    %dma_wait3A_346 = tpu.memref_squeeze %dma_wait3A_345 : memref<1x1x1x8x128xf32, #tpu.memory_space<hbm>> -> memref<8x128xf32, #tpu.memory_space<hbm>>
    %dma_wait3A_347 = arith.constant 56 : i32
    %dma_wait3A_348 = arith.constant 0 : i32
    %dma_wait3A_349 = tpu.memref_slice %arg7[%dma_wait3A_331, %dma_wait3A_347, %dma_wait3A_348] : memref<2x64x133xf32, #tpu.memory_space<vmem>> -> memref<1x8x128xf32, #tpu.memory_space<vmem>>
    %dma_wait3A_350 = tpu.memref_squeeze %dma_wait3A_349 : memref<1x8x128xf32, #tpu.memory_space<vmem>> -> memref<8x128xf32, #tpu.memory_space<vmem>>
    tpu.wait_dma2 semaphore(%arg11 : memref<!tpu.dma_semaphore, #tpu.memory_space<semaphore_mem>>) src(%dma_wait3A_350 : memref<8x128xf32, #tpu.memory_space<vmem>>) dst(%dma_wait3A_346 : memref<8x128xf32, #tpu.memory_space<hbm>>)
    return
  }
}

</mosaic_0001>

<sc_bundles>
// kernel: kernel.4.cloned.1.call-start
scs
__scs_entry_jumppad:
0x0: {  	(pc) =	sbr.rel $0x88, $3  }
0x1: {  	(tag) =	ssettag $0x0;
	lr =	simm.s32 $0x1  }
0x2: {  	[smem:$0x3F9F] =	sst lr;
	_ =	strace $0xD0000000  }
0x3: {  	_ = 	snop  }
0x4: {  	_ = 	snop  }
0x5: {  	_ = 	snop  }
0x6: {  	_ = 	snop  }
0x7: {  	_ = 	snop  }
__scs_overlays_trampoline_lowered:
0x8: {  	[smem:$0x3FAE] =	sst s0  }
0x9: {  	[smem:$0x3FAF] =	sst s1  }
0xa: {  	[smem:$0x3FB0] =	sst s2  }
0xb: {  	[smem:$0x3FB1] =	sst s3  }
0xc: {  	[smem:$0x3FB2] =	sst s4  }
0xd: {  	[smem:$0x3FB3] =	sst s5  }
0xe: {  	[smem:$0x3FB4] =	sst s6  }
0xf: {  	[smem:$0x3FB5] =	sst s7  }
0x10: {  	[smem:$0x3FB6] =	sst s8  }
0x11: {  	[smem:$0x3FB7] =	sst s9;
	s0 =	simm.s32 @!p0 $0x0  }
0x12: {  	s1 =	sld [smem:$0x3F9D];
	s0 =	simm.s32 @p0 $0x1  }
0x13: {  	[smem:$0x3FB8] =	sst s0;
	s0 =	simm.s32 @!p1 $0x0  }
0x14: {  	s2 =	sld [smem:$0x3F9C];
	s0 =	simm.s32 @p1 $0x1  }
0x15: {  	[smem:$0x3FB9] =	sst s0;
	s0 =	simm.s32 @!p2 $0x0  }
0x16: {  	s3 =	sld [smem:$0x3FDB];
	s0 =	simm.s32 @p2 $0x1  }
0x17: {  	s4 =	simm.s32 $0x1BF5;
	[smem:$0x3FBB] =	sst s0  }
0x18: {  	s0 =	sld [smem:$0x3F9E];
	_ =	swait.ge [sflag:s4], $0x0  }
0x19: {  	s7 =	sld [smem:$0x3F9F]  }
0x1a: {  	s8 =	sadd.s32 $0xFFFFE003, lr  }
0x1b: {  	s9 =	sadd.s32 $0xFFFFFEF7, lr;
	s5 =	simm.s32 $0xFFFFFFFF;
	p2 =	slt.u32 s8, $0xFFFFF086  }
0x1c: {  	p1 =	slt.u32 s9, $0xF7A;
	s5 =	simm.s32 @!p2 $0x0  }
0x1d: {  	s5 =	simm.s32 @p1 $0x1;
	p0 =	seq.s32 s7, s2  }
0x1e: {  	s7 =	smul.u32 @!p0 $0xF7A, s2;
	p2 =	seq.s32 @!p0 s5, $0x0  }
0x1f: {  	s9 =	smul.u32 $0xF7A, s1;
	s8 =	simm.s32 @!p0 $0x1BF5;
	p2 =	por !p2, p0  }
0x20: {  	[sflag:s8] =	ssyncset.s32 @!p0 $0xFFFFF086;
	s6 =	sadd.s32 @!p0 s3, s7;
	s7 =	simm.s32 @!p0 $0x108  }
0x21: {  	s3 =	sadd.s32 s3, s9;
	s6 =	sadd.s32 @!p0 $0x88, s6;
	s7 =	simm.s32 @p2 $0x1082  }
0x22: {  	[simem:s7], [sflag:s8] =	dma.local @!p0 [hbm:s6], $0xF7A  }
0x23: {  	s9 =	sor.u32 $0xD0000000, s2;
	s6 =	simm.s32 $0x108;
	_ =	swait.ge @!p0 [sflag:s8], $0x0  }
0x24: {  	s3 =	sadd.s32 $0x88, s3;
	s6 =	simm.s32 @!p1 $0x1082;
	[sflag:s4] =	ssyncset.s32 $0xFFFFF086  }
0x25: {  	[simem:s6], [sflag:s4] =	dma.local [hbm:s3], $0xF7A  }
0x26: {  	[smem:$0x3F9F] =	sst s1;
	(tag) =	ssettag s2;
	_ =	strace s9  }
0x27: {  	s1 =	sld [smem:$0x3FAF]  }
0x28: {  	s2 =	sld [smem:$0x3FB0]  }
0x29: {  	s4 =	sld [smem:$0x3FB2]  }
0x2a: {  	p0 =	seq.s32 s5, $0x0;
	s5 =	sld [smem:$0x3FB3]  }
0x2b: {  	s6 =	sld [smem:$0x3FB4]  }
0x2c: {  	s7 =	sld [smem:$0x3FB5]  }
0x2d: {  	s3 =	simm.s32 $0x108;
	s8 =	sld [smem:$0x3FB6]  }
0x2e: {  	s3 =	simm.s32 @!p0 $0x1082;
	s9 =	sld [smem:$0x3FB7]  }
0x2f: {  	lr =	sadd.s32 s0, s3;
	s0 =	sld [smem:$0x3FAE]  }
0x30: {  	s3 =	sld [smem:$0x3FB1]  }
0x31: {  	[smem:$0x3FBA] =	sst s10  }
0x32: {  	s10 =	sld [smem:$0x3FB8];
	_ =	sdelay $0x3  }
0x33: {  	p0 =	seq.s32 s10, $0x1;
	s10 =	sld [smem:$0x3FBA];
	_ =	sdelay $0x3  }
0x34: {  	[smem:$0x3FBA] =	sst s10  }
0x35: {  	s10 =	sld [smem:$0x3FB9];
	_ =	sdelay $0x3  }
0x36: {  	p1 =	seq.s32 s10, $0x1;
	s10 =	sld [smem:$0x3FBA];
	_ =	sdelay $0x3  }
0x37: {  	[smem:$0x3FBA] =	sst s10  }
0x38: {  	s10 =	sld [smem:$0x3FBB]  }
0x39: {  	_ = 	snop;
	(pc) =	sbr.ind lr, $3  }
0x3a: {  	_ = 	snop  }
0x3b: {  	_ = 	snop  }
0x3c: {  	p2 =	seq.s32 s10, $0x1;
	s10 =	sld [smem:$0x3FBA]  }
0x3d: {  	_ =	shalt  }
0x3e: {  	_ =	shalt  }
0x3f: {  	_ =	shalt  }
0x40: {  	_ =	shalt  }
0x41: {  	_ =	shalt  }
0x42: {  	_ =	shalt  }
0x43: {  	_ =	shalt  }
0x44: {  	_ =	shalt  }
0x45: {  	_ =	shalt  }
0x46: {  	_ =	shalt  }
0x47: {  	_ =	shalt  }
0x48: {  	_ =	shalt  }
0x49: {  	_ =	shalt  }
0x4a: {  	_ =	shalt  }
0x4b: {  	_ =	shalt  }
0x4c: {  	_ =	shalt  }
0x4d: {  	_ =	shalt  }
0x4e: {  	_ =	shalt  }
0x4f: {  	_ =	shalt  }
0x50: {  	_ =	shalt  }
0x51: {  	_ =	shalt  }
0x52: {  	_ =	shalt  }
0x53: {  	_ =	shalt  }
0x54: {  	_ =	shalt  }
0x55: {  	_ =	shalt  }
0x56: {  	_ =	shalt  }
0x57: {  	_ =	shalt  }
0x58: {  	_ =	shalt  }
0x59: {  	_ =	shalt  }
0x5a: {  	_ =	shalt  }
0x5b: {  	_ =	shalt  }
0x5c: {  	_ =	shalt  }
0x5d: {  	_ =	shalt  }
0x5e: {  	_ =	shalt  }
0x5f: {  	_ =	shalt  }
0x60: {  	_ =	shalt  }
0x61: {  	_ =	shalt  }
0x62: {  	_ =	shalt  }
0x63: {  	_ =	shalt  }
0x64: {  	_ =	shalt  }
0x65: {  	_ =	shalt  }
0x66: {  	_ =	shalt  }
0x67: {  	_ =	shalt  }
0x68: {  	_ =	shalt  }
0x69: {  	_ =	shalt  }
0x6a: {  	_ =	shalt  }
0x6b: {  	_ =	shalt  }
0x6c: {  	_ =	shalt  }
0x6d: {  	_ =	shalt  }
0x6e: {  	_ =	shalt  }
0x6f: {  	_ =	shalt  }
0x70: {  	_ =	shalt  }
0x71: {  	_ =	shalt  }
0x72: {  	_ =	shalt  }
0x73: {  	_ =	shalt  }
0x74: {  	_ =	shalt  }
0x75: {  	_ =	shalt  }
0x76: {  	_ =	shalt  }
0x77: {  	_ =	shalt  }
0x78: {  	_ =	shalt  }
0x79: {  	_ =	shalt  }
0x7a: {  	_ =	shalt  }
0x7b: {  	_ =	shalt  }
0x7c: {  	_ =	shalt  }
0x7d: {  	_ =	shalt  }
0x7e: {  	_ =	shalt  }
0x7f: {  	_ =	shalt  }
0x80: {  	_ =	shalt  }
0x81: {  	_ =	shalt  }
0x82: {  	_ =	shalt  }
0x83: {  	_ =	shalt  }
0x84: {  	_ =	shalt  }
0x85: {  	_ =	shalt  }
0x86: {  	_ =	shalt  }
0x87: {  	_ =	shalt  }
.Lfunc_end0:
.L_simem_size_0:
called_computation_lowered:
.L_overlay_start_0:
0x88: {  	s2 =	sld [smem:$0x3FD9]  }
0x89: {  	s3 =	sld [smem:$0x3FFE];
	_ =	sdelay $0x1  }
0x8a: {  	s1 =	srdreg.scid  }
0x8b: {  	s0 =	sand.u32 $0x1, s1  }
0x8c: {  	s17 =	sshll.u32 s0, $0xA;
	s2 =	sadd.s32 s3, s2  }
0x8d: {  	s2 =	sadd.s32 s2, s17  }
0x8e: {  	[smem:$0x3FC6] =	sst s2  }
0x8f: {  	_ = 	snop  }
0x90: {  	s2 =	sld [smem:$0x3FC8]  }
0x91: {  	s18 =	sld [smem:$0x3FD0];
	(tm) =	ssettm $0x1  }
0x92: {  	s4 =	sld [smem:$0x3FFB];
	_ =	sdelay $0x3  }
0x93: {  	_ =	strace s4  }
0x94: {  	s4 =	sld [smem:$0x3FFC];
	_ =	sdelay $0x3  }
0x95: {  	_ =	strace s4  }
0x96: {  	s4 =	sld [smem:$0x3FFD];
	_ =	sdelay $0x3  }
0x97: {  	_ =	strace s4  }
0x98: {  	_ =	strace $0x8FFFFFFF  }
0x99: {  	s19 =	sld [smem:$0x3FDB];
	_ =	sdelay $0x1  }
0x9a: {  	s5 =	simm.s32 $_scs_section_size  }
0x9b: {  	s6 =	simm.s32 $_size__tile_overlayer_lowered;
	s7 =	simm.s32 $_tile_overlayer_lowered  }
0x9c: {  	s22 =	simm.s32 $0x1BFF;
	s21 =	sshll.u32 s7, $0x1;
	s4 =	sadd.s32 s5, s19  }
0x9d: {  	s8 =	simm.s32 $0x0;
	s20 =	sshll.u32 s6, $0x1;
	s6 =	sadd.s32 s21, s4  }
0x9e: {  	[timem:s8], [sflag:s22] =	dma.local [hbm:s6], s20  }
0x9f: {  	_ =	swait.ge [sflag:s22], s20  }
0xa0: {  	s5 =	ssub.s32 $0x0, s20;
	[sflag:s22] =	ssyncset.done $0x0  }
0xa1: {  	[sflag:s22] =	ssyncadd.s32 s5;
	_ =	sdelay $0x1  }
0xa2: {  	s23 =	simm.s32 $0x1B8B  }
0xa3: {  	_ =	swait.ge [sflag:s23], $0x1  }
0xa4: {  	[sflag:s23] =	ssyncset.done $0x0  }
0xa5: {  	s25 =	simm.s32 $0x1B8E;
	s24 =	sld [smem:$0x3FFE];
	[sflag:s23] =	ssyncadd.s32 $0xFFFFFFFF  }
0xa6: {  	s26 =	simm.s32 $execute0_lowered;
	[smem:$0x3FD2] =	sst s25  }
0xa7: {  	s6 =	sshll.u32 s26, $0x1;
	_ =	strace $0x80000046;
	[dreg:$0x1] =	wrdreg $0xFFFFFFFF  }
0xa8: {  	s28 =	simm.s32 $_size_execute0_lowered;
	s4 =	sadd.s32 s4, s6;
	[dreg:$0x0] =	wrdreg $0x0  }
0xa9: {  	s6 =	sshll.u32 s28, $0x1;
	[dreg:$0x2] =	wrdreg s4  }
0xaa: {  	[dreg:$0x3] =	wrdreg s6  }
0xab: {  	[dreg:$0x4] =	wrdreg $0xC0  }
0xac: {  	_ =	task [dreg:s8], $0x5FFFF  }
0xad: {  	[dreg:$0x1] =	wrdreg $0xFFFFFFFF  }
0xae: {  	[dreg:$0x0] =	wrdreg $0x60  }
0xaf: {  	[dreg:$0x2] =	wrdreg s2  }
0xb0: {  	[dreg:$0x3] =	wrdreg s18  }
0xb1: {  	[dreg:$0x4] =	wrdreg s24  }
0xb2: {  	[dreg:$0x5] =	wrdreg $0x9  }
0xb3: {  	_ =	task.clear_ibuf [dreg:s8], $0x6FFFF;
	_ =	strace $0x90000046  }
0xb4: {  	s29 =	simm.s32 $0x9;
	_ =	strace $0x80000048  }
0xb5: {  	_ =	swait.ge [sflag:s29], $0x1  }
0xb6: {  	[sflag:s29] =	ssyncadd.s32 $0xFFFFFFFF  }
0xb7: {  	_ =	strace $0x90000048  }
0xb8: {  	_ =	sfence  }
0xb9: {  	s30 =	sld [smem:$0x0];
	_ =	sdelay $0x2  }
0xba: {  	s31 =	sshll.u32 s1, $0xD;
	s1 =	sshrl.u32 s1, $0x2  }
0xbb: {  	s3 =	sand.u32 $0x4000, s31;
	s1 =	sadd.s32 s1, s30  }
0xbc: {  	s0 =	sor.u32 s3, s0;
	s1 =	sshll.u32 s1, $0x11  }
0xbd: {  	s0 =	sor.u32 s1, s0  }
0xbe: {  	s0 =	sadd.s32 $0x8F2B, s0  }
0xbf: {  	[sflag:s0] =	ssyncadd.remote.s32 $0x1  }
0xc0: {  	_ =	sfence.sel $0xFFFF  }
0xc1: {  	[dreg:$0x0] =	wrdreg $0xFFFFFFFF;
	(pc) =	sbr.abs _section_cstart, $3  }
0xc2: {  	[dreg:$0x1] =	wrdreg $0xFFFFFFFF  }
0xc3: {  	_ =	task.clear_ibuf [dreg:s8], $0x2FFFF;
	_ =	strace $0x9FFFFFFF  }
0xc4: {  	(tm) =	ssettm $0x7FFFFFFF  }
0xc5: {  	_ =	shalt  }
tec
execute0_lowered:
.L_overlay_start_1:
0x0: {  	(tag) =	ssettag $0x1  }
0x1: {  	v1 =	vimm.s32 $0x4B0A4908  }
0x2: {  	v2 =	vimm.s32 $0x4F0E4D0C;
	v0 =	vlaneseq.u32;
	v3 =	vimm.s32 $0x43024100  }
0x3: {  	v4 =	vimm.s32 $0xFEDCBA9;
	v5 =	vimm.s32 $0x87654321;
	v6 =	vimm.s32 $0x47064504  }
0x4: {  	vm0 =	vcmask $0x1F10;
	v7 =	vimm.s32 $0x10FEDCBA;
	v8 =	vimm.s32 $0x98765432  }
0x5: {  	v9 =	vimm.s32 $0x210FEDCB;
	v12 =	vimm.s32 $0xA9876543;
	v20 =	vimm.s32 $0x6543210F  }
0x6: {  	v21 =	vimm.s32 $0xEDCBA987;
	v22 =	vimm.s32 $0xFEDCBA98;
	v23 =	vimm.s32 $0x76543210  }
0x7: {  	v1 =	vunpack.c.0.s8.s32 v1;
	v2 =	vunpack.c.0.s8.s32 v2;
	v4 =	vunpack.c.l.s4.s8 v4  }
0x8: {  	v5 =	vunpack.c.l.s4.s8 v5;
	v3 =	vunpack.c.0.s8.s32 v3;
	v6 =	vunpack.c.0.s8.s32 v6  }
0x9: {  	v7 =	vunpack.c.l.s4.s8 v7;
	v8 =	vunpack.c.l.s4.s8 v8;
	v9 =	vunpack.c.l.s4.s8 v9  }
0xa: {  	v20 =	vunpack.c.l.s4.s8 v20;
	v21 =	vunpack.c.l.s4.s8 v21;
	v22 =	vunpack.c.l.s4.s8 v22  }
0xb: {  	v1 =	vsel vm0, v2, v1;
	v10 =	vunpack.c.0.s8.s32 v4;
	v11 =	vunpack.c.0.s8.s32 v5  }
0xc: {  	v2 =	vsel vm0, v6, v3;
	v3 =	vimm.s32 $0xB4A0948;
	v4 =	vimm.s32 $0xF4E0D4C  }
0xd: {  	s0 =	rddreg [dreg:$0x0];
	v13 =	vunpack.c.0.s8.s32 v7;
	v7 =	vunpack.c.l.s4.s8 v12;
	v12 =	vunpack.c.0.s8.s32 v8  }
0xe: {  	s1 =	rddreg [dreg:$0x1];
	v14 =	vunpack.c.0.s8.s32 v9;
	v8 =	vimm.s32 $0x3210FEDC;
	v20 =	vunpack.c.0.s8.s32 v20  }
0xf: {  	s9 =	rddreg [dreg:$0x2];
	v21 =	vunpack.c.0.s8.s32 v21;
	v22 =	vunpack.c.0.s8.s32 v22;
	v6 =	vunpack.c.0.s8.s32 v3  }
0x10: {  	s2 =	rddreg [dreg:$0x3];
	s5 =	srdreg.scid;
	s4 =	simm.s32 $0x0;
	v4 =	vunpack.c.0.s8.s32 v4;
	v1 =	vcombine.low v2, v1;
	v2 =	vmul.u32 $0x80, v0  }
0x11: {  	s3 =	stileid.u32;
	s16 =	simm.s32 $0x2000;
	s5 =	sand.u32 $0x1, s5;
	v5 =	vcombine.low v11, v10;
	v15 =	vunpack.c.0.s8.s32 v7;
	v7 =	vunpack.c.l.s4.s8 v8  }
0x12: {  	[smem:$0x7FF] =	sst s4;
	s10 =	sshll.u32 s3, $0x1;
	s6 =	sadd.s32 $0xA00, s9;
	v8 =	vimm.s32 $0xBA987654;
	v27 =	vcombine.low v21, v20;
	v22 =	vand.u32 $0xF, v22  }
0x13: {  	s9 =	sadd.s32 $0x7A1A00, s9;
	s7 =	ssub.s32 $0x2, s5;
	s5 =	sor.u32 s5, s10;
	v63 =	vcombine.low v10, v11;
	v4 =	vsel vm0, v4, v6;
	v6 =	vimm.s32 $0x7460544  }
0x14: {  	s15 =	simm.s32 $0x2;
	_ =	strace $0x80000047;
	s12 =	ssub.s32 $0x1E84, s5;
	v8 =	vunpack.c.l.s4.s8 v8;
	v3 =	vand.u32 $0xF, v5;
	v5 =	vimm.s32 $0x3420140  }
0x15: {  	s13 =	sand.u32 $0x1EE0, s12;
	s14 =	sand.u32 $0x1EC0, s12;
	s12 =	sand.u32 $0x20, s12;
	v6 =	vunpack.c.0.s8.s32 v6;
	v9 =	vcombine.low v15, v14;
	v16 =	vunpack.c.0.s8.s32 v7  }
0x16: {  	s8 =	sshrl.u32 s7, $0x1;
	s18 =	sor.u32 s5, s14;
	p0 =	sne.s32 s12, $0x0;
	v7 =	vimm.s32 $0x43210FED;
	v14 =	vcombine.low v14, v15;
	v5 =	vunpack.c.0.s8.s32 v5  }
0x17: {  	s31 =	sshll.u32 s5, $0x7;
	s11 =	ssub.s32 s7, s8;
	p1 =	sgt.u32 @!p0 s18, $0x1E83;
	v17 =	vunpack.c.0.s8.s32 v8;
	v7 =	vunpack.c.l.s4.s8 v7;
	v8 =	vimm.s32 $0xCBA98765  }
0x18: {  	s7 =	sadd.s32 s0, s31;
	s17 =	sor.u32 s10, s13;
	p2 =	por !p1, p0;
	v11 =	vand.u32 $0xF, v27;
	v8 =	vunpack.c.l.s4.s8 v8;
	v14 =	vand.u32 $0xF, v14  }
0x19: {  	s8 =	sor.u32 $0x40, s5;
	p3 =	sgt.u32 @p0 s17, $0x1E83;
	s17 =	simm.s32 @!p2 $0x0;
	v5 =	vsel vm0, v6, v5;
	v6 =	vcombine.low v12, v13;
	v18 =	vunpack.c.0.s8.s32 v7  }
0x1a: {  	p5 =	sne.s32 @!p2 s18, $0x1E84;
	s17 =	simm.s32 @p2 $0x1;
	p2 =	por p3, !p0;
	v7 =	vimm.s32 $0x543210FE;
	v13 =	vcombine.low v13, v12;
	v15 =	vcombine.low v16, v17  }
0x1b: {  	s10 =	smax.u32 s11, $0x1;
	s11 =	simm.s32 $0x400;
	v12 =	vand.u32 $0xF, v63;
	s18 =	simm.s32 @!p2 $0x0;
	v4 =	vcombine.low v5, v4;
	v19 =	vunpack.c.0.s8.s32 v8  }
0x1c: {  	s12 =	simm.s32 $0x7A1400;
	v8 =	vimm.s32 $0xDCBA9876;
	v7 =	vunpack.c.l.s4.s8 v7;
	s18 =	simm.s32 @p2 $0x1;
	p2 =	por !p3, !p0;
	v5 =	vand.u32 $0xF, v6  }
0x1d: {  	p3 =	por @!p0 !p5, !p1;
	v6 =	vand.u32 $0xF, v9;
	v9 =	vcombine.low v17, v16;
	v8 =	vunpack.c.l.s4.s8 v8;
	[smem:$0x7FA] =	sst s18;
	s18 =	simm.s32 @!p2 $0x0  }
0x1e: {  	s13 =	simm.s32 $0x1;
	v13 =	vand.u32 $0xF, v13;
	v15 =	vand.u32 $0xF, v15;
	v24 =	vunpack.c.0.s8.s32 v7;
	s18 =	simm.s32 @p2 $0x1;
	p2 =	por !p3, p0  }
.Ltmp0:
0x1f: {  	v16 =	vcombine.low v18, v19;
	v25 =	vunpack.c.0.s8.s32 v8;
	v8 =	vunpack.c.l.s4.s8 v23;
	[smem:$0x7FB] =	sst s18;
	s18 =	simm.s32 @!p2 $0x0;
	(pc) =	sbr.rel .LBB2_1-.Ltmp0, $4  }
0x20: {  	s14 =	simm.s32 $0x4000;
	p6 =	por p1, p0;
	v7 =	vand.u32 $0xF, v9;
	v9 =	vcombine.low v19, v18;
	v18 =	vcombine.low v20, v21;
	s18 =	simm.s32 @p2 $0x1  }
0x21: {  	p4 =	por @!p0 p5, !p1;
	v23 =	vunpack.c.0.s8.s32 v8;
	v26 =	vcombine.low v25, v24;
	v17 =	vcombine.low v24, v25;
	[smem:$0x7FC] =	sst s18;
	s18 =	simm.s32 @!p0 $0x0  }
0x22: {  	[smem:$0x7F9] =	sst s17;
	s17 =	simm.s32 $0x6000;
	v16 =	vand.u32 $0xF, v16;
	v8 =	vand.u32 $0xF, v9;
	v18 =	vand.u32 $0xF, v18;
	s18 =	simm.s32 @p0 $0x1  }
0x23: {  	p4 =	por p4, p0;
	v9 =	vcombine.low v22, v23;
	v10 =	vand.u32 $0xF, v26;
	v17 =	vand.u32 $0xF, v17;
	[smem:$0x7FD] =	sst s18;
	s18 =	simm.s32 $0x0  }
.LBB2_11:
0x24: {  	s19 =	sld [smem:$0x7FA];
	_ =	sdelay $0x2  }
0x25: {  	p0 =	seq.s32 s19, $0x1  }
0x26: {  	s19 =	simm.s32 @!p0 $0x4  }
0x27: {  	_ =	swait.ge @!p0 [sflag:s19], $0x2000  }
0x28: {  	[sflag:s19] =	ssyncset.done @!p0 $0x0  }
0x29: {  	[sflag:s19] =	ssyncadd.s32 @!p0 $0xFFFFE000;
	s19 =	simm.s32 @!p4 $0x3  }
0x2a: {  	_ =	swait.ge @!p4 [sflag:s19], $0x1000  }
0x2b: {  	[sflag:s19] =	ssyncset.done @!p4 $0x0  }
0x2c: {  	s20 =	simm.s32 @!p6 $0x3;
	s21 =	sld [smem:$0x7FD];
	[sflag:s19] =	ssyncadd.s32 @!p4 $0xFFFFF000  }
0x2d: {  	s22 =	sld [smem:$0x7FC];
	_ =	swait.ge @!p6 [sflag:s20], $0x2000  }
0x2e: {  	s30 =	sld [smem:$0x7FB]  }
0x2f: {  	s31 =	sld [smem:$0x7F9]  }
0x30: {  	s19 =	simm.s32 @!p4 $0x4;
	p0 =	seq.s32 s21, $0x1;
	p1 =	seq.s32 s22, $0x1  }
0x31: {  	s21 =	simm.s32 @p0 $0x3;
	s19 =	simm.s32 @p1 $0x4;
	p1 =	seq.s32 s30, $0x1  }
0x32: {  	s21 =	simm.s32 @p1 $0x3;
	p1 =	seq.s32 s31, $0x1  }
0x33: {  	s18 =	sadd.s32 $0x1, s18;
	s19 =	simm.s32 @p1 $0x4  }
0x34: {  	s19 =	smov.u32 @p0 s21;
	p0 =	sne.s32 s18, s10  }
.Ltmp1:
0x35: {  	[sflag:s20] =	ssyncset.done @!p6 $0x0;
	(pc) =	sbr.rel @!p0 .LBB2_12-.Ltmp1, $4  }
0x36: {  	[sflag:s20] =	ssyncadd.s32 @!p6 $0xFFFFE000  }
0x37: {  	_ =	swait.ge [sflag:s19], $0x2000  }
0x38: {  	[sflag:s19] =	ssyncset.done $0x0  }
0x39: {  	[sflag:s19] =	ssyncadd.s32 $0xFFFFE000  }
.LBB2_1:
.Ltmp2:
0x3a: {  	(pc) =	sbr.rel .LBB2_2-.Ltmp2, $3  }
0x3b: {  	_ =	sdelay $0x1  }
0x3c: {  	[tilespmem:s4], [sflag:$0x1] =	stream.strided.gather [hbm4b:s7+s11], $0x2000, s12, s11, $0x38;
	[tilespmem:$0x8000] =	vst v63  }
0x3d: {  	s19 =	simm.s32 $0x0  }
.LBB2_10:
0x3e: {  	s19 =	sadd.s32 $0x1, s19  }
0x3f: {  	p0 =	sne.s32 s19, $0x7B  }
.Ltmp3:
0x40: {  	_ = 	snop;
	(pc) =	sbr.rel @!p0 .LBB2_11-.Ltmp3, $1  }
0x41: {  	_ =	sdelay $0x3  }
.LBB2_2:
0x42: {  	s21 =	sshll.u32 s19, $0x6  }
0x43: {  	s22 =	sor.u32 s5, s21  }
0x44: {  	p1 =	sgt.u32 s22, $0x1E84  }
.Ltmp4:
0x45: {  	s20 =	sor.u32 $0x20, s22;
	(pc) =	sbr.rel @p1 .LBB2_6-.Ltmp4, $4  }
0x46: {  	p5 =	sgt.u32 s20, $0x1E84  }
0x47: {  	p3 =	seq.s32 s19, $0x0;
	s23 =	sshll.u32 @!p5 s20, $0x7;
	s24 =	simm.s32 @!p5 $0x400  }
0x48: {  	s25 =	simm.s32 @!p5 $0x7A1400;
	s26 =	simm.s32 @!p5 $0x2000;
	s23 =	sadd.s32 @!p5 s0, s23  }
0x49: {  	[tilespmem:s26], [sflag:$0x2] =	stream.strided.gather @!p5 [hbm4b:s23+s24], $0x2000, s25, s24, $0x38;
	[tilespmem:$0x8000] =	vst v63  }
0x4a: {  	s23 =	simm.s32 $0x0  }
0x4b: {  	s25 =	sand.u32 $0x30, s23  }
0x4c: {  	s23 =	sand.u32 $0x60, s23;
	v19 =	vmov s25  }
0x4d: {  	s24 =	sor.u32 $0x10, s23;
	v19 =	vshll.u32 v19, $0x7  }
0x4e: {  	_ =	swait.ge [sflag:s13], $0x2000;
	v20 =	vor.u32 s24, v0;
	v35 =	vor.u32 v2, v19  }
0x4f: {  	[sflag:s13] =	ssyncset.done $0x0;
	v19 =	vor.u32 v20, v35  }
0x50: {  	s26 =	simm.s32 @!p3 $0x3;
	[sflag:s13] =	ssyncadd.s32 $0xFFFFE000;
	v21 =	vor.u32 s23, v0  }
0x51: {  	v38 =	vor.u32 s25, v1;
	v25 =	vor.u32 s23, v3;
	_ =	swait.ge @!p3 [sflag:s26], $0x2000;
	v22 =	vor.u32 v21, v35  }
0x52: {  	v26 =	vor.u32 s23, v5;
	v30 =	vor.u32 s23, v6;
	[sflag:s26] =	ssyncset.done @!p3 $0x0;
	v20 =	vshll.u32 v20, $0x6  }
0x53: {  	v31 =	vor.u32 s23, v7;
	v33 =	vor.u32 s23, v10;
	[sflag:s26] =	ssyncadd.s32 @!p3 $0xFFFFE000;
	v20 =	vand.u32 $0x1F80, v20  }
0x54: {  	s28 =	simm.s32 $0x4;
	v23 =	vor.u32 s24, v3;
	v21 =	vshll.u32 v21, $0x6;
	v20 =	vor.u32 v38, v20;
	v19 =	vld.idx.msk [tilespmem:v19+s4+$0x0], $0xffff  }
0x55: {  	s29 =	simm.s32 $0x20;
	s30 =	sand.u32 $0x30, s28;
	v53 =	vor.u32 s23, v16;
	v24 =	vor.u32 v23, v35;
	v21 =	vand.u32 $0x1B80, v21  }
0x56: {  	s31 =	sand.u32 $0x60, s29;
	v56 =	vor.u32 s23, v18;
	v48 =	vmov s30;
	v21 =	vor.u32 v38, v21;
	v22 =	vld.idx.msk [tilespmem:v22+s4+$0x0], $0xffff  }
0x57: {  	v57 =	vor.u32 s31, v0;
	v62 =	vor.u32 s31, v3;
	v27 =	vor.u32 v25, v35  }
0x58: {  	v28 =	vshll.u32 v26, $0x6;
	v58 =	vshll.u32 v48, $0x7;
	v23 =	vshll.u32 v23, $0x6  }
0x59: {  	v60 =	vor.u32 s24, v9;
	[tilespmem:v20+s14+$0x0] =	vst.idx.msk $0xffff, v19;
	v19 =	vor.u32 s25, v4;
	v20 =	vand.u32 $0x1F80, v23  }
0x5a: {  	v23 =	vshll.u32 v25, $0x6;
	v25 =	vor.u32 s24, v5;
	v24 =	vld.idx.msk [tilespmem:v24+s4+$0x0], $0xffff;
	v20 =	vor.u32 v19, v20  }
0x5b: {  	v28 =	vand.u32 $0x1B80, v28;
	[tilespmem:v21+s14+$0x0] =	vst.idx.msk $0xffff, v22;
	v23 =	vand.u32 $0x1B80, v23;
	v29 =	vor.u32 v25, v35  }
0x5c: {  	v26 =	vor.u32 v26, v35;
	v28 =	vor.u32 v38, v28;
	v22 =	vld.idx.msk [tilespmem:v27+s4+$0x0], $0xffff;
	v23 =	vor.u32 v19, v23  }
0x5d: {  	v32 =	vor.u32 v30, v35;
	v51 =	vor.u32 v60, v35;
	v21 =	vshll.u32 v30, $0x6  }
0x5e: {  	v30 =	vor.u32 s23, v8;
	v25 =	vshll.u32 v25, $0x6;
	v21 =	vand.u32 $0x1B80, v21  }
0x5f: {  	v27 =	vor.u32 v31, v35;
	v34 =	vshll.u32 v30, $0x6;
	[tilespmem:v20+s14+$0x0] =	vst.idx.msk $0xffff, v24;
	v20 =	vand.u32 $0x1F80, v25  }
0x60: {  	v36 =	vor.u32 v30, v35;
	v25 =	vor.u32 s24, v6;
	v24 =	vld.idx.msk [tilespmem:v29+s4+$0x0], $0xffff;
	v20 =	vor.u32 v38, v20  }
0x61: {  	v30 =	vor.u32 s23, v9;
	v29 =	vshll.u32 v31, $0x6;
	v31 =	vor.u32 v25, v35;
	[tilespmem:v23+s14+$0x0] =	vst.idx.msk $0xffff, v22  }
0x62: {  	v21 =	vor.u32 v19, v21;
	v42 =	vor.u32 v30, v35;
	v23 =	vshll.u32 v33, $0x6;
	v22 =	vld.idx.msk [tilespmem:v26+s4+$0x0], $0xffff  }
0x63: {  	v25 =	vshll.u32 v25, $0x6;
	v29 =	vand.u32 $0x1B80, v29;
	v26 =	vor.u32 v33, v35  }
0x64: {  	v23 =	vand.u32 $0x1B80, v23;
	v37 =	vor.u32 v38, v29;
	v29 =	vand.u32 $0x1B80, v34  }
0x65: {  	v40 =	vor.u32 v38, v23;
	v34 =	vor.u32 v19, v29;
	[tilespmem:v20+s14+$0x0] =	vst.idx.msk $0xffff, v24;
	v20 =	vand.u32 $0x1F80, v25  }
0x66: {  	v29 =	vor.u32 s24, v7;
	v24 =	vor.u32 s23, v11;
	v25 =	vld.idx.msk [tilespmem:v31+s4+$0x0], $0xffff;
	v20 =	vor.u32 v19, v20  }
0x67: {  	v39 =	vor.u32 v29, v35;
	v31 =	vshll.u32 v24, $0x6;
	v41 =	vor.u32 v24, v35;
	[tilespmem:v28+s14+$0x0] =	vst.idx.msk $0xffff, v22  }
0x68: {  	v24 =	vor.u32 s23, v12;
	v28 =	vshll.u32 v29, $0x6;
	v23 =	vand.u32 $0x1B80, v31;
	v22 =	vld.idx.msk [tilespmem:v32+s4+$0x0], $0xffff  }
0x69: {  	v29 =	vor.u32 s23, v13;
	v46 =	vor.u32 v19, v23;
	v23 =	vshll.u32 v30, $0x6  }
0x6a: {  	v33 =	vor.u32 v24, v35;
	v24 =	vshll.u32 v24, $0x6;
	v23 =	vand.u32 $0x1B80, v23  }
0x6b: {  	v24 =	vand.u32 $0x1B80, v24;
	v47 =	vor.u32 v38, v23;
	[tilespmem:v20+s14+$0x0] =	vst.idx.msk $0xffff, v25;
	v20 =	vand.u32 $0x1F80, v28  }
0x6c: {  	v23 =	vshll.u32 v29, $0x6;
	v28 =	vor.u32 s24, v8;
	v25 =	vld.idx.msk [tilespmem:v39+s4+$0x0], $0xffff;
	v20 =	vor.u32 v38, v20  }
0x6d: {  	v32 =	vor.u32 v19, v24;
	v52 =	vor.u32 v28, v35;
	[tilespmem:v21+s14+$0x0] =	vst.idx.msk $0xffff, v22;
	v21 =	vand.u32 $0x1B80, v23  }
0x6e: {  	v22 =	vor.u32 s23, v14;
	v24 =	vshll.u32 v28, $0x6;
	v23 =	vld.idx.msk [tilespmem:v27+s4+$0x0], $0xffff;
	v30 =	vor.u32 v38, v21  }
0x6f: {  	v21 =	vshll.u32 v22, $0x6;
	v28 =	vor.u32 v22, v35;
	v22 =	vor.u32 s23, v15  }
0x70: {  	v31 =	vor.u32 v29, v35;
	v21 =	vand.u32 $0x1B80, v21;
	v43 =	vshll.u32 v22, $0x6  }
0x71: {  	v29 =	vor.u32 v22, v35;
	v22 =	vor.u32 s23, v17;
	[tilespmem:v20+s14+$0x0] =	vst.idx.msk $0xffff, v25;
	v20 =	vand.u32 $0x1F80, v24  }
0x72: {  	v27 =	vor.u32 v19, v21;
	v25 =	vor.u32 s24, v10;
	v24 =	vld.idx.msk [tilespmem:v52+s4+$0x0], $0xffff;
	v20 =	vor.u32 v19, v20  }
0x73: {  	s23 =	sor.u32 $0x10, s31;
	v21 =	vand.u32 $0x1B80, v43;
	v43 =	vor.u32 v53, v35;
	v44 =	vor.u32 v25, v35;
	[tilespmem:v37+s14+$0x0] =	vst.idx.msk $0xffff, v23  }
0x74: {  	v59 =	vor.u32 s23, v0;
	v45 =	vor.u32 v38, v21;
	v21 =	vshll.u32 v53, $0x6;
	v36 =	vld.idx.msk [tilespmem:v36+s4+$0x0], $0xffff  }
0x75: {  	v63 =	vor.u32 s23, v3;
	v23 =	vand.u32 $0x1B80, v21;
	v25 =	vshll.u32 v25, $0x6  }
0x76: {  	v21 =	vor.u32 v22, v35;
	v22 =	vshll.u32 v22, $0x6;
	v52 =	vor.u32 s31, v5  }
0x77: {  	v23 =	vor.u32 v19, v23;
	[tilespmem:v20+s14+$0x0] =	vst.idx.msk $0xffff, v24;
	v20 =	vand.u32 $0x1F80, v25;
	v24 =	vor.u32 s24, v11  }
0x78: {  	v25 =	vld.idx.msk [tilespmem:v44+s4+$0x0], $0xffff;
	v54 =	vor.u32 v38, v20;
	v20 =	vand.u32 $0x1B80, v22;
	v55 =	vor.u32 v24, v35  }
0x79: {  	[tilespmem:v34+s14+$0x0] =	vst.idx.msk $0xffff, v36;
	v44 =	vshll.u32 v56, $0x6;
	v49 =	vshll.u32 v24, $0x6;
	v24 =	vor.u32 v2, v58  }
0x7a: {  	v36 =	vshll.u32 v60, $0x6;
	v60 =	vor.u32 s24, v12;
	v58 =	vor.u32 s31, v10;
	v26 =	vld.idx.msk [tilespmem:v26+s4+$0x0], $0xffff  }
0x7b: {  	v22 =	vor.u32 v38, v20;
	v20 =	vor.u32 v56, v35;
	v61 =	vor.u32 v59, v24  }
0x7c: {  	v50 =	vor.u32 v57, v24;
	v36 =	vand.u32 $0x1F80, v36;
	v56 =	vor.u32 s31, v6  }
0x7d: {  	v44 =	vand.u32 $0x1B80, v44;
	v36 =	vor.u32 v38, v36;
	[tilespmem:v54+s14+$0x0] =	vst.idx.msk $0xffff, v25;
	v25 =	vand.u32 $0x1F80, v49  }
0x7e: {  	v54 =	vor.u32 v62, v24;
	v39 =	vld.idx.msk [tilespmem:v55+s4+$0x0], $0xffff;
	v49 =	vor.u32 v19, v25;
	v25 =	vshll.u32 v57, $0x6  }
0x7f: {  	[tilespmem:v40+s14+$0x0] =	vst.idx.msk $0xffff, v26;
	v26 =	vshll.u32 v59, $0x6;
	v53 =	vand.u32 $0x1B80, v25;
	v25 =	vshll.u32 v62, $0x6  }
0x80: {  	v41 =	vld.idx.msk [tilespmem:v41+s4+$0x0], $0xffff;
	v26 =	vand.u32 $0x1F80, v26;
	v34 =	vand.u32 $0x1B80, v25;
	v25 =	vor.u32 s30, v1  }
0x81: {  	v40 =	vor.u32 v52, v24;
	v37 =	vld.idx.msk [tilespmem:v61+s4+$0x0], $0xffff;
	v52 =	vshll.u32 v52, $0x6;
	v26 =	vor.u32 v25, v26  }
0x82: {  	v50 =	vld.idx.msk [tilespmem:v50+s4+$0x0], $0xffff;
	v55 =	vor.u32 v60, v35;
	v57 =	vor.u32 s31, v7;
	v53 =	vor.u32 v25, v53  }
0x83: {  	v61 =	vshll.u32 v56, $0x6;
	v59 =	vshll.u32 v60, $0x6;
	v52 =	vand.u32 $0x1B80, v52;
	[tilespmem:v49+s14+$0x0] =	vst.idx.msk $0xffff, v39  }
0x84: {  	v62 =	vshll.u32 v63, $0x6;
	v60 =	vshll.u32 v57, $0x6;
	v49 =	vor.u32 v63, v24;
	v48 =	vld.idx.msk [tilespmem:v51+s4+$0x0], $0xffff  }
0x85: {  	[tilespmem:v46+s14+$0x0] =	vst.idx.msk $0xffff, v41;
	v46 =	vor.u32 v25, v52;
	v52 =	vor.u32 v56, v24;
	v41 =	vand.u32 $0x1B80, v61  }
0x86: {  	v56 =	vor.u32 v57, v24;
	v51 =	vor.u32 s24, v13;
	v61 =	vor.u32 s31, v8;
	v63 =	vld.idx.msk [tilespmem:v42+s4+$0x0], $0xffff;
	[tilespmem:v26+s14+$0x0] =	vst.idx.msk $0xffff, v37  }
0x87: {  	v26 =	vor.u32 s30, v4;
	v37 =	vand.u32 $0x1F80, v62;
	[tilespmem:v53+s14+$0x0] =	vst.idx.msk $0xffff, v50;
	v62 =	vand.u32 $0x1B80, v60  }
0x88: {  	v60 =	vshll.u32 v51, $0x6;
	v37 =	vor.u32 v26, v37;
	v53 =	vld.idx.msk [tilespmem:v54+s4+$0x0], $0xffff;
	v34 =	vor.u32 v26, v34  }
0x89: {  	v54 =	vor.u32 v26, v41;
	v41 =	vor.u32 v51, v35;
	v42 =	vld.idx.msk [tilespmem:v49+s4+$0x0], $0xffff;
	[tilespmem:v36+s14+$0x0] =	vst.idx.msk $0xffff, v48  }
0x8a: {  	v57 =	vor.u32 v25, v62;
	v48 =	vor.u32 s23, v5;
	v36 =	vand.u32 $0x1F80, v59;
	v49 =	vld.idx.msk [tilespmem:v55+s4+$0x0], $0xffff  }
0x8b: {  	v50 =	vor.u32 v48, v24;
	v36 =	vor.u32 v19, v36;
	[tilespmem:v47+s14+$0x0] =	vst.idx.msk $0xffff, v63;
	v63 =	vshll.u32 v61, $0x6  }
0x8c: {  	v47 =	vor.u32 v61, v24;
	v59 =	vshll.u32 v48, $0x6;
	v55 =	vand.u32 $0x1B80, v63  }
0x8d: {  	v61 =	vshll.u32 v58, $0x6;
	v33 =	vld.idx.msk [tilespmem:v33+s4+$0x0], $0xffff;
	v48 =	vor.u32 v26, v55;
	[tilespmem:v34+s14+$0x0] =	vst.idx.msk $0xffff, v53;
	v53 =	vor.u32 s24, v14  }
0x8e: {  	[tilespmem:v37+s14+$0x0] =	vst.idx.msk $0xffff, v42;
	v37 =	vand.u32 $0x1F80, v59;
	v59 =	vor.u32 v58, v24;
	v55 =	vor.u32 v53, v35  }
0x8f: {  	v40 =	vld.idx.msk [tilespmem:v40+s4+$0x0], $0xffff;
	v58 =	vor.u32 s31, v11;
	v34 =	vor.u32 v25, v37;
	v37 =	vor.u32 s23, v6  }
0x90: {  	v62 =	vshll.u32 v58, $0x6;
	[tilespmem:v36+s14+$0x0] =	vst.idx.msk $0xffff, v49;
	v39 =	vld.idx.msk [tilespmem:v50+s4+$0x0], $0xffff;
	v36 =	vand.u32 $0x1F80, v60;
	v50 =	vor.u32 v37, v24  }
0x91: {  	v60 =	vor.u32 s31, v9;
	v63 =	vshll.u32 v37, $0x6;
	v49 =	vld.idx.msk [tilespmem:v41+s4+$0x0], $0xffff;
	v51 =	vor.u32 v38, v36  }
0x92: {  	v36 =	vand.u32 $0x1B80, v61;
	[tilespmem:v32+s14+$0x0] =	vst.idx.msk $0xffff, v33;
	v41 =	vor.u32 v58, v24;
	v32 =	vand.u32 $0x1B80, v62  }
0x93: {  	v37 =	vand.u32 $0x1F80, v63;
	v58 =	vshll.u32 v53, $0x6;
	v53 =	vor.u32 s24, v15  }
0x94: {  	v61 =	vshll.u32 v60, $0x6;
	v62 =	vor.u32 s31, v12;
	v42 =	vor.u32 v25, v36;
	v31 =	vld.idx.msk [tilespmem:v31+s4+$0x0], $0xffff;
	[tilespmem:v46+s14+$0x0] =	vst.idx.msk $0xffff, v40  }
0x95: {  	v36 =	vor.u32 v60, v24;
	v33 =	vand.u32 $0x1F80, v58;
	v46 =	vor.u32 s23, v7;
	[tilespmem:v34+s14+$0x0] =	vst.idx.msk $0xffff, v39  }
0x96: {  	v39 =	vor.u32 v26, v32;
	v32 =	vor.u32 v26, v37;
	[tilespmem:v51+s14+$0x0] =	vst.idx.msk $0xffff, v49;
	v34 =	vld.idx.msk [tilespmem:v50+s4+$0x0], $0xffff  }
0x97: {  	v63 =	vshll.u32 v62, $0x6;
	v50 =	vor.u32 v46, v24;
	v51 =	vor.u32 v19, v33;
	v49 =	vld.idx.msk [tilespmem:v55+s4+$0x0], $0xffff  }
0x98: {  	v60 =	vor.u32 s31, v13;
	v52 =	vld.idx.msk [tilespmem:v52+s4+$0x0], $0xffff;
	v37 =	vor.u32 v62, v24;
	v55 =	vor.u32 v53, v35  }
0x99: {  	v62 =	vshll.u32 v53, $0x6;
	v33 =	vand.u32 $0x1B80, v61;
	[tilespmem:v30+s14+$0x0] =	vst.idx.msk $0xffff, v31;
	v30 =	vand.u32 $0x1B80, v63  }
0x9a: {  	v40 =	vor.u32 v25, v33;
	v33 =	vor.u32 v26, v30;
	v30 =	vshll.u32 v46, $0x6  }
0x9b: {  	v61 =	vshll.u32 v60, $0x6;
	v63 =	vor.u32 s24, v16;
	v28 =	vld.idx.msk [tilespmem:v28+s4+$0x0], $0xffff;
	v30 =	vand.u32 $0x1F80, v30;
	[tilespmem:v32+s14+$0x0] =	vst.idx.msk $0xffff, v34  }
0x9c: {  	v30 =	vor.u32 v25, v30;
	v34 =	vand.u32 $0x1F80, v62;
	[tilespmem:v51+s14+$0x0] =	vst.idx.msk $0xffff, v49;
	v46 =	vld.idx.msk [tilespmem:v50+s4+$0x0], $0xffff;
	v49 =	vor.u32 s23, v8  }
0x9d: {  	[tilespmem:v54+s14+$0x0] =	vst.idx.msk $0xffff, v52;
	v52 =	vor.u32 v38, v34;
	v50 =	vld.idx.msk [tilespmem:v55+s4+$0x0], $0xffff;
	v51 =	vor.u32 v49, v24  }
0x9e: {  	v31 =	vor.u32 v60, v24;
	v60 =	vor.u32 s31, v14;
	v54 =	vld.idx.msk [tilespmem:v56+s4+$0x0], $0xffff;
	v56 =	vor.u32 v63, v35  }
0x9f: {  	v63 =	vshll.u32 v63, $0x6;
	v32 =	vand.u32 $0x1B80, v61;
	v61 =	vor.u32 s31, v15  }
0xa0: {  	v62 =	vor.u32 s31, v16;
	v34 =	vor.u32 v25, v32;
	v32 =	vor.u32 v60, v24;
	[tilespmem:v27+s14+$0x0] =	vst.idx.msk $0xffff, v28  }
0xa1: {  	v55 =	vshll.u32 v60, $0x6;
	v60 =	vor.u32 s23, v10;
	[tilespmem:v30+s14+$0x0] =	vst.idx.msk $0xffff, v46;
	v30 =	vshll.u32 v49, $0x6;
	v46 =	vld.idx.msk [tilespmem:v29+s4+$0x0], $0xffff  }
0xa2: {  	v27 =	vand.u32 $0x1B80, v55;
	v53 =	vor.u32 v60, v24;
	v30 =	vand.u32 $0x1F80, v30;
	[tilespmem:v52+s14+$0x0] =	vst.idx.msk $0xffff, v50;
	v50 =	vld.idx.msk [tilespmem:v51+s4+$0x0], $0xffff  }
0xa3: {  	v55 =	vor.u32 s24, v17;
	v60 =	vshll.u32 v60, $0x6;
	[tilespmem:v57+s14+$0x0] =	vst.idx.msk $0xffff, v54;
	v51 =	vor.u32 v26, v30;
	v49 =	vld.idx.msk [tilespmem:v56+s4+$0x0], $0xffff  }
0xa4: {  	v28 =	vor.u32 v26, v27;
	v27 =	vor.u32 v61, v24;
	v30 =	vand.u32 $0x1F80, v63;
	v56 =	vld.idx.msk [tilespmem:v47+s4+$0x0], $0xffff  }
0xa5: {  	v29 =	vshll.u32 v61, $0x6;
	v61 =	vshll.u32 v62, $0x6;
	v54 =	vor.u32 v19, v30  }
0xa6: {  	v57 =	vor.u32 v55, v35;
	v52 =	vor.u32 s31, v18;
	v63 =	vand.u32 $0x1B80, v61  }
0xa7: {  	v30 =	vand.u32 $0x1B80, v29;
	v29 =	vor.u32 v62, v24;
	v62 =	vor.u32 s31, v17;
	[tilespmem:v45+s14+$0x0] =	vst.idx.msk $0xffff, v46  }
0xa8: {  	v61 =	vand.u32 $0x1F80, v60;
	v47 =	vor.u32 v26, v63;
	v58 =	vshll.u32 v62, $0x6;
	[tilespmem:v51+s14+$0x0] =	vst.idx.msk $0xffff, v50;
	v50 =	vld.idx.msk [tilespmem:v43+s4+$0x0], $0xffff  }
0xa9: {  	v46 =	vor.u32 v62, v24;
	v58 =	vand.u32 $0x1B80, v58;
	v62 =	vshll.u32 v55, $0x6;
	[tilespmem:v48+s14+$0x0] =	vst.idx.msk $0xffff, v56  }
0xaa: {  	v55 =	vor.u32 v25, v61;
	v63 =	vand.u32 $0x1F80, v62;
	v56 =	vor.u32 s23, v11;
	[tilespmem:v54+s14+$0x0] =	vst.idx.msk $0xffff, v49;
	v54 =	vld.idx.msk [tilespmem:v53+s4+$0x0], $0xffff  }
0xab: {  	v48 =	vor.u32 v38, v63;
	v51 =	vor.u32 s24, v18;
	v49 =	vld.idx.msk [tilespmem:v57+s4+$0x0], $0xffff;
	v57 =	vor.u32 v56, v24  }
0xac: {  	s26 =	simm.s32 $0x40;
	s25 =	simm.s32 $0x8;
	v30 =	vor.u32 v25, v30;
	v45 =	vor.u32 v25, v58;
	s24 =	simm.s32 $0x2;
	v53 =	vld.idx.msk [tilespmem:v59+s4+$0x0], $0xffff;
	v43 =	vor.u32 v51, v35  }
.LBB2_4:
0xad: {  	s28 =	sand.u32 $0x60, s26;
	s30 =	sand.u32 $0x30, s25;
	s24 =	sadd.s32 $0x2, s24;
	v58 =	vor.u32 v52, v24;
	v35 =	vshll.u32 v52, $0x6;
	[tilespmem:v23+s14+$0x0] =	vst.idx.msk $0xffff, v50;
	v44 =	vor.u32 v19, v44  }
0xae: {  	v52 =	vor.u32 s23, v9;
	v23 =	vmovc v47;
	v38 =	vmov s30;
	v50 =	vor.u32 s28, v0;
	s29 =	sor.u32 $0x10, s28;
	p1 =	slt.u32 s24, $0x1E;
	v59 =	vld.idx.msk [tilespmem:v21+s4+$0x0], $0xffff;
	v21 =	vmovc v46  }
0xaf: {  	v47 =	vshll.u32 v56, $0x6;
	v38 =	vshll.u32 v38, $0x7;
	v46 =	vor.u32 s29, v0;
	[tilespmem:v55+s14+$0x0] =	vst.idx.msk $0xffff, v54  }
0xb0: {  	v47 =	vand.u32 $0x1F80, v47;
	v38 =	vor.u32 v2, v38;
	v54 =	vld.idx.msk [tilespmem:v57+s4+$0x0], $0xffff;
	[tilespmem:v48+s14+$0x0] =	vst.idx.msk $0xffff, v49;
	v48 =	vshll.u32 v51, $0x6  }
0xb1: {  	v47 =	vor.u32 v26, v47;
	v49 =	vor.u32 v46, v38;
	v51 =	vld.idx.msk [tilespmem:v43+s4+$0x0], $0xffff;
	v43 =	vand.u32 $0x1F80, v48  }
0xb2: {  	v55 =	vor.u32 v52, v24;
	v48 =	vor.u32 v50, v38;
	v56 =	vor.u32 v19, v43;
	v19 =	vmovc v26  }
0xb3: {  	v26 =	vshll.u32 v50, $0x6;
	v43 =	vor.u32 s28, v3;
	v50 =	vor.u32 s28, v5;
	[tilespmem:v42+s14+$0x0] =	vst.idx.msk $0xffff, v53  }
0xb4: {  	v26 =	vand.u32 $0x1B80, v26;
	v42 =	vor.u32 v43, v38;
	v43 =	vshll.u32 v43, $0x6;
	v41 =	vld.idx.msk [tilespmem:v41+s4+$0x0], $0xffff;
	[tilespmem:v22+s14+$0x0] =	vst.idx.msk $0xffff, v59  }
0xb5: {  	v46 =	vshll.u32 v46, $0x6;
	v57 =	vor.u32 v50, v38;
	v53 =	vand.u32 $0x1B80, v43;
	v22 =	vmovc v45;
	v59 =	vld.idx.msk [tilespmem:v20+s4+$0x0], $0xffff;
	v20 =	vmovc v58  }
0xb6: {  	v46 =	vand.u32 $0x1F80, v46;
	v43 =	vor.u32 s30, v1;
	v45 =	vld.idx.msk [tilespmem:v49+s4+$0x0], $0xffff;
	[tilespmem:v47+s14+$0x0] =	vst.idx.msk $0xffff, v54;
	v47 =	vshll.u32 v52, $0x6  }
0xb7: {  	v46 =	vor.u32 v43, v46;
	v49 =	vor.u32 s29, v3;
	v52 =	vld.idx.msk [tilespmem:v55+s4+$0x0], $0xffff;
	v47 =	vand.u32 $0x1F80, v47;
	[tilespmem:v56+s14+$0x0] =	vst.idx.msk $0xffff, v51  }
0xb8: {  	v54 =	vor.u32 s23, v12;
	v51 =	vor.u32 v49, v38;
	v48 =	vld.idx.msk [tilespmem:v48+s4+$0x0], $0xffff;
	v47 =	vor.u32 v25, v47  }
0xb9: {  	v55 =	vor.u32 v43, v26;
	v26 =	vshll.u32 v50, $0x6;
	v50 =	vor.u32 v54, v24  }
0xba: {  	v58 =	vor.u32 s28, v7;
	v56 =	vor.u32 s28, v6;
	v26 =	vand.u32 $0x1B80, v26;
	[tilespmem:v39+s14+$0x0] =	vst.idx.msk $0xffff, v41  }
0xbb: {  	v61 =	vor.u32 v56, v38;
	v60 =	vor.u32 v43, v26;
	v26 =	vshll.u32 v56, $0x6;
	v36 =	vld.idx.msk [tilespmem:v36+s4+$0x0], $0xffff  }
0xbc: {  	v56 =	vor.u32 v58, v38;
	v39 =	vand.u32 $0x1B80, v26;
	v41 =	vshll.u32 v49, $0x6;
	[tilespmem:v46+s14+$0x0] =	vst.idx.msk $0xffff, v45  }
0xbd: {  	v26 =	vor.u32 s30, v4;
	v41 =	vand.u32 $0x1F80, v41;
	v45 =	vshll.u32 v54, $0x6;
	v46 =	vld.idx.msk [tilespmem:v51+s4+$0x0], $0xffff;
	[tilespmem:v47+s14+$0x0] =	vst.idx.msk $0xffff, v52  }
0xbe: {  	v41 =	vor.u32 v26, v41;
	v47 =	vor.u32 s29, v5;
	v45 =	vand.u32 $0x1F80, v45;
	[tilespmem:v55+s14+$0x0] =	vst.idx.msk $0xffff, v48;
	v48 =	vld.idx.msk [tilespmem:v50+s4+$0x0], $0xffff  }
0xbf: {  	v51 =	vor.u32 s23, v13;
	v49 =	vor.u32 v47, v38;
	v50 =	vor.u32 v19, v45;
	v42 =	vld.idx.msk [tilespmem:v42+s4+$0x0], $0xffff  }
0xc0: {  	v52 =	vor.u32 v26, v53;
	v53 =	vor.u32 v26, v39;
	v39 =	vor.u32 v51, v24  }
0xc1: {  	v54 =	vor.u32 s28, v8;
	v45 =	vshll.u32 v58, $0x6;
	v55 =	vor.u32 s28, v10;
	[tilespmem:v40+s14+$0x0] =	vst.idx.msk $0xffff, v36  }
0xc2: {  	v36 =	vand.u32 $0x1B80, v45;
	v45 =	vor.u32 v54, v38;
	v40 =	vshll.u32 v54, $0x6;
	v37 =	vld.idx.msk [tilespmem:v37+s4+$0x0], $0xffff;
	[tilespmem:v44+s14+$0x0] =	vst.idx.msk $0xffff, v59  }
0xc3: {  	v54 =	vor.u32 v43, v36;
	v36 =	vand.u32 $0x1B80, v40;
	v40 =	vshll.u32 v47, $0x6;
	[tilespmem:v41+s14+$0x0] =	vst.idx.msk $0xffff, v46  }
0xc4: {  	v44 =	vor.u32 v26, v36;
	v36 =	vand.u32 $0x1F80, v40;
	v40 =	vshll.u32 v51, $0x6;
	v46 =	vld.idx.msk [tilespmem:v49+s4+$0x0], $0xffff;
	[tilespmem:v50+s14+$0x0] =	vst.idx.msk $0xffff, v48  }
0xc5: {  	v47 =	vor.u32 v43, v36;
	v49 =	vor.u32 s29, v6;
	v36 =	vand.u32 $0x1F80, v40;
	[tilespmem:v52+s14+$0x0] =	vst.idx.msk $0xffff, v42;
	v50 =	vld.idx.msk [tilespmem:v39+s4+$0x0], $0xffff  }
0xc6: {  	v51 =	vor.u32 v49, v38;
	v52 =	vor.u32 v25, v36;
	v40 =	vld.idx.msk [tilespmem:v57+s4+$0x0], $0xffff;
	v57 =	vor.u32 s23, v14  }
0xc7: {  	v48 =	vor.u32 v55, v38;
	v36 =	vshll.u32 v55, $0x6;
	v55 =	vor.u32 v57, v24  }
0xc8: {  	v58 =	vor.u32 s28, v9;
	v39 =	vor.u32 s28, v11;
	v36 =	vand.u32 $0x1B80, v36;
	[tilespmem:v33+s14+$0x0] =	vst.idx.msk $0xffff, v37  }
0xc9: {  	v41 =	vor.u32 v39, v38;
	v42 =	vor.u32 v43, v36;
	v33 =	vshll.u32 v39, $0x6;
	v31 =	vld.idx.msk [tilespmem:v31+s4+$0x0], $0xffff  }
0xca: {  	v36 =	vor.u32 v58, v38;
	v37 =	vshll.u32 v49, $0x6;
	v33 =	vand.u32 $0x1B80, v33;
	[tilespmem:v47+s14+$0x0] =	vst.idx.msk $0xffff, v46  }
0xcb: {  	v39 =	vor.u32 v26, v33;
	v33 =	vand.u32 $0x1F80, v37;
	v37 =	vshll.u32 v57, $0x6;
	v46 =	vld.idx.msk [tilespmem:v51+s4+$0x0], $0xffff;
	[tilespmem:v52+s14+$0x0] =	vst.idx.msk $0xffff, v50  }
0xcc: {  	v49 =	vor.u32 s29, v7;
	v47 =	vor.u32 v26, v33;
	v33 =	vand.u32 $0x1F80, v37;
	[tilespmem:v60+s14+$0x0] =	vst.idx.msk $0xffff, v40;
	v50 =	vld.idx.msk [tilespmem:v55+s4+$0x0], $0xffff  }
0xcd: {  	v57 =	vor.u32 s23, v15;
	v52 =	vor.u32 v49, v38;
	v55 =	vor.u32 v19, v33;
	v51 =	vld.idx.msk [tilespmem:v61+s4+$0x0], $0xffff  }
0xce: {  	v33 =	vshll.u32 v58, $0x6;
	v40 =	vor.u32 s28, v12;
	v58 =	vor.u32 v57, v24  }
0xcf: {  	v33 =	vand.u32 $0x1B80, v33;
	v37 =	vor.u32 v40, v38;
	v59 =	vshll.u32 v40, $0x6;
	[tilespmem:v34+s14+$0x0] =	vst.idx.msk $0xffff, v31  }
0xd0: {  	v40 =	vor.u32 v43, v33;
	v31 =	vand.u32 $0x1B80, v59;
	v34 =	vor.u32 s28, v13;
	v59 =	vld.idx.msk [tilespmem:v32+s4+$0x0], $0xffff  }
0xd1: {  	v33 =	vor.u32 v26, v31;
	v31 =	vor.u32 v34, v38;
	v32 =	vshll.u32 v49, $0x6;
	[tilespmem:v47+s14+$0x0] =	vst.idx.msk $0xffff, v46  }
0xd2: {  	v34 =	vshll.u32 v34, $0x6;
	v32 =	vand.u32 $0x1F80, v32;
	v47 =	vshll.u32 v57, $0x6;
	v46 =	vld.idx.msk [tilespmem:v52+s4+$0x0], $0xffff;
	[tilespmem:v55+s14+$0x0] =	vst.idx.msk $0xffff, v50  }
0xd3: {  	v49 =	vor.u32 v43, v32;
	v50 =	vor.u32 s29, v8;
	v32 =	vand.u32 $0x1F80, v47;
	[tilespmem:v53+s14+$0x0] =	vst.idx.msk $0xffff, v51;
	v51 =	vld.idx.msk [tilespmem:v58+s4+$0x0], $0xffff  }
0xd4: {  	v55 =	vor.u32 s23, v16;
	v52 =	vor.u32 v50, v38;
	v53 =	vor.u32 v25, v32;
	v47 =	vld.idx.msk [tilespmem:v56+s4+$0x0], $0xffff  }
0xd5: {  	v32 =	vand.u32 $0x1B80, v34;
	v57 =	vor.u32 v55, v24;
	v56 =	vor.u32 s28, v14  }
0xd6: {  	v34 =	vor.u32 v43, v32;
	v32 =	vor.u32 v56, v38;
	v56 =	vshll.u32 v56, $0x6;
	[tilespmem:v28+s14+$0x0] =	vst.idx.msk $0xffff, v59  }
0xd7: {  	v58 =	vor.u32 s28, v16;
	v28 =	vand.u32 $0x1B80, v56;
	v56 =	vor.u32 s28, v15;
	v59 =	vld.idx.msk [tilespmem:v27+s4+$0x0], $0xffff  }
0xd8: {  	v28 =	vor.u32 v26, v28;
	v27 =	vor.u32 v56, v38;
	[tilespmem:v49+s14+$0x0] =	vst.idx.msk $0xffff, v46;
	v46 =	vshll.u32 v50, $0x6  }
0xd9: {  	v49 =	vshll.u32 v56, $0x6;
	v50 =	vshll.u32 v55, $0x6;
	v52 =	vld.idx.msk [tilespmem:v52+s4+$0x0], $0xffff;
	v46 =	vand.u32 $0x1F80, v46;
	[tilespmem:v53+s14+$0x0] =	vst.idx.msk $0xffff, v51  }
0xda: {  	v53 =	vor.u32 s29, v10;
	[tilespmem:v54+s14+$0x0] =	vst.idx.msk $0xffff, v47;
	v51 =	vor.u32 v26, v46;
	v55 =	vld.idx.msk [tilespmem:v57+s4+$0x0], $0xffff;
	v46 =	vand.u32 $0x1F80, v50  }
0xdb: {  	v60 =	vor.u32 s23, v17;
	v54 =	vor.u32 v53, v38;
	v56 =	vld.idx.msk [tilespmem:v45+s4+$0x0], $0xffff;
	v57 =	vor.u32 v19, v46  }
0xdc: {  	v47 =	vor.u32 v58, v38;
	v45 =	vand.u32 $0x1B80, v49;
	v49 =	vor.u32 v60, v24  }
0xdd: {  	v50 =	vor.u32 s28, v17;
	v46 =	vshll.u32 v58, $0x6;
	[tilespmem:v30+s14+$0x0] =	vst.idx.msk $0xffff, v59;
	v30 =	vor.u32 v43, v45  }
0xde: {  	v58 =	vshll.u32 v50, $0x6;
	v45 =	vand.u32 $0x1B80, v46;
	v46 =	vor.u32 v50, v38;
	v50 =	vld.idx.msk [tilespmem:v29+s4+$0x0], $0xffff;
	v29 =	vmovc v47  }
.Ltmp5:
0xdf: {  	v47 =	vor.u32 v26, v45;
	v45 =	vand.u32 $0x1B80, v58;
	[tilespmem:v51+s14+$0x0] =	vst.idx.msk $0xffff, v52;
	v51 =	vshll.u32 v53, $0x6;
	(pc) =	sbr.rel @p1 .LBB2_4-.Ltmp5, $4  }
0xe0: {  	v45 =	vor.u32 v43, v45;
	v52 =	vshll.u32 v60, $0x6;
	v54 =	vld.idx.msk [tilespmem:v54+s4+$0x0], $0xffff;
	v51 =	vand.u32 $0x1F80, v51;
	[tilespmem:v57+s14+$0x0] =	vst.idx.msk $0xffff, v55  }
0xe1: {  	[tilespmem:v44+s14+$0x0] =	vst.idx.msk $0xffff, v56;
	v55 =	vor.u32 v43, v51;
	v56 =	vor.u32 s29, v11;
	v49 =	vld.idx.msk [tilespmem:v49+s4+$0x0], $0xffff;
	v44 =	vand.u32 $0x1F80, v52  }
0xe2: {  	v51 =	vor.u32 s23, v18;
	s23 =	smov.u32 s29;
	v53 =	vld.idx.msk [tilespmem:v48+s4+$0x0], $0xffff;
	v57 =	vor.u32 v56, v38;
	v48 =	vor.u32 v25, v44;
	v25 =	vmovc v43  }
0xe3: {  	s25 =	sadd.s32 $0x4, s25;
	s26 =	sadd.s32 $0x20, s26;
	v52 =	vor.u32 s28, v18;
	v44 =	vand.u32 $0x1B80, v35;
	v43 =	vor.u32 v51, v24;
	v24 =	vmovc v38  }
0xe4: {  	_ =	sdelay $0x2  }
0xe5: {  	v35 =	vshll.u32 v56, $0x6  }
0xe6: {  	[tilespmem:v55+s14+$0x0] =	vst.idx.msk $0xffff, v54;
	v35 =	vand.u32 $0x1F80, v35  }
0xe7: {  	v38 =	vor.u32 s23, v9;
	v54 =	vld.idx.msk [tilespmem:v57+s4+$0x0], $0xffff;
	v35 =	vor.u32 v26, v35;
	[tilespmem:v42+s14+$0x0] =	vst.idx.msk $0xffff, v53  }
0xe8: {  	v60 =	vor.u32 v38, v24;
	v41 =	vld.idx.msk [tilespmem:v41+s4+$0x0], $0xffff;
	_ =	sdelay $0x2  }
0xe9: {  	v38 =	vshll.u32 v38, $0x6  }
0xea: {  	v61 =	vand.u32 $0x1F80, v38;
	[tilespmem:v35+s14+$0x0] =	vst.idx.msk $0xffff, v54  }
0xeb: {  	v63 =	vor.u32 s23, v12;
	v35 =	vor.u32 v25, v61;
	v62 =	vld.idx.msk [tilespmem:v60+s4+$0x0], $0xffff;
	[tilespmem:v39+s14+$0x0] =	vst.idx.msk $0xffff, v41  }
0xec: {  	v53 =	vor.u32 v63, v24;
	v36 =	vld.idx.msk [tilespmem:v36+s4+$0x0], $0xffff;
	_ =	sdelay $0x2  }
0xed: {  	v54 =	vshll.u32 v63, $0x6  }
0xee: {  	v55 =	vand.u32 $0x1F80, v54;
	[tilespmem:v35+s14+$0x0] =	vst.idx.msk $0xffff, v62  }
0xef: {  	v56 =	vor.u32 s23, v13;
	v35 =	vor.u32 v26, v55;
	v38 =	vld.idx.msk [tilespmem:v53+s4+$0x0], $0xffff;
	[tilespmem:v40+s14+$0x0] =	vst.idx.msk $0xffff, v36  }
0xf0: {  	v57 =	vor.u32 v56, v24;
	v37 =	vld.idx.msk [tilespmem:v37+s4+$0x0], $0xffff;
	_ =	sdelay $0x2  }
0xf1: {  	v39 =	vshll.u32 v56, $0x6  }
0xf2: {  	v58 =	vand.u32 $0x1F80, v39;
	[tilespmem:v35+s14+$0x0] =	vst.idx.msk $0xffff, v38  }
0xf3: {  	v59 =	vor.u32 s23, v14;
	v35 =	vor.u32 v25, v58;
	v36 =	vld.idx.msk [tilespmem:v57+s4+$0x0], $0xffff;
	[tilespmem:v33+s14+$0x0] =	vst.idx.msk $0xffff, v37  }
0xf4: {  	v60 =	vor.u32 v59, v24;
	v31 =	vld.idx.msk [tilespmem:v31+s4+$0x0], $0xffff;
	_ =	sdelay $0x2  }
0xf5: {  	v61 =	vshll.u32 v59, $0x6  }
0xf6: {  	v62 =	vand.u32 $0x1F80, v61;
	[tilespmem:v35+s14+$0x0] =	vst.idx.msk $0xffff, v36  }
0xf7: {  	v63 =	vor.u32 s23, v15;
	v35 =	vor.u32 v26, v62;
	v33 =	vld.idx.msk [tilespmem:v60+s4+$0x0], $0xffff;
	[tilespmem:v34+s14+$0x0] =	vst.idx.msk $0xffff, v31  }
0xf8: {  	v37 =	vor.u32 v63, v24;
	v32 =	vld.idx.msk [tilespmem:v32+s4+$0x0], $0xffff;
	_ =	sdelay $0x2  }
0xf9: {  	v38 =	vshll.u32 v63, $0x6  }
0xfa: {  	v39 =	vand.u32 $0x1F80, v38;
	[tilespmem:v35+s14+$0x0] =	vst.idx.msk $0xffff, v33  }
0xfb: {  	v40 =	vor.u32 s23, v16;
	v33 =	vor.u32 v25, v39;
	v31 =	vld.idx.msk [tilespmem:v37+s4+$0x0], $0xffff;
	[tilespmem:v28+s14+$0x0] =	vst.idx.msk $0xffff, v32  }
0xfc: {  	v41 =	vor.u32 v40, v24;
	v27 =	vld.idx.msk [tilespmem:v27+s4+$0x0], $0xffff;
	_ =	sdelay $0x2  }
0xfd: {  	v42 =	vshll.u32 v40, $0x6  }
0xfe: {  	v53 =	vand.u32 $0x1F80, v42;
	[tilespmem:v33+s14+$0x0] =	vst.idx.msk $0xffff, v31  }
0xff: {  	v54 =	vor.u32 s23, v17;
	v31 =	vor.u32 v26, v53;
	v28 =	vld.idx.msk [tilespmem:v41+s4+$0x0], $0xffff;
	[tilespmem:v30+s14+$0x0] =	vst.idx.msk $0xffff, v27  }
0x100: {  	v55 =	vor.u32 v54, v24;
	v29 =	vld.idx.msk [tilespmem:v29+s4+$0x0], $0xffff;
	_ =	sdelay $0x2  }
0x101: {  	[tilespmem:v23+s14+$0x0] =	vst.idx.msk $0xffff, v50;
	v56 =	vshll.u32 v54, $0x6  }
0x102: {  	v21 =	vld.idx.msk [tilespmem:v21+s4+$0x0], $0xffff;
	v23 =	vand.u32 $0x1F80, v56;
	[tilespmem:v31+s14+$0x0] =	vst.idx.msk $0xffff, v28  }
0x103: {  	v23 =	vor.u32 v25, v23;
	v57 =	vor.u32 s23, v18;
	v27 =	vld.idx.msk [tilespmem:v55+s4+$0x0], $0xffff;
	[tilespmem:v47+s14+$0x0] =	vst.idx.msk $0xffff, v29  }
0x104: {  	v58 =	vor.u32 v57, v24;
	v29 =	vld.idx.msk [tilespmem:v46+s4+$0x0], $0xffff  }
0x105: {  	v59 =	vor.u32 v52, v24;
	v60 =	vshll.u32 v51, $0x6  }
0x106: {  	[tilespmem:v48+s14+$0x0] =	vst.idx.msk $0xffff, v49;
	v30 =	vand.u32 $0x1F80, v60  }
0x107: {  	[tilespmem:v22+s14+$0x0] =	vst.idx.msk $0xffff, v21;
	v61 =	vld.idx.msk [tilespmem:v43+s4+$0x0], $0xffff;
	v62 =	vshll.u32 v57, $0x6;
	v30 =	vor.u32 v19, v30  }
0x108: {  	v20 =	vld.idx.msk [tilespmem:v20+s4+$0x0], $0xffff;
	v63 =	vshll.u32 v52, $0x6;
	v21 =	vand.u32 $0x1F80, v62;
	v19 =	vor.u32 v19, v44;
	[tilespmem:v23+s14+$0x0] =	vst.idx.msk $0xffff, v27  }
0x109: {  	v22 =	vand.u32 $0x1B80, v63;
	v21 =	vor.u32 v26, v21;
	v23 =	vld.idx.msk [tilespmem:v58+s4+$0x0], $0xffff;
	[tilespmem:v45+s14+$0x0] =	vst.idx.msk $0xffff, v29  }
0x10a: {  	v22 =	vor.u32 v26, v22;
	v24 =	vld.idx.msk [tilespmem:v59+s4+$0x0], $0xffff;
	_ =	sdelay $0x1  }
0x10b: {  	[tilespmem:v30+s14+$0x0] =	vst.idx.msk $0xffff, v61  }
0x10c: {  	[tilespmem:v19+s14+$0x0] =	vst.idx.msk $0xffff, v20  }
0x10d: {  	p1 =	seq.s32 s22, $0x1E84;
	[tilespmem:v21+s14+$0x0] =	vst.idx.msk $0xffff, v23  }
0x10e: {  	s24 =	simm.s32 @p1 $0x4000;
	s22 =	sshll.u32 @!p1 s22, $0xA;
	s23 =	simm.s32 @p1 $0x0;
	[tilespmem:v22+s14+$0x0] =	vst.idx.msk $0xffff, v24  }
0x10f: {  	[hbm4b:s9+s23] =	stream.linear.scatter @p1 [tilespmem:s24], [sflag:$0x3], $0x1000, $0x38;
	[tilespmem:$0x8000] =	vst v63  }
0x110: {  	s22 =	sadd.s32 @!p1 s6, s22;
	s23 =	simm.s32 @!p1 $0x0;
	s24 =	simm.s32 @!p1 $0x4000  }
0x111: {  	[hbm4b:s22+s23] =	stream.linear.scatter @!p1 [tilespmem:s24], [sflag:$0x3], $0x2000, $0x38;
	[tilespmem:$0x8000] =	vst v63  }
.LBB2_6:
0x112: {  	s21 =	sadd.s32 s8, s21  }
0x113: {  	p1 =	sgt.u32 s21, $0x1E84  }
0x114: {  	p0 =	seq.s32 @!p1 s21, $0x1E84  }
.Ltmp6:
0x115: {  	p2 =	por !p0, p1;
	p0 =	por p0, p1;
	(pc) =	sbr.rel @p5 .LBB2_10-.Ltmp6, $4  }
0x116: {  	s22 =	simm.s32 @!p2 $0x0;
	s21 =	sshll.u32 @!p0 s21, $0x7;
	s23 =	simm.s32 @!p0 $0x7A1400  }
0x117: {  	[tilespmem:s22], [sflag:$0x1] =	stream.linear.gather @!p2 [hbm4b:s1+s22], $0x2000, $0x38;
	[tilespmem:$0x8000] =	vst v63  }
0x118: {  	s24 =	simm.s32 @!p0 $0x0;
	s21 =	sadd.s32 @!p0 s0, s21;
	s22 =	simm.s32 @!p0 $0x400  }
0x119: {  	[tilespmem:s24], [sflag:$0x1] =	stream.strided.gather @!p0 [hbm4b:s21+s22], $0x2000, s23, s22, $0x38;
	[tilespmem:$0x8000] =	vst v63  }
0x11a: {  	s21 =	simm.s32 $0x0  }
0x11b: {  	s23 =	sand.u32 $0x30, s21  }
0x11c: {  	s21 =	sand.u32 $0x60, s21;
	v19 =	vmov s23  }
0x11d: {  	s22 =	sor.u32 $0x10, s21;
	v19 =	vshll.u32 v19, $0x7  }
0x11e: {  	_ =	swait.ge [sflag:s15], $0x2000;
	v20 =	vor.u32 s22, v0;
	v35 =	vor.u32 v2, v19  }
0x11f: {  	[sflag:s15] =	ssyncset.done $0x0;
	v19 =	vor.u32 v20, v35  }
0x120: {  	s24 =	simm.s32 @!p3 $0x4;
	[sflag:s15] =	ssyncadd.s32 $0xFFFFE000;
	v21 =	vor.u32 s21, v0  }
0x121: {  	v38 =	vor.u32 s23, v1;
	v25 =	vor.u32 s21, v3;
	_ =	swait.ge @!p3 [sflag:s24], $0x2000;
	v22 =	vor.u32 v21, v35  }
0x122: {  	v26 =	vor.u32 s21, v5;
	v30 =	vor.u32 s21, v6;
	[sflag:s24] =	ssyncset.done @!p3 $0x0;
	v20 =	vshll.u32 v20, $0x6  }
0x123: {  	v31 =	vor.u32 s21, v7;
	v33 =	vor.u32 s21, v10;
	[sflag:s24] =	ssyncadd.s32 @!p3 $0xFFFFE000;
	v20 =	vand.u32 $0x1F80, v20  }
0x124: {  	s28 =	simm.s32 $0x4;
	v23 =	vor.u32 s22, v3;
	v21 =	vshll.u32 v21, $0x6;
	v20 =	vor.u32 v38, v20;
	v19 =	vld.idx.msk [tilespmem:v19+s16+$0x0], $0xffff  }
0x125: {  	s29 =	simm.s32 $0x20;
	s30 =	sand.u32 $0x30, s28;
	v53 =	vor.u32 s21, v16;
	v24 =	vor.u32 v23, v35;
	v21 =	vand.u32 $0x1B80, v21  }
0x126: {  	s31 =	sand.u32 $0x60, s29;
	v56 =	vor.u32 s21, v18;
	v48 =	vmov s30;
	v21 =	vor.u32 v38, v21;
	v22 =	vld.idx.msk [tilespmem:v22+s16+$0x0], $0xffff  }
0x127: {  	v57 =	vor.u32 s31, v0;
	v62 =	vor.u32 s31, v3;
	v27 =	vor.u32 v25, v35  }
0x128: {  	v28 =	vshll.u32 v26, $0x6;
	v58 =	vshll.u32 v48, $0x7;
	v23 =	vshll.u32 v23, $0x6  }
0x129: {  	v60 =	vor.u32 s22, v9;
	[tilespmem:v20+s17+$0x0] =	vst.idx.msk $0xffff, v19;
	v19 =	vor.u32 s23, v4;
	v20 =	vand.u32 $0x1F80, v23  }
0x12a: {  	v23 =	vshll.u32 v25, $0x6;
	v25 =	vor.u32 s22, v5;
	v24 =	vld.idx.msk [tilespmem:v24+s16+$0x0], $0xffff;
	v20 =	vor.u32 v19, v20  }
0x12b: {  	v28 =	vand.u32 $0x1B80, v28;
	[tilespmem:v21+s17+$0x0] =	vst.idx.msk $0xffff, v22;
	v23 =	vand.u32 $0x1B80, v23;
	v29 =	vor.u32 v25, v35  }
0x12c: {  	v26 =	vor.u32 v26, v35;
	v28 =	vor.u32 v38, v28;
	v22 =	vld.idx.msk [tilespmem:v27+s16+$0x0], $0xffff;
	v23 =	vor.u32 v19, v23  }
0x12d: {  	v32 =	vor.u32 v30, v35;
	v51 =	vor.u32 v60, v35;
	v21 =	vshll.u32 v30, $0x6  }
0x12e: {  	v30 =	vor.u32 s21, v8;
	v25 =	vshll.u32 v25, $0x6;
	v21 =	vand.u32 $0x1B80, v21  }
0x12f: {  	v27 =	vor.u32 v31, v35;
	v34 =	vshll.u32 v30, $0x6;
	[tilespmem:v20+s17+$0x0] =	vst.idx.msk $0xffff, v24;
	v20 =	vand.u32 $0x1F80, v25  }
0x130: {  	v36 =	vor.u32 v30, v35;
	v25 =	vor.u32 s22, v6;
	v24 =	vld.idx.msk [tilespmem:v29+s16+$0x0], $0xffff;
	v20 =	vor.u32 v38, v20  }
0x131: {  	v30 =	vor.u32 s21, v9;
	v29 =	vshll.u32 v31, $0x6;
	v31 =	vor.u32 v25, v35;
	[tilespmem:v23+s17+$0x0] =	vst.idx.msk $0xffff, v22  }
0x132: {  	v21 =	vor.u32 v19, v21;
	v42 =	vor.u32 v30, v35;
	v23 =	vshll.u32 v33, $0x6;
	v22 =	vld.idx.msk [tilespmem:v26+s16+$0x0], $0xffff  }
0x133: {  	v25 =	vshll.u32 v25, $0x6;
	v29 =	vand.u32 $0x1B80, v29;
	v26 =	vor.u32 v33, v35  }
0x134: {  	v23 =	vand.u32 $0x1B80, v23;
	v37 =	vor.u32 v38, v29;
	v29 =	vand.u32 $0x1B80, v34  }
0x135: {  	v40 =	vor.u32 v38, v23;
	v34 =	vor.u32 v19, v29;
	[tilespmem:v20+s17+$0x0] =	vst.idx.msk $0xffff, v24;
	v20 =	vand.u32 $0x1F80, v25  }
0x136: {  	v29 =	vor.u32 s22, v7;
	v24 =	vor.u32 s21, v11;
	v25 =	vld.idx.msk [tilespmem:v31+s16+$0x0], $0xffff;
	v20 =	vor.u32 v19, v20  }
0x137: {  	v39 =	vor.u32 v29, v35;
	v31 =	vshll.u32 v24, $0x6;
	v41 =	vor.u32 v24, v35;
	[tilespmem:v28+s17+$0x0] =	vst.idx.msk $0xffff, v22  }
0x138: {  	v24 =	vor.u32 s21, v12;
	v28 =	vshll.u32 v29, $0x6;
	v23 =	vand.u32 $0x1B80, v31;
	v22 =	vld.idx.msk [tilespmem:v32+s16+$0x0], $0xffff  }
0x139: {  	v29 =	vor.u32 s21, v13;
	v46 =	vor.u32 v19, v23;
	v23 =	vshll.u32 v30, $0x6  }
0x13a: {  	v33 =	vor.u32 v24, v35;
	v24 =	vshll.u32 v24, $0x6;
	v23 =	vand.u32 $0x1B80, v23  }
0x13b: {  	v24 =	vand.u32 $0x1B80, v24;
	v47 =	vor.u32 v38, v23;
	[tilespmem:v20+s17+$0x0] =	vst.idx.msk $0xffff, v25;
	v20 =	vand.u32 $0x1F80, v28  }
0x13c: {  	v23 =	vshll.u32 v29, $0x6;
	v28 =	vor.u32 s22, v8;
	v25 =	vld.idx.msk [tilespmem:v39+s16+$0x0], $0xffff;
	v20 =	vor.u32 v38, v20  }
0x13d: {  	v32 =	vor.u32 v19, v24;
	v52 =	vor.u32 v28, v35;
	[tilespmem:v21+s17+$0x0] =	vst.idx.msk $0xffff, v22;
	v21 =	vand.u32 $0x1B80, v23  }
0x13e: {  	v22 =	vor.u32 s21, v14;
	v24 =	vshll.u32 v28, $0x6;
	v23 =	vld.idx.msk [tilespmem:v27+s16+$0x0], $0xffff;
	v30 =	vor.u32 v38, v21  }
0x13f: {  	v21 =	vshll.u32 v22, $0x6;
	v28 =	vor.u32 v22, v35;
	v22 =	vor.u32 s21, v15  }
0x140: {  	v31 =	vor.u32 v29, v35;
	v21 =	vand.u32 $0x1B80, v21;
	v43 =	vshll.u32 v22, $0x6  }
0x141: {  	v29 =	vor.u32 v22, v35;
	v22 =	vor.u32 s21, v17;
	[tilespmem:v20+s17+$0x0] =	vst.idx.msk $0xffff, v25;
	v20 =	vand.u32 $0x1F80, v24  }
0x142: {  	v27 =	vor.u32 v19, v21;
	v25 =	vor.u32 s22, v10;
	v24 =	vld.idx.msk [tilespmem:v52+s16+$0x0], $0xffff;
	v20 =	vor.u32 v19, v20  }
0x143: {  	s21 =	sor.u32 $0x10, s31;
	v21 =	vand.u32 $0x1B80, v43;
	v43 =	vor.u32 v53, v35;
	v44 =	vor.u32 v25, v35;
	[tilespmem:v37+s17+$0x0] =	vst.idx.msk $0xffff, v23  }
0x144: {  	v59 =	vor.u32 s21, v0;
	v45 =	vor.u32 v38, v21;
	v21 =	vshll.u32 v53, $0x6;
	v36 =	vld.idx.msk [tilespmem:v36+s16+$0x0], $0xffff  }
0x145: {  	v63 =	vor.u32 s21, v3;
	v23 =	vand.u32 $0x1B80, v21;
	v25 =	vshll.u32 v25, $0x6  }
0x146: {  	v21 =	vor.u32 v22, v35;
	v22 =	vshll.u32 v22, $0x6;
	v52 =	vor.u32 s31, v5  }
0x147: {  	v23 =	vor.u32 v19, v23;
	[tilespmem:v20+s17+$0x0] =	vst.idx.msk $0xffff, v24;
	v20 =	vand.u32 $0x1F80, v25;
	v24 =	vor.u32 s22, v11  }
0x148: {  	v25 =	vld.idx.msk [tilespmem:v44+s16+$0x0], $0xffff;
	v54 =	vor.u32 v38, v20;
	v20 =	vand.u32 $0x1B80, v22;
	v55 =	vor.u32 v24, v35  }
0x149: {  	[tilespmem:v34+s17+$0x0] =	vst.idx.msk $0xffff, v36;
	v44 =	vshll.u32 v56, $0x6;
	v49 =	vshll.u32 v24, $0x6;
	v24 =	vor.u32 v2, v58  }
0x14a: {  	v36 =	vshll.u32 v60, $0x6;
	v60 =	vor.u32 s22, v12;
	v58 =	vor.u32 s31, v10;
	v26 =	vld.idx.msk [tilespmem:v26+s16+$0x0], $0xffff  }
0x14b: {  	v22 =	vor.u32 v38, v20;
	v20 =	vor.u32 v56, v35;
	v61 =	vor.u32 v59, v24  }
0x14c: {  	v50 =	vor.u32 v57, v24;
	v36 =	vand.u32 $0x1F80, v36;
	v56 =	vor.u32 s31, v6  }
0x14d: {  	v44 =	vand.u32 $0x1B80, v44;
	v36 =	vor.u32 v38, v36;
	[tilespmem:v54+s17+$0x0] =	vst.idx.msk $0xffff, v25;
	v25 =	vand.u32 $0x1F80, v49  }
0x14e: {  	v54 =	vor.u32 v62, v24;
	v39 =	vld.idx.msk [tilespmem:v55+s16+$0x0], $0xffff;
	v49 =	vor.u32 v19, v25;
	v25 =	vshll.u32 v57, $0x6  }
0x14f: {  	[tilespmem:v40+s17+$0x0] =	vst.idx.msk $0xffff, v26;
	v26 =	vshll.u32 v59, $0x6;
	v53 =	vand.u32 $0x1B80, v25;
	v25 =	vshll.u32 v62, $0x6  }
0x150: {  	v41 =	vld.idx.msk [tilespmem:v41+s16+$0x0], $0xffff;
	v26 =	vand.u32 $0x1F80, v26;
	v34 =	vand.u32 $0x1B80, v25;
	v25 =	vor.u32 s30, v1  }
0x151: {  	v40 =	vor.u32 v52, v24;
	v37 =	vld.idx.msk [tilespmem:v61+s16+$0x0], $0xffff;
	v52 =	vshll.u32 v52, $0x6;
	v26 =	vor.u32 v25, v26  }
0x152: {  	v50 =	vld.idx.msk [tilespmem:v50+s16+$0x0], $0xffff;
	v55 =	vor.u32 v60, v35;
	v57 =	vor.u32 s31, v7;
	v53 =	vor.u32 v25, v53  }
0x153: {  	v61 =	vshll.u32 v56, $0x6;
	v59 =	vshll.u32 v60, $0x6;
	v52 =	vand.u32 $0x1B80, v52;
	[tilespmem:v49+s17+$0x0] =	vst.idx.msk $0xffff, v39  }
0x154: {  	v62 =	vshll.u32 v63, $0x6;
	v60 =	vshll.u32 v57, $0x6;
	v49 =	vor.u32 v63, v24;
	v48 =	vld.idx.msk [tilespmem:v51+s16+$0x0], $0xffff  }
0x155: {  	[tilespmem:v46+s17+$0x0] =	vst.idx.msk $0xffff, v41;
	v46 =	vor.u32 v25, v52;
	v52 =	vor.u32 v56, v24;
	v41 =	vand.u32 $0x1B80, v61  }
0x156: {  	v56 =	vor.u32 v57, v24;
	v51 =	vor.u32 s22, v13;
	v61 =	vor.u32 s31, v8;
	v63 =	vld.idx.msk [tilespmem:v42+s16+$0x0], $0xffff;
	[tilespmem:v26+s17+$0x0] =	vst.idx.msk $0xffff, v37  }
0x157: {  	v26 =	vor.u32 s30, v4;
	v37 =	vand.u32 $0x1F80, v62;
	[tilespmem:v53+s17+$0x0] =	vst.idx.msk $0xffff, v50;
	v62 =	vand.u32 $0x1B80, v60  }
0x158: {  	v60 =	vshll.u32 v51, $0x6;
	v37 =	vor.u32 v26, v37;
	v53 =	vld.idx.msk [tilespmem:v54+s16+$0x0], $0xffff;
	v34 =	vor.u32 v26, v34  }
0x159: {  	v54 =	vor.u32 v26, v41;
	v41 =	vor.u32 v51, v35;
	v42 =	vld.idx.msk [tilespmem:v49+s16+$0x0], $0xffff;
	[tilespmem:v36+s17+$0x0] =	vst.idx.msk $0xffff, v48  }
0x15a: {  	v57 =	vor.u32 v25, v62;
	v48 =	vor.u32 s21, v5;
	v36 =	vand.u32 $0x1F80, v59;
	v49 =	vld.idx.msk [tilespmem:v55+s16+$0x0], $0xffff  }
0x15b: {  	v50 =	vor.u32 v48, v24;
	v36 =	vor.u32 v19, v36;
	[tilespmem:v47+s17+$0x0] =	vst.idx.msk $0xffff, v63;
	v63 =	vshll.u32 v61, $0x6  }
0x15c: {  	v47 =	vor.u32 v61, v24;
	v59 =	vshll.u32 v48, $0x6;
	v55 =	vand.u32 $0x1B80, v63  }
0x15d: {  	v61 =	vshll.u32 v58, $0x6;
	v33 =	vld.idx.msk [tilespmem:v33+s16+$0x0], $0xffff;
	v48 =	vor.u32 v26, v55;
	[tilespmem:v34+s17+$0x0] =	vst.idx.msk $0xffff, v53;
	v53 =	vor.u32 s22, v14  }
0x15e: {  	[tilespmem:v37+s17+$0x0] =	vst.idx.msk $0xffff, v42;
	v37 =	vand.u32 $0x1F80, v59;
	v59 =	vor.u32 v58, v24;
	v55 =	vor.u32 v53, v35  }
0x15f: {  	v40 =	vld.idx.msk [tilespmem:v40+s16+$0x0], $0xffff;
	v58 =	vor.u32 s31, v11;
	v34 =	vor.u32 v25, v37;
	v37 =	vor.u32 s21, v6  }
0x160: {  	v62 =	vshll.u32 v58, $0x6;
	[tilespmem:v36+s17+$0x0] =	vst.idx.msk $0xffff, v49;
	v39 =	vld.idx.msk [tilespmem:v50+s16+$0x0], $0xffff;
	v36 =	vand.u32 $0x1F80, v60;
	v50 =	vor.u32 v37, v24  }
0x161: {  	v60 =	vor.u32 s31, v9;
	v63 =	vshll.u32 v37, $0x6;
	v49 =	vld.idx.msk [tilespmem:v41+s16+$0x0], $0xffff;
	v51 =	vor.u32 v38, v36  }
0x162: {  	v36 =	vand.u32 $0x1B80, v61;
	[tilespmem:v32+s17+$0x0] =	vst.idx.msk $0xffff, v33;
	v41 =	vor.u32 v58, v24;
	v32 =	vand.u32 $0x1B80, v62  }
0x163: {  	v37 =	vand.u32 $0x1F80, v63;
	v58 =	vshll.u32 v53, $0x6;
	v53 =	vor.u32 s22, v15  }
0x164: {  	v61 =	vshll.u32 v60, $0x6;
	v62 =	vor.u32 s31, v12;
	v42 =	vor.u32 v25, v36;
	v31 =	vld.idx.msk [tilespmem:v31+s16+$0x0], $0xffff;
	[tilespmem:v46+s17+$0x0] =	vst.idx.msk $0xffff, v40  }
0x165: {  	v36 =	vor.u32 v60, v24;
	v33 =	vand.u32 $0x1F80, v58;
	v46 =	vor.u32 s21, v7;
	[tilespmem:v34+s17+$0x0] =	vst.idx.msk $0xffff, v39  }
0x166: {  	v39 =	vor.u32 v26, v32;
	v32 =	vor.u32 v26, v37;
	[tilespmem:v51+s17+$0x0] =	vst.idx.msk $0xffff, v49;
	v34 =	vld.idx.msk [tilespmem:v50+s16+$0x0], $0xffff  }
0x167: {  	v63 =	vshll.u32 v62, $0x6;
	v50 =	vor.u32 v46, v24;
	v51 =	vor.u32 v19, v33;
	v49 =	vld.idx.msk [tilespmem:v55+s16+$0x0], $0xffff  }
0x168: {  	v60 =	vor.u32 s31, v13;
	v52 =	vld.idx.msk [tilespmem:v52+s16+$0x0], $0xffff;
	v37 =	vor.u32 v62, v24;
	v55 =	vor.u32 v53, v35  }
0x169: {  	v62 =	vshll.u32 v53, $0x6;
	v33 =	vand.u32 $0x1B80, v61;
	[tilespmem:v30+s17+$0x0] =	vst.idx.msk $0xffff, v31;
	v30 =	vand.u32 $0x1B80, v63  }
0x16a: {  	v40 =	vor.u32 v25, v33;
	v33 =	vor.u32 v26, v30;
	v30 =	vshll.u32 v46, $0x6  }
0x16b: {  	v61 =	vshll.u32 v60, $0x6;
	v63 =	vor.u32 s22, v16;
	v28 =	vld.idx.msk [tilespmem:v28+s16+$0x0], $0xffff;
	v30 =	vand.u32 $0x1F80, v30;
	[tilespmem:v32+s17+$0x0] =	vst.idx.msk $0xffff, v34  }
0x16c: {  	v30 =	vor.u32 v25, v30;
	v34 =	vand.u32 $0x1F80, v62;
	[tilespmem:v51+s17+$0x0] =	vst.idx.msk $0xffff, v49;
	v46 =	vld.idx.msk [tilespmem:v50+s16+$0x0], $0xffff;
	v49 =	vor.u32 s21, v8  }
0x16d: {  	[tilespmem:v54+s17+$0x0] =	vst.idx.msk $0xffff, v52;
	v52 =	vor.u32 v38, v34;
	v50 =	vld.idx.msk [tilespmem:v55+s16+$0x0], $0xffff;
	v51 =	vor.u32 v49, v24  }
0x16e: {  	v31 =	vor.u32 v60, v24;
	v60 =	vor.u32 s31, v14;
	v54 =	vld.idx.msk [tilespmem:v56+s16+$0x0], $0xffff;
	v56 =	vor.u32 v63, v35  }
0x16f: {  	v63 =	vshll.u32 v63, $0x6;
	v32 =	vand.u32 $0x1B80, v61;
	v61 =	vor.u32 s31, v15  }
0x170: {  	v62 =	vor.u32 s31, v16;
	v34 =	vor.u32 v25, v32;
	v32 =	vor.u32 v60, v24;
	[tilespmem:v27+s17+$0x0] =	vst.idx.msk $0xffff, v28  }
0x171: {  	v55 =	vshll.u32 v60, $0x6;
	v60 =	vor.u32 s21, v10;
	[tilespmem:v30+s17+$0x0] =	vst.idx.msk $0xffff, v46;
	v30 =	vshll.u32 v49, $0x6;
	v46 =	vld.idx.msk [tilespmem:v29+s16+$0x0], $0xffff  }
0x172: {  	v27 =	vand.u32 $0x1B80, v55;
	v53 =	vor.u32 v60, v24;
	v30 =	vand.u32 $0x1F80, v30;
	[tilespmem:v52+s17+$0x0] =	vst.idx.msk $0xffff, v50;
	v50 =	vld.idx.msk [tilespmem:v51+s16+$0x0], $0xffff  }
0x173: {  	v55 =	vor.u32 s22, v17;
	v60 =	vshll.u32 v60, $0x6;
	[tilespmem:v57+s17+$0x0] =	vst.idx.msk $0xffff, v54;
	v51 =	vor.u32 v26, v30;
	v49 =	vld.idx.msk [tilespmem:v56+s16+$0x0], $0xffff  }
0x174: {  	v28 =	vor.u32 v26, v27;
	v27 =	vor.u32 v61, v24;
	v30 =	vand.u32 $0x1F80, v63;
	v56 =	vld.idx.msk [tilespmem:v47+s16+$0x0], $0xffff  }
0x175: {  	v29 =	vshll.u32 v61, $0x6;
	v61 =	vshll.u32 v62, $0x6;
	v54 =	vor.u32 v19, v30  }
0x176: {  	v57 =	vor.u32 v55, v35;
	v52 =	vor.u32 s31, v18;
	v63 =	vand.u32 $0x1B80, v61  }
0x177: {  	v30 =	vand.u32 $0x1B80, v29;
	v29 =	vor.u32 v62, v24;
	v62 =	vor.u32 s31, v17;
	[tilespmem:v45+s17+$0x0] =	vst.idx.msk $0xffff, v46  }
0x178: {  	v61 =	vand.u32 $0x1F80, v60;
	v47 =	vor.u32 v26, v63;
	v58 =	vshll.u32 v62, $0x6;
	[tilespmem:v51+s17+$0x0] =	vst.idx.msk $0xffff, v50;
	v50 =	vld.idx.msk [tilespmem:v43+s16+$0x0], $0xffff  }
0x179: {  	v46 =	vor.u32 v62, v24;
	v58 =	vand.u32 $0x1B80, v58;
	v62 =	vshll.u32 v55, $0x6;
	[tilespmem:v48+s17+$0x0] =	vst.idx.msk $0xffff, v56  }
0x17a: {  	v55 =	vor.u32 v25, v61;
	v63 =	vand.u32 $0x1F80, v62;
	v56 =	vor.u32 s21, v11;
	[tilespmem:v54+s17+$0x0] =	vst.idx.msk $0xffff, v49;
	v54 =	vld.idx.msk [tilespmem:v53+s16+$0x0], $0xffff  }
0x17b: {  	v48 =	vor.u32 v38, v63;
	v51 =	vor.u32 s22, v18;
	v49 =	vld.idx.msk [tilespmem:v57+s16+$0x0], $0xffff;
	v57 =	vor.u32 v56, v24  }
0x17c: {  	s24 =	simm.s32 $0x40;
	s23 =	simm.s32 $0x8;
	v30 =	vor.u32 v25, v30;
	v45 =	vor.u32 v25, v58;
	s22 =	simm.s32 $0x2;
	v53 =	vld.idx.msk [tilespmem:v59+s16+$0x0], $0xffff;
	v43 =	vor.u32 v51, v35  }
.LBB2_8:
0x17d: {  	s25 =	sand.u32 $0x60, s24;
	s28 =	sand.u32 $0x30, s23;
	s22 =	sadd.s32 $0x2, s22;
	v58 =	vor.u32 v52, v24;
	v35 =	vshll.u32 v52, $0x6;
	[tilespmem:v23+s17+$0x0] =	vst.idx.msk $0xffff, v50;
	v44 =	vor.u32 v19, v44  }
0x17e: {  	v52 =	vor.u32 s21, v9;
	v23 =	vmovc v47;
	v38 =	vmov s28;
	v50 =	vor.u32 s25, v0;
	s26 =	sor.u32 $0x10, s25;
	p1 =	slt.u32 s22, $0x1E;
	v59 =	vld.idx.msk [tilespmem:v21+s16+$0x0], $0xffff;
	v21 =	vmovc v46  }
0x17f: {  	v47 =	vshll.u32 v56, $0x6;
	v38 =	vshll.u32 v38, $0x7;
	v46 =	vor.u32 s26, v0;
	[tilespmem:v55+s17+$0x0] =	vst.idx.msk $0xffff, v54  }
0x180: {  	v47 =	vand.u32 $0x1F80, v47;
	v38 =	vor.u32 v2, v38;
	v54 =	vld.idx.msk [tilespmem:v57+s16+$0x0], $0xffff;
	[tilespmem:v48+s17+$0x0] =	vst.idx.msk $0xffff, v49;
	v48 =	vshll.u32 v51, $0x6  }
0x181: {  	v47 =	vor.u32 v26, v47;
	v49 =	vor.u32 v46, v38;
	v51 =	vld.idx.msk [tilespmem:v43+s16+$0x0], $0xffff;
	v43 =	vand.u32 $0x1F80, v48  }
0x182: {  	v55 =	vor.u32 v52, v24;
	v48 =	vor.u32 v50, v38;
	v56 =	vor.u32 v19, v43;
	v19 =	vmovc v26  }
0x183: {  	v26 =	vshll.u32 v50, $0x6;
	v43 =	vor.u32 s25, v3;
	v50 =	vor.u32 s25, v5;
	[tilespmem:v42+s17+$0x0] =	vst.idx.msk $0xffff, v53  }
0x184: {  	v26 =	vand.u32 $0x1B80, v26;
	v42 =	vor.u32 v43, v38;
	v43 =	vshll.u32 v43, $0x6;
	v41 =	vld.idx.msk [tilespmem:v41+s16+$0x0], $0xffff;
	[tilespmem:v22+s17+$0x0] =	vst.idx.msk $0xffff, v59  }
0x185: {  	v46 =	vshll.u32 v46, $0x6;
	v57 =	vor.u32 v50, v38;
	v53 =	vand.u32 $0x1B80, v43;
	v22 =	vmovc v45;
	v59 =	vld.idx.msk [tilespmem:v20+s16+$0x0], $0xffff;
	v20 =	vmovc v58  }
0x186: {  	v46 =	vand.u32 $0x1F80, v46;
	v43 =	vor.u32 s28, v1;
	v45 =	vld.idx.msk [tilespmem:v49+s16+$0x0], $0xffff;
	[tilespmem:v47+s17+$0x0] =	vst.idx.msk $0xffff, v54;
	v47 =	vshll.u32 v52, $0x6  }
0x187: {  	v46 =	vor.u32 v43, v46;
	v49 =	vor.u32 s26, v3;
	v52 =	vld.idx.msk [tilespmem:v55+s16+$0x0], $0xffff;
	v47 =	vand.u32 $0x1F80, v47;
	[tilespmem:v56+s17+$0x0] =	vst.idx.msk $0xffff, v51  }
0x188: {  	v54 =	vor.u32 s21, v12;
	v51 =	vor.u32 v49, v38;
	v48 =	vld.idx.msk [tilespmem:v48+s16+$0x0], $0xffff;
	v47 =	vor.u32 v25, v47  }
0x189: {  	v55 =	vor.u32 v43, v26;
	v26 =	vshll.u32 v50, $0x6;
	v50 =	vor.u32 v54, v24  }
0x18a: {  	v58 =	vor.u32 s25, v7;
	v56 =	vor.u32 s25, v6;
	v26 =	vand.u32 $0x1B80, v26;
	[tilespmem:v39+s17+$0x0] =	vst.idx.msk $0xffff, v41  }
0x18b: {  	v61 =	vor.u32 v56, v38;
	v60 =	vor.u32 v43, v26;
	v26 =	vshll.u32 v56, $0x6;
	v36 =	vld.idx.msk [tilespmem:v36+s16+$0x0], $0xffff  }
0x18c: {  	v56 =	vor.u32 v58, v38;
	v39 =	vand.u32 $0x1B80, v26;
	v41 =	vshll.u32 v49, $0x6;
	[tilespmem:v46+s17+$0x0] =	vst.idx.msk $0xffff, v45  }
0x18d: {  	v26 =	vor.u32 s28, v4;
	v41 =	vand.u32 $0x1F80, v41;
	v45 =	vshll.u32 v54, $0x6;
	v46 =	vld.idx.msk [tilespmem:v51+s16+$0x0], $0xffff;
	[tilespmem:v47+s17+$0x0] =	vst.idx.msk $0xffff, v52  }
0x18e: {  	v41 =	vor.u32 v26, v41;
	v47 =	vor.u32 s26, v5;
	v45 =	vand.u32 $0x1F80, v45;
	[tilespmem:v55+s17+$0x0] =	vst.idx.msk $0xffff, v48;
	v48 =	vld.idx.msk [tilespmem:v50+s16+$0x0], $0xffff  }
0x18f: {  	v51 =	vor.u32 s21, v13;
	v49 =	vor.u32 v47, v38;
	v50 =	vor.u32 v19, v45;
	v42 =	vld.idx.msk [tilespmem:v42+s16+$0x0], $0xffff  }
0x190: {  	v52 =	vor.u32 v26, v53;
	v53 =	vor.u32 v26, v39;
	v39 =	vor.u32 v51, v24  }
0x191: {  	v54 =	vor.u32 s25, v8;
	v45 =	vshll.u32 v58, $0x6;
	v55 =	vor.u32 s25, v10;
	[tilespmem:v40+s17+$0x0] =	vst.idx.msk $0xffff, v36  }
0x192: {  	v36 =	vand.u32 $0x1B80, v45;
	v45 =	vor.u32 v54, v38;
	v40 =	vshll.u32 v54, $0x6;
	v37 =	vld.idx.msk [tilespmem:v37+s16+$0x0], $0xffff;
	[tilespmem:v44+s17+$0x0] =	vst.idx.msk $0xffff, v59  }
0x193: {  	v54 =	vor.u32 v43, v36;
	v36 =	vand.u32 $0x1B80, v40;
	v40 =	vshll.u32 v47, $0x6;
	[tilespmem:v41+s17+$0x0] =	vst.idx.msk $0xffff, v46  }
0x194: {  	v44 =	vor.u32 v26, v36;
	v36 =	vand.u32 $0x1F80, v40;
	v40 =	vshll.u32 v51, $0x6;
	v46 =	vld.idx.msk [tilespmem:v49+s16+$0x0], $0xffff;
	[tilespmem:v50+s17+$0x0] =	vst.idx.msk $0xffff, v48  }
0x195: {  	v47 =	vor.u32 v43, v36;
	v49 =	vor.u32 s26, v6;
	v36 =	vand.u32 $0x1F80, v40;
	[tilespmem:v52+s17+$0x0] =	vst.idx.msk $0xffff, v42;
	v50 =	vld.idx.msk [tilespmem:v39+s16+$0x0], $0xffff  }
0x196: {  	v51 =	vor.u32 v49, v38;
	v52 =	vor.u32 v25, v36;
	v40 =	vld.idx.msk [tilespmem:v57+s16+$0x0], $0xffff;
	v57 =	vor.u32 s21, v14  }
0x197: {  	v48 =	vor.u32 v55, v38;
	v36 =	vshll.u32 v55, $0x6;
	v55 =	vor.u32 v57, v24  }
0x198: {  	v58 =	vor.u32 s25, v9;
	v39 =	vor.u32 s25, v11;
	v36 =	vand.u32 $0x1B80, v36;
	[tilespmem:v33+s17+$0x0] =	vst.idx.msk $0xffff, v37  }
0x199: {  	v41 =	vor.u32 v39, v38;
	v42 =	vor.u32 v43, v36;
	v33 =	vshll.u32 v39, $0x6;
	v31 =	vld.idx.msk [tilespmem:v31+s16+$0x0], $0xffff  }
0x19a: {  	v36 =	vor.u32 v58, v38;
	v37 =	vshll.u32 v49, $0x6;
	v33 =	vand.u32 $0x1B80, v33;
	[tilespmem:v47+s17+$0x0] =	vst.idx.msk $0xffff, v46  }
0x19b: {  	v39 =	vor.u32 v26, v33;
	v33 =	vand.u32 $0x1F80, v37;
	v37 =	vshll.u32 v57, $0x6;
	v46 =	vld.idx.msk [tilespmem:v51+s16+$0x0], $0xffff;
	[tilespmem:v52+s17+$0x0] =	vst.idx.msk $0xffff, v50  }
0x19c: {  	v49 =	vor.u32 s26, v7;
	v47 =	vor.u32 v26, v33;
	v33 =	vand.u32 $0x1F80, v37;
	[tilespmem:v60+s17+$0x0] =	vst.idx.msk $0xffff, v40;
	v50 =	vld.idx.msk [tilespmem:v55+s16+$0x0], $0xffff  }
0x19d: {  	v57 =	vor.u32 s21, v15;
	v52 =	vor.u32 v49, v38;
	v55 =	vor.u32 v19, v33;
	v51 =	vld.idx.msk [tilespmem:v61+s16+$0x0], $0xffff  }
0x19e: {  	v33 =	vshll.u32 v58, $0x6;
	v40 =	vor.u32 s25, v12;
	v58 =	vor.u32 v57, v24  }
0x19f: {  	v33 =	vand.u32 $0x1B80, v33;
	v37 =	vor.u32 v40, v38;
	v59 =	vshll.u32 v40, $0x6;
	[tilespmem:v34+s17+$0x0] =	vst.idx.msk $0xffff, v31  }
0x1a0: {  	v40 =	vor.u32 v43, v33;
	v31 =	vand.u32 $0x1B80, v59;
	v34 =	vor.u32 s25, v13;
	v59 =	vld.idx.msk [tilespmem:v32+s16+$0x0], $0xffff  }
0x1a1: {  	v33 =	vor.u32 v26, v31;
	v31 =	vor.u32 v34, v38;
	v32 =	vshll.u32 v49, $0x6;
	[tilespmem:v47+s17+$0x0] =	vst.idx.msk $0xffff, v46  }
0x1a2: {  	v34 =	vshll.u32 v34, $0x6;
	v32 =	vand.u32 $0x1F80, v32;
	v47 =	vshll.u32 v57, $0x6;
	v46 =	vld.idx.msk [tilespmem:v52+s16+$0x0], $0xffff;
	[tilespmem:v55+s17+$0x0] =	vst.idx.msk $0xffff, v50  }
0x1a3: {  	v49 =	vor.u32 v43, v32;
	v50 =	vor.u32 s26, v8;
	v32 =	vand.u32 $0x1F80, v47;
	[tilespmem:v53+s17+$0x0] =	vst.idx.msk $0xffff, v51;
	v51 =	vld.idx.msk [tilespmem:v58+s16+$0x0], $0xffff  }
0x1a4: {  	v55 =	vor.u32 s21, v16;
	v52 =	vor.u32 v50, v38;
	v53 =	vor.u32 v25, v32;
	v47 =	vld.idx.msk [tilespmem:v56+s16+$0x0], $0xffff  }
0x1a5: {  	v32 =	vand.u32 $0x1B80, v34;
	v57 =	vor.u32 v55, v24;
	v56 =	vor.u32 s25, v14  }
0x1a6: {  	v34 =	vor.u32 v43, v32;
	v32 =	vor.u32 v56, v38;
	v56 =	vshll.u32 v56, $0x6;
	[tilespmem:v28+s17+$0x0] =	vst.idx.msk $0xffff, v59  }
0x1a7: {  	v58 =	vor.u32 s25, v16;
	v28 =	vand.u32 $0x1B80, v56;
	v56 =	vor.u32 s25, v15;
	v59 =	vld.idx.msk [tilespmem:v27+s16+$0x0], $0xffff  }
0x1a8: {  	v28 =	vor.u32 v26, v28;
	v27 =	vor.u32 v56, v38;
	[tilespmem:v49+s17+$0x0] =	vst.idx.msk $0xffff, v46;
	v46 =	vshll.u32 v50, $0x6  }
0x1a9: {  	v49 =	vshll.u32 v56, $0x6;
	v50 =	vshll.u32 v55, $0x6;
	v52 =	vld.idx.msk [tilespmem:v52+s16+$0x0], $0xffff;
	v46 =	vand.u32 $0x1F80, v46;
	[tilespmem:v53+s17+$0x0] =	vst.idx.msk $0xffff, v51  }
0x1aa: {  	v53 =	vor.u32 s26, v10;
	[tilespmem:v54+s17+$0x0] =	vst.idx.msk $0xffff, v47;
	v51 =	vor.u32 v26, v46;
	v55 =	vld.idx.msk [tilespmem:v57+s16+$0x0], $0xffff;
	v46 =	vand.u32 $0x1F80, v50  }
0x1ab: {  	v60 =	vor.u32 s21, v17;
	v54 =	vor.u32 v53, v38;
	v56 =	vld.idx.msk [tilespmem:v45+s16+$0x0], $0xffff;
	v57 =	vor.u32 v19, v46  }
0x1ac: {  	v47 =	vor.u32 v58, v38;
	v45 =	vand.u32 $0x1B80, v49;
	v49 =	vor.u32 v60, v24  }
0x1ad: {  	v50 =	vor.u32 s25, v17;
	v46 =	vshll.u32 v58, $0x6;
	[tilespmem:v30+s17+$0x0] =	vst.idx.msk $0xffff, v59;
	v30 =	vor.u32 v43, v45  }
0x1ae: {  	v58 =	vshll.u32 v50, $0x6;
	v45 =	vand.u32 $0x1B80, v46;
	v46 =	vor.u32 v50, v38;
	v50 =	vld.idx.msk [tilespmem:v29+s16+$0x0], $0xffff;
	v29 =	vmovc v47  }
.Ltmp7:
0x1af: {  	v47 =	vor.u32 v26, v45;
	v45 =	vand.u32 $0x1B80, v58;
	[tilespmem:v51+s17+$0x0] =	vst.idx.msk $0xffff, v52;
	v51 =	vshll.u32 v53, $0x6;
	(pc) =	sbr.rel @p1 .LBB2_8-.Ltmp7, $4  }
0x1b0: {  	v45 =	vor.u32 v43, v45;
	v52 =	vshll.u32 v60, $0x6;
	v54 =	vld.idx.msk [tilespmem:v54+s16+$0x0], $0xffff;
	v51 =	vand.u32 $0x1F80, v51;
	[tilespmem:v57+s17+$0x0] =	vst.idx.msk $0xffff, v55  }
0x1b1: {  	[tilespmem:v44+s17+$0x0] =	vst.idx.msk $0xffff, v56;
	v55 =	vor.u32 v43, v51;
	v56 =	vor.u32 s26, v11;
	v49 =	vld.idx.msk [tilespmem:v49+s16+$0x0], $0xffff;
	v44 =	vand.u32 $0x1F80, v52  }
0x1b2: {  	v51 =	vor.u32 s21, v18;
	s21 =	smov.u32 s26;
	v53 =	vld.idx.msk [tilespmem:v48+s16+$0x0], $0xffff;
	v57 =	vor.u32 v56, v38;
	v48 =	vor.u32 v25, v44;
	v25 =	vmovc v43  }
0x1b3: {  	s23 =	sadd.s32 $0x4, s23;
	s24 =	sadd.s32 $0x20, s24;
	v52 =	vor.u32 s25, v18;
	v44 =	vand.u32 $0x1B80, v35;
	v43 =	vor.u32 v51, v24;
	v24 =	vmovc v38  }
0x1b4: {  	_ =	sdelay $0x2  }
0x1b5: {  	v35 =	vshll.u32 v56, $0x6  }
0x1b6: {  	[tilespmem:v55+s17+$0x0] =	vst.idx.msk $0xffff, v54;
	v35 =	vand.u32 $0x1F80, v35  }
0x1b7: {  	v38 =	vor.u32 s21, v9;
	v54 =	vld.idx.msk [tilespmem:v57+s16+$0x0], $0xffff;
	v35 =	vor.u32 v26, v35;
	[tilespmem:v42+s17+$0x0] =	vst.idx.msk $0xffff, v53  }
0x1b8: {  	v60 =	vor.u32 v38, v24;
	v41 =	vld.idx.msk [tilespmem:v41+s16+$0x0], $0xffff;
	_ =	sdelay $0x2  }
0x1b9: {  	v38 =	vshll.u32 v38, $0x6  }
0x1ba: {  	v61 =	vand.u32 $0x1F80, v38;
	[tilespmem:v35+s17+$0x0] =	vst.idx.msk $0xffff, v54  }
0x1bb: {  	v63 =	vor.u32 s21, v12;
	v35 =	vor.u32 v25, v61;
	v62 =	vld.idx.msk [tilespmem:v60+s16+$0x0], $0xffff;
	[tilespmem:v39+s17+$0x0] =	vst.idx.msk $0xffff, v41  }
0x1bc: {  	v53 =	vor.u32 v63, v24;
	v36 =	vld.idx.msk [tilespmem:v36+s16+$0x0], $0xffff;
	_ =	sdelay $0x2  }
0x1bd: {  	v54 =	vshll.u32 v63, $0x6  }
0x1be: {  	v55 =	vand.u32 $0x1F80, v54;
	[tilespmem:v35+s17+$0x0] =	vst.idx.msk $0xffff, v62  }
0x1bf: {  	v56 =	vor.u32 s21, v13;
	v35 =	vor.u32 v26, v55;
	v38 =	vld.idx.msk [tilespmem:v53+s16+$0x0], $0xffff;
	[tilespmem:v40+s17+$0x0] =	vst.idx.msk $0xffff, v36  }
0x1c0: {  	v57 =	vor.u32 v56, v24;
	v37 =	vld.idx.msk [tilespmem:v37+s16+$0x0], $0xffff;
	_ =	sdelay $0x2  }
0x1c1: {  	v39 =	vshll.u32 v56, $0x6  }
0x1c2: {  	v58 =	vand.u32 $0x1F80, v39;
	[tilespmem:v35+s17+$0x0] =	vst.idx.msk $0xffff, v38  }
0x1c3: {  	v59 =	vor.u32 s21, v14;
	v35 =	vor.u32 v25, v58;
	v36 =	vld.idx.msk [tilespmem:v57+s16+$0x0], $0xffff;
	[tilespmem:v33+s17+$0x0] =	vst.idx.msk $0xffff, v37  }
0x1c4: {  	v60 =	vor.u32 v59, v24;
	v31 =	vld.idx.msk [tilespmem:v31+s16+$0x0], $0xffff;
	_ =	sdelay $0x2  }
0x1c5: {  	v61 =	vshll.u32 v59, $0x6  }
0x1c6: {  	v62 =	vand.u32 $0x1F80, v61;
	[tilespmem:v35+s17+$0x0] =	vst.idx.msk $0xffff, v36  }
0x1c7: {  	v63 =	vor.u32 s21, v15;
	v35 =	vor.u32 v26, v62;
	v33 =	vld.idx.msk [tilespmem:v60+s16+$0x0], $0xffff;
	[tilespmem:v34+s17+$0x0] =	vst.idx.msk $0xffff, v31  }
0x1c8: {  	v37 =	vor.u32 v63, v24;
	v32 =	vld.idx.msk [tilespmem:v32+s16+$0x0], $0xffff;
	_ =	sdelay $0x2  }
0x1c9: {  	v38 =	vshll.u32 v63, $0x6  }
0x1ca: {  	v39 =	vand.u32 $0x1F80, v38;
	[tilespmem:v35+s17+$0x0] =	vst.idx.msk $0xffff, v33  }
0x1cb: {  	v40 =	vor.u32 s21, v16;
	v33 =	vor.u32 v25, v39;
	v31 =	vld.idx.msk [tilespmem:v37+s16+$0x0], $0xffff;
	[tilespmem:v28+s17+$0x0] =	vst.idx.msk $0xffff, v32  }
0x1cc: {  	v41 =	vor.u32 v40, v24;
	v27 =	vld.idx.msk [tilespmem:v27+s16+$0x0], $0xffff;
	_ =	sdelay $0x2  }
0x1cd: {  	v42 =	vshll.u32 v40, $0x6  }
0x1ce: {  	v53 =	vand.u32 $0x1F80, v42;
	[tilespmem:v33+s17+$0x0] =	vst.idx.msk $0xffff, v31  }
0x1cf: {  	v54 =	vor.u32 s21, v17;
	v31 =	vor.u32 v26, v53;
	v28 =	vld.idx.msk [tilespmem:v41+s16+$0x0], $0xffff;
	[tilespmem:v30+s17+$0x0] =	vst.idx.msk $0xffff, v27  }
0x1d0: {  	v55 =	vor.u32 v54, v24;
	v29 =	vld.idx.msk [tilespmem:v29+s16+$0x0], $0xffff;
	_ =	sdelay $0x2  }
0x1d1: {  	[tilespmem:v23+s17+$0x0] =	vst.idx.msk $0xffff, v50;
	v56 =	vshll.u32 v54, $0x6  }
0x1d2: {  	v21 =	vld.idx.msk [tilespmem:v21+s16+$0x0], $0xffff;
	v23 =	vand.u32 $0x1F80, v56;
	[tilespmem:v31+s17+$0x0] =	vst.idx.msk $0xffff, v28  }
0x1d3: {  	v23 =	vor.u32 v25, v23;
	v57 =	vor.u32 s21, v18;
	v27 =	vld.idx.msk [tilespmem:v55+s16+$0x0], $0xffff;
	[tilespmem:v47+s17+$0x0] =	vst.idx.msk $0xffff, v29  }
0x1d4: {  	v58 =	vor.u32 v57, v24;
	v29 =	vld.idx.msk [tilespmem:v46+s16+$0x0], $0xffff  }
0x1d5: {  	v59 =	vor.u32 v52, v24;
	v60 =	vshll.u32 v51, $0x6  }
0x1d6: {  	[tilespmem:v48+s17+$0x0] =	vst.idx.msk $0xffff, v49;
	v30 =	vand.u32 $0x1F80, v60  }
0x1d7: {  	[tilespmem:v22+s17+$0x0] =	vst.idx.msk $0xffff, v21;
	v61 =	vld.idx.msk [tilespmem:v43+s16+$0x0], $0xffff;
	v62 =	vshll.u32 v57, $0x6;
	v30 =	vor.u32 v19, v30  }
0x1d8: {  	v20 =	vld.idx.msk [tilespmem:v20+s16+$0x0], $0xffff;
	v63 =	vshll.u32 v52, $0x6;
	v21 =	vand.u32 $0x1F80, v62;
	v19 =	vor.u32 v19, v44;
	[tilespmem:v23+s17+$0x0] =	vst.idx.msk $0xffff, v27  }
0x1d9: {  	v22 =	vand.u32 $0x1B80, v63;
	v21 =	vor.u32 v26, v21;
	v23 =	vld.idx.msk [tilespmem:v58+s16+$0x0], $0xffff;
	[tilespmem:v45+s17+$0x0] =	vst.idx.msk $0xffff, v29  }
0x1da: {  	v22 =	vor.u32 v26, v22;
	v24 =	vld.idx.msk [tilespmem:v59+s16+$0x0], $0xffff;
	_ =	sdelay $0x1  }
.Ltmp8:
0x1db: {  	[tilespmem:v30+s17+$0x0] =	vst.idx.msk $0xffff, v61;
	(pc) =	sbr.rel .LBB2_10-.Ltmp8, $4  }
0x1dc: {  	[tilespmem:v19+s17+$0x0] =	vst.idx.msk $0xffff, v20  }
0x1dd: {  	s20 =	sshll.u32 s20, $0xA;
	[tilespmem:v21+s17+$0x0] =	vst.idx.msk $0xffff, v23  }
0x1de: {  	s20 =	sadd.s32 s6, s20;
	[tilespmem:v22+s17+$0x0] =	vst.idx.msk $0xffff, v24  }
0x1df: {  	[hbm4b:s20+s4] =	stream.linear.scatter [tilespmem:s17], [sflag:$0x4], $0x2000, $0x38;
	[tilespmem:$0x8000] =	vst v63  }
.LBB2_12:
0x1e0: {  	_ =	sfence.sel $0x180000  }
0x1e1: {  	[bflag:$0x0] =	sbarrier.arrive $0xFFFF  }
0x1e2: {  	p0 =	sne.s32 s3, $0x0;
	_ =	strace $0x90000047  }
0x1e3: {  	s0 =	sadd.s32 @!p0 $0x100000, s2;
	[bflag:$0x2] =	sbarrier.arrive $0xFFFF  }
0x1e4: {  	[sflag:s0] =	ssyncadd.tile.s32 @!p0 $0x1;
	_ =	shalt  }
.Lfunc_end2:
_tile_overlayer_lowered:
.L_overlay_start_2:
0x1e5: {  	(tag) =	ssettag $0x2  }
0x1e6: {  	s0 =	rddreg [dreg:$0x0];
	s2 =	stileid.u32  }
0x1e7: {  	s1 =	rddreg [dreg:$0x1];
	p0 =	sne.s32 s2, $0x0  }
0x1e8: {  	s3 =	rddreg [dreg:$0x2];
	[bflag:$0x3] =	sbarrier.arrive $0xFFFF;
	s2 =	simm.s32 @!p0 $0x1C05  }
0x1e9: {  	[timem:s3], [sflag:s2] =	dma.local @!p0 [hbm:s0], s1  }
0x1ea: {  	s0 =	simm.s32 @!p0 $0x5  }
0x1eb: {  	_ =	swait.ge @!p0 [sflag:s0], s1  }
0x1ec: {  	s1 =	ssub.s32 @!p0 $0x0, s1;
	[sflag:s0] =	ssyncset.done @!p0 $0x0  }
0x1ed: {  	[sflag:s0] =	ssyncadd.s32 @!p0 s1  }
0x1ee: {  	[bflag:$0x3] =	sbarrier.arrive $0xFFFF  }
0x1ef: {  	_ =	shalt  }

// kernel: kernel.7.cloned.1.call-start
scs
__scs_entry_jumppad:
0x0: {  	(pc) =	sbr.rel $0x88, $3  }
0x1: {  	(tag) =	ssettag $0x0;
	lr =	simm.s32 $0x1  }
0x2: {  	[smem:$0x3F9F] =	sst lr;
	_ =	strace $0xD0000000  }
0x3: {  	_ = 	snop  }
0x4: {  	_ = 	snop  }
0x5: {  	_ = 	snop  }
0x6: {  	_ = 	snop  }
0x7: {  	_ = 	snop  }
__scs_overlays_trampoline_lowered:
0x8: {  	[smem:$0x3FAE] =	sst s0  }
0x9: {  	[smem:$0x3FAF] =	sst s1  }
0xa: {  	[smem:$0x3FB0] =	sst s2  }
0xb: {  	[smem:$0x3FB1] =	sst s3  }
0xc: {  	[smem:$0x3FB2] =	sst s4  }
0xd: {  	[smem:$0x3FB3] =	sst s5  }
0xe: {  	[smem:$0x3FB4] =	sst s6  }
0xf: {  	[smem:$0x3FB5] =	sst s7  }
0x10: {  	[smem:$0x3FB6] =	sst s8  }
0x11: {  	[smem:$0x3FB7] =	sst s9;
	s0 =	simm.s32 @!p0 $0x0  }
0x12: {  	s1 =	sld [smem:$0x3F9D];
	s0 =	simm.s32 @p0 $0x1  }
0x13: {  	[smem:$0x3FB8] =	sst s0;
	s0 =	simm.s32 @!p1 $0x0  }
0x14: {  	s2 =	sld [smem:$0x3F9C];
	s0 =	simm.s32 @p1 $0x1  }
0x15: {  	[smem:$0x3FB9] =	sst s0;
	s0 =	simm.s32 @!p2 $0x0  }
0x16: {  	s3 =	sld [smem:$0x3FDB];
	s0 =	simm.s32 @p2 $0x1  }
0x17: {  	s4 =	simm.s32 $0x1BF5;
	[smem:$0x3FBB] =	sst s0  }
0x18: {  	s0 =	sld [smem:$0x3F9E];
	_ =	swait.ge [sflag:s4], $0x0  }
0x19: {  	s7 =	sld [smem:$0x3F9F]  }
0x1a: {  	s8 =	sadd.s32 $0xFFFFE003, lr  }
0x1b: {  	s9 =	sadd.s32 $0xFFFFFEF7, lr;
	s5 =	simm.s32 $0xFFFFFFFF;
	p2 =	slt.u32 s8, $0xFFFFF086  }
0x1c: {  	p1 =	slt.u32 s9, $0xF7A;
	s5 =	simm.s32 @!p2 $0x0  }
0x1d: {  	s5 =	simm.s32 @p1 $0x1;
	p0 =	seq.s32 s7, s2  }
0x1e: {  	s7 =	smul.u32 @!p0 $0xF7A, s2;
	p2 =	seq.s32 @!p0 s5, $0x0  }
0x1f: {  	s9 =	smul.u32 $0xF7A, s1;
	s8 =	simm.s32 @!p0 $0x1BF5;
	p2 =	por !p2, p0  }
0x20: {  	[sflag:s8] =	ssyncset.s32 @!p0 $0xFFFFF086;
	s6 =	sadd.s32 @!p0 s3, s7;
	s7 =	simm.s32 @!p0 $0x108  }
0x21: {  	s3 =	sadd.s32 s3, s9;
	s6 =	sadd.s32 @!p0 $0x88, s6;
	s7 =	simm.s32 @p2 $0x1082  }
0x22: {  	[simem:s7], [sflag:s8] =	dma.local @!p0 [hbm:s6], $0xF7A  }
0x23: {  	s9 =	sor.u32 $0xD0000000, s2;
	s6 =	simm.s32 $0x108;
	_ =	swait.ge @!p0 [sflag:s8], $0x0  }
0x24: {  	s3 =	sadd.s32 $0x88, s3;
	s6 =	simm.s32 @!p1 $0x1082;
	[sflag:s4] =	ssyncset.s32 $0xFFFFF086  }
0x25: {  	[simem:s6], [sflag:s4] =	dma.local [hbm:s3], $0xF7A  }
0x26: {  	[smem:$0x3F9F] =	sst s1;
	(tag) =	ssettag s2;
	_ =	strace s9  }
0x27: {  	s1 =	sld [smem:$0x3FAF]  }
0x28: {  	s2 =	sld [smem:$0x3FB0]  }
0x29: {  	s4 =	sld [smem:$0x3FB2]  }
0x2a: {  	p0 =	seq.s32 s5, $0x0;
	s5 =	sld [smem:$0x3FB3]  }
0x2b: {  	s6 =	sld [smem:$0x3FB4]  }
0x2c: {  	s7 =	sld [smem:$0x3FB5]  }
0x2d: {  	s3 =	simm.s32 $0x108;
	s8 =	sld [smem:$0x3FB6]  }
0x2e: {  	s3 =	simm.s32 @!p0 $0x1082;
	s9 =	sld [smem:$0x3FB7]  }
0x2f: {  	lr =	sadd.s32 s0, s3;
	s0 =	sld [smem:$0x3FAE]  }
0x30: {  	s3 =	sld [smem:$0x3FB1]  }
0x31: {  	[smem:$0x3FBA] =	sst s10  }
0x32: {  	s10 =	sld [smem:$0x3FB8];
	_ =	sdelay $0x3  }
0x33: {  	p0 =	seq.s32 s10, $0x1;
	s10 =	sld [smem:$0x3FBA];
	_ =	sdelay $0x3  }
0x34: {  	[smem:$0x3FBA] =	sst s10  }
0x35: {  	s10 =	sld [smem:$0x3FB9];
	_ =	sdelay $0x3  }
0x36: {  	p1 =	seq.s32 s10, $0x1;
	s10 =	sld [smem:$0x3FBA];
	_ =	sdelay $0x3  }
0x37: {  	[smem:$0x3FBA] =	sst s10  }
0x38: {  	s10 =	sld [smem:$0x3FBB]  }
0x39: {  	_ = 	snop;
	(pc) =	sbr.ind lr, $3  }
0x3a: {  	_ = 	snop  }
0x3b: {  	_ = 	snop  }
0x3c: {  	p2 =	seq.s32 s10, $0x1;
	s10 =	sld [smem:$0x3FBA]  }
0x3d: {  	_ =	shalt  }
0x3e: {  	_ =	shalt  }
0x3f: {  	_ =	shalt  }
0x40: {  	_ =	shalt  }
0x41: {  	_ =	shalt  }
0x42: {  	_ =	shalt  }
0x43: {  	_ =	shalt  }
0x44: {  	_ =	shalt  }
0x45: {  	_ =	shalt  }
0x46: {  	_ =	shalt  }
0x47: {  	_ =	shalt  }
0x48: {  	_ =	shalt  }
0x49: {  	_ =	shalt  }
0x4a: {  	_ =	shalt  }
0x4b: {  	_ =	shalt  }
0x4c: {  	_ =	shalt  }
0x4d: {  	_ =	shalt  }
0x4e: {  	_ =	shalt  }
0x4f: {  	_ =	shalt  }
0x50: {  	_ =	shalt  }
0x51: {  	_ =	shalt  }
0x52: {  	_ =	shalt  }
0x53: {  	_ =	shalt  }
0x54: {  	_ =	shalt  }
0x55: {  	_ =	shalt  }
0x56: {  	_ =	shalt  }
0x57: {  	_ =	shalt  }
0x58: {  	_ =	shalt  }
0x59: {  	_ =	shalt  }
0x5a: {  	_ =	shalt  }
0x5b: {  	_ =	shalt  }
0x5c: {  	_ =	shalt  }
0x5d: {  	_ =	shalt  }
0x5e: {  	_ =	shalt  }
0x5f: {  	_ =	shalt  }
0x60: {  	_ =	shalt  }
0x61: {  	_ =	shalt  }
0x62: {  	_ =	shalt  }
0x63: {  	_ =	shalt  }
0x64: {  	_ =	shalt  }
0x65: {  	_ =	shalt  }
0x66: {  	_ =	shalt  }
0x67: {  	_ =	shalt  }
0x68: {  	_ =	shalt  }
0x69: {  	_ =	shalt  }
0x6a: {  	_ =	shalt  }
0x6b: {  	_ =	shalt  }
0x6c: {  	_ =	shalt  }
0x6d: {  	_ =	shalt  }
0x6e: {  	_ =	shalt  }
0x6f: {  	_ =	shalt  }
0x70: {  	_ =	shalt  }
0x71: {  	_ =	shalt  }
0x72: {  	_ =	shalt  }
0x73: {  	_ =	shalt  }
0x74: {  	_ =	shalt  }
0x75: {  	_ =	shalt  }
0x76: {  	_ =	shalt  }
0x77: {  	_ =	shalt  }
0x78: {  	_ =	shalt  }
0x79: {  	_ =	shalt  }
0x7a: {  	_ =	shalt  }
0x7b: {  	_ =	shalt  }
0x7c: {  	_ =	shalt  }
0x7d: {  	_ =	shalt  }
0x7e: {  	_ =	shalt  }
0x7f: {  	_ =	shalt  }
0x80: {  	_ =	shalt  }
0x81: {  	_ =	shalt  }
0x82: {  	_ =	shalt  }
0x83: {  	_ =	shalt  }
0x84: {  	_ =	shalt  }
0x85: {  	_ =	shalt  }
0x86: {  	_ =	shalt  }
0x87: {  	_ =	shalt  }
.Lfunc_end0:
.L_simem_size_0:
called_computation.1_lowered:
.L_overlay_start_0:
0x88: {  	s2 =	sld [smem:$0x3FD9]  }
0x89: {  	s3 =	sld [smem:$0x3FFE];
	_ =	sdelay $0x1  }
0x8a: {  	s1 =	srdreg.scid  }
0x8b: {  	s0 =	sand.u32 $0x1, s1  }
0x8c: {  	s17 =	sshll.u32 s0, $0xA;
	s2 =	sadd.s32 s3, s2  }
0x8d: {  	s2 =	sadd.s32 s2, s17  }
0x8e: {  	[smem:$0x3FC6] =	sst s2  }
0x8f: {  	_ = 	snop  }
0x90: {  	s2 =	sld [smem:$0x3FD0];
	(tm) =	ssettm $0x1  }
0x91: {  	s18 =	sld [smem:$0x3FFB];
	_ =	sdelay $0x3  }
0x92: {  	_ =	strace s18  }
0x93: {  	s3 =	sld [smem:$0x3FFC];
	_ =	sdelay $0x3  }
0x94: {  	_ =	strace s3  }
0x95: {  	s3 =	sld [smem:$0x3FFD];
	_ =	sdelay $0x3  }
0x96: {  	_ =	strace s3  }
0x97: {  	_ =	strace $0x8FFFFFFF  }
0x98: {  	s19 =	sld [smem:$0x3FDB];
	_ =	sdelay $0x1  }
0x99: {  	s4 =	simm.s32 $_scs_section_size  }
0x9a: {  	s5 =	simm.s32 $_size__tile_overlayer_lowered;
	s6 =	simm.s32 $_tile_overlayer_lowered  }
0x9b: {  	s22 =	simm.s32 $0x1BFF;
	s21 =	sshll.u32 s6, $0x1;
	s3 =	sadd.s32 s4, s19  }
0x9c: {  	s7 =	simm.s32 $0x0;
	s20 =	sshll.u32 s5, $0x1;
	s5 =	sadd.s32 s21, s3  }
0x9d: {  	[timem:s7], [sflag:s22] =	dma.local [hbm:s5], s20  }
0x9e: {  	_ =	swait.ge [sflag:s22], s20  }
0x9f: {  	s4 =	ssub.s32 $0x0, s20;
	[sflag:s22] =	ssyncset.done $0x0  }
0xa0: {  	[sflag:s22] =	ssyncadd.s32 s4;
	_ =	sdelay $0x1  }
0xa1: {  	s23 =	simm.s32 $0x1B8B  }
0xa2: {  	_ =	swait.ge [sflag:s23], $0x1  }
0xa3: {  	[sflag:s23] =	ssyncset.done $0x0  }
0xa4: {  	s25 =	simm.s32 $0x1B8E;
	s24 =	sld [smem:$0x3FFE];
	[sflag:s23] =	ssyncadd.s32 $0xFFFFFFFF  }
0xa5: {  	s26 =	simm.s32 $execute0_lowered;
	[smem:$0x3FD2] =	sst s25  }
0xa6: {  	s5 =	sshll.u32 s26, $0x1;
	_ =	strace $0x80000049;
	[dreg:$0x1] =	wrdreg $0xFFFFFFFF  }
0xa7: {  	s28 =	simm.s32 $_size_execute0_lowered;
	s3 =	sadd.s32 s3, s5;
	[dreg:$0x0] =	wrdreg $0x0  }
0xa8: {  	s5 =	sshll.u32 s28, $0x1;
	[dreg:$0x2] =	wrdreg s3  }
0xa9: {  	[dreg:$0x3] =	wrdreg s5  }
0xaa: {  	[dreg:$0x4] =	wrdreg $0xC0  }
0xab: {  	_ =	task [dreg:s7], $0x5FFFF  }
0xac: {  	[dreg:$0x1] =	wrdreg $0xFFFFFFFF  }
0xad: {  	[dreg:$0x0] =	wrdreg $0x60  }
0xae: {  	[dreg:$0x2] =	wrdreg s24  }
0xaf: {  	[dreg:$0x3] =	wrdreg s2  }
0xb0: {  	[dreg:$0x4] =	wrdreg $0x9  }
0xb1: {  	_ =	task.clear_ibuf [dreg:s7], $0x5FFFF;
	_ =	strace $0x90000049  }
0xb2: {  	s29 =	simm.s32 $0x9;
	_ =	strace $0x8000004B  }
0xb3: {  	_ =	swait.ge [sflag:s29], $0x1  }
0xb4: {  	[sflag:s29] =	ssyncadd.s32 $0xFFFFFFFF  }
0xb5: {  	_ =	strace $0x9000004B  }
0xb6: {  	_ =	sfence  }
0xb7: {  	s30 =	sld [smem:$0x0];
	_ =	sdelay $0x2  }
0xb8: {  	s31 =	sshll.u32 s1, $0xD;
	s1 =	sshrl.u32 s1, $0x2  }
0xb9: {  	s3 =	sand.u32 $0x4000, s31;
	s1 =	sadd.s32 s1, s30  }
0xba: {  	s0 =	sor.u32 s3, s0;
	s1 =	sshll.u32 s1, $0x11  }
0xbb: {  	s0 =	sor.u32 s1, s0  }
0xbc: {  	s0 =	sadd.s32 $0x8F2B, s0  }
0xbd: {  	[sflag:s0] =	ssyncadd.remote.s32 $0x1  }
0xbe: {  	_ =	sfence.sel $0xFFFF  }
0xbf: {  	[dreg:$0x0] =	wrdreg $0xFFFFFFFF;
	(pc) =	sbr.abs _section_cstart, $3  }
0xc0: {  	[dreg:$0x1] =	wrdreg $0xFFFFFFFF  }
0xc1: {  	_ =	task.clear_ibuf [dreg:s7], $0x2FFFF;
	_ =	strace $0x9FFFFFFF  }
0xc2: {  	(tm) =	ssettm $0x7FFFFFFF  }
0xc3: {  	_ =	shalt  }
tec
execute0_lowered:
.L_overlay_start_1:
0x0: {  	(tag) =	ssettag $0x1  }
0x1: {  	s0 =	rddreg [dreg:$0x0];
	s1 =	srdreg.scid  }
0x2: {  	s3 =	stileid.u32;
	s2 =	rddreg [dreg:$0x1];
	s11 =	simm.s32 $0x80  }
0x3: {  	s14 =	simm.s32 $0x1;
	s15 =	simm.s32 $0xA400;
	s8 =	simm.s32 $0xC600  }
0x4: {  	s18 =	simm.s32 $0xE118;
	s19 =	simm.s32 $0xE1A0;
	s20 =	simm.s32 $0xE228  }
0x5: {  	s21 =	simm.s32 $0xE2B0;
	s22 =	simm.s32 $0xE338;
	s23 =	simm.s32 $0xE3C0  }
0x6: {  	s24 =	simm.s32 $0xE448;
	s28 =	simm.s32 $0xE5E0;
	s29 =	simm.s32 $0xE668  }
0x7: {  	s30 =	simm.s32 $0xE6F0;
	s1 =	sand.u32 $0x1, s1;
	s4 =	sshll.u32 s3, $0x1  }
0x8: {  	s31 =	simm.s32 $0xE778;
	s3 =	simm.s32 $0x0;
	s5 =	sor.u32 s1, s4  }
0x9: {  	[smem:$0x7FF] =	sst s3;
	s1 =	ssub.s32 $0x2, s1;
	s4 =	sshll.u32 s5, $0x6  }
0xa: {  	_ =	strace $0x8000004A;
	s7 =	sshrl.u32 s1, $0x1;
	s6 =	sadd.s32 s4, s0  }
0xb: {  	v0 =	vlaneseq.u32;
	s4 =	sadd.s32 $0xA00, s0;
	s25 =	ssub.s32 s1, s7;
	s1 =	simm.s32 $0x2  }
0xc: {  	v0 =	vmul.u32 $0x88, v0;
	s7 =	simm.s32 $0x0;
	s26 =	sadd.s32 $0x7A1C00, s6;
	s6 =	sshll.u32 s5, $0x2  }
0xd: {  	s0 =	smax.u32 s25, $0x1;
	s25 =	simm.s32 $0xE4D0;
	[dreg:$0x3] =	wrdreg s26  }
0xe: {  	v1 =	vadd.s32 $0x880, v0;
	v2 =	vadd.s32 $0x1100, v0;
	v3 =	vadd.s32 $0x1980, v0;
	[dreg:$0x4] =	wrdreg s0;
	s0 =	simm.s32 $0x4;
	s26 =	simm.s32 $0xE558  }
.LBB2_1:
0xf: {  	[dreg:$0x5] =	wrdreg s7  }
0x10: {  	s5 =	rddreg [dreg:$0x3]  }
0x11: {  	s13 =	simm.s32 $0x200;
	s9 =	simm.s32 $0x4000;
	s16 =	simm.s32 $0x5  }
0x12: {  	[tilespmem:s3], [sflag:$0x5] =	stream.strided.gather [hbm4b:s5+s13], $0x6400, s9, s13, $0x38;
	[tilespmem:$0xE800] =	vst v63  }
0x13: {  	_ =	swait.ge [sflag:s16], $0x6400  }
0x14: {  	[sflag:s16] =	ssyncset.done $0x0  }
0x15: {  	s17 =	simm.s32 $0x6400;
	s9 =	simm.s32 $0x0;
	[sflag:s16] =	ssyncadd.s32 $0xFFFF9C00  }
0x16: {  	[tilespmem:s17], [sflag:$0x1] =	stream.indirect.gather [hbm4b:s4+s11], $0x40, s3, s11, $0xb8;
	[tilespmem:$0xE800] =	vst v63  }
.LBB2_2:
0x17: {  	s5 =	sshllo.u32 s9, $0x1  }
0x18: {  	s10 =	sshll.u32 s9, $0x8;
	s7 =	sshll.u32 s5, $0x7  }
0x19: {  	s10 =	sand.u32 $0x7E00, s10;
	s7 =	sand.u32 $0x180, s7  }
0x1a: {  	s17 =	simm.s32 $0x8400;
	s7 =	sor.u32 s7, s10  }
0x1b: {  	[tilespmem:s17], [sflag:$0x2] =	stream.indirect.gather [hbm4b:s4+s11], $0x40, s7, s11, $0xb8;
	[tilespmem:$0xE800] =	vst v63  }
0x1c: {  	_ =	swait.ge [sflag:s14], $0x2000  }
0x1d: {  	p0 =	seq.s32 s9, $0x0;
	[sflag:s14] =	ssyncset.done $0x0  }
0x1e: {  	s7 =	simm.s32 @!p0 $0x3;
	[sflag:s14] =	ssyncadd.s32 $0xFFFFE000  }
0x1f: {  	_ =	swait.ge @!p0 [sflag:s7], $0x400  }
0x20: {  	[sflag:s7] =	ssyncset.done @!p0 $0x0  }
0x21: {  	[sflag:s7] =	ssyncadd.s32 @!p0 $0xFFFFFC00  }
0x22: {  	_ =	swait.ge @!p0 [sflag:s7], $0x400  }
0x23: {  	[sflag:s7] =	ssyncset.done @!p0 $0x0  }
0x24: {  	[sflag:s7] =	ssyncadd.s32 @!p0 $0xFFFFFC00  }
0x25: {  	_ =	swait.ge @!p0 [sflag:s7], $0x400  }
0x26: {  	[sflag:s7] =	ssyncset.done @!p0 $0x0  }
0x27: {  	[sflag:s7] =	ssyncadd.s32 @!p0 $0xFFFFFC00  }
0x28: {  	_ =	swait.ge @!p0 [sflag:s7], $0x400  }
0x29: {  	[sflag:s7] =	ssyncset.done @!p0 $0x0  }
0x2a: {  	[sflag:s7] =	ssyncadd.s32 @!p0 $0xFFFFFC00  }
0x2b: {  	_ =	swait.ge @!p0 [sflag:s7], $0x400  }
0x2c: {  	[sflag:s7] =	ssyncset.done @!p0 $0x0  }
0x2d: {  	[sflag:s7] =	ssyncadd.s32 @!p0 $0xFFFFFC00  }
0x2e: {  	_ =	swait.ge @!p0 [sflag:s7], $0x400  }
0x2f: {  	[sflag:s7] =	ssyncset.done @!p0 $0x0  }
0x30: {  	[sflag:s7] =	ssyncadd.s32 @!p0 $0xFFFFFC00  }
0x31: {  	_ =	swait.ge @!p0 [sflag:s7], $0x400  }
0x32: {  	[sflag:s7] =	ssyncset.done @!p0 $0x0  }
0x33: {  	[sflag:s7] =	ssyncadd.s32 @!p0 $0xFFFFFC00  }
0x34: {  	s12 =	simm.s32 $0x3;
	_ =	swait.ge @!p0 [sflag:s7], $0x400  }
0x35: {  	s13 =	simm.s32 $0x0;
	v4 =	vmov s12;
	[sflag:s7] =	ssyncset.done @!p0 $0x0  }
0x36: {  	s16 =	simm.s32 $0x1;
	s12 =	simm.s32 $0x6480;
	v5 =	vand.u32 $0x7F, v4;
	v4 =	vmov s13;
	[sflag:s7] =	ssyncadd.s32 @!p0 $0xFFFFFC00  }
0x37: {  	v8 =	vadd.s32 v0, v5;
	v6 =	vand.u32 $0x7C, v4;
	v4 =	vmov s16;
	v7 =	vld [tilespmem:s12+$0x40]  }
0x38: {  	v10 =	vadd.s32 v0, v6;
	v11 =	vand.u32 $0x7D, v4;
	v9 =	vld [tilespmem:s12+$0xFFFFFF80]  }
0x39: {  	s17 =	simm.s32 $0x2;
	v12 =	vadd.s32 v0, v11;
	v4 =	vld [tilespmem:s12+$0xFFFFFFC0]  }
0x3a: {  	v13 =	vmov s17  }
0x3b: {  	v13 =	vand.u32 $0x7E, v13  }
0x3c: {  	v15 =	vadd.s32 v0, v13;
	v14 =	vld [tilespmem:s12+$0x0];
	[tilespmem:v8+s15+$0x0] =	vst.idx.msk $0xffff, v7  }
0x3d: {  	v8 =	vadd.s32 v1, v5;
	[tilespmem:v10+s15+$0x0] =	vst.idx.msk $0xffff, v9;
	v7 =	vld [tilespmem:s12+$0x50]  }
0x3e: {  	v10 =	vadd.s32 v1, v6;
	[tilespmem:v12+s15+$0x0] =	vst.idx.msk $0xffff, v4;
	v9 =	vld [tilespmem:s12+$0xFFFFFF90]  }
0x3f: {  	v12 =	vadd.s32 v1, v11;
	v4 =	vld [tilespmem:s12+$0xFFFFFFD0];
	_ =	sdelay $0x1  }
0x40: {  	[tilespmem:v15+s15+$0x0] =	vst.idx.msk $0xffff, v14  }
0x41: {  	v16 =	vadd.s32 v1, v13;
	v15 =	vld [tilespmem:s12+$0x10];
	[tilespmem:v8+s15+$0x0] =	vst.idx.msk $0xffff, v7  }
0x42: {  	s10 =	simm.s32 $0x7;
	v14 =	vadd.s32 v2, v5;
	[tilespmem:v10+s15+$0x0] =	vst.idx.msk $0xffff, v9;
	v7 =	vld [tilespmem:s12+$0x60]  }
0x43: {  	v10 =	vadd.s32 v2, v6;
	v8 =	vmov s10;
	[tilespmem:v12+s15+$0x0] =	vst.idx.msk $0xffff, v4;
	v9 =	vld [tilespmem:s12+$0xFFFFFFA0]  }
0x44: {  	v17 =	vadd.s32 v2, v11;
	s7 =	simm.s32 $0x6580;
	v8 =	vand.u32 $0x7F, v8;
	v12 =	vld [tilespmem:s12+$0xFFFFFFE0]  }
0x45: {  	s13 =	simm.s32 $0x4;
	v18 =	vld [tilespmem:s7+$0x40];
	v19 =	vadd.s32 v0, v8  }
0x46: {  	s16 =	simm.s32 $0x5;
	v4 =	vmov s13;
	[tilespmem:v16+s15+$0x0] =	vst.idx.msk $0xffff, v15  }
0x47: {  	v22 =	vmov s16;
	v4 =	vand.u32 $0x7C, v4;
	[tilespmem:v14+s15+$0x0] =	vst.idx.msk $0xffff, v7  }
0x48: {  	s17 =	simm.s32 $0x6;
	v20 =	vld [tilespmem:s7+$0xFFFFFF80];
	v21 =	vadd.s32 v0, v4;
	v7 =	vand.u32 $0x7D, v22;
	[tilespmem:v10+s15+$0x0] =	vst.idx.msk $0xffff, v9  }
0x49: {  	v14 =	vmov s17;
	v9 =	vld [tilespmem:s7+$0xFFFFFFC0];
	[tilespmem:v17+s15+$0x0] =	vst.idx.msk $0xffff, v12;
	v10 =	vadd.s32 v0, v7  }
0x4a: {  	v16 =	vadd.s32 v3, v5;
	v12 =	vld [tilespmem:s12+$0x20];
	v5 =	vand.u32 $0x7E, v14;
	[tilespmem:v19+s15+$0x0] =	vst.idx.msk $0xffff, v18;
	v18 =	vadd.s32 v2, v13  }
0x4b: {  	v14 =	vld [tilespmem:s7+$0x0];
	v63 =	vadd.s32 v0, v5  }
0x4c: {  	v15 =	vld [tilespmem:s12+$0x70]  }
0x4d: {  	[tilespmem:v21+s15+$0x0] =	vst.idx.msk $0xffff, v20;
	v20 =	vadd.s32 v1, v8;
	v19 =	vld [tilespmem:s7+$0x50]  }
0x4e: {  	v23 =	vadd.s32 v1, v4;
	v21 =	vld [tilespmem:s7+$0xFFFFFF90];
	[tilespmem:v10+s15+$0x0] =	vst.idx.msk $0xffff, v9  }
0x4f: {  	v25 =	vadd.s32 v3, v11;
	v24 =	vld [tilespmem:s12+$0xFFFFFFF0];
	[tilespmem:v18+s15+$0x0] =	vst.idx.msk $0xffff, v12  }
0x50: {  	v18 =	vadd.s32 v1, v7;
	v17 =	vld [tilespmem:s7+$0xFFFFFFD0];
	[tilespmem:v63+s15+$0x0] =	vst.idx.msk $0xffff, v14  }
0x51: {  	[tilespmem:v16+s15+$0x0] =	vst.idx.msk $0xffff, v15;
	v16 =	vadd.s32 v1, v5;
	v14 =	vld [tilespmem:s7+$0x10]  }
0x52: {  	v15 =	vadd.s32 v3, v13;
	[tilespmem:v20+s15+$0x0] =	vst.idx.msk $0xffff, v19;
	v10 =	vld [tilespmem:s12+$0x30]  }
0x53: {  	s16 =	simm.s32 $0xC;
	v12 =	vadd.s32 v2, v8;
	[tilespmem:v23+s15+$0x0] =	vst.idx.msk $0xffff, v21;
	v9 =	vld [tilespmem:s7+$0x60]  }
0x54: {  	s10 =	sshll.u32 s9, $0x1;
	s13 =	simm.s32 $0x8;
	s17 =	simm.s32 $0xB;
	v13 =	vadd.s32 v2, v4;
	[tilespmem:v25+s15+$0x0] =	vst.idx.msk $0xffff, v24;
	v11 =	vld [tilespmem:s7+$0xFFFFFFA0]  }
.LBB2_3:
0x55: {  	p1 =	slt.u32 s16, $0x7C;
	v19 =	vmov s17;
	[tilespmem:v18+s15+$0x0] =	vst.idx.msk $0xffff, v17;
	v17 =	vld [tilespmem:s12+$0xFFFFFFB0];
	v18 =	vadd.s32 v3, v6;
	v6 =	vmov v4;
	s12 =	smov.u32 s7  }
0x56: {  	v4 =	vmov s13;
	v21 =	vadd.s32 v2, v7;
	s7 =	sadd.s32 $0x100, s7;
	v19 =	vand.u32 $0x7F, v19;
	v20 =	vld [tilespmem:s12+$0xFFFFFFE0];
	[tilespmem:v16+s15+$0x0] =	vst.idx.msk $0xffff, v14  }
0x57: {  	s17 =	sadd.s32 $0x1, s13;
	v4 =	vand.u32 $0x7C, v4;
	v14 =	vld [tilespmem:s7+$0x40];
	v16 =	vadd.s32 v0, v19;
	[tilespmem:v15+s15+$0x0] =	vst.idx.msk $0xffff, v10  }
0x58: {  	v22 =	vmov s17;
	s17 =	sadd.s32 $0x2, s13;
	s13 =	smov.u32 s16;
	v15 =	vadd.s32 v0, v4;
	v10 =	vld [tilespmem:s7+$0xFFFFFF80];
	[tilespmem:v12+s15+$0x0] =	vst.idx.msk $0xffff, v9  }
0x59: {  	v9 =	vand.u32 $0x7D, v22;
	v12 =	vmov s17;
	[tilespmem:v13+s15+$0x0] =	vst.idx.msk $0xffff, v11;
	v11 =	vld [tilespmem:s12+$0x70];
	v13 =	vadd.s32 v3, v8;
	v8 =	vmovc v19  }
0x5a: {  	v22 =	vadd.s32 v0, v9;
	v12 =	vand.u32 $0x7E, v12;
	v19 =	vld [tilespmem:s7+$0xFFFFFFC0];
	[tilespmem:v18+s15+$0x0] =	vst.idx.msk $0xffff, v17  }
0x5b: {  	v24 =	vadd.s32 v0, v12;
	v23 =	vld [tilespmem:s7+$0x0];
	[tilespmem:v21+s15+$0x0] =	vst.idx.msk $0xffff, v20  }
0x5c: {  	v21 =	vadd.s32 v2, v5;
	[tilespmem:v16+s15+$0x0] =	vst.idx.msk $0xffff, v14;
	v20 =	vld [tilespmem:s12+$0x20]  }
0x5d: {  	[tilespmem:v15+s15+$0x0] =	vst.idx.msk $0xffff, v10;
	v10 =	vld [tilespmem:s7+$0x50];
	v15 =	vadd.s32 v1, v8  }
0x5e: {  	v26 =	vadd.s32 v1, v4;
	v25 =	vld [tilespmem:s7+$0xFFFFFF90];
	[tilespmem:v13+s15+$0x0] =	vst.idx.msk $0xffff, v11  }
0x5f: {  	[tilespmem:v22+s15+$0x0] =	vst.idx.msk $0xffff, v19;
	v19 =	vld [tilespmem:s12+$0xFFFFFFF0];
	v22 =	vadd.s32 v3, v7;
	v7 =	vmov v9  }
.Ltmp0:
0x60: {  	v17 =	vld [tilespmem:s7+$0xFFFFFFD0];
	v18 =	vadd.s32 v1, v7;
	[tilespmem:v24+s15+$0x0] =	vst.idx.msk $0xffff, v23;
	(pc) =	sbr.rel @p1 .LBB2_3-.Ltmp0, $4  }
0x61: {  	v16 =	vadd.s32 v1, v12;
	v14 =	vld [tilespmem:s7+$0x10];
	[tilespmem:v21+s15+$0x0] =	vst.idx.msk $0xffff, v20  }
0x62: {  	[tilespmem:v15+s15+$0x0] =	vst.idx.msk $0xffff, v10;
	v10 =	vld [tilespmem:s12+$0x30];
	v15 =	vadd.s32 v3, v5;
	v5 =	vmov v12  }
0x63: {  	v12 =	vadd.s32 v2, v8;
	[tilespmem:v26+s15+$0x0] =	vst.idx.msk $0xffff, v25;
	v9 =	vld [tilespmem:s7+$0x60]  }
0x64: {  	s16 =	sadd.s32 $0x4, s16;
	s17 =	sadd.s32 $0x3, s13;
	v13 =	vadd.s32 v2, v4;
	v11 =	vld [tilespmem:s7+$0xFFFFFFA0];
	[tilespmem:v22+s15+$0x0] =	vst.idx.msk $0xffff, v19  }
0x65: {  	_ =	sdelay $0x2  }
0x66: {  	v19 =	vmov s17  }
0x67: {  	s16 =	sadd.s32 $0x1, s13;
	[tilespmem:v18+s15+$0x0] =	vst.idx.msk $0xffff, v17;
	v30 =	vld [tilespmem:s12+$0xFFFFFFB0];
	v6 =	vadd.s32 v3, v6;
	s12 =	sadd.s32 $0x100, s7;
	v21 =	vmov s13;
	v31 =	vand.u32 $0x7F, v19  }
0x68: {  	s17 =	sadd.s32 $0x2, s13;
	v32 =	vmov s16;
	[tilespmem:v16+s15+$0x0] =	vst.idx.msk $0xffff, v14;
	v33 =	vld [tilespmem:s12+$0x40];
	v21 =	vand.u32 $0x7C, v21;
	v34 =	vadd.s32 v0, v31  }
0x69: {  	v20 =	vmov s17;
	v22 =	vld [tilespmem:s12+$0xFFFFFF80];
	v19 =	vand.u32 $0x7D, v32;
	[tilespmem:v15+s15+$0x0] =	vst.idx.msk $0xffff, v10;
	v39 =	vadd.s32 v0, v21  }
0x6a: {  	v35 =	vld [tilespmem:s12+$0xFFFFFFC0];
	v20 =	vand.u32 $0x7E, v20;
	v36 =	vadd.s32 v0, v19;
	[tilespmem:v12+s15+$0x0] =	vst.idx.msk $0xffff, v9  }
0x6b: {  	v37 =	vld [tilespmem:s12+$0x0];
	v38 =	vadd.s32 v0, v20;
	[tilespmem:v13+s15+$0x0] =	vst.idx.msk $0xffff, v11  }
0x6c: {  	v41 =	vadd.s32 v2, v7;
	v40 =	vld [tilespmem:s7+$0xFFFFFFE0];
	[tilespmem:v6+s15+$0x0] =	vst.idx.msk $0xffff, v30  }
0x6d: {  	v49 =	vadd.s32 v2, v5;
	v48 =	vld [tilespmem:s7+$0x20];
	[tilespmem:v34+s15+$0x0] =	vst.idx.msk $0xffff, v33  }
0x6e: {  	v43 =	vadd.s32 v1, v31;
	[tilespmem:v39+s15+$0x0] =	vst.idx.msk $0xffff, v22;
	v14 =	vld [tilespmem:s12+$0x50]  }
0x6f: {  	v47 =	vadd.s32 v1, v21;
	[tilespmem:v36+s15+$0x0] =	vst.idx.msk $0xffff, v35;
	v46 =	vld [tilespmem:s12+$0xFFFFFF90]  }
0x70: {  	v44 =	vadd.s32 v1, v19;
	[tilespmem:v38+s15+$0x0] =	vst.idx.msk $0xffff, v37;
	v10 =	vld [tilespmem:s12+$0xFFFFFFD0]  }
0x71: {  	v45 =	vadd.s32 v1, v20;
	[tilespmem:v41+s15+$0x0] =	vst.idx.msk $0xffff, v40;
	v9 =	vld [tilespmem:s12+$0x10]  }
0x72: {  	v8 =	vadd.s32 v3, v8;
	v42 =	vld [tilespmem:s7+$0x70];
	[tilespmem:v49+s15+$0x0] =	vst.idx.msk $0xffff, v48  }
0x73: {  	v5 =	vadd.s32 v3, v5;
	v13 =	vld [tilespmem:s7+$0x30];
	[tilespmem:v43+s15+$0x0] =	vst.idx.msk $0xffff, v14  }
0x74: {  	v52 =	vadd.s32 v2, v31;
	[tilespmem:v47+s15+$0x0] =	vst.idx.msk $0xffff, v46;
	v14 =	vld [tilespmem:s12+$0x60]  }
0x75: {  	v57 =	vadd.s32 v2, v21;
	[tilespmem:v44+s15+$0x0] =	vst.idx.msk $0xffff, v10;
	v56 =	vld [tilespmem:s12+$0xFFFFFFA0]  }
0x76: {  	v53 =	vadd.s32 v2, v19;
	[tilespmem:v45+s15+$0x0] =	vst.idx.msk $0xffff, v9;
	v10 =	vld [tilespmem:s12+$0xFFFFFFE0]  }
0x77: {  	v55 =	vadd.s32 v2, v20;
	[tilespmem:v8+s15+$0x0] =	vst.idx.msk $0xffff, v42;
	v54 =	vld [tilespmem:s12+$0x20]  }
0x78: {  	v4 =	vadd.s32 v3, v4;
	v58 =	vld [tilespmem:s7+$0xFFFFFFB0];
	[tilespmem:v5+s15+$0x0] =	vst.idx.msk $0xffff, v13  }
0x79: {  	v51 =	vadd.s32 v3, v7;
	v50 =	vld [tilespmem:s7+$0xFFFFFFF0];
	[tilespmem:v52+s15+$0x0] =	vst.idx.msk $0xffff, v14  }
0x7a: {  	v60 =	vadd.s32 v3, v31;
	[tilespmem:v57+s15+$0x0] =	vst.idx.msk $0xffff, v56;
	v59 =	vld [tilespmem:s12+$0x70]  }
0x7b: {  	v63 =	vadd.s32 v3, v21;
	[tilespmem:v53+s15+$0x0] =	vst.idx.msk $0xffff, v10;
	v5 =	vld [tilespmem:s12+$0xFFFFFFB0]  }
0x7c: {  	v61 =	vadd.s32 v3, v19;
	[tilespmem:v55+s15+$0x0] =	vst.idx.msk $0xffff, v54;
	v10 =	vld [tilespmem:s12+$0xFFFFFFF0]  }
0x7d: {  	s16 =	sand.u32 $0x2, s10;
	v62 =	vadd.s32 v3, v20;
	[tilespmem:v4+s15+$0x0] =	vst.idx.msk $0xffff, v58;
	v6 =	vld [tilespmem:s12+$0x30]  }
0x7e: {  	s13 =	sshll.u32 s9, $0x13;
	s17 =	sor.u32 s6, s16;
	[tilespmem:v51+s15+$0x0] =	vst.idx.msk $0xffff, v50  }
0x7f: {  	s7 =	sand.u32 $0x3F00000, s13;
	s12 =	sshll.u32 s17, $0xA;
	[tilespmem:v60+s15+$0x0] =	vst.idx.msk $0xffff, v59  }
0x80: {  	s12 =	sor.u32 s7, s12;
	[tilespmem:v63+s15+$0x0] =	vst.idx.msk $0xffff, v5  }
0x81: {  	s12 =	sshrl.u32 s12, $0x3;
	[tilespmem:v61+s15+$0x0] =	vst.idx.msk $0xffff, v10  }
0x82: {  	s12 =	sadd.s32 s2, s12;
	[tilespmem:v62+s15+$0x0] =	vst.idx.msk $0xffff, v6  }
0x83: {  	[hbm4b:s12+s3] =	stream.linear.scatter [tilespmem:s15], [sflag:$0x3], $0x80, $0x38;
	[tilespmem:$0xE800] =	vst v63  }
0x84: {  	s17 =	simm.s32 $0xA488;
	s16 =	sadd.s32 $0x10, s12  }
0x85: {  	[hbm4b:s16+s3] =	stream.linear.scatter [tilespmem:s17], [sflag:$0x3], $0x80, $0x38;
	[tilespmem:$0xE800] =	vst v63  }
0x86: {  	s16 =	sadd.s32 $0x20, s12;
	s17 =	simm.s32 $0xA510  }
0x87: {  	[hbm4b:s16+s3] =	stream.linear.scatter [tilespmem:s17], [sflag:$0x3], $0x80, $0x38;
	[tilespmem:$0xE800] =	vst v63  }
0x88: {  	s16 =	sadd.s32 $0x30, s12;
	s17 =	simm.s32 $0xA598  }
0x89: {  	[hbm4b:s16+s3] =	stream.linear.scatter [tilespmem:s17], [sflag:$0x3], $0x80, $0x38;
	[tilespmem:$0xE800] =	vst v63  }
0x8a: {  	s16 =	sadd.s32 $0x40, s12;
	s17 =	simm.s32 $0xA620  }
0x8b: {  	[hbm4b:s16+s3] =	stream.linear.scatter [tilespmem:s17], [sflag:$0x3], $0x80, $0x38;
	[tilespmem:$0xE800] =	vst v63  }
0x8c: {  	s16 =	sadd.s32 $0x50, s12;
	s17 =	simm.s32 $0xA6A8  }
0x8d: {  	[hbm4b:s16+s3] =	stream.linear.scatter [tilespmem:s17], [sflag:$0x3], $0x80, $0x38;
	[tilespmem:$0xE800] =	vst v63  }
0x8e: {  	s16 =	sadd.s32 $0x60, s12;
	s17 =	simm.s32 $0xA730  }
0x8f: {  	[hbm4b:s16+s3] =	stream.linear.scatter [tilespmem:s17], [sflag:$0x3], $0x80, $0x38;
	[tilespmem:$0xE800] =	vst v63  }
0x90: {  	s16 =	sadd.s32 $0x70, s12;
	s17 =	simm.s32 $0xA7B8  }
0x91: {  	[hbm4b:s16+s3] =	stream.linear.scatter [tilespmem:s17], [sflag:$0x3], $0x80, $0x38;
	[tilespmem:$0xE800] =	vst v63  }
0x92: {  	s16 =	sadd.s32 $0x4000, s12;
	s17 =	simm.s32 $0xA840  }
0x93: {  	[hbm4b:s16+s3] =	stream.linear.scatter [tilespmem:s17], [sflag:$0x3], $0x80, $0x38;
	[tilespmem:$0xE800] =	vst v63  }
0x94: {  	s16 =	sadd.s32 $0x4010, s12;
	s17 =	simm.s32 $0xA8C8  }
0x95: {  	[hbm4b:s16+s3] =	stream.linear.scatter [tilespmem:s17], [sflag:$0x3], $0x80, $0x38;
	[tilespmem:$0xE800] =	vst v63  }
0x96: {  	s16 =	sadd.s32 $0x4020, s12;
	s17 =	simm.s32 $0xA950  }
0x97: {  	[hbm4b:s16+s3] =	stream.linear.scatter [tilespmem:s17], [sflag:$0x3], $0x80, $0x38;
	[tilespmem:$0xE800] =	vst v63  }
0x98: {  	s16 =	sadd.s32 $0x4030, s12;
	s17 =	simm.s32 $0xA9D8  }
0x99: {  	[hbm4b:s16+s3] =	stream.linear.scatter [tilespmem:s17], [sflag:$0x3], $0x80, $0x38;
	[tilespmem:$0xE800] =	vst v63  }
0x9a: {  	s16 =	sadd.s32 $0x4040, s12;
	s17 =	simm.s32 $0xAA60  }
0x9b: {  	[hbm4b:s16+s3] =	stream.linear.scatter [tilespmem:s17], [sflag:$0x3], $0x80, $0x38;
	[tilespmem:$0xE800] =	vst v63  }
0x9c: {  	s16 =	sadd.s32 $0x4050, s12;
	s17 =	simm.s32 $0xAAE8  }
0x9d: {  	[hbm4b:s16+s3] =	stream.linear.scatter [tilespmem:s17], [sflag:$0x3], $0x80, $0x38;
	[tilespmem:$0xE800] =	vst v63  }
0x9e: {  	s16 =	sadd.s32 $0x4060, s12;
	s17 =	simm.s32 $0xAB70  }
0x9f: {  	[hbm4b:s16+s3] =	stream.linear.scatter [tilespmem:s17], [sflag:$0x3], $0x80, $0x38;
	[tilespmem:$0xE800] =	vst v63  }
0xa0: {  	s16 =	sadd.s32 $0x4070, s12;
	s17 =	simm.s32 $0xABF8  }
0xa1: {  	[hbm4b:s16+s3] =	stream.linear.scatter [tilespmem:s17], [sflag:$0x3], $0x80, $0x38;
	[tilespmem:$0xE800] =	vst v63  }
0xa2: {  	s16 =	sadd.s32 $0x8000, s12;
	s17 =	simm.s32 $0xAC80  }
0xa3: {  	[hbm4b:s16+s3] =	stream.linear.scatter [tilespmem:s17], [sflag:$0x3], $0x80, $0x38;
	[tilespmem:$0xE800] =	vst v63  }
0xa4: {  	s16 =	sadd.s32 $0x8010, s12;
	s17 =	simm.s32 $0xAD08  }
0xa5: {  	[hbm4b:s16+s3] =	stream.linear.scatter [tilespmem:s17], [sflag:$0x3], $0x80, $0x38;
	[tilespmem:$0xE800] =	vst v63  }
0xa6: {  	s16 =	sadd.s32 $0x8020, s12;
	s17 =	simm.s32 $0xAD90  }
0xa7: {  	[hbm4b:s16+s3] =	stream.linear.scatter [tilespmem:s17], [sflag:$0x3], $0x80, $0x38;
	[tilespmem:$0xE800] =	vst v63  }
0xa8: {  	s16 =	sadd.s32 $0x8030, s12;
	s17 =	simm.s32 $0xAE18  }
0xa9: {  	[hbm4b:s16+s3] =	stream.linear.scatter [tilespmem:s17], [sflag:$0x3], $0x80, $0x38;
	[tilespmem:$0xE800] =	vst v63  }
0xaa: {  	s16 =	sadd.s32 $0x8040, s12;
	s17 =	simm.s32 $0xAEA0  }
0xab: {  	[hbm4b:s16+s3] =	stream.linear.scatter [tilespmem:s17], [sflag:$0x3], $0x80, $0x38;
	[tilespmem:$0xE800] =	vst v63  }
0xac: {  	s16 =	sadd.s32 $0x8050, s12;
	s17 =	simm.s32 $0xAF28  }
0xad: {  	[hbm4b:s16+s3] =	stream.linear.scatter [tilespmem:s17], [sflag:$0x3], $0x80, $0x38;
	[tilespmem:$0xE800] =	vst v63  }
0xae: {  	s16 =	sadd.s32 $0x8060, s12;
	s17 =	simm.s32 $0xAFB0  }
0xaf: {  	[hbm4b:s16+s3] =	stream.linear.scatter [tilespmem:s17], [sflag:$0x3], $0x80, $0x38;
	[tilespmem:$0xE800] =	vst v63  }
0xb0: {  	s16 =	sadd.s32 $0x8070, s12;
	s17 =	simm.s32 $0xB038  }
0xb1: {  	[hbm4b:s16+s3] =	stream.linear.scatter [tilespmem:s17], [sflag:$0x3], $0x80, $0x38;
	[tilespmem:$0xE800] =	vst v63  }
0xb2: {  	s16 =	sadd.s32 $0xC000, s12;
	s17 =	simm.s32 $0xB0C0  }
0xb3: {  	[hbm4b:s16+s3] =	stream.linear.scatter [tilespmem:s17], [sflag:$0x3], $0x80, $0x38;
	[tilespmem:$0xE800] =	vst v63  }
0xb4: {  	s16 =	sadd.s32 $0xC010, s12;
	s17 =	simm.s32 $0xB148  }
0xb5: {  	[hbm4b:s16+s3] =	stream.linear.scatter [tilespmem:s17], [sflag:$0x3], $0x80, $0x38;
	[tilespmem:$0xE800] =	vst v63  }
0xb6: {  	s16 =	sadd.s32 $0xC020, s12;
	s17 =	simm.s32 $0xB1D0  }
0xb7: {  	[hbm4b:s16+s3] =	stream.linear.scatter [tilespmem:s17], [sflag:$0x3], $0x80, $0x38;
	[tilespmem:$0xE800] =	vst v63  }
0xb8: {  	s16 =	sadd.s32 $0xC030, s12;
	s17 =	simm.s32 $0xB258  }
0xb9: {  	[hbm4b:s16+s3] =	stream.linear.scatter [tilespmem:s17], [sflag:$0x3], $0x80, $0x38;
	[tilespmem:$0xE800] =	vst v63  }
0xba: {  	s16 =	sadd.s32 $0xC040, s12;
	s17 =	simm.s32 $0xB2E0  }
0xbb: {  	[hbm4b:s16+s3] =	stream.linear.scatter [tilespmem:s17], [sflag:$0x3], $0x80, $0x38;
	[tilespmem:$0xE800] =	vst v63  }
0xbc: {  	s16 =	sadd.s32 $0xC050, s12;
	s17 =	simm.s32 $0xB368  }
0xbd: {  	[hbm4b:s16+s3] =	stream.linear.scatter [tilespmem:s17], [sflag:$0x3], $0x80, $0x38;
	[tilespmem:$0xE800] =	vst v63  }
0xbe: {  	s16 =	sadd.s32 $0xC060, s12;
	s17 =	simm.s32 $0xB3F0  }
0xbf: {  	[hbm4b:s16+s3] =	stream.linear.scatter [tilespmem:s17], [sflag:$0x3], $0x80, $0x38;
	[tilespmem:$0xE800] =	vst v63  }
0xc0: {  	s16 =	sadd.s32 $0xC070, s12;
	s17 =	simm.s32 $0xB478  }
0xc1: {  	[hbm4b:s16+s3] =	stream.linear.scatter [tilespmem:s17], [sflag:$0x3], $0x80, $0x38;
	[tilespmem:$0xE800] =	vst v63  }
0xc2: {  	s13 =	sadd.s32 $0x10000, s12;
	s17 =	simm.s32 $0xB500  }
0xc3: {  	[hbm4b:s13+s3] =	stream.linear.scatter [tilespmem:s17], [sflag:$0x3], $0x80, $0x38;
	[tilespmem:$0xE800] =	vst v63  }
0xc4: {  	s16 =	sadd.s32 $0x10, s13;
	s17 =	simm.s32 $0xB588  }
0xc5: {  	[hbm4b:s16+s3] =	stream.linear.scatter [tilespmem:s17], [sflag:$0x3], $0x80, $0x38;
	[tilespmem:$0xE800] =	vst v63  }
0xc6: {  	s16 =	sadd.s32 $0x20, s13;
	s17 =	simm.s32 $0xB610  }
0xc7: {  	[hbm4b:s16+s3] =	stream.linear.scatter [tilespmem:s17], [sflag:$0x3], $0x80, $0x38;
	[tilespmem:$0xE800] =	vst v63  }
0xc8: {  	s16 =	sadd.s32 $0x30, s13;
	s17 =	simm.s32 $0xB698  }
0xc9: {  	[hbm4b:s16+s3] =	stream.linear.scatter [tilespmem:s17], [sflag:$0x3], $0x80, $0x38;
	[tilespmem:$0xE800] =	vst v63  }
0xca: {  	s16 =	sadd.s32 $0x40, s13;
	s17 =	simm.s32 $0xB720  }
0xcb: {  	[hbm4b:s16+s3] =	stream.linear.scatter [tilespmem:s17], [sflag:$0x3], $0x80, $0x38;
	[tilespmem:$0xE800] =	vst v63  }
0xcc: {  	s16 =	sadd.s32 $0x50, s13;
	s17 =	simm.s32 $0xB7A8  }
0xcd: {  	[hbm4b:s16+s3] =	stream.linear.scatter [tilespmem:s17], [sflag:$0x3], $0x80, $0x38;
	[tilespmem:$0xE800] =	vst v63  }
0xce: {  	s16 =	sadd.s32 $0x60, s13;
	s17 =	simm.s32 $0xB830  }
0xcf: {  	[hbm4b:s16+s3] =	stream.linear.scatter [tilespmem:s17], [sflag:$0x3], $0x80, $0x38;
	[tilespmem:$0xE800] =	vst v63  }
0xd0: {  	s13 =	sadd.s32 $0x70, s13;
	s17 =	simm.s32 $0xB8B8  }
0xd1: {  	[hbm4b:s13+s3] =	stream.linear.scatter [tilespmem:s17], [sflag:$0x3], $0x80, $0x38;
	[tilespmem:$0xE800] =	vst v63  }
0xd2: {  	s13 =	sadd.s32 $0x14000, s12;
	s17 =	simm.s32 $0xB940  }
0xd3: {  	[hbm4b:s13+s3] =	stream.linear.scatter [tilespmem:s17], [sflag:$0x3], $0x80, $0x38;
	[tilespmem:$0xE800] =	vst v63  }
0xd4: {  	s16 =	sadd.s32 $0x10, s13;
	s17 =	simm.s32 $0xB9C8  }
0xd5: {  	[hbm4b:s16+s3] =	stream.linear.scatter [tilespmem:s17], [sflag:$0x3], $0x80, $0x38;
	[tilespmem:$0xE800] =	vst v63  }
0xd6: {  	s16 =	sadd.s32 $0x20, s13;
	s17 =	simm.s32 $0xBA50  }
0xd7: {  	[hbm4b:s16+s3] =	stream.linear.scatter [tilespmem:s17], [sflag:$0x3], $0x80, $0x38;
	[tilespmem:$0xE800] =	vst v63  }
0xd8: {  	s16 =	sadd.s32 $0x30, s13;
	s17 =	simm.s32 $0xBAD8  }
0xd9: {  	[hbm4b:s16+s3] =	stream.linear.scatter [tilespmem:s17], [sflag:$0x3], $0x80, $0x38;
	[tilespmem:$0xE800] =	vst v63  }
0xda: {  	s16 =	sadd.s32 $0x40, s13;
	s17 =	simm.s32 $0xBB60  }
0xdb: {  	[hbm4b:s16+s3] =	stream.linear.scatter [tilespmem:s17], [sflag:$0x3], $0x80, $0x38;
	[tilespmem:$0xE800] =	vst v63  }
0xdc: {  	s16 =	sadd.s32 $0x50, s13;
	s17 =	simm.s32 $0xBBE8  }
0xdd: {  	[hbm4b:s16+s3] =	stream.linear.scatter [tilespmem:s17], [sflag:$0x3], $0x80, $0x38;
	[tilespmem:$0xE800] =	vst v63  }
0xde: {  	s16 =	sadd.s32 $0x60, s13;
	s17 =	simm.s32 $0xBC70  }
0xdf: {  	[hbm4b:s16+s3] =	stream.linear.scatter [tilespmem:s17], [sflag:$0x3], $0x80, $0x38;
	[tilespmem:$0xE800] =	vst v63  }
0xe0: {  	s13 =	sadd.s32 $0x70, s13;
	s17 =	simm.s32 $0xBCF8  }
0xe1: {  	[hbm4b:s13+s3] =	stream.linear.scatter [tilespmem:s17], [sflag:$0x3], $0x80, $0x38;
	[tilespmem:$0xE800] =	vst v63  }
0xe2: {  	s13 =	sadd.s32 $0x18000, s12;
	s17 =	simm.s32 $0xBD80  }
0xe3: {  	[hbm4b:s13+s3] =	stream.linear.scatter [tilespmem:s17], [sflag:$0x3], $0x80, $0x38;
	[tilespmem:$0xE800] =	vst v63  }
0xe4: {  	s16 =	sadd.s32 $0x10, s13;
	s17 =	simm.s32 $0xBE08  }
0xe5: {  	[hbm4b:s16+s3] =	stream.linear.scatter [tilespmem:s17], [sflag:$0x3], $0x80, $0x38;
	[tilespmem:$0xE800] =	vst v63  }
0xe6: {  	s16 =	sadd.s32 $0x20, s13;
	s17 =	simm.s32 $0xBE90  }
0xe7: {  	[hbm4b:s16+s3] =	stream.linear.scatter [tilespmem:s17], [sflag:$0x3], $0x80, $0x38;
	[tilespmem:$0xE800] =	vst v63  }
0xe8: {  	s16 =	sadd.s32 $0x30, s13;
	s17 =	simm.s32 $0xBF18  }
0xe9: {  	[hbm4b:s16+s3] =	stream.linear.scatter [tilespmem:s17], [sflag:$0x3], $0x80, $0x38;
	[tilespmem:$0xE800] =	vst v63  }
0xea: {  	s16 =	sadd.s32 $0x40, s13;
	s17 =	simm.s32 $0xBFA0  }
0xeb: {  	[hbm4b:s16+s3] =	stream.linear.scatter [tilespmem:s17], [sflag:$0x3], $0x80, $0x38;
	[tilespmem:$0xE800] =	vst v63  }
0xec: {  	s16 =	sadd.s32 $0x50, s13;
	s17 =	simm.s32 $0xC028  }
0xed: {  	[hbm4b:s16+s3] =	stream.linear.scatter [tilespmem:s17], [sflag:$0x3], $0x80, $0x38;
	[tilespmem:$0xE800] =	vst v63  }
0xee: {  	s16 =	sadd.s32 $0x60, s13;
	s17 =	simm.s32 $0xC0B0  }
0xef: {  	[hbm4b:s16+s3] =	stream.linear.scatter [tilespmem:s17], [sflag:$0x3], $0x80, $0x38;
	[tilespmem:$0xE800] =	vst v63  }
0xf0: {  	s13 =	sadd.s32 $0x70, s13;
	s17 =	simm.s32 $0xC138  }
0xf1: {  	[hbm4b:s13+s3] =	stream.linear.scatter [tilespmem:s17], [sflag:$0x3], $0x80, $0x38;
	[tilespmem:$0xE800] =	vst v63  }
0xf2: {  	s12 =	sadd.s32 $0x1C000, s12;
	s17 =	simm.s32 $0xC1C0  }
0xf3: {  	[hbm4b:s12+s3] =	stream.linear.scatter [tilespmem:s17], [sflag:$0x3], $0x80, $0x38;
	[tilespmem:$0xE800] =	vst v63  }
0xf4: {  	s16 =	sadd.s32 $0x10, s12;
	s17 =	simm.s32 $0xC248  }
0xf5: {  	[hbm4b:s16+s3] =	stream.linear.scatter [tilespmem:s17], [sflag:$0x3], $0x80, $0x38;
	[tilespmem:$0xE800] =	vst v63  }
0xf6: {  	s16 =	sadd.s32 $0x20, s12;
	s17 =	simm.s32 $0xC2D0  }
0xf7: {  	[hbm4b:s16+s3] =	stream.linear.scatter [tilespmem:s17], [sflag:$0x3], $0x80, $0x38;
	[tilespmem:$0xE800] =	vst v63  }
0xf8: {  	s16 =	sadd.s32 $0x30, s12;
	s17 =	simm.s32 $0xC358  }
0xf9: {  	[hbm4b:s16+s3] =	stream.linear.scatter [tilespmem:s17], [sflag:$0x3], $0x80, $0x38;
	[tilespmem:$0xE800] =	vst v63  }
0xfa: {  	s16 =	sadd.s32 $0x40, s12;
	s17 =	simm.s32 $0xC3E0  }
0xfb: {  	[hbm4b:s16+s3] =	stream.linear.scatter [tilespmem:s17], [sflag:$0x3], $0x80, $0x38;
	[tilespmem:$0xE800] =	vst v63  }
0xfc: {  	p1 =	sne.s32 s9, $0x63;
	s16 =	sadd.s32 $0x50, s12;
	s17 =	simm.s32 $0xC468  }
0xfd: {  	[hbm4b:s16+s3] =	stream.linear.scatter [tilespmem:s17], [sflag:$0x3], $0x80, $0x38;
	[tilespmem:$0xE800] =	vst v63  }
.Ltmp1:
0xfe: {  	_ = 	snop;
	(pc) =	sbr.rel @p1 .LBB2_6-.Ltmp1, $4  }
0xff: {  	s16 =	sadd.s32 $0x60, s12;
	s17 =	simm.s32 $0xC4F0  }
0x100: {  	[hbm4b:s16+s3] =	stream.linear.scatter [tilespmem:s17], [sflag:$0x3], $0x80, $0x38;
	[tilespmem:$0xE800] =	vst v63  }
0x101: {  	s12 =	sadd.s32 $0x70, s12;
	s17 =	simm.s32 $0xC578  }
0x102: {  	[hbm4b:s12+s3] =	stream.linear.scatter [tilespmem:s17], [sflag:$0x3], $0x80, $0x38;
	[tilespmem:$0xE800] =	vst v63  }
.Ltmp2:
0x103: {  	(pc) =	sbr.rel .LBB2_7-.Ltmp2, $4  }
0x104: {  	_ = 	snop  }
0x105: {  	_ =	swait.ge [sflag:s1], $0x2000  }
0x106: {  	[sflag:s1] =	ssyncset.done $0x0  }
0x107: {  	[sflag:s1] =	ssyncadd.s32 $0xFFFFE000  }
.LBB2_6:
0x108: {  	s10 =	sshll.u32 s10, $0x7  }
0x109: {  	s10 =	sadd.s32 $0x100, s10  }
.Ltmp3:
0x10a: {  	s12 =	simm.s32 $0x6400;
	s10 =	sand.u32 $0xFF00, s10;
	(pc) =	sbr.rel @p0 .LBB2_8-.Ltmp3, $4  }
0x10b: {  	[tilespmem:s12], [sflag:$0x1] =	stream.indirect.gather [hbm4b:s4+s11], $0x40, s10, s11, $0xb8;
	[tilespmem:$0xE800] =	vst v63  }
0x10c: {  	_ =	swait.ge [sflag:s1], $0x2000  }
0x10d: {  	[sflag:s1] =	ssyncset.done $0x0  }
0x10e: {  	[sflag:s1] =	ssyncadd.s32 $0xFFFFE000  }
.LBB2_7:
0x10f: {  	_ =	swait.ge [sflag:s0], $0x400  }
0x110: {  	[sflag:s0] =	ssyncset.done $0x0  }
0x111: {  	[sflag:s0] =	ssyncadd.s32 $0xFFFFFC00  }
0x112: {  	_ =	swait.ge [sflag:s0], $0x400  }
0x113: {  	[sflag:s0] =	ssyncset.done $0x0  }
0x114: {  	[sflag:s0] =	ssyncadd.s32 $0xFFFFFC00  }
0x115: {  	_ =	swait.ge [sflag:s0], $0x400  }
0x116: {  	[sflag:s0] =	ssyncset.done $0x0  }
0x117: {  	[sflag:s0] =	ssyncadd.s32 $0xFFFFFC00  }
0x118: {  	_ =	swait.ge [sflag:s0], $0x400  }
0x119: {  	[sflag:s0] =	ssyncset.done $0x0  }
0x11a: {  	[sflag:s0] =	ssyncadd.s32 $0xFFFFFC00  }
0x11b: {  	_ =	swait.ge [sflag:s0], $0x400  }
0x11c: {  	[sflag:s0] =	ssyncset.done $0x0  }
0x11d: {  	[sflag:s0] =	ssyncadd.s32 $0xFFFFFC00  }
0x11e: {  	_ =	swait.ge [sflag:s0], $0x400  }
0x11f: {  	[sflag:s0] =	ssyncset.done $0x0  }
0x120: {  	[sflag:s0] =	ssyncadd.s32 $0xFFFFFC00  }
0x121: {  	_ =	swait.ge [sflag:s0], $0x400  }
0x122: {  	[sflag:s0] =	ssyncset.done $0x0  }
0x123: {  	[sflag:s0] =	ssyncadd.s32 $0xFFFFFC00  }
0x124: {  	_ =	swait.ge [sflag:s0], $0x400  }
0x125: {  	[sflag:s0] =	ssyncset.done $0x0  }
0x126: {  	[sflag:s0] =	ssyncadd.s32 $0xFFFFFC00  }
.LBB2_8:
0x127: {  	s10 =	simm.s32 $0x3  }
0x128: {  	s17 =	simm.s32 $0x0;
	v4 =	vmov s10  }
0x129: {  	s12 =	simm.s32 $0x84F0;
	v5 =	vand.u32 $0x7F, v4;
	v4 =	vmov s17  }
0x12a: {  	s13 =	simm.s32 $0x1;
	v7 =	vld [tilespmem:s12+$0xFFFFFFD0];
	v8 =	vadd.s32 v0, v5;
	v6 =	vand.u32 $0x7C, v4  }
0x12b: {  	v9 =	vld [tilespmem:s12+$0xFFFFFF10];
	v4 =	vmov s13;
	v10 =	vadd.s32 v0, v6  }
0x12c: {  	s16 =	simm.s32 $0x2;
	v11 =	vand.u32 $0x7D, v4  }
0x12d: {  	v13 =	vmov s16;
	v4 =	vld [tilespmem:s12+$0xFFFFFF50];
	v12 =	vadd.s32 v0, v11  }
0x12e: {  	v13 =	vand.u32 $0x7E, v13  }
0x12f: {  	v14 =	vld [tilespmem:s12+$0xFFFFFF90];
	v15 =	vadd.s32 v0, v13;
	[tilespmem:v8+s8+$0x0] =	vst.idx.msk $0xffff, v7  }
0x130: {  	v8 =	vadd.s32 v1, v5;
	v7 =	vld [tilespmem:s12+$0xFFFFFFE0];
	[tilespmem:v10+s8+$0x0] =	vst.idx.msk $0xffff, v9  }
0x131: {  	v10 =	vadd.s32 v1, v6;
	v9 =	vld [tilespmem:s12+$0xFFFFFF20]  }
0x132: {  	[tilespmem:v12+s8+$0x0] =	vst.idx.msk $0xffff, v4  }
0x133: {  	v12 =	vadd.s32 v1, v11;
	v4 =	vld [tilespmem:s12+$0xFFFFFF60]  }
0x134: {  	[tilespmem:v15+s8+$0x0] =	vst.idx.msk $0xffff, v14  }
0x135: {  	s17 =	simm.s32 $0x7;
	v16 =	vadd.s32 v1, v13;
	v15 =	vld [tilespmem:s12+$0xFFFFFFA0];
	[tilespmem:v8+s8+$0x0] =	vst.idx.msk $0xffff, v7  }
0x136: {  	v14 =	vadd.s32 v2, v5;
	v8 =	vmov s17;
	v7 =	vld [tilespmem:s12+$0xFFFFFFF0];
	[tilespmem:v10+s8+$0x0] =	vst.idx.msk $0xffff, v9  }
0x137: {  	s10 =	simm.s32 $0x85F0;
	v10 =	vadd.s32 v2, v6;
	v8 =	vand.u32 $0x7F, v8;
	v9 =	vld [tilespmem:s12+$0xFFFFFF30]  }
0x138: {  	v18 =	vld [tilespmem:s10+$0xFFFFFFD0];
	s13 =	simm.s32 $0x4;
	[tilespmem:v12+s8+$0x0] =	vst.idx.msk $0xffff, v4;
	v19 =	vadd.s32 v0, v8  }
0x139: {  	s16 =	simm.s32 $0x5;
	v17 =	vadd.s32 v2, v11;
	v4 =	vmov s13;
	v12 =	vld [tilespmem:s12+$0xFFFFFF70]  }
0x13a: {  	v22 =	vmov s16;
	s17 =	simm.s32 $0x6;
	[tilespmem:v16+s8+$0x0] =	vst.idx.msk $0xffff, v15;
	v4 =	vand.u32 $0x7C, v4  }
0x13b: {  	v20 =	vld [tilespmem:s10+$0xFFFFFF10];
	v21 =	vadd.s32 v0, v4;
	[tilespmem:v14+s8+$0x0] =	vst.idx.msk $0xffff, v7;
	v7 =	vand.u32 $0x7D, v22;
	v14 =	vmov s17  }
0x13c: {  	v16 =	vadd.s32 v3, v5;
	[tilespmem:v10+s8+$0x0] =	vst.idx.msk $0xffff, v9;
	v9 =	vld [tilespmem:s10+$0xFFFFFF50];
	v10 =	vadd.s32 v0, v7;
	v5 =	vand.u32 $0x7E, v14  }
0x13d: {  	v14 =	vld [tilespmem:s10+$0xFFFFFF90];
	[tilespmem:v19+s8+$0x0] =	vst.idx.msk $0xffff, v18;
	v63 =	vadd.s32 v0, v5  }
0x13e: {  	v18 =	vadd.s32 v2, v13;
	[tilespmem:v17+s8+$0x0] =	vst.idx.msk $0xffff, v12;
	v12 =	vld [tilespmem:s12+$0xFFFFFFB0]  }
0x13f: {  	v15 =	vld [tilespmem:s12+$0x0]  }
0x140: {  	v19 =	vld [tilespmem:s10+$0xFFFFFFE0];
	[tilespmem:v21+s8+$0x0] =	vst.idx.msk $0xffff, v20;
	v20 =	vadd.s32 v1, v8  }
0x141: {  	v23 =	vadd.s32 v1, v4;
	v21 =	vld [tilespmem:s10+$0xFFFFFF20];
	[tilespmem:v10+s8+$0x0] =	vst.idx.msk $0xffff, v9  }
0x142: {  	v25 =	vadd.s32 v3, v11;
	v24 =	vld [tilespmem:s12+$0xFFFFFF80];
	[tilespmem:v63+s8+$0x0] =	vst.idx.msk $0xffff, v14  }
0x143: {  	v17 =	vld [tilespmem:s10+$0xFFFFFF60];
	[tilespmem:v18+s8+$0x0] =	vst.idx.msk $0xffff, v12;
	v18 =	vadd.s32 v1, v7  }
0x144: {  	[tilespmem:v16+s8+$0x0] =	vst.idx.msk $0xffff, v15;
	v16 =	vadd.s32 v1, v5;
	v14 =	vld [tilespmem:s10+$0xFFFFFFA0]  }
0x145: {  	v15 =	vadd.s32 v3, v13;
	[tilespmem:v20+s8+$0x0] =	vst.idx.msk $0xffff, v19;
	v11 =	vld [tilespmem:s12+$0xFFFFFFC0]  }
0x146: {  	v12 =	vadd.s32 v2, v8;
	[tilespmem:v23+s8+$0x0] =	vst.idx.msk $0xffff, v21;
	v9 =	vld [tilespmem:s10+$0xFFFFFFF0]  }
0x147: {  	s16 =	simm.s32 $0xC;
	s13 =	simm.s32 $0x8;
	s17 =	simm.s32 $0xB;
	v13 =	vadd.s32 v2, v4;
	[tilespmem:v25+s8+$0x0] =	vst.idx.msk $0xffff, v24;
	v10 =	vld [tilespmem:s10+$0xFFFFFF30]  }
.LBB2_9:
0x148: {  	p0 =	slt.u32 s16, $0x7C;
	v19 =	vmov s17;
	[tilespmem:v18+s8+$0x0] =	vst.idx.msk $0xffff, v17;
	v17 =	vld [tilespmem:s12+$0xFFFFFF40];
	v18 =	vadd.s32 v3, v6;
	v6 =	vmov v4;
	s12 =	smov.u32 s10  }
0x149: {  	v4 =	vmov s13;
	v21 =	vadd.s32 v2, v7;
	s10 =	sadd.s32 $0x100, s10;
	v19 =	vand.u32 $0x7F, v19;
	v20 =	vld [tilespmem:s12+$0xFFFFFF70];
	[tilespmem:v16+s8+$0x0] =	vst.idx.msk $0xffff, v14  }
0x14a: {  	s17 =	sadd.s32 $0x1, s13;
	v4 =	vand.u32 $0x7C, v4;
	v14 =	vld [tilespmem:s10+$0xFFFFFFD0];
	v16 =	vadd.s32 v0, v19;
	[tilespmem:v15+s8+$0x0] =	vst.idx.msk $0xffff, v11  }
0x14b: {  	v22 =	vmov s17;
	s17 =	sadd.s32 $0x2, s13;
	s13 =	smov.u32 s16;
	v15 =	vadd.s32 v0, v4;
	v11 =	vld [tilespmem:s10+$0xFFFFFF10];
	[tilespmem:v12+s8+$0x0] =	vst.idx.msk $0xffff, v9  }
0x14c: {  	v9 =	vand.u32 $0x7D, v22;
	v12 =	vmov s17;
	[tilespmem:v13+s8+$0x0] =	vst.idx.msk $0xffff, v10;
	v10 =	vld [tilespmem:s12+$0x0];
	v13 =	vadd.s32 v3, v8;
	v8 =	vmovc v19  }
0x14d: {  	v22 =	vadd.s32 v0, v9;
	v12 =	vand.u32 $0x7E, v12;
	v19 =	vld [tilespmem:s10+$0xFFFFFF50];
	[tilespmem:v18+s8+$0x0] =	vst.idx.msk $0xffff, v17  }
0x14e: {  	v24 =	vadd.s32 v0, v12;
	v23 =	vld [tilespmem:s10+$0xFFFFFF90];
	[tilespmem:v21+s8+$0x0] =	vst.idx.msk $0xffff, v20  }
0x14f: {  	v21 =	vadd.s32 v2, v5;
	[tilespmem:v16+s8+$0x0] =	vst.idx.msk $0xffff, v14;
	v20 =	vld [tilespmem:s12+$0xFFFFFFB0]  }
0x150: {  	[tilespmem:v15+s8+$0x0] =	vst.idx.msk $0xffff, v11;
	v11 =	vld [tilespmem:s10+$0xFFFFFFE0];
	v15 =	vadd.s32 v1, v8  }
0x151: {  	v26 =	vadd.s32 v1, v4;
	v25 =	vld [tilespmem:s10+$0xFFFFFF20];
	[tilespmem:v13+s8+$0x0] =	vst.idx.msk $0xffff, v10  }
0x152: {  	[tilespmem:v22+s8+$0x0] =	vst.idx.msk $0xffff, v19;
	v19 =	vld [tilespmem:s12+$0xFFFFFF80];
	v22 =	vadd.s32 v3, v7;
	v7 =	vmov v9  }
.Ltmp4:
0x153: {  	v17 =	vld [tilespmem:s10+$0xFFFFFF60];
	v18 =	vadd.s32 v1, v7;
	[tilespmem:v24+s8+$0x0] =	vst.idx.msk $0xffff, v23;
	(pc) =	sbr.rel @p0 .LBB2_9-.Ltmp4, $4  }
0x154: {  	v16 =	vadd.s32 v1, v12;
	v14 =	vld [tilespmem:s10+$0xFFFFFFA0];
	[tilespmem:v21+s8+$0x0] =	vst.idx.msk $0xffff, v20  }
0x155: {  	[tilespmem:v15+s8+$0x0] =	vst.idx.msk $0xffff, v11;
	v11 =	vld [tilespmem:s12+$0xFFFFFFC0];
	v15 =	vadd.s32 v3, v5;
	v5 =	vmov v12  }
0x156: {  	v12 =	vadd.s32 v2, v8;
	[tilespmem:v26+s8+$0x0] =	vst.idx.msk $0xffff, v25;
	v9 =	vld [tilespmem:s10+$0xFFFFFFF0]  }
0x157: {  	s16 =	sadd.s32 $0x4, s16;
	s17 =	sadd.s32 $0x3, s13;
	v13 =	vadd.s32 v2, v4;
	v10 =	vld [tilespmem:s10+$0xFFFFFF30];
	[tilespmem:v22+s8+$0x0] =	vst.idx.msk $0xffff, v19  }
0x158: {  	_ =	sdelay $0x2  }
0x159: {  	v19 =	vmov s17  }
0x15a: {  	s16 =	sadd.s32 $0x1, s13;
	[tilespmem:v18+s8+$0x0] =	vst.idx.msk $0xffff, v17;
	v30 =	vld [tilespmem:s12+$0xFFFFFF40];
	v6 =	vadd.s32 v3, v6;
	s12 =	sadd.s32 $0x100, s10;
	v21 =	vmov s13;
	v31 =	vand.u32 $0x7F, v19  }
0x15b: {  	s17 =	sadd.s32 $0x2, s13;
	v32 =	vmov s16;
	[tilespmem:v16+s8+$0x0] =	vst.idx.msk $0xffff, v14;
	v33 =	vld [tilespmem:s12+$0xFFFFFFD0];
	v21 =	vand.u32 $0x7C, v21;
	v34 =	vadd.s32 v0, v31  }
0x15c: {  	v20 =	vmov s17;
	v22 =	vld [tilespmem:s12+$0xFFFFFF10];
	v19 =	vand.u32 $0x7D, v32;
	[tilespmem:v15+s8+$0x0] =	vst.idx.msk $0xffff, v11;
	v39 =	vadd.s32 v0, v21  }
0x15d: {  	v35 =	vld [tilespmem:s12+$0xFFFFFF50];
	v20 =	vand.u32 $0x7E, v20;
	v36 =	vadd.s32 v0, v19;
	[tilespmem:v12+s8+$0x0] =	vst.idx.msk $0xffff, v9  }
0x15e: {  	v37 =	vld [tilespmem:s12+$0xFFFFFF90];
	v38 =	vadd.s32 v0, v20;
	[tilespmem:v13+s8+$0x0] =	vst.idx.msk $0xffff, v10  }
0x15f: {  	v41 =	vadd.s32 v2, v7;
	v40 =	vld [tilespmem:s10+$0xFFFFFF70];
	[tilespmem:v6+s8+$0x0] =	vst.idx.msk $0xffff, v30  }
0x160: {  	v49 =	vadd.s32 v2, v5;
	v48 =	vld [tilespmem:s10+$0xFFFFFFB0];
	[tilespmem:v34+s8+$0x0] =	vst.idx.msk $0xffff, v33  }
0x161: {  	v43 =	vadd.s32 v1, v31;
	[tilespmem:v39+s8+$0x0] =	vst.idx.msk $0xffff, v22;
	v14 =	vld [tilespmem:s12+$0xFFFFFFE0]  }
0x162: {  	v47 =	vadd.s32 v1, v21;
	[tilespmem:v36+s8+$0x0] =	vst.idx.msk $0xffff, v35;
	v46 =	vld [tilespmem:s12+$0xFFFFFF20]  }
0x163: {  	v44 =	vadd.s32 v1, v19;
	[tilespmem:v38+s8+$0x0] =	vst.idx.msk $0xffff, v37;
	v11 =	vld [tilespmem:s12+$0xFFFFFF60]  }
0x164: {  	v45 =	vadd.s32 v1, v20;
	[tilespmem:v41+s8+$0x0] =	vst.idx.msk $0xffff, v40;
	v9 =	vld [tilespmem:s12+$0xFFFFFFA0]  }
0x165: {  	v8 =	vadd.s32 v3, v8;
	v42 =	vld [tilespmem:s10+$0x0];
	[tilespmem:v49+s8+$0x0] =	vst.idx.msk $0xffff, v48  }
0x166: {  	v5 =	vadd.s32 v3, v5;
	v13 =	vld [tilespmem:s10+$0xFFFFFFC0];
	[tilespmem:v43+s8+$0x0] =	vst.idx.msk $0xffff, v14  }
0x167: {  	v52 =	vadd.s32 v2, v31;
	[tilespmem:v47+s8+$0x0] =	vst.idx.msk $0xffff, v46;
	v14 =	vld [tilespmem:s12+$0xFFFFFFF0]  }
0x168: {  	v57 =	vadd.s32 v2, v21;
	[tilespmem:v44+s8+$0x0] =	vst.idx.msk $0xffff, v11;
	v56 =	vld [tilespmem:s12+$0xFFFFFF30]  }
0x169: {  	v53 =	vadd.s32 v2, v19;
	[tilespmem:v45+s8+$0x0] =	vst.idx.msk $0xffff, v9;
	v11 =	vld [tilespmem:s12+$0xFFFFFF70]  }
0x16a: {  	v55 =	vadd.s32 v2, v20;
	[tilespmem:v8+s8+$0x0] =	vst.idx.msk $0xffff, v42;
	v54 =	vld [tilespmem:s12+$0xFFFFFFB0]  }
0x16b: {  	v4 =	vadd.s32 v3, v4;
	v58 =	vld [tilespmem:s10+$0xFFFFFF40];
	[tilespmem:v5+s8+$0x0] =	vst.idx.msk $0xffff, v13  }
0x16c: {  	v51 =	vadd.s32 v3, v7;
	v50 =	vld [tilespmem:s10+$0xFFFFFF80];
	[tilespmem:v52+s8+$0x0] =	vst.idx.msk $0xffff, v14  }
0x16d: {  	v60 =	vadd.s32 v3, v31;
	[tilespmem:v57+s8+$0x0] =	vst.idx.msk $0xffff, v56;
	v59 =	vld [tilespmem:s12+$0x0]  }
0x16e: {  	v63 =	vadd.s32 v3, v21;
	[tilespmem:v53+s8+$0x0] =	vst.idx.msk $0xffff, v11;
	v5 =	vld [tilespmem:s12+$0xFFFFFF40]  }
0x16f: {  	v61 =	vadd.s32 v3, v19;
	[tilespmem:v55+s8+$0x0] =	vst.idx.msk $0xffff, v54;
	v11 =	vld [tilespmem:s12+$0xFFFFFF80]  }
0x170: {  	s5 =	sand.u32 $0x3, s5;
	v62 =	vadd.s32 v3, v20;
	[tilespmem:v4+s8+$0x0] =	vst.idx.msk $0xffff, v58;
	v6 =	vld [tilespmem:s12+$0xFFFFFFC0]  }
0x171: {  	s5 =	sor.u32 s6, s5;
	[tilespmem:v51+s8+$0x0] =	vst.idx.msk $0xffff, v50  }
0x172: {  	s5 =	sshll.u32 s5, $0xA;
	[tilespmem:v60+s8+$0x0] =	vst.idx.msk $0xffff, v59  }
0x173: {  	s5 =	sor.u32 s7, s5;
	[tilespmem:v63+s8+$0x0] =	vst.idx.msk $0xffff, v5  }
0x174: {  	s5 =	sshrl.u32 s5, $0x3;
	[tilespmem:v61+s8+$0x0] =	vst.idx.msk $0xffff, v11  }
0x175: {  	s5 =	sadd.s32 s2, s5;
	[tilespmem:v62+s8+$0x0] =	vst.idx.msk $0xffff, v6  }
0x176: {  	[hbm4b:s5+s3] =	stream.linear.scatter [tilespmem:s8], [sflag:$0x4], $0x80, $0x38;
	[tilespmem:$0xE800] =	vst v63  }
0x177: {  	s13 =	simm.s32 $0xC688;
	s12 =	sadd.s32 $0x10, s5  }
0x178: {  	[hbm4b:s12+s3] =	stream.linear.scatter [tilespmem:s13], [sflag:$0x4], $0x80, $0x38;
	[tilespmem:$0xE800] =	vst v63  }
0x179: {  	s17 =	simm.s32 $0xC710;
	s16 =	sadd.s32 $0x20, s5  }
0x17a: {  	[hbm4b:s16+s3] =	stream.linear.scatter [tilespmem:s17], [sflag:$0x4], $0x80, $0x38;
	[tilespmem:$0xE800] =	vst v63  }
0x17b: {  	s12 =	sadd.s32 $0x30, s5;
	s13 =	simm.s32 $0xC798  }
0x17c: {  	[hbm4b:s12+s3] =	stream.linear.scatter [tilespmem:s13], [sflag:$0x4], $0x80, $0x38;
	[tilespmem:$0xE800] =	vst v63  }
0x17d: {  	s16 =	sadd.s32 $0x40, s5;
	s17 =	simm.s32 $0xC820  }
0x17e: {  	[hbm4b:s16+s3] =	stream.linear.scatter [tilespmem:s17], [sflag:$0x4], $0x80, $0x38;
	[tilespmem:$0xE800] =	vst v63  }
0x17f: {  	s12 =	sadd.s32 $0x50, s5;
	s13 =	simm.s32 $0xC8A8  }
0x180: {  	[hbm4b:s12+s3] =	stream.linear.scatter [tilespmem:s13], [sflag:$0x4], $0x80, $0x38;
	[tilespmem:$0xE800] =	vst v63  }
0x181: {  	s16 =	sadd.s32 $0x60, s5;
	s17 =	simm.s32 $0xC930  }
0x182: {  	[hbm4b:s16+s3] =	stream.linear.scatter [tilespmem:s17], [sflag:$0x4], $0x80, $0x38;
	[tilespmem:$0xE800] =	vst v63  }
0x183: {  	s12 =	sadd.s32 $0x70, s5;
	s13 =	simm.s32 $0xC9B8  }
0x184: {  	[hbm4b:s12+s3] =	stream.linear.scatter [tilespmem:s13], [sflag:$0x4], $0x80, $0x38;
	[tilespmem:$0xE800] =	vst v63  }
0x185: {  	s16 =	sadd.s32 $0x4000, s5;
	s17 =	simm.s32 $0xCA40  }
0x186: {  	[hbm4b:s16+s3] =	stream.linear.scatter [tilespmem:s17], [sflag:$0x4], $0x80, $0x38;
	[tilespmem:$0xE800] =	vst v63  }
0x187: {  	s12 =	sadd.s32 $0x4010, s5;
	s13 =	simm.s32 $0xCAC8  }
0x188: {  	[hbm4b:s12+s3] =	stream.linear.scatter [tilespmem:s13], [sflag:$0x4], $0x80, $0x38;
	[tilespmem:$0xE800] =	vst v63  }
0x189: {  	s16 =	sadd.s32 $0x4020, s5;
	s17 =	simm.s32 $0xCB50  }
0x18a: {  	[hbm4b:s16+s3] =	stream.linear.scatter [tilespmem:s17], [sflag:$0x4], $0x80, $0x38;
	[tilespmem:$0xE800] =	vst v63  }
0x18b: {  	s12 =	sadd.s32 $0x4030, s5;
	s13 =	simm.s32 $0xCBD8  }
0x18c: {  	[hbm4b:s12+s3] =	stream.linear.scatter [tilespmem:s13], [sflag:$0x4], $0x80, $0x38;
	[tilespmem:$0xE800] =	vst v63  }
0x18d: {  	s16 =	sadd.s32 $0x4040, s5;
	s17 =	simm.s32 $0xCC60  }
0x18e: {  	[hbm4b:s16+s3] =	stream.linear.scatter [tilespmem:s17], [sflag:$0x4], $0x80, $0x38;
	[tilespmem:$0xE800] =	vst v63  }
0x18f: {  	s12 =	sadd.s32 $0x4050, s5;
	s13 =	simm.s32 $0xCCE8  }
0x190: {  	[hbm4b:s12+s3] =	stream.linear.scatter [tilespmem:s13], [sflag:$0x4], $0x80, $0x38;
	[tilespmem:$0xE800] =	vst v63  }
0x191: {  	s16 =	sadd.s32 $0x4060, s5;
	s17 =	simm.s32 $0xCD70  }
0x192: {  	[hbm4b:s16+s3] =	stream.linear.scatter [tilespmem:s17], [sflag:$0x4], $0x80, $0x38;
	[tilespmem:$0xE800] =	vst v63  }
0x193: {  	s12 =	sadd.s32 $0x4070, s5;
	s13 =	simm.s32 $0xCDF8  }
0x194: {  	[hbm4b:s12+s3] =	stream.linear.scatter [tilespmem:s13], [sflag:$0x4], $0x80, $0x38;
	[tilespmem:$0xE800] =	vst v63  }
0x195: {  	s16 =	sadd.s32 $0x8000, s5;
	s17 =	simm.s32 $0xCE80  }
0x196: {  	[hbm4b:s16+s3] =	stream.linear.scatter [tilespmem:s17], [sflag:$0x4], $0x80, $0x38;
	[tilespmem:$0xE800] =	vst v63  }
0x197: {  	s12 =	sadd.s32 $0x8010, s5;
	s13 =	simm.s32 $0xCF08  }
0x198: {  	[hbm4b:s12+s3] =	stream.linear.scatter [tilespmem:s13], [sflag:$0x4], $0x80, $0x38;
	[tilespmem:$0xE800] =	vst v63  }
0x199: {  	s16 =	sadd.s32 $0x8020, s5;
	s17 =	simm.s32 $0xCF90  }
0x19a: {  	[hbm4b:s16+s3] =	stream.linear.scatter [tilespmem:s17], [sflag:$0x4], $0x80, $0x38;
	[tilespmem:$0xE800] =	vst v63  }
0x19b: {  	s12 =	sadd.s32 $0x8030, s5;
	s13 =	simm.s32 $0xD018  }
0x19c: {  	[hbm4b:s12+s3] =	stream.linear.scatter [tilespmem:s13], [sflag:$0x4], $0x80, $0x38;
	[tilespmem:$0xE800] =	vst v63  }
0x19d: {  	s16 =	sadd.s32 $0x8040, s5;
	s17 =	simm.s32 $0xD0A0  }
0x19e: {  	[hbm4b:s16+s3] =	stream.linear.scatter [tilespmem:s17], [sflag:$0x4], $0x80, $0x38;
	[tilespmem:$0xE800] =	vst v63  }
0x19f: {  	s12 =	sadd.s32 $0x8050, s5;
	s13 =	simm.s32 $0xD128  }
0x1a0: {  	[hbm4b:s12+s3] =	stream.linear.scatter [tilespmem:s13], [sflag:$0x4], $0x80, $0x38;
	[tilespmem:$0xE800] =	vst v63  }
0x1a1: {  	s16 =	sadd.s32 $0x8060, s5;
	s17 =	simm.s32 $0xD1B0  }
0x1a2: {  	[hbm4b:s16+s3] =	stream.linear.scatter [tilespmem:s17], [sflag:$0x4], $0x80, $0x38;
	[tilespmem:$0xE800] =	vst v63  }
0x1a3: {  	s12 =	sadd.s32 $0x8070, s5;
	s13 =	simm.s32 $0xD238  }
0x1a4: {  	[hbm4b:s12+s3] =	stream.linear.scatter [tilespmem:s13], [sflag:$0x4], $0x80, $0x38;
	[tilespmem:$0xE800] =	vst v63  }
0x1a5: {  	s16 =	sadd.s32 $0xC000, s5;
	s17 =	simm.s32 $0xD2C0  }
0x1a6: {  	[hbm4b:s16+s3] =	stream.linear.scatter [tilespmem:s17], [sflag:$0x4], $0x80, $0x38;
	[tilespmem:$0xE800] =	vst v63  }
0x1a7: {  	s12 =	sadd.s32 $0xC010, s5;
	s13 =	simm.s32 $0xD348  }
0x1a8: {  	[hbm4b:s12+s3] =	stream.linear.scatter [tilespmem:s13], [sflag:$0x4], $0x80, $0x38;
	[tilespmem:$0xE800] =	vst v63  }
0x1a9: {  	s16 =	sadd.s32 $0xC020, s5;
	s17 =	simm.s32 $0xD3D0  }
0x1aa: {  	[hbm4b:s16+s3] =	stream.linear.scatter [tilespmem:s17], [sflag:$0x4], $0x80, $0x38;
	[tilespmem:$0xE800] =	vst v63  }
0x1ab: {  	s12 =	sadd.s32 $0xC030, s5;
	s13 =	simm.s32 $0xD458  }
0x1ac: {  	[hbm4b:s12+s3] =	stream.linear.scatter [tilespmem:s13], [sflag:$0x4], $0x80, $0x38;
	[tilespmem:$0xE800] =	vst v63  }
0x1ad: {  	s16 =	sadd.s32 $0xC040, s5;
	s17 =	simm.s32 $0xD4E0  }
0x1ae: {  	[hbm4b:s16+s3] =	stream.linear.scatter [tilespmem:s17], [sflag:$0x4], $0x80, $0x38;
	[tilespmem:$0xE800] =	vst v63  }
0x1af: {  	s12 =	sadd.s32 $0xC050, s5;
	s13 =	simm.s32 $0xD568  }
0x1b0: {  	[hbm4b:s12+s3] =	stream.linear.scatter [tilespmem:s13], [sflag:$0x4], $0x80, $0x38;
	[tilespmem:$0xE800] =	vst v63  }
0x1b1: {  	s16 =	sadd.s32 $0xC060, s5;
	s17 =	simm.s32 $0xD5F0  }
0x1b2: {  	[hbm4b:s16+s3] =	stream.linear.scatter [tilespmem:s17], [sflag:$0x4], $0x80, $0x38;
	[tilespmem:$0xE800] =	vst v63  }
0x1b3: {  	s10 =	sadd.s32 $0xC070, s5;
	s12 =	simm.s32 $0xD678  }
0x1b4: {  	[hbm4b:s10+s3] =	stream.linear.scatter [tilespmem:s12], [sflag:$0x4], $0x80, $0x38;
	[tilespmem:$0xE800] =	vst v63  }
0x1b5: {  	s7 =	sadd.s32 $0x10000, s5;
	s13 =	simm.s32 $0xD700  }
0x1b6: {  	[hbm4b:s7+s3] =	stream.linear.scatter [tilespmem:s13], [sflag:$0x4], $0x80, $0x38;
	[tilespmem:$0xE800] =	vst v63  }
0x1b7: {  	s16 =	sadd.s32 $0x10, s7;
	s17 =	simm.s32 $0xD788  }
0x1b8: {  	[hbm4b:s16+s3] =	stream.linear.scatter [tilespmem:s17], [sflag:$0x4], $0x80, $0x38;
	[tilespmem:$0xE800] =	vst v63  }
0x1b9: {  	s12 =	sadd.s32 $0x20, s7;
	s13 =	simm.s32 $0xD810  }
0x1ba: {  	[hbm4b:s12+s3] =	stream.linear.scatter [tilespmem:s13], [sflag:$0x4], $0x80, $0x38;
	[tilespmem:$0xE800] =	vst v63  }
0x1bb: {  	s16 =	sadd.s32 $0x30, s7;
	s17 =	simm.s32 $0xD898  }
0x1bc: {  	[hbm4b:s16+s3] =	stream.linear.scatter [tilespmem:s17], [sflag:$0x4], $0x80, $0x38;
	[tilespmem:$0xE800] =	vst v63  }
0x1bd: {  	s12 =	sadd.s32 $0x40, s7;
	s13 =	simm.s32 $0xD920  }
0x1be: {  	[hbm4b:s12+s3] =	stream.linear.scatter [tilespmem:s13], [sflag:$0x4], $0x80, $0x38;
	[tilespmem:$0xE800] =	vst v63  }
0x1bf: {  	s16 =	sadd.s32 $0x50, s7;
	s17 =	simm.s32 $0xD9A8  }
0x1c0: {  	[hbm4b:s16+s3] =	stream.linear.scatter [tilespmem:s17], [sflag:$0x4], $0x80, $0x38;
	[tilespmem:$0xE800] =	vst v63  }
0x1c1: {  	s12 =	sadd.s32 $0x60, s7;
	s13 =	simm.s32 $0xDA30  }
0x1c2: {  	[hbm4b:s12+s3] =	stream.linear.scatter [tilespmem:s13], [sflag:$0x4], $0x80, $0x38;
	[tilespmem:$0xE800] =	vst v63  }
0x1c3: {  	s7 =	sadd.s32 $0x70, s7;
	s16 =	simm.s32 $0xDAB8  }
0x1c4: {  	[hbm4b:s7+s3] =	stream.linear.scatter [tilespmem:s16], [sflag:$0x4], $0x80, $0x38;
	[tilespmem:$0xE800] =	vst v63  }
0x1c5: {  	s17 =	simm.s32 $0xDB40;
	s7 =	sadd.s32 $0x14000, s5  }
0x1c6: {  	[hbm4b:s7+s3] =	stream.linear.scatter [tilespmem:s17], [sflag:$0x4], $0x80, $0x38;
	[tilespmem:$0xE800] =	vst v63  }
0x1c7: {  	s13 =	simm.s32 $0xDBC8;
	s12 =	sadd.s32 $0x10, s7  }
0x1c8: {  	[hbm4b:s12+s3] =	stream.linear.scatter [tilespmem:s13], [sflag:$0x4], $0x80, $0x38;
	[tilespmem:$0xE800] =	vst v63  }
0x1c9: {  	s16 =	sadd.s32 $0x20, s7;
	s17 =	simm.s32 $0xDC50  }
0x1ca: {  	[hbm4b:s16+s3] =	stream.linear.scatter [tilespmem:s17], [sflag:$0x4], $0x80, $0x38;
	[tilespmem:$0xE800] =	vst v63  }
0x1cb: {  	s12 =	sadd.s32 $0x30, s7;
	s13 =	simm.s32 $0xDCD8  }
0x1cc: {  	[hbm4b:s12+s3] =	stream.linear.scatter [tilespmem:s13], [sflag:$0x4], $0x80, $0x38;
	[tilespmem:$0xE800] =	vst v63  }
0x1cd: {  	s16 =	sadd.s32 $0x40, s7;
	s17 =	simm.s32 $0xDD60  }
0x1ce: {  	[hbm4b:s16+s3] =	stream.linear.scatter [tilespmem:s17], [sflag:$0x4], $0x80, $0x38;
	[tilespmem:$0xE800] =	vst v63  }
0x1cf: {  	s12 =	sadd.s32 $0x50, s7;
	s13 =	simm.s32 $0xDDE8  }
0x1d0: {  	[hbm4b:s12+s3] =	stream.linear.scatter [tilespmem:s13], [sflag:$0x4], $0x80, $0x38;
	[tilespmem:$0xE800] =	vst v63  }
0x1d1: {  	s16 =	sadd.s32 $0x60, s7;
	s17 =	simm.s32 $0xDE70  }
0x1d2: {  	[hbm4b:s16+s3] =	stream.linear.scatter [tilespmem:s17], [sflag:$0x4], $0x80, $0x38;
	[tilespmem:$0xE800] =	vst v63  }
0x1d3: {  	s7 =	sadd.s32 $0x70, s7;
	s12 =	simm.s32 $0xDEF8  }
0x1d4: {  	[hbm4b:s7+s3] =	stream.linear.scatter [tilespmem:s12], [sflag:$0x4], $0x80, $0x38;
	[tilespmem:$0xE800] =	vst v63  }
0x1d5: {  	s13 =	simm.s32 $0xDF80;
	s7 =	sadd.s32 $0x18000, s5  }
0x1d6: {  	[hbm4b:s7+s3] =	stream.linear.scatter [tilespmem:s13], [sflag:$0x4], $0x80, $0x38;
	[tilespmem:$0xE800] =	vst v63  }
0x1d7: {  	s17 =	simm.s32 $0xE008;
	s16 =	sadd.s32 $0x10, s7  }
0x1d8: {  	[hbm4b:s16+s3] =	stream.linear.scatter [tilespmem:s17], [sflag:$0x4], $0x80, $0x38;
	[tilespmem:$0xE800] =	vst v63  }
0x1d9: {  	s13 =	sadd.s32 $0x20, s7;
	s16 =	simm.s32 $0xE090  }
0x1da: {  	[hbm4b:s13+s3] =	stream.linear.scatter [tilespmem:s16], [sflag:$0x4], $0x80, $0x38;
	[tilespmem:$0xE800] =	vst v63  }
0x1db: {  	s17 =	sadd.s32 $0x30, s7  }
0x1dc: {  	[hbm4b:s17+s3] =	stream.linear.scatter [tilespmem:s18], [sflag:$0x4], $0x80, $0x38;
	[tilespmem:$0xE800] =	vst v63  }
0x1dd: {  	s12 =	sadd.s32 $0x40, s7  }
0x1de: {  	[hbm4b:s12+s3] =	stream.linear.scatter [tilespmem:s19], [sflag:$0x4], $0x80, $0x38;
	[tilespmem:$0xE800] =	vst v63  }
0x1df: {  	s13 =	sadd.s32 $0x50, s7  }
0x1e0: {  	[hbm4b:s13+s3] =	stream.linear.scatter [tilespmem:s20], [sflag:$0x4], $0x80, $0x38;
	[tilespmem:$0xE800] =	vst v63  }
0x1e1: {  	s16 =	sadd.s32 $0x60, s7  }
0x1e2: {  	[hbm4b:s16+s3] =	stream.linear.scatter [tilespmem:s21], [sflag:$0x4], $0x80, $0x38;
	[tilespmem:$0xE800] =	vst v63  }
0x1e3: {  	s7 =	sadd.s32 $0x70, s7  }
0x1e4: {  	[hbm4b:s7+s3] =	stream.linear.scatter [tilespmem:s22], [sflag:$0x4], $0x80, $0x38;
	[tilespmem:$0xE800] =	vst v63  }
0x1e5: {  	s5 =	sadd.s32 $0x1C000, s5  }
0x1e6: {  	[hbm4b:s5+s3] =	stream.linear.scatter [tilespmem:s23], [sflag:$0x4], $0x80, $0x38;
	[tilespmem:$0xE800] =	vst v63  }
0x1e7: {  	s17 =	sadd.s32 $0x10, s5  }
0x1e8: {  	[hbm4b:s17+s3] =	stream.linear.scatter [tilespmem:s24], [sflag:$0x4], $0x80, $0x38;
	[tilespmem:$0xE800] =	vst v63  }
0x1e9: {  	s10 =	sadd.s32 $0x20, s5  }
0x1ea: {  	[hbm4b:s10+s3] =	stream.linear.scatter [tilespmem:s25], [sflag:$0x4], $0x80, $0x38;
	[tilespmem:$0xE800] =	vst v63  }
0x1eb: {  	s12 =	sadd.s32 $0x30, s5  }
0x1ec: {  	[hbm4b:s12+s3] =	stream.linear.scatter [tilespmem:s26], [sflag:$0x4], $0x80, $0x38;
	[tilespmem:$0xE800] =	vst v63  }
0x1ed: {  	s9 =	sadd.s32 $0x1, s9;
	s13 =	sadd.s32 $0x40, s5  }
0x1ee: {  	[hbm4b:s13+s3] =	stream.linear.scatter [tilespmem:s28], [sflag:$0x4], $0x80, $0x38;
	[tilespmem:$0xE800] =	vst v63  }
0x1ef: {  	p0 =	sne.s32 s9, $0x64;
	s16 =	sadd.s32 $0x50, s5  }
0x1f0: {  	[hbm4b:s16+s3] =	stream.linear.scatter [tilespmem:s29], [sflag:$0x4], $0x80, $0x38;
	[tilespmem:$0xE800] =	vst v63  }
.Ltmp5:
0x1f1: {  	_ = 	snop;
	(pc) =	sbr.rel @p0 .LBB2_2-.Ltmp5, $4  }
0x1f2: {  	s17 =	sadd.s32 $0x60, s5  }
0x1f3: {  	[hbm4b:s17+s3] =	stream.linear.scatter [tilespmem:s30], [sflag:$0x4], $0x80, $0x38;
	[tilespmem:$0xE800] =	vst v63  }
0x1f4: {  	s5 =	sadd.s32 $0x70, s5  }
0x1f5: {  	[hbm4b:s5+s3] =	stream.linear.scatter [tilespmem:s31], [sflag:$0x4], $0x80, $0x38;
	[tilespmem:$0xE800] =	vst v63  }
0x1f6: {  	s5 =	simm.s32 $0x3  }
0x1f7: {  	_ =	swait.ge [sflag:s5], $0x400  }
0x1f8: {  	[sflag:s5] =	ssyncset.done $0x0  }
0x1f9: {  	[sflag:s5] =	ssyncadd.s32 $0xFFFFFC00  }
0x1fa: {  	_ =	swait.ge [sflag:s5], $0x400  }
0x1fb: {  	[sflag:s5] =	ssyncset.done $0x0  }
0x1fc: {  	[sflag:s5] =	ssyncadd.s32 $0xFFFFFC00  }
0x1fd: {  	_ =	swait.ge [sflag:s5], $0x400  }
0x1fe: {  	[sflag:s5] =	ssyncset.done $0x0  }
0x1ff: {  	[sflag:s5] =	ssyncadd.s32 $0xFFFFFC00  }
0x200: {  	_ =	swait.ge [sflag:s5], $0x400  }
0x201: {  	[sflag:s5] =	ssyncset.done $0x0  }
0x202: {  	[sflag:s5] =	ssyncadd.s32 $0xFFFFFC00  }
0x203: {  	_ =	swait.ge [sflag:s5], $0x400  }
0x204: {  	[sflag:s5] =	ssyncset.done $0x0  }
0x205: {  	[sflag:s5] =	ssyncadd.s32 $0xFFFFFC00  }
0x206: {  	_ =	swait.ge [sflag:s5], $0x400  }
0x207: {  	[sflag:s5] =	ssyncset.done $0x0  }
0x208: {  	[sflag:s5] =	ssyncadd.s32 $0xFFFFFC00  }
0x209: {  	_ =	swait.ge [sflag:s5], $0x400  }
0x20a: {  	[sflag:s5] =	ssyncset.done $0x0  }
0x20b: {  	[sflag:s5] =	ssyncadd.s32 $0xFFFFFC00  }
0x20c: {  	_ =	swait.ge [sflag:s5], $0x400  }
0x20d: {  	[sflag:s5] =	ssyncset.done $0x0  }
0x20e: {  	[sflag:s5] =	ssyncadd.s32 $0xFFFFFC00  }
0x20f: {  	_ =	swait.ge [sflag:s0], $0x400  }
0x210: {  	[sflag:s0] =	ssyncset.done $0x0  }
0x211: {  	[sflag:s0] =	ssyncadd.s32 $0xFFFFFC00  }
0x212: {  	_ =	swait.ge [sflag:s0], $0x400  }
0x213: {  	[sflag:s0] =	ssyncset.done $0x0  }
0x214: {  	[sflag:s0] =	ssyncadd.s32 $0xFFFFFC00  }
0x215: {  	_ =	swait.ge [sflag:s0], $0x400  }
0x216: {  	[sflag:s0] =	ssyncset.done $0x0  }
0x217: {  	[sflag:s0] =	ssyncadd.s32 $0xFFFFFC00  }
0x218: {  	_ =	swait.ge [sflag:s0], $0x400  }
0x219: {  	[sflag:s0] =	ssyncset.done $0x0  }
0x21a: {  	[sflag:s0] =	ssyncadd.s32 $0xFFFFFC00  }
0x21b: {  	_ =	swait.ge [sflag:s0], $0x400  }
0x21c: {  	[sflag:s0] =	ssyncset.done $0x0  }
0x21d: {  	[sflag:s0] =	ssyncadd.s32 $0xFFFFFC00  }
0x21e: {  	_ =	swait.ge [sflag:s0], $0x400  }
0x21f: {  	[sflag:s0] =	ssyncset.done $0x0  }
0x220: {  	[sflag:s0] =	ssyncadd.s32 $0xFFFFFC00  }
0x221: {  	_ =	swait.ge [sflag:s0], $0x400  }
0x222: {  	[sflag:s0] =	ssyncset.done $0x0  }
0x223: {  	[sflag:s0] =	ssyncadd.s32 $0xFFFFFC00  }
0x224: {  	_ =	swait.ge [sflag:s0], $0x400  }
0x225: {  	s7 =	rddreg [dreg:$0x5]  }
0x226: {  	s17 =	rddreg [dreg:$0x4];
	s7 =	sadd.s32 $0x1, s7  }
0x227: {  	p0 =	sne.s32 s7, s17  }
.Ltmp6:
0x228: {  	_ = 	snop;
	(pc) =	sbr.rel @p0 .LBB2_1-.Ltmp6, $3  }
0x229: {  	_ =	sdelay $0x1  }
0x22a: {  	[sflag:s0] =	ssyncset.done $0x0  }
0x22b: {  	[sflag:s0] =	ssyncadd.s32 $0xFFFFFC00  }
0x22c: {  	_ =	sfence.sel $0x180000  }
0x22d: {  	[bflag:$0x0] =	sbarrier.arrive $0xFFFF  }
0x22e: {  	_ =	strace $0x9000004A  }
0x22f: {  	s0 =	stileid.u32;
	[bflag:$0x2] =	sbarrier.arrive $0xFFFF  }
0x230: {  	p0 =	sne.s32 s0, $0x0;
	s0 =	rddreg [dreg:$0x2]  }
0x231: {  	s0 =	sadd.s32 @!p0 $0x100000, s0  }
0x232: {  	[sflag:s0] =	ssyncadd.tile.s32 @!p0 $0x1;
	_ =	shalt  }
.Lfunc_end2:
_tile_overlayer_lowered:
.L_overlay_start_2:
0x233: {  	(tag) =	ssettag $0x2  }
0x234: {  	s0 =	rddreg [dreg:$0x0];
	s2 =	stileid.u32  }
0x235: {  	s1 =	rddreg [dreg:$0x1];
	p0 =	sne.s32 s2, $0x0  }
0x236: {  	s3 =	rddreg [dreg:$0x2];
	[bflag:$0x3] =	sbarrier.arrive $0xFFFF;
	s2 =	simm.s32 @!p0 $0x1C05  }
0x237: {  	[timem:s3], [sflag:s2] =	dma.local @!p0 [hbm:s0], s1  }
0x238: {  	s0 =	simm.s32 @!p0 $0x5  }
0x239: {  	_ =	swait.ge @!p0 [sflag:s0], s1  }
0x23a: {  	s1 =	ssub.s32 @!p0 $0x0, s1;
	[sflag:s0] =	ssyncset.done @!p0 $0x0  }
0x23b: {  	[sflag:s0] =	ssyncadd.s32 @!p0 s1  }
0x23c: {  	[bflag:$0x3] =	sbarrier.arrive $0xFFFF  }
0x23d: {  	_ =	shalt  }

</sc_bundles>
